<compile_context>
chip_gen: v7x
topology: tpu7x:2x2x1
jax: 0.10.2.dev20260603
libtpu: 0.0.44.dev20260713+nightly
codegen_flags: <defaults>
</compile_context>

<pallas_src>
import functools

import jax
import jax.numpy as jnp
from jax import lax
from jax.experimental import pallas as pl
from jax.experimental.pallas import tpu as pltpu
from jax.experimental.pallas import tpu_sc as plsc

N = 5000
U = 10000
NP = 5120
UPAD = 10240
NEG = 0.01
NC, NS, LANES = 2, 16, 16
K = 128

E1, E1P = 160000, 163840
E2, E2P = 320000, 321536
ZROW = 5002
C1_CHUNKS = E1P // (NC * NS) // K
C2_CHUNKS = E2P // NS // K

_mesh = plsc.VectorSubcoreMesh(core_axis_name="c", subcore_axis_name="s")


def _zero16f():
    return jnp.zeros((LANES,), jnp.float32)



def _proj_body(x_ref, w_ref, b_ref, o_ref):
    o_ref[...] = (
        jnp.dot(x_ref[...], w_ref[...], preferred_element_type=jnp.float32)
        + b_ref[...]
    )


def _proj2_body(h_ref, w_ref, b_ref, o_ref):
    h = h_ref[0, :, :64] + h_ref[1, :, :64]
    o_ref[...] = (
        jnp.dot(h, w_ref[...], preferred_element_type=jnp.float32) + b_ref[...]
    )


def _combine_body(a_ref, o_ref):
    z = a_ref[0, :U, :] + a_ref[1, :U, :]
    o_ref[...] = jnp.maximum(z, NEG * z)



CPR = NP // 2

@functools.partial(
    pl.kernel,
    out_type=(
        jax.ShapeDtypeStruct((NC, NP, 128), jnp.float32),
        jax.ShapeDtypeStruct((UPAD,), jnp.int32),
        jax.ShapeDtypeStruct((UPAD,), jnp.float32),
    ),
    mesh=_mesh,
    scratch_types=[
        pltpu.VMEM((K,), jnp.int32),
        pltpu.VMEM((K,), jnp.int32),
        pltpu.VMEM((K,), jnp.int32),
        pltpu.VMEM((K,), jnp.int32),
        pltpu.VMEM((K, 128), jnp.float32),
        pltpu.VMEM((K, 128), jnp.float32),
        pltpu.VMEM((K, 128), jnp.float32),
        pltpu.VMEM((CPR // NS, 128), jnp.float32),
        pltpu.VMEM((UPAD,), jnp.int32),
        pltpu.VMEM((UPAD,), jnp.float32),
        pltpu.VMEM((NP,), jnp.int32),
        pltpu.VMEM((NP,), jnp.float32),
        pltpu.VMEM_SHARED((CPR, 128), jnp.float32),
        pltpu.SemaphoreType.DMA,
        pltpu.SemaphoreType.DMA,
    ],
    compiler_params=pltpu.CompilerParams(needs_layout_passes=False),
)
def _sc_coarse(tq1_hbm, src_hbm, dst_hbm, mid_hbm, wts_hbm,
               h_out, inv_out, w_out,
               src_v, dst_v, gs_v, gd_v, trows, qrows, mbuf, zbuf, inv_v,
               w_v, mid_v, wts_v, acc, sem_t, sem_q):
    c = lax.axis_index("c")
    s = lax.axis_index("s")
    rows = CPR // NS

    def zrow(i, carry):
        for d in range(8):
            zbuf[i, pl.ds(d * LANES, LANES)] = _zero16f()
        return carry

    lax.fori_loop(0, rows, zrow, 0)

    def zmsg(i, carry):
        for d in range(4):
            mbuf[i, pl.ds(64 + d * LANES, LANES)] = _zero16f()
        return carry

    lax.fori_loop(0, K, zmsg, 0)

    base0 = (c * NS + s) * (C1_CHUNKS * K)

    def chunk(g, lo):
        b = base0 + g * K
        pltpu.sync_copy(src_hbm.at[pl.ds(b, K)], src_v)
        pltpu.sync_copy(dst_hbm.at[pl.ds(b, K)], dst_v)
        for grp in range(K // LANES):
            sl = pl.ds(grp * LANES, LANES)
            sv = src_v[sl]
            dv = dst_v[sl]
            dl = dv - lo
            inb = jnp.logical_and(dl >= 0, dl < CPR)
            dst_v[sl] = jnp.where(inb, dl, 0)
            gd_v[sl] = jnp.where(inb, dv, ZROW)
            gs_v[sl] = jnp.where(inb, sv, ZROW)
        ct = pltpu.async_copy(tq1_hbm.at[gd_v], trows, sem_t)
        cq = pltpu.async_copy(tq1_hbm.at[gs_v], qrows, sem_q)
        ct.wait()
        cq.wait()

        def row(i, rc):
            rsp = jnp.zeros((LANES,), jnp.int32) + i
            for d in range(4):
                ci = d * LANES + lax.iota(jnp.int32, LANES)
                z = (plsc.load_gather(trows, [rsp, ci])
                     + plsc.load_gather(qrows, [rsp, 64 + ci]))
                plsc.store_scatter(mbuf, [rsp, ci], jnp.maximum(z, NEG * z))
            return rc

        lax.fori_loop(0, K, row, 0)
        pltpu.sync_copy(mbuf, acc.at[dst_v], add=True)
        return lo

    for p in range(2):
        lo = p * CPR
        pltpu.sync_copy(zbuf, acc.at[pl.ds(s * rows, rows)])
        plsc.subcore_barrier()
        lax.fori_loop(0, C1_CHUNKS, chunk, lo)
        plsc.subcore_barrier()
        pltpu.sync_copy(acc.at[pl.ds(s * rows, rows)],
                        h_out.at[c, pl.ds(lo + s * rows, rows)])

    @pl.when(jnp.logical_and(c == 1, s == 0))
    def _aux():
        pltpu.sync_copy(mid_hbm, mid_v)
        pltpu.sync_copy(wts_hbm, wts_v)

        def ini(i, carry):
            sl = pl.ds(i * LANES, LANES)
            inv_v[sl] = jnp.full((LANES,), N, jnp.int32)
            w_v[sl] = _zero16f()
            return carry

        lax.fori_loop(0, UPAD // LANES, ini, 0)

        def sca(i, carry):
            sl = pl.ds(i * LANES, LANES)
            idx = mid_v[sl]
            plsc.store_scatter(inv_v, [idx],
                               i * LANES + lax.iota(jnp.int32, LANES))
            plsc.store_scatter(w_v, [idx], wts_v[sl])
            return carry

        lax.fori_loop(0, NP // LANES, sca, 0)
        pltpu.sync_copy(inv_v, inv_out)
        pltpu.sync_copy(w_v, w_out)



PR = UPAD // 2


@functools.partial(
    pl.kernel,
    out_type=jax.ShapeDtypeStruct((NC, UPAD, 128), jnp.float32),
    mesh=_mesh,
    scratch_types=[
        pltpu.VMEM((K,), jnp.int32),
        pltpu.VMEM((K,), jnp.int32),
        pltpu.VMEM((K,), jnp.int32),
        pltpu.VMEM((K,), jnp.int32),
        pltpu.VMEM((K, 128), jnp.float32),
        pltpu.VMEM((K, 128), jnp.float32),
        pltpu.VMEM((PR // NS, 128), jnp.float32),
        pltpu.VMEM((UPAD,), jnp.int32),
        pltpu.VMEM_SHARED((PR, 128), jnp.float32),
        pltpu.SemaphoreType.DMA,
        pltpu.SemaphoreType.DMA,
    ],
    compiler_params=pltpu.CompilerParams(needs_layout_passes=False),
)
def _sc_fine(ts_hbm, qs_hbm, t2_hbm, q2_hbm, src_hbm, dst_hbm, inv_hbm,
             out_hbm,
             src_v, dst_v, s2_v, d2_v, trows, qrows, zbuf, inv_v,
             acc, sem_t, sem_q):
    c = lax.axis_index("c")
    s = lax.axis_index("s")
    rows = PR // NS

    def zrow(i, carry):
        for d in range(8):
            zbuf[i, pl.ds(d * LANES, LANES)] = _zero16f()
        return carry

    lax.fori_loop(0, rows, zrow, 0)
    pltpu.sync_copy(inv_hbm, inv_v)

    base0 = s * (C2_CHUNKS * K)

    def run(t_hbm, q_hbm, lo):
        def chunk(g, carry):
            b = base0 + g * K
            pltpu.sync_copy(src_hbm.at[pl.ds(b, K)], src_v)
            pltpu.sync_copy(dst_hbm.at[pl.ds(b, K)], dst_v)
            for grp in range(K // LANES):
                sl = pl.ds(grp * LANES, LANES)
                sv = src_v[sl]
                dv = dst_v[sl]
                s2 = plsc.load_gather(inv_v, [sv])
                d2 = plsc.load_gather(inv_v, [dv])
                dl = dv - lo
                inb = jnp.logical_and(dl >= 0, dl < PR)
                dst_v[sl] = jnp.where(inb, dl, 0)
                s2_v[sl] = jnp.where(inb, s2, ZROW)
                d2_v[sl] = jnp.where(inb, d2, ZROW)
            ct = pltpu.async_copy(t_hbm.at[d2_v], trows, sem_t)
            cq = pltpu.async_copy(q_hbm.at[s2_v], qrows, sem_q)
            ct.wait()
            cq.wait()

            def row(i, rc):
                rsp = jnp.zeros((LANES,), jnp.int32) + i
                for d in range(8):
                    ci = d * LANES + lax.iota(jnp.int32, LANES)
                    z = (plsc.load_gather(trows, [rsp, ci])
                         + plsc.load_gather(qrows, [rsp, ci]))
                    plsc.store_scatter(trows, [rsp, ci],
                                       jnp.maximum(z, NEG * z))
                return rc

            lax.fori_loop(0, K, row, 0)
            pltpu.sync_copy(trows, acc.at[dst_v], add=True)
            return carry

        lax.fori_loop(0, C2_CHUNKS, chunk, 0)

    for p in range(2):
        lo = p * PR
        pltpu.sync_copy(zbuf, acc.at[pl.ds(s * rows, rows)])
        plsc.subcore_barrier()

        @pl.when(c == 0)
        def _skip():
            run(ts_hbm, qs_hbm, lo)

        @pl.when(c == 1)
        def _main():
            run(t2_hbm, q2_hbm, lo)

        plsc.subcore_barrier()
        pltpu.sync_copy(acc.at[pl.ds(s * rows, rows)],
                        out_hbm.at[c, pl.ds(lo + s * rows, rows)])



def kernel(x, weights, edge_index_small, m_g, m_id, W1, b1, W2, b2, Ws, bs):
    f32, i32 = jnp.float32, jnp.int32

    x_pad = jnp.zeros((NP, 128), f32).at[:N].set(x)
    W1a, W1b = W1[:128], W1[128:]
    Wsa, Wsb = Ws[:128], Ws[128:]
    Wcat = jnp.concatenate([W1a - W1b, W1b, Wsa - Wsb, Wsb], axis=1)
    bcat = jnp.concatenate(
        [b1, jnp.zeros((64,), f32), bs, jnp.zeros((128,), f32)])[None, :]

    proj = pl.pallas_call(
        _proj_body,
        out_shape=jax.ShapeDtypeStruct((NP, 384), f32),
    )(x_pad, Wcat, bcat)
    zrow = jnp.zeros((128,), f32)
    tq1 = jnp.asarray(proj[:, 0:128]).at[ZROW].set(zrow)
    ts = jnp.asarray(proj[:, 128:256]).at[ZROW].set(zrow)
    qs = jnp.asarray(proj[:, 256:384]).at[ZROW].set(zrow)

    pad1 = jnp.full((E1P - E1,), 5001, i32)
    src1 = jnp.concatenate([edge_index_small[0], pad1])
    dst1 = jnp.concatenate([edge_index_small[1], pad1])
    mid_pad = jnp.concatenate([m_id, jnp.full((NP - N,), UPAD - 8, i32)])
    w_pad = jnp.concatenate([weights[:, 0], jnp.zeros((NP - N,), f32)])

    h_parts, inv_map, w_flat = _sc_coarse(tq1, src1, dst1, mid_pad, w_pad)

    W2a, W2b = W2[:64], W2[64:]
    W2cat = jnp.concatenate([W2a - W2b, W2b], axis=1)
    b2cat = jnp.concatenate([b2, jnp.zeros((128,), f32)])[None, :]
    proj2 = pl.pallas_call(
        _proj2_body,
        out_shape=jax.ShapeDtypeStruct((NP, 256), f32),
    )(h_parts, W2cat, b2cat)
    t2 = jnp.asarray(proj2[:, 0:128]).at[ZROW].set(zrow)
    q2 = jnp.asarray(proj2[:, 128:256]).at[ZROW].set(zrow)

    pad2 = jnp.full((E2P - E2,), U, i32)
    src2 = jnp.concatenate([m_g[0], pad2])
    dst2 = jnp.concatenate([m_g[1], pad2])

    acc2 = _sc_fine(ts, qs, t2, q2, src2, dst2, inv_map)

    out = pl.pallas_call(
        _combine_body,
        out_shape=jax.ShapeDtypeStruct((U, 128), f32),
    )(acc2)
    w_up = w_flat[:U, None]
    return out, w_up

# --- scband reference (transcript-rebuilt; emitter-appended) ---
"""Pipeline reference for scband-res-up-62947040690580 (READ-ONLY COPY).

The authoritative reference and input builder live on the scoring server;
editing this copy changes nothing except your own understanding.
"""

import jax, jax.numpy as jnp
import numpy as np

N_SMALL = 5000
UP_NODES = 10000
DEG = 32
C_IN = 128
C_OUT = 128
NEG_SLOPE = 0.01


def _edge_conv(x, edge_index, W, b, num_nodes):
    # EdgeConv-style message passing: msg_e = LeakyReLU(Linear([x_dst, x_src - x_dst]))
    # aggregated with scatter-add (segment_sum) onto destination nodes.
    src = edge_index[0]
    dst = edge_index[1]
    x_dst = jnp.take(x, dst, axis=0)
    x_src = jnp.take(x, src, axis=0)
    m = jnp.concatenate([x_dst, x_src - x_dst], axis=-1) @ W + b
    m = jax.nn.leaky_relu(m, NEG_SLOPE)
    return jax.ops.segment_sum(m, dst, num_segments=num_nodes)


def _unpool(h, pre_node_num, idx):
    # Unpool.forward: new_h = zeros([pre_node_num, d]); new_h[idx] = h
    return jnp.zeros((pre_node_num, h.shape[-1]), h.dtype).at[idx].set(h)


def setup_inputs(seed: int = 0) -> dict:
    key = jax.random.key(seed)
    ks = jax.random.split(key, 10)
    x = jax.random.normal(ks[0], (N_SMALL, C_IN), dtype=jnp.float32)
    weights = jax.random.normal(ks[1], (N_SMALL, 1), dtype=jnp.float32)
    edge_index_small = jax.random.randint(ks[2], (2, N_SMALL * DEG), 0, N_SMALL, dtype=jnp.int32)
    m_g = jax.random.randint(ks[3], (2, UP_NODES * DEG), 0, UP_NODES, dtype=jnp.int32)
    # m_id: unique sorted node ids in the fine graph that coarse nodes map to
    m_id = jnp.sort(jax.random.permutation(ks[4], UP_NODES)[:N_SMALL]).astype(jnp.int32)
    s_in = 1.0 / np.sqrt(2 * C_IN)
    s_mid = 1.0 / np.sqrt(2 * (C_OUT // 2))
    W1 = jax.random.normal(ks[5], (2 * C_IN, C_OUT // 2), dtype=jnp.float32) * s_in
    b1 = jnp.zeros((C_OUT // 2,), dtype=jnp.float32)
    W2 = jax.random.normal(ks[6], (2 * (C_OUT // 2), C_OUT), dtype=jnp.float32) * s_mid
    b2 = jnp.zeros((C_OUT,), dtype=jnp.float32)
    Ws = jax.random.normal(ks[7], (2 * C_IN, C_OUT), dtype=jnp.float32) * s_in
    bs = jnp.zeros((C_OUT,), dtype=jnp.float32)
    return {"x": x, "weights": weights, "edge_index_small": edge_index_small,
            "m_g": m_g, "m_id": m_id, "W1": W1, "b1": b1, "W2": W2, "b2": b2,
            "Ws": Ws, "bs": bs}


def reference(x, weights, edge_index_small, m_g, m_id, W1, b1, W2, b2, Ws, bs):
    # skip branch: unpool then mpl_skip on fine graph
    x_up = _unpool(x, UP_NODES, m_id)
    skip = _edge_conv(x_up, m_g, Ws, bs, UP_NODES)
    # main branch: mpl1 on coarse graph, unpool, mpl2 on fine graph
    h = _edge_conv(x, edge_index_small, W1, b1, N_SMALL)
    h_up = _unpool(h, UP_NODES, m_id)
    h2 = _edge_conv(h_up, m_g, W2, b2, UP_NODES)
    out_x = jax.nn.leaky_relu(h2 + skip, NEG_SLOPE)
    # weights are carried along (unpooled) in b_data
    w_up = _unpool(weights, UP_NODES, m_id)
    return out_x, w_up

if __name__ == "__main__":
    import jax
    _d = setup_inputs()
    print(jax.jit(kernel)(*tuple(_d.values())))

</pallas_src>

<mosaic_0001>
#map = affine_map<(d0, d1) -> (0, 0)>
#map1 = affine_map<(d0, d1) -> (0)>
#map2 = affine_map<(d0, d1) -> (0, 0, 0)>
module attributes {stable_mosaic.version = 14 : i64} {
  func.func @_sc_fine(%arg0: i32, %arg1: i32, %arg2: memref<5120x128xf32, #tpu.memory_space<hbm>>, %arg3: memref<5120x128xf32, #tpu.memory_space<hbm>>, %arg4: memref<5120x128xf32, #tpu.memory_space<hbm>>, %arg5: memref<5120x128xf32, #tpu.memory_space<hbm>>, %arg6: memref<321536xi32, #tpu.memory_space<hbm>>, %arg7: memref<321536xi32, #tpu.memory_space<hbm>>, %arg8: memref<10240xi32, #tpu.memory_space<hbm>>, %arg9: memref<2x10240x128xf32, #tpu.memory_space<hbm>>, %arg10: memref<128xi32, #tpu.memory_space<vmem>>, %arg11: memref<128xi32, #tpu.memory_space<vmem>>, %arg12: memref<128xi32, #tpu.memory_space<vmem>>, %arg13: memref<128xi32, #tpu.memory_space<vmem>>, %arg14: memref<128x128xf32, #tpu.memory_space<vmem>>, %arg15: memref<128x128xf32, #tpu.memory_space<vmem>>, %arg16: memref<320x128xf32, #tpu.memory_space<vmem>>, %arg17: memref<10240xi32, #tpu.memory_space<vmem>>, %arg18: memref<5120x128xf32, #tpu.memory_space<vmem_shared>>, %arg19: memref<!tpu.dma_semaphore, #tpu.memory_space<semaphore_mem>>, %arg20: memref<!tpu.dma_semaphore, #tpu.memory_space<semaphore_mem>>) attributes {dimension_semantics = [#tpu.dimension_semantics<core_parallel>, #tpu.dimension_semantics<subcore_parallel>], iteration_bounds = array<i64: 2, 16>, scalar_prefetch = 0 : i64, scratch_operands = 11 : i64, tpu.core_type = #tpu.core_type<sc_vector_subcore>, window_params = [{transform_indices = #map}, {transform_indices = #map}, {transform_indices = #map}, {transform_indices = #map}, {transform_indices = #map1}, {transform_indices = #map1}, {transform_indices = #map1}, {transform_indices = #map2}]} {
    %scan3A = arith.constant 0 : i32
    %scan3A_0 = arith.constant 0 : i32
    %scan3A_1 = arith.constant 320 : i32
    %scan3A_2 = arith.addi %scan3A_0, %scan3A_1 : i32
    %scan3A_3 = arith.constant 1 : i32
    scf.for %scan3A_41 = %scan3A_0 to %scan3A_2 step %scan3A_3  : i32 {
      %broadcast_in_dim3A = arith.constant 0.000000e+00 : f32
      %broadcast_in_dim3A_42 = vector.broadcast %broadcast_in_dim3A : f32 to vector<16xf32>
      %swap3A = arith.index_cast %scan3A_41 : i32 to index
      %swap3A_43 = arith.constant 0 : index
      %swap3A_44 = tpu.vector_load %arg16[%swap3A, %swap3A_43] {strides = array<i32>} : memref<320x128xf32, #tpu.memory_space<vmem>>, vector<16xf32>,
      tpu.vector_store %arg16[%swap3A, %swap3A_43], %broadcast_in_dim3A_42 {strides = array<i32>} : memref<320x128xf32, #tpu.memory_space<vmem>>, vector<16xf32>,
      %broadcast_in_dim3A_45 = arith.constant 0.000000e+00 : f32
      %broadcast_in_dim3A_46 = vector.broadcast %broadcast_in_dim3A_45 : f32 to vector<16xf32>
      %swap3A_47 = arith.index_cast %scan3A_41 : i32 to index
      %swap3A_48 = arith.constant 16 : index
      %swap3A_49 = tpu.vector_load %arg16[%swap3A_47, %swap3A_48] {strides = array<i32>} : memref<320x128xf32, #tpu.memory_space<vmem>>, vector<16xf32>,
      tpu.vector_store %arg16[%swap3A_47, %swap3A_48], %broadcast_in_dim3A_46 {strides = array<i32>} : memref<320x128xf32, #tpu.memory_space<vmem>>, vector<16xf32>,
      %broadcast_in_dim3A_50 = arith.constant 0.000000e+00 : f32
      %broadcast_in_dim3A_51 = vector.broadcast %broadcast_in_dim3A_50 : f32 to vector<16xf32>
      %swap3A_52 = arith.index_cast %scan3A_41 : i32 to index
      %swap3A_53 = arith.constant 32 : index
      %swap3A_54 = tpu.vector_load %arg16[%swap3A_52, %swap3A_53] {strides = array<i32>} : memref<320x128xf32, #tpu.memory_space<vmem>>, vector<16xf32>,
      tpu.vector_store %arg16[%swap3A_52, %swap3A_53], %broadcast_in_dim3A_51 {strides = array<i32>} : memref<320x128xf32, #tpu.memory_space<vmem>>, vector<16xf32>,
      %broadcast_in_dim3A_55 = arith.constant 0.000000e+00 : f32
      %broadcast_in_dim3A_56 = vector.broadcast %broadcast_in_dim3A_55 : f32 to vector<16xf32>
      %swap3A_57 = arith.index_cast %scan3A_41 : i32 to index
      %swap3A_58 = arith.constant 48 : index
      %swap3A_59 = tpu.vector_load %arg16[%swap3A_57, %swap3A_58] {strides = array<i32>} : memref<320x128xf32, #tpu.memory_space<vmem>>, vector<16xf32>,
      tpu.vector_store %arg16[%swap3A_57, %swap3A_58], %broadcast_in_dim3A_56 {strides = array<i32>} : memref<320x128xf32, #tpu.memory_space<vmem>>, vector<16xf32>,
      %broadcast_in_dim3A_60 = arith.constant 0.000000e+00 : f32
      %broadcast_in_dim3A_61 = vector.broadcast %broadcast_in_dim3A_60 : f32 to vector<16xf32>
      %swap3A_62 = arith.index_cast %scan3A_41 : i32 to index
      %swap3A_63 = arith.constant 64 : index
      %swap3A_64 = tpu.vector_load %arg16[%swap3A_62, %swap3A_63] {strides = array<i32>} : memref<320x128xf32, #tpu.memory_space<vmem>>, vector<16xf32>,
      tpu.vector_store %arg16[%swap3A_62, %swap3A_63], %broadcast_in_dim3A_61 {strides = array<i32>} : memref<320x128xf32, #tpu.memory_space<vmem>>, vector<16xf32>,
      %broadcast_in_dim3A_65 = arith.constant 0.000000e+00 : f32
      %broadcast_in_dim3A_66 = vector.broadcast %broadcast_in_dim3A_65 : f32 to vector<16xf32>
      %swap3A_67 = arith.index_cast %scan3A_41 : i32 to index
      %swap3A_68 = arith.constant 80 : index
      %swap3A_69 = tpu.vector_load %arg16[%swap3A_67, %swap3A_68] {strides = array<i32>} : memref<320x128xf32, #tpu.memory_space<vmem>>, vector<16xf32>,
      tpu.vector_store %arg16[%swap3A_67, %swap3A_68], %broadcast_in_dim3A_66 {strides = array<i32>} : memref<320x128xf32, #tpu.memory_space<vmem>>, vector<16xf32>,
      %broadcast_in_dim3A_70 = arith.constant 0.000000e+00 : f32
      %broadcast_in_dim3A_71 = vector.broadcast %broadcast_in_dim3A_70 : f32 to vector<16xf32>
      %swap3A_72 = arith.index_cast %scan3A_41 : i32 to index
      %swap3A_73 = arith.constant 96 : index
      %swap3A_74 = tpu.vector_load %arg16[%swap3A_72, %swap3A_73] {strides = array<i32>} : memref<320x128xf32, #tpu.memory_space<vmem>>, vector<16xf32>,
      tpu.vector_store %arg16[%swap3A_72, %swap3A_73], %broadcast_in_dim3A_71 {strides = array<i32>} : memref<320x128xf32, #tpu.memory_space<vmem>>, vector<16xf32>,
      %broadcast_in_dim3A_75 = arith.constant 0.000000e+00 : f32
      %broadcast_in_dim3A_76 = vector.broadcast %broadcast_in_dim3A_75 : f32 to vector<16xf32>
      %swap3A_77 = arith.index_cast %scan3A_41 : i32 to index
      %swap3A_78 = arith.constant 112 : index
      %swap3A_79 = tpu.vector_load %arg16[%swap3A_77, %swap3A_78] {strides = array<i32>} : memref<320x128xf32, #tpu.memory_space<vmem>>, vector<16xf32>,
      tpu.vector_store %arg16[%swap3A_77, %swap3A_78], %broadcast_in_dim3A_76 {strides = array<i32>} : memref<320x128xf32, #tpu.memory_space<vmem>>, vector<16xf32>,
    }
    %scan3A_4 = arith.constant 320 : i32
    "tpu.region"() ({
      %run_scoped3A = tpu.sem_alloc : memref<!tpu.dma_semaphore, #tpu.memory_space<semaphore_mem>>
      tpu.enqueue_dma source(%arg8 : memref<10240xi32, #tpu.memory_space<hbm>>) target(%arg17 : memref<10240xi32, #tpu.memory_space<vmem>>) target_semaphore(%run_scoped3A : memref<!tpu.dma_semaphore, #tpu.memory_space<semaphore_mem>>)
      tpu.wait_dma2 semaphore(%run_scoped3A : memref<!tpu.dma_semaphore, #tpu.memory_space<semaphore_mem>>) src(%arg8 : memref<10240xi32, #tpu.memory_space<hbm>>) dst(%arg17 : memref<10240xi32, #tpu.memory_space<vmem>>)
      tpu.yield
    }) : () -> ()
    %mul3A = arith.constant 20096 : i32
    %mul3A_5 = arith.muli %arg1, %mul3A : i32
    %mul3A_6 = arith.constant 320 : i32
    %mul3A_7 = arith.muli %arg1, %mul3A_6 : i32
    "tpu.region"() ({
      %run_scoped3A = tpu.sem_alloc : memref<!tpu.dma_semaphore, #tpu.memory_space<semaphore_mem>>
      %dma_start3A = arith.constant 0 : i32
      %dma_start3A_41 = tpu.memref_slice %arg18[%mul3A_7, %dma_start3A] : memref<5120x128xf32, #tpu.memory_space<vmem_shared>> -> memref<320x128xf32, #tpu.memory_space<vmem_shared>>
      %dma_start3A_42 = arith.constant 0 : i32
      %dma_start3A_43 = tpu.memref_slice %arg18[%mul3A_7, %dma_start3A_42] : memref<5120x128xf32, #tpu.memory_space<vmem_shared>> -> memref<320x128xf32, #tpu.memory_space<vmem_shared>>
      tpu.enqueue_dma source(%arg16 : memref<320x128xf32, #tpu.memory_space<vmem>>) target(%dma_start3A_43 : memref<320x128xf32, #tpu.memory_space<vmem_shared>>) target_semaphore(%run_scoped3A : memref<!tpu.dma_semaphore, #tpu.memory_space<semaphore_mem>>)
      %dma_wait3A = arith.constant 0 : i32
      %dma_wait3A_44 = tpu.memref_slice %arg18[%mul3A_7, %dma_wait3A] : memref<5120x128xf32, #tpu.memory_space<vmem_shared>> -> memref<320x128xf32, #tpu.memory_space<vmem_shared>>
      %dma_wait3A_45 = arith.constant 0 : i32
      %dma_wait3A_46 = tpu.memref_slice %arg18[%mul3A_7, %dma_wait3A_45] : memref<5120x128xf32, #tpu.memory_space<vmem_shared>> -> memref<320x128xf32, #tpu.memory_space<vmem_shared>>
      tpu.wait_dma2 semaphore(%run_scoped3A : memref<!tpu.dma_semaphore, #tpu.memory_space<semaphore_mem>>) src(%arg16 : memref<320x128xf32, #tpu.memory_space<vmem>>) dst(%dma_wait3A_46 : memref<320x128xf32, #tpu.memory_space<vmem_shared>>)
      tpu.yield
    }) : () -> ()
    %barrier3A = arith.constant 0 : index
    tpu.barrier barrier_id(%barrier3A)
    %eq3A = arith.constant 0 : i32
    %eq3A_8 = arith.cmpi eq, %arg0, %eq3A : i32
    %convert_element_type3A = arith.extui %eq3A_8 : i1 to i32
    %cond3A = arith.constant 0 : i32
    %cond3A_9 = arith.cmpi ne, %convert_element_type3A, %cond3A : i32
    scf.if %cond3A_9 {
      %scan3A_41 = arith.constant 0 : i32
      %scan3A_42 = arith.constant 0 : i32
      %scan3A_43 = arith.constant 157 : i32
      %scan3A_44 = arith.addi %scan3A_42, %scan3A_43 : i32
      %scan3A_45 = arith.constant 1 : i32
      scf.for %scan3A_47 = %scan3A_42 to %scan3A_44 step %scan3A_45  : i32 {
        %mul3A_48 = arith.constant 128 : i32
        %mul3A_49 = arith.muli %scan3A_47, %mul3A_48 : i32
        %add3A_50 = arith.addi %mul3A_5, %mul3A_49 : i32
        "tpu.region"() ({
          %run_scoped3A = tpu.sem_alloc : memref<!tpu.dma_semaphore, #tpu.memory_space<semaphore_mem>>
          %dma_start3A_305 = tpu.memref_slice %arg6[%add3A_50] : memref<321536xi32, #tpu.memory_space<hbm>> -> memref<128xi32, #tpu.memory_space<hbm>>
          %dma_start3A_306 = tpu.memref_slice %arg6[%add3A_50] : memref<321536xi32, #tpu.memory_space<hbm>> -> memref<128xi32, #tpu.memory_space<hbm>>
          tpu.enqueue_dma source(%dma_start3A_306 : memref<128xi32, #tpu.memory_space<hbm>>) target(%arg10 : memref<128xi32, #tpu.memory_space<vmem>>) target_semaphore(%run_scoped3A : memref<!tpu.dma_semaphore, #tpu.memory_space<semaphore_mem>>)
          %dma_wait3A_307 = tpu.memref_slice %arg6[%add3A_50] : memref<321536xi32, #tpu.memory_space<hbm>> -> memref<128xi32, #tpu.memory_space<hbm>>
          %dma_wait3A_308 = tpu.memref_slice %arg6[%add3A_50] : memref<321536xi32, #tpu.memory_space<hbm>> -> memref<128xi32, #tpu.memory_space<hbm>>
          tpu.wait_dma2 semaphore(%run_scoped3A : memref<!tpu.dma_semaphore, #tpu.memory_space<semaphore_mem>>) src(%dma_wait3A_308 : memref<128xi32, #tpu.memory_space<hbm>>) dst(%arg10 : memref<128xi32, #tpu.memory_space<vmem>>)
          tpu.yield
        }) : () -> ()
        "tpu.region"() ({
          %run_scoped3A = tpu.sem_alloc : memref<!tpu.dma_semaphore, #tpu.memory_space<semaphore_mem>>
          %dma_start3A_305 = tpu.memref_slice %arg7[%add3A_50] : memref<321536xi32, #tpu.memory_space<hbm>> -> memref<128xi32, #tpu.memory_space<hbm>>
          %dma_start3A_306 = tpu.memref_slice %arg7[%add3A_50] : memref<321536xi32, #tpu.memory_space<hbm>> -> memref<128xi32, #tpu.memory_space<hbm>>
          tpu.enqueue_dma source(%dma_start3A_306 : memref<128xi32, #tpu.memory_space<hbm>>) target(%arg11 : memref<128xi32, #tpu.memory_space<vmem>>) target_semaphore(%run_scoped3A : memref<!tpu.dma_semaphore, #tpu.memory_space<semaphore_mem>>)
          %dma_wait3A_307 = tpu.memref_slice %arg7[%add3A_50] : memref<321536xi32, #tpu.memory_space<hbm>> -> memref<128xi32, #tpu.memory_space<hbm>>
          %dma_wait3A_308 = tpu.memref_slice %arg7[%add3A_50] : memref<321536xi32, #tpu.memory_space<hbm>> -> memref<128xi32, #tpu.memory_space<hbm>>
          tpu.wait_dma2 semaphore(%run_scoped3A : memref<!tpu.dma_semaphore, #tpu.memory_space<semaphore_mem>>) src(%dma_wait3A_308 : memref<128xi32, #tpu.memory_space<hbm>>) dst(%arg11 : memref<128xi32, #tpu.memory_space<vmem>>)
          tpu.yield
        }) : () -> ()
        %get3A = arith.constant 0 : index
        %get3A_51 = tpu.vector_load %arg10[%get3A] {strides = array<i32>} : memref<128xi32, #tpu.memory_space<vmem>>, vector<16xi32>,
        %get3A_52 = arith.constant 0 : index
        %get3A_53 = tpu.vector_load %arg11[%get3A_52] {strides = array<i32>} : memref<128xi32, #tpu.memory_space<vmem>>, vector<16xi32>,
        %gather3A = tpu.vector_load_idx %arg17[%get3A_51] : memref<10240xi32, #tpu.memory_space<vmem>>[vector<16xi32>], vector<16xi32>,
        %gather3A_54 = tpu.vector_load_idx %arg17[%get3A_53] : memref<10240xi32, #tpu.memory_space<vmem>>[vector<16xi32>], vector<16xi32>,
        %sub3A = arith.constant 0 : i32
        %sub3A_55 = vector.broadcast %sub3A : i32 to vector<16xi32>
        %sub3A_56 = arith.subi %get3A_53, %sub3A_55 : vector<16xi32>
        %ge3A = arith.constant 0 : i32
        %ge3A_57 = vector.broadcast %ge3A : i32 to vector<16xi32>
        %ge3A_58 = arith.cmpi sge, %sub3A_56, %ge3A_57 : vector<16xi32>
        %lt3A = arith.constant 5120 : i32
        %lt3A_59 = vector.broadcast %lt3A : i32 to vector<16xi32>
        %lt3A_60 = arith.cmpi slt, %sub3A_56, %lt3A_59 : vector<16xi32>
        %and3A = arith.andi %ge3A_58, %lt3A_60 : vector<16xi1>
        %jit3A = arith.constant 0 : i32
        %broadcast_in_dim3A = vector.broadcast %jit3A : i32 to vector<16xi32>
        %select_n3A = arith.select %and3A, %sub3A_56, %broadcast_in_dim3A : vector<16xi1>, vector<16xi32>
        %swap3A = arith.constant 0 : index
        %swap3A_61 = tpu.vector_load %arg11[%swap3A] {strides = array<i32>} : memref<128xi32, #tpu.memory_space<vmem>>, vector<16xi32>,
        tpu.vector_store %arg11[%swap3A], %select_n3A {strides = array<i32>} : memref<128xi32, #tpu.memory_space<vmem>>, vector<16xi32>,
        %jit3A_62 = arith.constant 5002 : i32
        %broadcast_in_dim3A_63 = vector.broadcast %jit3A_62 : i32 to vector<16xi32>
        %select_n3A_64 = arith.select %and3A, %gather3A, %broadcast_in_dim3A_63 : vector<16xi1>, vector<16xi32>
        %swap3A_65 = arith.constant 0 : index
        %swap3A_66 = tpu.vector_load %arg12[%swap3A_65] {strides = array<i32>} : memref<128xi32, #tpu.memory_space<vmem>>, vector<16xi32>,
        tpu.vector_store %arg12[%swap3A_65], %select_n3A_64 {strides = array<i32>} : memref<128xi32, #tpu.memory_space<vmem>>, vector<16xi32>,
        %jit3A_67 = arith.constant 5002 : i32
        %broadcast_in_dim3A_68 = vector.broadcast %jit3A_67 : i32 to vector<16xi32>
        %select_n3A_69 = arith.select %and3A, %gather3A_54, %broadcast_in_dim3A_68 : vector<16xi1>, vector<16xi32>
        %swap3A_70 = arith.constant 0 : index
        %swap3A_71 = tpu.vector_load %arg13[%swap3A_70] {strides = array<i32>} : memref<128xi32, #tpu.memory_space<vmem>>, vector<16xi32>,
        tpu.vector_store %arg13[%swap3A_70], %select_n3A_69 {strides = array<i32>} : memref<128xi32, #tpu.memory_space<vmem>>, vector<16xi32>,
        %get3A_72 = arith.constant 16 : index
        %get3A_73 = tpu.vector_load %arg10[%get3A_72] {strides = array<i32>} : memref<128xi32, #tpu.memory_space<vmem>>, vector<16xi32>,
        %get3A_74 = arith.constant 16 : index
        %get3A_75 = tpu.vector_load %arg11[%get3A_74] {strides = array<i32>} : memref<128xi32, #tpu.memory_space<vmem>>, vector<16xi32>,
        %gather3A_76 = tpu.vector_load_idx %arg17[%get3A_73] : memref<10240xi32, #tpu.memory_space<vmem>>[vector<16xi32>], vector<16xi32>,
        %gather3A_77 = tpu.vector_load_idx %arg17[%get3A_75] : memref<10240xi32, #tpu.memory_space<vmem>>[vector<16xi32>], vector<16xi32>,
        %sub3A_78 = arith.constant 0 : i32
        %sub3A_79 = vector.broadcast %sub3A_78 : i32 to vector<16xi32>
        %sub3A_80 = arith.subi %get3A_75, %sub3A_79 : vector<16xi32>
        %ge3A_81 = arith.constant 0 : i32
        %ge3A_82 = vector.broadcast %ge3A_81 : i32 to vector<16xi32>
        %ge3A_83 = arith.cmpi sge, %sub3A_80, %ge3A_82 : vector<16xi32>
        %lt3A_84 = arith.constant 5120 : i32
        %lt3A_85 = vector.broadcast %lt3A_84 : i32 to vector<16xi32>
        %lt3A_86 = arith.cmpi slt, %sub3A_80, %lt3A_85 : vector<16xi32>
        %and3A_87 = arith.andi %ge3A_83, %lt3A_86 : vector<16xi1>
        %jit3A_88 = arith.constant 0 : i32
        %broadcast_in_dim3A_89 = vector.broadcast %jit3A_88 : i32 to vector<16xi32>
        %select_n3A_90 = arith.select %and3A_87, %sub3A_80, %broadcast_in_dim3A_89 : vector<16xi1>, vector<16xi32>
        %swap3A_91 = arith.constant 16 : index
        %swap3A_92 = tpu.vector_load %arg11[%swap3A_91] {strides = array<i32>} : memref<128xi32, #tpu.memory_space<vmem>>, vector<16xi32>,
        tpu.vector_store %arg11[%swap3A_91], %select_n3A_90 {strides = array<i32>} : memref<128xi32, #tpu.memory_space<vmem>>, vector<16xi32>,
        %jit3A_93 = arith.constant 5002 : i32
        %broadcast_in_dim3A_94 = vector.broadcast %jit3A_93 : i32 to vector<16xi32>
        %select_n3A_95 = arith.select %and3A_87, %gather3A_76, %broadcast_in_dim3A_94 : vector<16xi1>, vector<16xi32>
        %swap3A_96 = arith.constant 16 : index
        %swap3A_97 = tpu.vector_load %arg12[%swap3A_96] {strides = array<i32>} : memref<128xi32, #tpu.memory_space<vmem>>, vector<16xi32>,
        tpu.vector_store %arg12[%swap3A_96], %select_n3A_95 {strides = array<i32>} : memref<128xi32, #tpu.memory_space<vmem>>, vector<16xi32>,
        %jit3A_98 = arith.constant 5002 : i32
        %broadcast_in_dim3A_99 = vector.broadcast %jit3A_98 : i32 to vector<16xi32>
        %select_n3A_100 = arith.select %and3A_87, %gather3A_77, %broadcast_in_dim3A_99 : vector<16xi1>, vector<16xi32>
        %swap3A_101 = arith.constant 16 : index
        %swap3A_102 = tpu.vector_load %arg13[%swap3A_101] {strides = array<i32>} : memref<128xi32, #tpu.memory_space<vmem>>, vector<16xi32>,
        tpu.vector_store %arg13[%swap3A_101], %select_n3A_100 {strides = array<i32>} : memref<128xi32, #tpu.memory_space<vmem>>, vector<16xi32>,
        %get3A_103 = arith.constant 32 : index
        %get3A_104 = tpu.vector_load %arg10[%get3A_103] {strides = array<i32>} : memref<128xi32, #tpu.memory_space<vmem>>, vector<16xi32>,
        %get3A_105 = arith.constant 32 : index
        %get3A_106 = tpu.vector_load %arg11[%get3A_105] {strides = array<i32>} : memref<128xi32, #tpu.memory_space<vmem>>, vector<16xi32>,
        %gather3A_107 = tpu.vector_load_idx %arg17[%get3A_104] : memref<10240xi32, #tpu.memory_space<vmem>>[vector<16xi32>], vector<16xi32>,
        %gather3A_108 = tpu.vector_load_idx %arg17[%get3A_106] : memref<10240xi32, #tpu.memory_space<vmem>>[vector<16xi32>], vector<16xi32>,
        %sub3A_109 = arith.constant 0 : i32
        %sub3A_110 = vector.broadcast %sub3A_109 : i32 to vector<16xi32>
        %sub3A_111 = arith.subi %get3A_106, %sub3A_110 : vector<16xi32>
        %ge3A_112 = arith.constant 0 : i32
        %ge3A_113 = vector.broadcast %ge3A_112 : i32 to vector<16xi32>
        %ge3A_114 = arith.cmpi sge, %sub3A_111, %ge3A_113 : vector<16xi32>
        %lt3A_115 = arith.constant 5120 : i32
        %lt3A_116 = vector.broadcast %lt3A_115 : i32 to vector<16xi32>
        %lt3A_117 = arith.cmpi slt, %sub3A_111, %lt3A_116 : vector<16xi32>
        %and3A_118 = arith.andi %ge3A_114, %lt3A_117 : vector<16xi1>
        %jit3A_119 = arith.constant 0 : i32
        %broadcast_in_dim3A_120 = vector.broadcast %jit3A_119 : i32 to vector<16xi32>
        %select_n3A_121 = arith.select %and3A_118, %sub3A_111, %broadcast_in_dim3A_120 : vector<16xi1>, vector<16xi32>
        %swap3A_122 = arith.constant 32 : index
        %swap3A_123 = tpu.vector_load %arg11[%swap3A_122] {strides = array<i32>} : memref<128xi32, #tpu.memory_space<vmem>>, vector<16xi32>,
        tpu.vector_store %arg11[%swap3A_122], %select_n3A_121 {strides = array<i32>} : memref<128xi32, #tpu.memory_space<vmem>>, vector<16xi32>,
        %jit3A_124 = arith.constant 5002 : i32
        %broadcast_in_dim3A_125 = vector.broadcast %jit3A_124 : i32 to vector<16xi32>
        %select_n3A_126 = arith.select %and3A_118, %gather3A_107, %broadcast_in_dim3A_125 : vector<16xi1>, vector<16xi32>
        %swap3A_127 = arith.constant 32 : index
        %swap3A_128 = tpu.vector_load %arg12[%swap3A_127] {strides = array<i32>} : memref<128xi32, #tpu.memory_space<vmem>>, vector<16xi32>,
        tpu.vector_store %arg12[%swap3A_127], %select_n3A_126 {strides = array<i32>} : memref<128xi32, #tpu.memory_space<vmem>>, vector<16xi32>,
        %jit3A_129 = arith.constant 5002 : i32
        %broadcast_in_dim3A_130 = vector.broadcast %jit3A_129 : i32 to vector<16xi32>
        %select_n3A_131 = arith.select %and3A_118, %gather3A_108, %broadcast_in_dim3A_130 : vector<16xi1>, vector<16xi32>
        %swap3A_132 = arith.constant 32 : index
        %swap3A_133 = tpu.vector_load %arg13[%swap3A_132] {strides = array<i32>} : memref<128xi32, #tpu.memory_space<vmem>>, vector<16xi32>,
        tpu.vector_store %arg13[%swap3A_132], %select_n3A_131 {strides = array<i32>} : memref<128xi32, #tpu.memory_space<vmem>>, vector<16xi32>,
        %get3A_134 = arith.constant 48 : index
        %get3A_135 = tpu.vector_load %arg10[%get3A_134] {strides = array<i32>} : memref<128xi32, #tpu.memory_space<vmem>>, vector<16xi32>,
        %get3A_136 = arith.constant 48 : index
        %get3A_137 = tpu.vector_load %arg11[%get3A_136] {strides = array<i32>} : memref<128xi32, #tpu.memory_space<vmem>>, vector<16xi32>,
        %gather3A_138 = tpu.vector_load_idx %arg17[%get3A_135] : memref<10240xi32, #tpu.memory_space<vmem>>[vector<16xi32>], vector<16xi32>,
        %gather3A_139 = tpu.vector_load_idx %arg17[%get3A_137] : memref<10240xi32, #tpu.memory_space<vmem>>[vector<16xi32>], vector<16xi32>,
        %sub3A_140 = arith.constant 0 : i32
        %sub3A_141 = vector.broadcast %sub3A_140 : i32 to vector<16xi32>
        %sub3A_142 = arith.subi %get3A_137, %sub3A_141 : vector<16xi32>
        %ge3A_143 = arith.constant 0 : i32
        %ge3A_144 = vector.broadcast %ge3A_143 : i32 to vector<16xi32>
        %ge3A_145 = arith.cmpi sge, %sub3A_142, %ge3A_144 : vector<16xi32>
        %lt3A_146 = arith.constant 5120 : i32
        %lt3A_147 = vector.broadcast %lt3A_146 : i32 to vector<16xi32>
        %lt3A_148 = arith.cmpi slt, %sub3A_142, %lt3A_147 : vector<16xi32>
        %and3A_149 = arith.andi %ge3A_145, %lt3A_148 : vector<16xi1>
        %jit3A_150 = arith.constant 0 : i32
        %broadcast_in_dim3A_151 = vector.broadcast %jit3A_150 : i32 to vector<16xi32>
        %select_n3A_152 = arith.select %and3A_149, %sub3A_142, %broadcast_in_dim3A_151 : vector<16xi1>, vector<16xi32>
        %swap3A_153 = arith.constant 48 : index
        %swap3A_154 = tpu.vector_load %arg11[%swap3A_153] {strides = array<i32>} : memref<128xi32, #tpu.memory_space<vmem>>, vector<16xi32>,
        tpu.vector_store %arg11[%swap3A_153], %select_n3A_152 {strides = array<i32>} : memref<128xi32, #tpu.memory_space<vmem>>, vector<16xi32>,
        %jit3A_155 = arith.constant 5002 : i32
        %broadcast_in_dim3A_156 = vector.broadcast %jit3A_155 : i32 to vector<16xi32>
        %select_n3A_157 = arith.select %and3A_149, %gather3A_138, %broadcast_in_dim3A_156 : vector<16xi1>, vector<16xi32>
        %swap3A_158 = arith.constant 48 : index
        %swap3A_159 = tpu.vector_load %arg12[%swap3A_158] {strides = array<i32>} : memref<128xi32, #tpu.memory_space<vmem>>, vector<16xi32>,
        tpu.vector_store %arg12[%swap3A_158], %select_n3A_157 {strides = array<i32>} : memref<128xi32, #tpu.memory_space<vmem>>, vector<16xi32>,
        %jit3A_160 = arith.constant 5002 : i32
        %broadcast_in_dim3A_161 = vector.broadcast %jit3A_160 : i32 to vector<16xi32>
        %select_n3A_162 = arith.select %and3A_149, %gather3A_139, %broadcast_in_dim3A_161 : vector<16xi1>, vector<16xi32>
        %swap3A_163 = arith.constant 48 : index
        %swap3A_164 = tpu.vector_load %arg13[%swap3A_163] {strides = array<i32>} : memref<128xi32, #tpu.memory_space<vmem>>, vector<16xi32>,
        tpu.vector_store %arg13[%swap3A_163], %select_n3A_162 {strides = array<i32>} : memref<128xi32, #tpu.memory_space<vmem>>, vector<16xi32>,
        %get3A_165 = arith.constant 64 : index
        %get3A_166 = tpu.vector_load %arg10[%get3A_165] {strides = array<i32>} : memref<128xi32, #tpu.memory_space<vmem>>, vector<16xi32>,
        %get3A_167 = arith.constant 64 : index
        %get3A_168 = tpu.vector_load %arg11[%get3A_167] {strides = array<i32>} : memref<128xi32, #tpu.memory_space<vmem>>, vector<16xi32>,
        %gather3A_169 = tpu.vector_load_idx %arg17[%get3A_166] : memref<10240xi32, #tpu.memory_space<vmem>>[vector<16xi32>], vector<16xi32>,
        %gather3A_170 = tpu.vector_load_idx %arg17[%get3A_168] : memref<10240xi32, #tpu.memory_space<vmem>>[vector<16xi32>], vector<16xi32>,
        %sub3A_171 = arith.constant 0 : i32
        %sub3A_172 = vector.broadcast %sub3A_171 : i32 to vector<16xi32>
        %sub3A_173 = arith.subi %get3A_168, %sub3A_172 : vector<16xi32>
        %ge3A_174 = arith.constant 0 : i32
        %ge3A_175 = vector.broadcast %ge3A_174 : i32 to vector<16xi32>
        %ge3A_176 = arith.cmpi sge, %sub3A_173, %ge3A_175 : vector<16xi32>
        %lt3A_177 = arith.constant 5120 : i32
        %lt3A_178 = vector.broadcast %lt3A_177 : i32 to vector<16xi32>
        %lt3A_179 = arith.cmpi slt, %sub3A_173, %lt3A_178 : vector<16xi32>
        %and3A_180 = arith.andi %ge3A_176, %lt3A_179 : vector<16xi1>
        %jit3A_181 = arith.constant 0 : i32
        %broadcast_in_dim3A_182 = vector.broadcast %jit3A_181 : i32 to vector<16xi32>
        %select_n3A_183 = arith.select %and3A_180, %sub3A_173, %broadcast_in_dim3A_182 : vector<16xi1>, vector<16xi32>
        %swap3A_184 = arith.constant 64 : index
        %swap3A_185 = tpu.vector_load %arg11[%swap3A_184] {strides = array<i32>} : memref<128xi32, #tpu.memory_space<vmem>>, vector<16xi32>,
        tpu.vector_store %arg11[%swap3A_184], %select_n3A_183 {strides = array<i32>} : memref<128xi32, #tpu.memory_space<vmem>>, vector<16xi32>,
        %jit3A_186 = arith.constant 5002 : i32
        %broadcast_in_dim3A_187 = vector.broadcast %jit3A_186 : i32 to vector<16xi32>
        %select_n3A_188 = arith.select %and3A_180, %gather3A_169, %broadcast_in_dim3A_187 : vector<16xi1>, vector<16xi32>
        %swap3A_189 = arith.constant 64 : index
        %swap3A_190 = tpu.vector_load %arg12[%swap3A_189] {strides = array<i32>} : memref<128xi32, #tpu.memory_space<vmem>>, vector<16xi32>,
        tpu.vector_store %arg12[%swap3A_189], %select_n3A_188 {strides = array<i32>} : memref<128xi32, #tpu.memory_space<vmem>>, vector<16xi32>,
        %jit3A_191 = arith.constant 5002 : i32
        %broadcast_in_dim3A_192 = vector.broadcast %jit3A_191 : i32 to vector<16xi32>
        %select_n3A_193 = arith.select %and3A_180, %gather3A_170, %broadcast_in_dim3A_192 : vector<16xi1>, vector<16xi32>
        %swap3A_194 = arith.constant 64 : index
        %swap3A_195 = tpu.vector_load %arg13[%swap3A_194] {strides = array<i32>} : memref<128xi32, #tpu.memory_space<vmem>>, vector<16xi32>,
        tpu.vector_store %arg13[%swap3A_194], %select_n3A_193 {strides = array<i32>} : memref<128xi32, #tpu.memory_space<vmem>>, vector<16xi32>,
        %get3A_196 = arith.constant 80 : index
        %get3A_197 = tpu.vector_load %arg10[%get3A_196] {strides = array<i32>} : memref<128xi32, #tpu.memory_space<vmem>>, vector<16xi32>,
        %get3A_198 = arith.constant 80 : index
        %get3A_199 = tpu.vector_load %arg11[%get3A_198] {strides = array<i32>} : memref<128xi32, #tpu.memory_space<vmem>>, vector<16xi32>,
        %gather3A_200 = tpu.vector_load_idx %arg17[%get3A_197] : memref<10240xi32, #tpu.memory_space<vmem>>[vector<16xi32>], vector<16xi32>,
        %gather3A_201 = tpu.vector_load_idx %arg17[%get3A_199] : memref<10240xi32, #tpu.memory_space<vmem>>[vector<16xi32>], vector<16xi32>,
        %sub3A_202 = arith.constant 0 : i32
        %sub3A_203 = vector.broadcast %sub3A_202 : i32 to vector<16xi32>
        %sub3A_204 = arith.subi %get3A_199, %sub3A_203 : vector<16xi32>
        %ge3A_205 = arith.constant 0 : i32
        %ge3A_206 = vector.broadcast %ge3A_205 : i32 to vector<16xi32>
        %ge3A_207 = arith.cmpi sge, %sub3A_204, %ge3A_206 : vector<16xi32>
        %lt3A_208 = arith.constant 5120 : i32
        %lt3A_209 = vector.broadcast %lt3A_208 : i32 to vector<16xi32>
        %lt3A_210 = arith.cmpi slt, %sub3A_204, %lt3A_209 : vector<16xi32>
        %and3A_211 = arith.andi %ge3A_207, %lt3A_210 : vector<16xi1>
        %jit3A_212 = arith.constant 0 : i32
        %broadcast_in_dim3A_213 = vector.broadcast %jit3A_212 : i32 to vector<16xi32>
        %select_n3A_214 = arith.select %and3A_211, %sub3A_204, %broadcast_in_dim3A_213 : vector<16xi1>, vector<16xi32>
        %swap3A_215 = arith.constant 80 : index
        %swap3A_216 = tpu.vector_load %arg11[%swap3A_215] {strides = array<i32>} : memref<128xi32, #tpu.memory_space<vmem>>, vector<16xi32>,
        tpu.vector_store %arg11[%swap3A_215], %select_n3A_214 {strides = array<i32>} : memref<128xi32, #tpu.memory_space<vmem>>, vector<16xi32>,
        %jit3A_217 = arith.constant 5002 : i32
        %broadcast_in_dim3A_218 = vector.broadcast %jit3A_217 : i32 to vector<16xi32>
        %select_n3A_219 = arith.select %and3A_211, %gather3A_200, %broadcast_in_dim3A_218 : vector<16xi1>, vector<16xi32>
        %swap3A_220 = arith.constant 80 : index
        %swap3A_221 = tpu.vector_load %arg12[%swap3A_220] {strides = array<i32>} : memref<128xi32, #tpu.memory_space<vmem>>, vector<16xi32>,
        tpu.vector_store %arg12[%swap3A_220], %select_n3A_219 {strides = array<i32>} : memref<128xi32, #tpu.memory_space<vmem>>, vector<16xi32>,
        %jit3A_222 = arith.constant 5002 : i32
        %broadcast_in_dim3A_223 = vector.broadcast %jit3A_222 : i32 to vector<16xi32>
        %select_n3A_224 = arith.select %and3A_211, %gather3A_201, %broadcast_in_dim3A_223 : vector<16xi1>, vector<16xi32>
        %swap3A_225 = arith.constant 80 : index
        %swap3A_226 = tpu.vector_load %arg13[%swap3A_225] {strides = array<i32>} : memref<128xi32, #tpu.memory_space<vmem>>, vector<16xi32>,
        tpu.vector_store %arg13[%swap3A_225], %select_n3A_224 {strides = array<i32>} : memref<128xi32, #tpu.memory_space<vmem>>, vector<16xi32>,
        %get3A_227 = arith.constant 96 : index
        %get3A_228 = tpu.vector_load %arg10[%get3A_227] {strides = array<i32>} : memref<128xi32, #tpu.memory_space<vmem>>, vector<16xi32>,
        %get3A_229 = arith.constant 96 : index
        %get3A_230 = tpu.vector_load %arg11[%get3A_229] {strides = array<i32>} : memref<128xi32, #tpu.memory_space<vmem>>, vector<16xi32>,
        %gather3A_231 = tpu.vector_load_idx %arg17[%get3A_228] : memref<10240xi32, #tpu.memory_space<vmem>>[vector<16xi32>], vector<16xi32>,
        %gather3A_232 = tpu.vector_load_idx %arg17[%get3A_230] : memref<10240xi32, #tpu.memory_space<vmem>>[vector<16xi32>], vector<16xi32>,
        %sub3A_233 = arith.constant 0 : i32
        %sub3A_234 = vector.broadcast %sub3A_233 : i32 to vector<16xi32>
        %sub3A_235 = arith.subi %get3A_230, %sub3A_234 : vector<16xi32>
        %ge3A_236 = arith.constant 0 : i32
        %ge3A_237 = vector.broadcast %ge3A_236 : i32 to vector<16xi32>
        %ge3A_238 = arith.cmpi sge, %sub3A_235, %ge3A_237 : vector<16xi32>
        %lt3A_239 = arith.constant 5120 : i32
        %lt3A_240 = vector.broadcast %lt3A_239 : i32 to vector<16xi32>
        %lt3A_241 = arith.cmpi slt, %sub3A_235, %lt3A_240 : vector<16xi32>
        %and3A_242 = arith.andi %ge3A_238, %lt3A_241 : vector<16xi1>
        %jit3A_243 = arith.constant 0 : i32
        %broadcast_in_dim3A_244 = vector.broadcast %jit3A_243 : i32 to vector<16xi32>
        %select_n3A_245 = arith.select %and3A_242, %sub3A_235, %broadcast_in_dim3A_244 : vector<16xi1>, vector<16xi32>
        %swap3A_246 = arith.constant 96 : index
        %swap3A_247 = tpu.vector_load %arg11[%swap3A_246] {strides = array<i32>} : memref<128xi32, #tpu.memory_space<vmem>>, vector<16xi32>,
        tpu.vector_store %arg11[%swap3A_246], %select_n3A_245 {strides = array<i32>} : memref<128xi32, #tpu.memory_space<vmem>>, vector<16xi32>,
        %jit3A_248 = arith.constant 5002 : i32
        %broadcast_in_dim3A_249 = vector.broadcast %jit3A_248 : i32 to vector<16xi32>
        %select_n3A_250 = arith.select %and3A_242, %gather3A_231, %broadcast_in_dim3A_249 : vector<16xi1>, vector<16xi32>
        %swap3A_251 = arith.constant 96 : index
        %swap3A_252 = tpu.vector_load %arg12[%swap3A_251] {strides = array<i32>} : memref<128xi32, #tpu.memory_space<vmem>>, vector<16xi32>,
        tpu.vector_store %arg12[%swap3A_251], %select_n3A_250 {strides = array<i32>} : memref<128xi32, #tpu.memory_space<vmem>>, vector<16xi32>,
        %jit3A_253 = arith.constant 5002 : i32
        %broadcast_in_dim3A_254 = vector.broadcast %jit3A_253 : i32 to vector<16xi32>
        %select_n3A_255 = arith.select %and3A_242, %gather3A_232, %broadcast_in_dim3A_254 : vector<16xi1>, vector<16xi32>
        %swap3A_256 = arith.constant 96 : index
        %swap3A_257 = tpu.vector_load %arg13[%swap3A_256] {strides = array<i32>} : memref<128xi32, #tpu.memory_space<vmem>>, vector<16xi32>,
        tpu.vector_store %arg13[%swap3A_256], %select_n3A_255 {strides = array<i32>} : memref<128xi32, #tpu.memory_space<vmem>>, vector<16xi32>,
        %get3A_258 = arith.constant 112 : index
        %get3A_259 = tpu.vector_load %arg10[%get3A_258] {strides = array<i32>} : memref<128xi32, #tpu.memory_space<vmem>>, vector<16xi32>,
        %get3A_260 = arith.constant 112 : index
        %get3A_261 = tpu.vector_load %arg11[%get3A_260] {strides = array<i32>} : memref<128xi32, #tpu.memory_space<vmem>>, vector<16xi32>,
        %gather3A_262 = tpu.vector_load_idx %arg17[%get3A_259] : memref<10240xi32, #tpu.memory_space<vmem>>[vector<16xi32>], vector<16xi32>,
        %gather3A_263 = tpu.vector_load_idx %arg17[%get3A_261] : memref<10240xi32, #tpu.memory_space<vmem>>[vector<16xi32>], vector<16xi32>,
        %sub3A_264 = arith.constant 0 : i32
        %sub3A_265 = vector.broadcast %sub3A_264 : i32 to vector<16xi32>
        %sub3A_266 = arith.subi %get3A_261, %sub3A_265 : vector<16xi32>
        %ge3A_267 = arith.constant 0 : i32
        %ge3A_268 = vector.broadcast %ge3A_267 : i32 to vector<16xi32>
        %ge3A_269 = arith.cmpi sge, %sub3A_266, %ge3A_268 : vector<16xi32>
        %lt3A_270 = arith.constant 5120 : i32
        %lt3A_271 = vector.broadcast %lt3A_270 : i32 to vector<16xi32>
        %lt3A_272 = arith.cmpi slt, %sub3A_266, %lt3A_271 : vector<16xi32>
        %and3A_273 = arith.andi %ge3A_269, %lt3A_272 : vector<16xi1>
        %jit3A_274 = arith.constant 0 : i32
        %broadcast_in_dim3A_275 = vector.broadcast %jit3A_274 : i32 to vector<16xi32>
        %select_n3A_276 = arith.select %and3A_273, %sub3A_266, %broadcast_in_dim3A_275 : vector<16xi1>, vector<16xi32>
        %swap3A_277 = arith.constant 112 : index
        %swap3A_278 = tpu.vector_load %arg11[%swap3A_277] {strides = array<i32>} : memref<128xi32, #tpu.memory_space<vmem>>, vector<16xi32>,
        tpu.vector_store %arg11[%swap3A_277], %select_n3A_276 {strides = array<i32>} : memref<128xi32, #tpu.memory_space<vmem>>, vector<16xi32>,
        %jit3A_279 = arith.constant 5002 : i32
        %broadcast_in_dim3A_280 = vector.broadcast %jit3A_279 : i32 to vector<16xi32>
        %select_n3A_281 = arith.select %and3A_273, %gather3A_262, %broadcast_in_dim3A_280 : vector<16xi1>, vector<16xi32>
        %swap3A_282 = arith.constant 112 : index
        %swap3A_283 = tpu.vector_load %arg12[%swap3A_282] {strides = array<i32>} : memref<128xi32, #tpu.memory_space<vmem>>, vector<16xi32>,
        tpu.vector_store %arg12[%swap3A_282], %select_n3A_281 {strides = array<i32>} : memref<128xi32, #tpu.memory_space<vmem>>, vector<16xi32>,
        %jit3A_284 = arith.constant 5002 : i32
        %broadcast_in_dim3A_285 = vector.broadcast %jit3A_284 : i32 to vector<16xi32>
        %select_n3A_286 = arith.select %and3A_273, %gather3A_263, %broadcast_in_dim3A_285 : vector<16xi1>, vector<16xi32>
        %swap3A_287 = arith.constant 112 : index
        %swap3A_288 = tpu.vector_load %arg13[%swap3A_287] {strides = array<i32>} : memref<128xi32, #tpu.memory_space<vmem>>, vector<16xi32>,
        tpu.vector_store %arg13[%swap3A_287], %select_n3A_286 {strides = array<i32>} : memref<128xi32, #tpu.memory_space<vmem>>, vector<16xi32>,
        %dma_start3A = arith.constant 0 : i32
        %dma_start3A_289 = arith.constant 0 : i32
        %dma_start3A_290 = tpu.memref_slice %arg2[%dma_start3A, %dma_start3A_289] : memref<5120x128xf32, #tpu.memory_space<hbm>> -> memref<5120x128xf32, #tpu.memory_space<hbm>>
        tpu.enqueue_indirect_dma source(%dma_start3A_290 : memref<5120x128xf32, #tpu.memory_space<hbm>>) target(%arg14 : memref<128x128xf32, #tpu.memory_space<vmem>>) offsets(%arg13 : memref<128xi32, #tpu.memory_space<vmem>>) semaphore(%arg19 : memref<!tpu.dma_semaphore, #tpu.memory_space<semaphore_mem>>)
        %dma_start3A_291 = arith.constant 0 : i32
        %dma_start3A_292 = arith.constant 0 : i32
        %dma_start3A_293 = tpu.memref_slice %arg3[%dma_start3A_291, %dma_start3A_292] : memref<5120x128xf32, #tpu.memory_space<hbm>> -> memref<5120x128xf32, #tpu.memory_space<hbm>>
        tpu.enqueue_indirect_dma source(%dma_start3A_293 : memref<5120x128xf32, #tpu.memory_space<hbm>>) target(%arg15 : memref<128x128xf32, #tpu.memory_space<vmem>>) offsets(%arg12 : memref<128xi32, #tpu.memory_space<vmem>>) semaphore(%arg20 : memref<!tpu.dma_semaphore, #tpu.memory_space<semaphore_mem>>)
        %dma_wait3A = arith.constant 0 : i32
        %dma_wait3A_294 = arith.constant 0 : i32
        %dma_wait3A_295 = tpu.memref_slice %arg2[%dma_wait3A, %dma_wait3A_294] : memref<5120x128xf32, #tpu.memory_space<hbm>> -> memref<5120x128xf32, #tpu.memory_space<hbm>>
        tpu.wait_indirect_dma semaphore(%arg19 : memref<!tpu.dma_semaphore, #tpu.memory_space<semaphore_mem>>) src(%dma_wait3A_295 : memref<5120x128xf32, #tpu.memory_space<hbm>>) dst(%arg14 : memref<128x128xf32, #tpu.memory_space<vmem>>)
        %dma_wait3A_296 = arith.constant 0 : i32
        %dma_wait3A_297 = arith.constant 0 : i32
        %dma_wait3A_298 = tpu.memref_slice %arg3[%dma_wait3A_296, %dma_wait3A_297] : memref<5120x128xf32, #tpu.memory_space<hbm>> -> memref<5120x128xf32, #tpu.memory_space<hbm>>
        tpu.wait_indirect_dma semaphore(%arg20 : memref<!tpu.dma_semaphore, #tpu.memory_space<semaphore_mem>>) src(%dma_wait3A_298 : memref<5120x128xf32, #tpu.memory_space<hbm>>) dst(%arg15 : memref<128x128xf32, #tpu.memory_space<vmem>>)
        %scan3A_299 = arith.constant 0 : i32
        %scan3A_300 = arith.constant 0 : i32
        %scan3A_301 = arith.constant 128 : i32
        %scan3A_302 = arith.addi %scan3A_300, %scan3A_301 : i32
        %scan3A_303 = arith.constant 1 : i32
        scf.for %scan3A_305 = %scan3A_300 to %scan3A_302 step %scan3A_303  : i32 {
          %broadcast_in_dim3A_306 = arith.constant 0 : i32
          %broadcast_in_dim3A_307 = vector.broadcast %broadcast_in_dim3A_306 : i32 to vector<16xi32>
          %add3A_308 = vector.broadcast %scan3A_305 : i32 to vector<16xi32>
          %add3A_309 = arith.addi %broadcast_in_dim3A_307, %add3A_308 : vector<16xi32>
          %iota3A = tpu.iota {dimensions = array<i32: 0>} : vector<16xi32>
          %add3A_310 = arith.constant 0 : i32
          %add3A_311 = vector.broadcast %add3A_310 : i32 to vector<16xi32>
          %add3A_312 = arith.addi %add3A_311, %iota3A : vector<16xi32>
          %gather3A_313 = tpu.vector_load_idx %arg14[%add3A_309, %add3A_312] : memref<128x128xf32, #tpu.memory_space<vmem>>[vector<16xi32>, vector<16xi32>], vector<16xf32>,
          %gather3A_314 = tpu.vector_load_idx %arg15[%add3A_309, %add3A_312] : memref<128x128xf32, #tpu.memory_space<vmem>>[vector<16xi32>, vector<16xi32>], vector<16xf32>,
          %add3A_315 = arith.addf %gather3A_313, %gather3A_314 : vector<16xf32>
          %mul3A_316 = arith.constant 0.00999999977 : f32
          %mul3A_317 = vector.broadcast %mul3A_316 : f32 to vector<16xf32>
          %mul3A_318 = arith.mulf %mul3A_317, %add3A_315 : vector<16xf32>
          %max3A = arith.maximumf %add3A_315, %mul3A_318 : vector<16xf32>
          tpu.vector_store_idx %arg14[%add3A_309, %add3A_312], %max3A : memref<128x128xf32, #tpu.memory_space<vmem>>[vector<16xi32>, vector<16xi32>], vector<16xf32>,
          %iota3A_319 = tpu.iota {dimensions = array<i32: 0>} : vector<16xi32>
          %add3A_320 = arith.constant 16 : i32
          %add3A_321 = vector.broadcast %add3A_320 : i32 to vector<16xi32>
          %add3A_322 = arith.addi %add3A_321, %iota3A_319 : vector<16xi32>
          %gather3A_323 = tpu.vector_load_idx %arg14[%add3A_309, %add3A_322] : memref<128x128xf32, #tpu.memory_space<vmem>>[vector<16xi32>, vector<16xi32>], vector<16xf32>,
          %gather3A_324 = tpu.vector_load_idx %arg15[%add3A_309, %add3A_322] : memref<128x128xf32, #tpu.memory_space<vmem>>[vector<16xi32>, vector<16xi32>], vector<16xf32>,
          %add3A_325 = arith.addf %gather3A_323, %gather3A_324 : vector<16xf32>
          %mul3A_326 = arith.constant 0.00999999977 : f32
          %mul3A_327 = vector.broadcast %mul3A_326 : f32 to vector<16xf32>
          %mul3A_328 = arith.mulf %mul3A_327, %add3A_325 : vector<16xf32>
          %max3A_329 = arith.maximumf %add3A_325, %mul3A_328 : vector<16xf32>
          tpu.vector_store_idx %arg14[%add3A_309, %add3A_322], %max3A_329 : memref<128x128xf32, #tpu.memory_space<vmem>>[vector<16xi32>, vector<16xi32>], vector<16xf32>,
          %iota3A_330 = tpu.iota {dimensions = array<i32: 0>} : vector<16xi32>
          %add3A_331 = arith.constant 32 : i32
          %add3A_332 = vector.broadcast %add3A_331 : i32 to vector<16xi32>
          %add3A_333 = arith.addi %add3A_332, %iota3A_330 : vector<16xi32>
          %gather3A_334 = tpu.vector_load_idx %arg14[%add3A_309, %add3A_333] : memref<128x128xf32, #tpu.memory_space<vmem>>[vector<16xi32>, vector<16xi32>], vector<16xf32>,
          %gather3A_335 = tpu.vector_load_idx %arg15[%add3A_309, %add3A_333] : memref<128x128xf32, #tpu.memory_space<vmem>>[vector<16xi32>, vector<16xi32>], vector<16xf32>,
          %add3A_336 = arith.addf %gather3A_334, %gather3A_335 : vector<16xf32>
          %mul3A_337 = arith.constant 0.00999999977 : f32
          %mul3A_338 = vector.broadcast %mul3A_337 : f32 to vector<16xf32>
          %mul3A_339 = arith.mulf %mul3A_338, %add3A_336 : vector<16xf32>
          %max3A_340 = arith.maximumf %add3A_336, %mul3A_339 : vector<16xf32>
          tpu.vector_store_idx %arg14[%add3A_309, %add3A_333], %max3A_340 : memref<128x128xf32, #tpu.memory_space<vmem>>[vector<16xi32>, vector<16xi32>], vector<16xf32>,
          %iota3A_341 = tpu.iota {dimensions = array<i32: 0>} : vector<16xi32>
          %add3A_342 = arith.constant 48 : i32
          %add3A_343 = vector.broadcast %add3A_342 : i32 to vector<16xi32>
          %add3A_344 = arith.addi %add3A_343, %iota3A_341 : vector<16xi32>
          %gather3A_345 = tpu.vector_load_idx %arg14[%add3A_309, %add3A_344] : memref<128x128xf32, #tpu.memory_space<vmem>>[vector<16xi32>, vector<16xi32>], vector<16xf32>,
          %gather3A_346 = tpu.vector_load_idx %arg15[%add3A_309, %add3A_344] : memref<128x128xf32, #tpu.memory_space<vmem>>[vector<16xi32>, vector<16xi32>], vector<16xf32>,
          %add3A_347 = arith.addf %gather3A_345, %gather3A_346 : vector<16xf32>
          %mul3A_348 = arith.constant 0.00999999977 : f32
          %mul3A_349 = vector.broadcast %mul3A_348 : f32 to vector<16xf32>
          %mul3A_350 = arith.mulf %mul3A_349, %add3A_347 : vector<16xf32>
          %max3A_351 = arith.maximumf %add3A_347, %mul3A_350 : vector<16xf32>
          tpu.vector_store_idx %arg14[%add3A_309, %add3A_344], %max3A_351 : memref<128x128xf32, #tpu.memory_space<vmem>>[vector<16xi32>, vector<16xi32>], vector<16xf32>,
          %iota3A_352 = tpu.iota {dimensions = array<i32: 0>} : vector<16xi32>
          %add3A_353 = arith.constant 64 : i32
          %add3A_354 = vector.broadcast %add3A_353 : i32 to vector<16xi32>
          %add3A_355 = arith.addi %add3A_354, %iota3A_352 : vector<16xi32>
          %gather3A_356 = tpu.vector_load_idx %arg14[%add3A_309, %add3A_355] : memref<128x128xf32, #tpu.memory_space<vmem>>[vector<16xi32>, vector<16xi32>], vector<16xf32>,
          %gather3A_357 = tpu.vector_load_idx %arg15[%add3A_309, %add3A_355] : memref<128x128xf32, #tpu.memory_space<vmem>>[vector<16xi32>, vector<16xi32>], vector<16xf32>,
          %add3A_358 = arith.addf %gather3A_356, %gather3A_357 : vector<16xf32>
          %mul3A_359 = arith.constant 0.00999999977 : f32
          %mul3A_360 = vector.broadcast %mul3A_359 : f32 to vector<16xf32>
          %mul3A_361 = arith.mulf %mul3A_360, %add3A_358 : vector<16xf32>
          %max3A_362 = arith.maximumf %add3A_358, %mul3A_361 : vector<16xf32>
          tpu.vector_store_idx %arg14[%add3A_309, %add3A_355], %max3A_362 : memref<128x128xf32, #tpu.memory_space<vmem>>[vector<16xi32>, vector<16xi32>], vector<16xf32>,
          %iota3A_363 = tpu.iota {dimensions = array<i32: 0>} : vector<16xi32>
          %add3A_364 = arith.constant 80 : i32
          %add3A_365 = vector.broadcast %add3A_364 : i32 to vector<16xi32>
          %add3A_366 = arith.addi %add3A_365, %iota3A_363 : vector<16xi32>
          %gather3A_367 = tpu.vector_load_idx %arg14[%add3A_309, %add3A_366] : memref<128x128xf32, #tpu.memory_space<vmem>>[vector<16xi32>, vector<16xi32>], vector<16xf32>,
          %gather3A_368 = tpu.vector_load_idx %arg15[%add3A_309, %add3A_366] : memref<128x128xf32, #tpu.memory_space<vmem>>[vector<16xi32>, vector<16xi32>], vector<16xf32>,
          %add3A_369 = arith.addf %gather3A_367, %gather3A_368 : vector<16xf32>
          %mul3A_370 = arith.constant 0.00999999977 : f32
          %mul3A_371 = vector.broadcast %mul3A_370 : f32 to vector<16xf32>
          %mul3A_372 = arith.mulf %mul3A_371, %add3A_369 : vector<16xf32>
          %max3A_373 = arith.maximumf %add3A_369, %mul3A_372 : vector<16xf32>
          tpu.vector_store_idx %arg14[%add3A_309, %add3A_366], %max3A_373 : memref<128x128xf32, #tpu.memory_space<vmem>>[vector<16xi32>, vector<16xi32>], vector<16xf32>,
          %iota3A_374 = tpu.iota {dimensions = array<i32: 0>} : vector<16xi32>
          %add3A_375 = arith.constant 96 : i32
          %add3A_376 = vector.broadcast %add3A_375 : i32 to vector<16xi32>
          %add3A_377 = arith.addi %add3A_376, %iota3A_374 : vector<16xi32>
          %gather3A_378 = tpu.vector_load_idx %arg14[%add3A_309, %add3A_377] : memref<128x128xf32, #tpu.memory_space<vmem>>[vector<16xi32>, vector<16xi32>], vector<16xf32>,
          %gather3A_379 = tpu.vector_load_idx %arg15[%add3A_309, %add3A_377] : memref<128x128xf32, #tpu.memory_space<vmem>>[vector<16xi32>, vector<16xi32>], vector<16xf32>,
          %add3A_380 = arith.addf %gather3A_378, %gather3A_379 : vector<16xf32>
          %mul3A_381 = arith.constant 0.00999999977 : f32
          %mul3A_382 = vector.broadcast %mul3A_381 : f32 to vector<16xf32>
          %mul3A_383 = arith.mulf %mul3A_382, %add3A_380 : vector<16xf32>
          %max3A_384 = arith.maximumf %add3A_380, %mul3A_383 : vector<16xf32>
          tpu.vector_store_idx %arg14[%add3A_309, %add3A_377], %max3A_384 : memref<128x128xf32, #tpu.memory_space<vmem>>[vector<16xi32>, vector<16xi32>], vector<16xf32>,
          %iota3A_385 = tpu.iota {dimensions = array<i32: 0>} : vector<16xi32>
          %add3A_386 = arith.constant 112 : i32
          %add3A_387 = vector.broadcast %add3A_386 : i32 to vector<16xi32>
          %add3A_388 = arith.addi %add3A_387, %iota3A_385 : vector<16xi32>
          %gather3A_389 = tpu.vector_load_idx %arg14[%add3A_309, %add3A_388] : memref<128x128xf32, #tpu.memory_space<vmem>>[vector<16xi32>, vector<16xi32>], vector<16xf32>,
          %gather3A_390 = tpu.vector_load_idx %arg15[%add3A_309, %add3A_388] : memref<128x128xf32, #tpu.memory_space<vmem>>[vector<16xi32>, vector<16xi32>], vector<16xf32>,
          %add3A_391 = arith.addf %gather3A_389, %gather3A_390 : vector<16xf32>
          %mul3A_392 = arith.constant 0.00999999977 : f32
          %mul3A_393 = vector.broadcast %mul3A_392 : f32 to vector<16xf32>
          %mul3A_394 = arith.mulf %mul3A_393, %add3A_391 : vector<16xf32>
          %max3A_395 = arith.maximumf %add3A_391, %mul3A_394 : vector<16xf32>
          tpu.vector_store_idx %arg14[%add3A_309, %add3A_388], %max3A_395 : memref<128x128xf32, #tpu.memory_space<vmem>>[vector<16xi32>, vector<16xi32>], vector<16xf32>,
        }
        %scan3A_304 = arith.constant 128 : i32
        "tpu.region"() ({
          %run_scoped3A = tpu.sem_alloc : memref<!tpu.dma_semaphore, #tpu.memory_space<semaphore_mem>>
          %dma_start3A_305 = arith.constant 0 : i32
          %dma_start3A_306 = arith.constant 0 : i32
          %dma_start3A_307 = tpu.memref_slice %arg18[%dma_start3A_305, %dma_start3A_306] : memref<5120x128xf32, #tpu.memory_space<vmem_shared>> -> memref<5120x128xf32, #tpu.memory_space<vmem_shared>>
          tpu.enqueue_indirect_dma source(%arg14 : memref<128x128xf32, #tpu.memory_space<vmem>>) target(%dma_start3A_307 : memref<5120x128xf32, #tpu.memory_space<vmem_shared>>) offsets(%arg11 : memref<128xi32, #tpu.memory_space<vmem>>) semaphore(%run_scoped3A : memref<!tpu.dma_semaphore, #tpu.memory_space<semaphore_mem>>) {add = true}
          %dma_wait3A_308 = arith.constant 0 : i32
          %dma_wait3A_309 = arith.constant 0 : i32
          %dma_wait3A_310 = tpu.memref_slice %arg18[%dma_wait3A_308, %dma_wait3A_309] : memref<5120x128xf32, #tpu.memory_space<vmem_shared>> -> memref<5120x128xf32, #tpu.memory_space<vmem_shared>>
          tpu.wait_indirect_dma semaphore(%run_scoped3A : memref<!tpu.dma_semaphore, #tpu.memory_space<semaphore_mem>>) src(%arg14 : memref<128x128xf32, #tpu.memory_space<vmem>>) dst(%dma_wait3A_310 : memref<5120x128xf32, #tpu.memory_space<vmem_shared>>)
          tpu.yield
        }) : () -> ()
      }
      %scan3A_46 = arith.constant 157 : i32
    } else {
    }
    %eq3A_10 = arith.constant 1 : i32
    %eq3A_11 = arith.cmpi eq, %arg0, %eq3A_10 : i32
    %convert_element_type3A_12 = arith.extui %eq3A_11 : i1 to i32
    %cond3A_13 = arith.constant 0 : i32
    %cond3A_14 = arith.cmpi ne, %convert_element_type3A_12, %cond3A_13 : i32
    scf.if %cond3A_14 {
      %scan3A_41 = arith.constant 0 : i32
      %scan3A_42 = arith.constant 0 : i32
      %scan3A_43 = arith.constant 157 : i32
      %scan3A_44 = arith.addi %scan3A_42, %scan3A_43 : i32
      %scan3A_45 = arith.constant 1 : i32
      scf.for %scan3A_47 = %scan3A_42 to %scan3A_44 step %scan3A_45  : i32 {
        %mul3A_48 = arith.constant 128 : i32
        %mul3A_49 = arith.muli %scan3A_47, %mul3A_48 : i32
        %add3A_50 = arith.addi %mul3A_5, %mul3A_49 : i32
        "tpu.region"() ({
          %run_scoped3A = tpu.sem_alloc : memref<!tpu.dma_semaphore, #tpu.memory_space<semaphore_mem>>
          %dma_start3A_305 = tpu.memref_slice %arg6[%add3A_50] : memref<321536xi32, #tpu.memory_space<hbm>> -> memref<128xi32, #tpu.memory_space<hbm>>
          %dma_start3A_306 = tpu.memref_slice %arg6[%add3A_50] : memref<321536xi32, #tpu.memory_space<hbm>> -> memref<128xi32, #tpu.memory_space<hbm>>
          tpu.enqueue_dma source(%dma_start3A_306 : memref<128xi32, #tpu.memory_space<hbm>>) target(%arg10 : memref<128xi32, #tpu.memory_space<vmem>>) target_semaphore(%run_scoped3A : memref<!tpu.dma_semaphore, #tpu.memory_space<semaphore_mem>>)
          %dma_wait3A_307 = tpu.memref_slice %arg6[%add3A_50] : memref<321536xi32, #tpu.memory_space<hbm>> -> memref<128xi32, #tpu.memory_space<hbm>>
          %dma_wait3A_308 = tpu.memref_slice %arg6[%add3A_50] : memref<321536xi32, #tpu.memory_space<hbm>> -> memref<128xi32, #tpu.memory_space<hbm>>
          tpu.wait_dma2 semaphore(%run_scoped3A : memref<!tpu.dma_semaphore, #tpu.memory_space<semaphore_mem>>) src(%dma_wait3A_308 : memref<128xi32, #tpu.memory_space<hbm>>) dst(%arg10 : memref<128xi32, #tpu.memory_space<vmem>>)
          tpu.yield
        }) : () -> ()
        "tpu.region"() ({
          %run_scoped3A = tpu.sem_alloc : memref<!tpu.dma_semaphore, #tpu.memory_space<semaphore_mem>>
          %dma_start3A_305 = tpu.memref_slice %arg7[%add3A_50] : memref<321536xi32, #tpu.memory_space<hbm>> -> memref<128xi32, #tpu.memory_space<hbm>>
          %dma_start3A_306 = tpu.memref_slice %arg7[%add3A_50] : memref<321536xi32, #tpu.memory_space<hbm>> -> memref<128xi32, #tpu.memory_space<hbm>>
          tpu.enqueue_dma source(%dma_start3A_306 : memref<128xi32, #tpu.memory_space<hbm>>) target(%arg11 : memref<128xi32, #tpu.memory_space<vmem>>) target_semaphore(%run_scoped3A : memref<!tpu.dma_semaphore, #tpu.memory_space<semaphore_mem>>)
          %dma_wait3A_307 = tpu.memref_slice %arg7[%add3A_50] : memref<321536xi32, #tpu.memory_space<hbm>> -> memref<128xi32, #tpu.memory_space<hbm>>
          %dma_wait3A_308 = tpu.memref_slice %arg7[%add3A_50] : memref<321536xi32, #tpu.memory_space<hbm>> -> memref<128xi32, #tpu.memory_space<hbm>>
          tpu.wait_dma2 semaphore(%run_scoped3A : memref<!tpu.dma_semaphore, #tpu.memory_space<semaphore_mem>>) src(%dma_wait3A_308 : memref<128xi32, #tpu.memory_space<hbm>>) dst(%arg11 : memref<128xi32, #tpu.memory_space<vmem>>)
          tpu.yield
        }) : () -> ()
        %get3A = arith.constant 0 : index
        %get3A_51 = tpu.vector_load %arg10[%get3A] {strides = array<i32>} : memref<128xi32, #tpu.memory_space<vmem>>, vector<16xi32>,
        %get3A_52 = arith.constant 0 : index
        %get3A_53 = tpu.vector_load %arg11[%get3A_52] {strides = array<i32>} : memref<128xi32, #tpu.memory_space<vmem>>, vector<16xi32>,
        %gather3A = tpu.vector_load_idx %arg17[%get3A_51] : memref<10240xi32, #tpu.memory_space<vmem>>[vector<16xi32>], vector<16xi32>,
        %gather3A_54 = tpu.vector_load_idx %arg17[%get3A_53] : memref<10240xi32, #tpu.memory_space<vmem>>[vector<16xi32>], vector<16xi32>,
        %sub3A = arith.constant 0 : i32
        %sub3A_55 = vector.broadcast %sub3A : i32 to vector<16xi32>
        %sub3A_56 = arith.subi %get3A_53, %sub3A_55 : vector<16xi32>
        %ge3A = arith.constant 0 : i32
        %ge3A_57 = vector.broadcast %ge3A : i32 to vector<16xi32>
        %ge3A_58 = arith.cmpi sge, %sub3A_56, %ge3A_57 : vector<16xi32>
        %lt3A = arith.constant 5120 : i32
        %lt3A_59 = vector.broadcast %lt3A : i32 to vector<16xi32>
        %lt3A_60 = arith.cmpi slt, %sub3A_56, %lt3A_59 : vector<16xi32>
        %and3A = arith.andi %ge3A_58, %lt3A_60 : vector<16xi1>
        %jit3A = arith.constant 0 : i32
        %broadcast_in_dim3A = vector.broadcast %jit3A : i32 to vector<16xi32>
        %select_n3A = arith.select %and3A, %sub3A_56, %broadcast_in_dim3A : vector<16xi1>, vector<16xi32>
        %swap3A = arith.constant 0 : index
        %swap3A_61 = tpu.vector_load %arg11[%swap3A] {strides = array<i32>} : memref<128xi32, #tpu.memory_space<vmem>>, vector<16xi32>,
        tpu.vector_store %arg11[%swap3A], %select_n3A {strides = array<i32>} : memref<128xi32, #tpu.memory_space<vmem>>, vector<16xi32>,
        %jit3A_62 = arith.constant 5002 : i32
        %broadcast_in_dim3A_63 = vector.broadcast %jit3A_62 : i32 to vector<16xi32>
        %select_n3A_64 = arith.select %and3A, %gather3A, %broadcast_in_dim3A_63 : vector<16xi1>, vector<16xi32>
        %swap3A_65 = arith.constant 0 : index
        %swap3A_66 = tpu.vector_load %arg12[%swap3A_65] {strides = array<i32>} : memref<128xi32, #tpu.memory_space<vmem>>, vector<16xi32>,
        tpu.vector_store %arg12[%swap3A_65], %select_n3A_64 {strides = array<i32>} : memref<128xi32, #tpu.memory_space<vmem>>, vector<16xi32>,
        %jit3A_67 = arith.constant 5002 : i32
        %broadcast_in_dim3A_68 = vector.broadcast %jit3A_67 : i32 to vector<16xi32>
        %select_n3A_69 = arith.select %and3A, %gather3A_54, %broadcast_in_dim3A_68 : vector<16xi1>, vector<16xi32>
        %swap3A_70 = arith.constant 0 : index
        %swap3A_71 = tpu.vector_load %arg13[%swap3A_70] {strides = array<i32>} : memref<128xi32, #tpu.memory_space<vmem>>, vector<16xi32>,
        tpu.vector_store %arg13[%swap3A_70], %select_n3A_69 {strides = array<i32>} : memref<128xi32, #tpu.memory_space<vmem>>, vector<16xi32>,
        %get3A_72 = arith.constant 16 : index
        %get3A_73 = tpu.vector_load %arg10[%get3A_72] {strides = array<i32>} : memref<128xi32, #tpu.memory_space<vmem>>, vector<16xi32>,
        %get3A_74 = arith.constant 16 : index
        %get3A_75 = tpu.vector_load %arg11[%get3A_74] {strides = array<i32>} : memref<128xi32, #tpu.memory_space<vmem>>, vector<16xi32>,
        %gather3A_76 = tpu.vector_load_idx %arg17[%get3A_73] : memref<10240xi32, #tpu.memory_space<vmem>>[vector<16xi32>], vector<16xi32>,
        %gather3A_77 = tpu.vector_load_idx %arg17[%get3A_75] : memref<10240xi32, #tpu.memory_space<vmem>>[vector<16xi32>], vector<16xi32>,
        %sub3A_78 = arith.constant 0 : i32
        %sub3A_79 = vector.broadcast %sub3A_78 : i32 to vector<16xi32>
        %sub3A_80 = arith.subi %get3A_75, %sub3A_79 : vector<16xi32>
        %ge3A_81 = arith.constant 0 : i32
        %ge3A_82 = vector.broadcast %ge3A_81 : i32 to vector<16xi32>
        %ge3A_83 = arith.cmpi sge, %sub3A_80, %ge3A_82 : vector<16xi32>
        %lt3A_84 = arith.constant 5120 : i32
        %lt3A_85 = vector.broadcast %lt3A_84 : i32 to vector<16xi32>
        %lt3A_86 = arith.cmpi slt, %sub3A_80, %lt3A_85 : vector<16xi32>
        %and3A_87 = arith.andi %ge3A_83, %lt3A_86 : vector<16xi1>
        %jit3A_88 = arith.constant 0 : i32
        %broadcast_in_dim3A_89 = vector.broadcast %jit3A_88 : i32 to vector<16xi32>
        %select_n3A_90 = arith.select %and3A_87, %sub3A_80, %broadcast_in_dim3A_89 : vector<16xi1>, vector<16xi32>
        %swap3A_91 = arith.constant 16 : index
        %swap3A_92 = tpu.vector_load %arg11[%swap3A_91] {strides = array<i32>} : memref<128xi32, #tpu.memory_space<vmem>>, vector<16xi32>,
        tpu.vector_store %arg11[%swap3A_91], %select_n3A_90 {strides = array<i32>} : memref<128xi32, #tpu.memory_space<vmem>>, vector<16xi32>,
        %jit3A_93 = arith.constant 5002 : i32
        %broadcast_in_dim3A_94 = vector.broadcast %jit3A_93 : i32 to vector<16xi32>
        %select_n3A_95 = arith.select %and3A_87, %gather3A_76, %broadcast_in_dim3A_94 : vector<16xi1>, vector<16xi32>
        %swap3A_96 = arith.constant 16 : index
        %swap3A_97 = tpu.vector_load %arg12[%swap3A_96] {strides = array<i32>} : memref<128xi32, #tpu.memory_space<vmem>>, vector<16xi32>,
        tpu.vector_store %arg12[%swap3A_96], %select_n3A_95 {strides = array<i32>} : memref<128xi32, #tpu.memory_space<vmem>>, vector<16xi32>,
        %jit3A_98 = arith.constant 5002 : i32
        %broadcast_in_dim3A_99 = vector.broadcast %jit3A_98 : i32 to vector<16xi32>
        %select_n3A_100 = arith.select %and3A_87, %gather3A_77, %broadcast_in_dim3A_99 : vector<16xi1>, vector<16xi32>
        %swap3A_101 = arith.constant 16 : index
        %swap3A_102 = tpu.vector_load %arg13[%swap3A_101] {strides = array<i32>} : memref<128xi32, #tpu.memory_space<vmem>>, vector<16xi32>,
        tpu.vector_store %arg13[%swap3A_101], %select_n3A_100 {strides = array<i32>} : memref<128xi32, #tpu.memory_space<vmem>>, vector<16xi32>,
        %get3A_103 = arith.constant 32 : index
        %get3A_104 = tpu.vector_load %arg10[%get3A_103] {strides = array<i32>} : memref<128xi32, #tpu.memory_space<vmem>>, vector<16xi32>,
        %get3A_105 = arith.constant 32 : index
        %get3A_106 = tpu.vector_load %arg11[%get3A_105] {strides = array<i32>} : memref<128xi32, #tpu.memory_space<vmem>>, vector<16xi32>,
        %gather3A_107 = tpu.vector_load_idx %arg17[%get3A_104] : memref<10240xi32, #tpu.memory_space<vmem>>[vector<16xi32>], vector<16xi32>,
        %gather3A_108 = tpu.vector_load_idx %arg17[%get3A_106] : memref<10240xi32, #tpu.memory_space<vmem>>[vector<16xi32>], vector<16xi32>,
        %sub3A_109 = arith.constant 0 : i32
        %sub3A_110 = vector.broadcast %sub3A_109 : i32 to vector<16xi32>
        %sub3A_111 = arith.subi %get3A_106, %sub3A_110 : vector<16xi32>
        %ge3A_112 = arith.constant 0 : i32
        %ge3A_113 = vector.broadcast %ge3A_112 : i32 to vector<16xi32>
        %ge3A_114 = arith.cmpi sge, %sub3A_111, %ge3A_113 : vector<16xi32>
        %lt3A_115 = arith.constant 5120 : i32
        %lt3A_116 = vector.broadcast %lt3A_115 : i32 to vector<16xi32>
        %lt3A_117 = arith.cmpi slt, %sub3A_111, %lt3A_116 : vector<16xi32>
        %and3A_118 = arith.andi %ge3A_114, %lt3A_117 : vector<16xi1>
        %jit3A_119 = arith.constant 0 : i32
        %broadcast_in_dim3A_120 = vector.broadcast %jit3A_119 : i32 to vector<16xi32>
        %select_n3A_121 = arith.select %and3A_118, %sub3A_111, %broadcast_in_dim3A_120 : vector<16xi1>, vector<16xi32>
        %swap3A_122 = arith.constant 32 : index
        %swap3A_123 = tpu.vector_load %arg11[%swap3A_122] {strides = array<i32>} : memref<128xi32, #tpu.memory_space<vmem>>, vector<16xi32>,
        tpu.vector_store %arg11[%swap3A_122], %select_n3A_121 {strides = array<i32>} : memref<128xi32, #tpu.memory_space<vmem>>, vector<16xi32>,
        %jit3A_124 = arith.constant 5002 : i32
        %broadcast_in_dim3A_125 = vector.broadcast %jit3A_124 : i32 to vector<16xi32>
        %select_n3A_126 = arith.select %and3A_118, %gather3A_107, %broadcast_in_dim3A_125 : vector<16xi1>, vector<16xi32>
        %swap3A_127 = arith.constant 32 : index
        %swap3A_128 = tpu.vector_load %arg12[%swap3A_127] {strides = array<i32>} : memref<128xi32, #tpu.memory_space<vmem>>, vector<16xi32>,
        tpu.vector_store %arg12[%swap3A_127], %select_n3A_126 {strides = array<i32>} : memref<128xi32, #tpu.memory_space<vmem>>, vector<16xi32>,
        %jit3A_129 = arith.constant 5002 : i32
        %broadcast_in_dim3A_130 = vector.broadcast %jit3A_129 : i32 to vector<16xi32>
        %select_n3A_131 = arith.select %and3A_118, %gather3A_108, %broadcast_in_dim3A_130 : vector<16xi1>, vector<16xi32>
        %swap3A_132 = arith.constant 32 : index
        %swap3A_133 = tpu.vector_load %arg13[%swap3A_132] {strides = array<i32>} : memref<128xi32, #tpu.memory_space<vmem>>, vector<16xi32>,
        tpu.vector_store %arg13[%swap3A_132], %select_n3A_131 {strides = array<i32>} : memref<128xi32, #tpu.memory_space<vmem>>, vector<16xi32>,
        %get3A_134 = arith.constant 48 : index
        %get3A_135 = tpu.vector_load %arg10[%get3A_134] {strides = array<i32>} : memref<128xi32, #tpu.memory_space<vmem>>, vector<16xi32>,
        %get3A_136 = arith.constant 48 : index
        %get3A_137 = tpu.vector_load %arg11[%get3A_136] {strides = array<i32>} : memref<128xi32, #tpu.memory_space<vmem>>, vector<16xi32>,
        %gather3A_138 = tpu.vector_load_idx %arg17[%get3A_135] : memref<10240xi32, #tpu.memory_space<vmem>>[vector<16xi32>], vector<16xi32>,
        %gather3A_139 = tpu.vector_load_idx %arg17[%get3A_137] : memref<10240xi32, #tpu.memory_space<vmem>>[vector<16xi32>], vector<16xi32>,
        %sub3A_140 = arith.constant 0 : i32
        %sub3A_141 = vector.broadcast %sub3A_140 : i32 to vector<16xi32>
        %sub3A_142 = arith.subi %get3A_137, %sub3A_141 : vector<16xi32>
        %ge3A_143 = arith.constant 0 : i32
        %ge3A_144 = vector.broadcast %ge3A_143 : i32 to vector<16xi32>
        %ge3A_145 = arith.cmpi sge, %sub3A_142, %ge3A_144 : vector<16xi32>
        %lt3A_146 = arith.constant 5120 : i32
        %lt3A_147 = vector.broadcast %lt3A_146 : i32 to vector<16xi32>
        %lt3A_148 = arith.cmpi slt, %sub3A_142, %lt3A_147 : vector<16xi32>
        %and3A_149 = arith.andi %ge3A_145, %lt3A_148 : vector<16xi1>
        %jit3A_150 = arith.constant 0 : i32
        %broadcast_in_dim3A_151 = vector.broadcast %jit3A_150 : i32 to vector<16xi32>
        %select_n3A_152 = arith.select %and3A_149, %sub3A_142, %broadcast_in_dim3A_151 : vector<16xi1>, vector<16xi32>
        %swap3A_153 = arith.constant 48 : index
        %swap3A_154 = tpu.vector_load %arg11[%swap3A_153] {strides = array<i32>} : memref<128xi32, #tpu.memory_space<vmem>>, vector<16xi32>,
        tpu.vector_store %arg11[%swap3A_153], %select_n3A_152 {strides = array<i32>} : memref<128xi32, #tpu.memory_space<vmem>>, vector<16xi32>,
        %jit3A_155 = arith.constant 5002 : i32
        %broadcast_in_dim3A_156 = vector.broadcast %jit3A_155 : i32 to vector<16xi32>
        %select_n3A_157 = arith.select %and3A_149, %gather3A_138, %broadcast_in_dim3A_156 : vector<16xi1>, vector<16xi32>
        %swap3A_158 = arith.constant 48 : index
        %swap3A_159 = tpu.vector_load %arg12[%swap3A_158] {strides = array<i32>} : memref<128xi32, #tpu.memory_space<vmem>>, vector<16xi32>,
        tpu.vector_store %arg12[%swap3A_158], %select_n3A_157 {strides = array<i32>} : memref<128xi32, #tpu.memory_space<vmem>>, vector<16xi32>,
        %jit3A_160 = arith.constant 5002 : i32
        %broadcast_in_dim3A_161 = vector.broadcast %jit3A_160 : i32 to vector<16xi32>
        %select_n3A_162 = arith.select %and3A_149, %gather3A_139, %broadcast_in_dim3A_161 : vector<16xi1>, vector<16xi32>
        %swap3A_163 = arith.constant 48 : index
        %swap3A_164 = tpu.vector_load %arg13[%swap3A_163] {strides = array<i32>} : memref<128xi32, #tpu.memory_space<vmem>>, vector<16xi32>,
        tpu.vector_store %arg13[%swap3A_163], %select_n3A_162 {strides = array<i32>} : memref<128xi32, #tpu.memory_space<vmem>>, vector<16xi32>,
        %get3A_165 = arith.constant 64 : index
        %get3A_166 = tpu.vector_load %arg10[%get3A_165] {strides = array<i32>} : memref<128xi32, #tpu.memory_space<vmem>>, vector<16xi32>,
        %get3A_167 = arith.constant 64 : index
        %get3A_168 = tpu.vector_load %arg11[%get3A_167] {strides = array<i32>} : memref<128xi32, #tpu.memory_space<vmem>>, vector<16xi32>,
        %gather3A_169 = tpu.vector_load_idx %arg17[%get3A_166] : memref<10240xi32, #tpu.memory_space<vmem>>[vector<16xi32>], vector<16xi32>,
        %gather3A_170 = tpu.vector_load_idx %arg17[%get3A_168] : memref<10240xi32, #tpu.memory_space<vmem>>[vector<16xi32>], vector<16xi32>,
        %sub3A_171 = arith.constant 0 : i32
        %sub3A_172 = vector.broadcast %sub3A_171 : i32 to vector<16xi32>
        %sub3A_173 = arith.subi %get3A_168, %sub3A_172 : vector<16xi32>
        %ge3A_174 = arith.constant 0 : i32
        %ge3A_175 = vector.broadcast %ge3A_174 : i32 to vector<16xi32>
        %ge3A_176 = arith.cmpi sge, %sub3A_173, %ge3A_175 : vector<16xi32>
        %lt3A_177 = arith.constant 5120 : i32
        %lt3A_178 = vector.broadcast %lt3A_177 : i32 to vector<16xi32>
        %lt3A_179 = arith.cmpi slt, %sub3A_173, %lt3A_178 : vector<16xi32>
        %and3A_180 = arith.andi %ge3A_176, %lt3A_179 : vector<16xi1>
        %jit3A_181 = arith.constant 0 : i32
        %broadcast_in_dim3A_182 = vector.broadcast %jit3A_181 : i32 to vector<16xi32>
        %select_n3A_183 = arith.select %and3A_180, %sub3A_173, %broadcast_in_dim3A_182 : vector<16xi1>, vector<16xi32>
        %swap3A_184 = arith.constant 64 : index
        %swap3A_185 = tpu.vector_load %arg11[%swap3A_184] {strides = array<i32>} : memref<128xi32, #tpu.memory_space<vmem>>, vector<16xi32>,
        tpu.vector_store %arg11[%swap3A_184], %select_n3A_183 {strides = array<i32>} : memref<128xi32, #tpu.memory_space<vmem>>, vector<16xi32>,
        %jit3A_186 = arith.constant 5002 : i32
        %broadcast_in_dim3A_187 = vector.broadcast %jit3A_186 : i32 to vector<16xi32>
        %select_n3A_188 = arith.select %and3A_180, %gather3A_169, %broadcast_in_dim3A_187 : vector<16xi1>, vector<16xi32>
        %swap3A_189 = arith.constant 64 : index
        %swap3A_190 = tpu.vector_load %arg12[%swap3A_189] {strides = array<i32>} : memref<128xi32, #tpu.memory_space<vmem>>, vector<16xi32>,
        tpu.vector_store %arg12[%swap3A_189], %select_n3A_188 {strides = array<i32>} : memref<128xi32, #tpu.memory_space<vmem>>, vector<16xi32>,
        %jit3A_191 = arith.constant 5002 : i32
        %broadcast_in_dim3A_192 = vector.broadcast %jit3A_191 : i32 to vector<16xi32>
        %select_n3A_193 = arith.select %and3A_180, %gather3A_170, %broadcast_in_dim3A_192 : vector<16xi1>, vector<16xi32>
        %swap3A_194 = arith.constant 64 : index
        %swap3A_195 = tpu.vector_load %arg13[%swap3A_194] {strides = array<i32>} : memref<128xi32, #tpu.memory_space<vmem>>, vector<16xi32>,
        tpu.vector_store %arg13[%swap3A_194], %select_n3A_193 {strides = array<i32>} : memref<128xi32, #tpu.memory_space<vmem>>, vector<16xi32>,
        %get3A_196 = arith.constant 80 : index
        %get3A_197 = tpu.vector_load %arg10[%get3A_196] {strides = array<i32>} : memref<128xi32, #tpu.memory_space<vmem>>, vector<16xi32>,
        %get3A_198 = arith.constant 80 : index
        %get3A_199 = tpu.vector_load %arg11[%get3A_198] {strides = array<i32>} : memref<128xi32, #tpu.memory_space<vmem>>, vector<16xi32>,
        %gather3A_200 = tpu.vector_load_idx %arg17[%get3A_197] : memref<10240xi32, #tpu.memory_space<vmem>>[vector<16xi32>], vector<16xi32>,
        %gather3A_201 = tpu.vector_load_idx %arg17[%get3A_199] : memref<10240xi32, #tpu.memory_space<vmem>>[vector<16xi32>], vector<16xi32>,
        %sub3A_202 = arith.constant 0 : i32
        %sub3A_203 = vector.broadcast %sub3A_202 : i32 to vector<16xi32>
        %sub3A_204 = arith.subi %get3A_199, %sub3A_203 : vector<16xi32>
        %ge3A_205 = arith.constant 0 : i32
        %ge3A_206 = vector.broadcast %ge3A_205 : i32 to vector<16xi32>
        %ge3A_207 = arith.cmpi sge, %sub3A_204, %ge3A_206 : vector<16xi32>
        %lt3A_208 = arith.constant 5120 : i32
        %lt3A_209 = vector.broadcast %lt3A_208 : i32 to vector<16xi32>
        %lt3A_210 = arith.cmpi slt, %sub3A_204, %lt3A_209 : vector<16xi32>
        %and3A_211 = arith.andi %ge3A_207, %lt3A_210 : vector<16xi1>
        %jit3A_212 = arith.constant 0 : i32
        %broadcast_in_dim3A_213 = vector.broadcast %jit3A_212 : i32 to vector<16xi32>
        %select_n3A_214 = arith.select %and3A_211, %sub3A_204, %broadcast_in_dim3A_213 : vector<16xi1>, vector<16xi32>
        %swap3A_215 = arith.constant 80 : index
        %swap3A_216 = tpu.vector_load %arg11[%swap3A_215] {strides = array<i32>} : memref<128xi32, #tpu.memory_space<vmem>>, vector<16xi32>,
        tpu.vector_store %arg11[%swap3A_215], %select_n3A_214 {strides = array<i32>} : memref<128xi32, #tpu.memory_space<vmem>>, vector<16xi32>,
        %jit3A_217 = arith.constant 5002 : i32
        %broadcast_in_dim3A_218 = vector.broadcast %jit3A_217 : i32 to vector<16xi32>
        %select_n3A_219 = arith.select %and3A_211, %gather3A_200, %broadcast_in_dim3A_218 : vector<16xi1>, vector<16xi32>
        %swap3A_220 = arith.constant 80 : index
        %swap3A_221 = tpu.vector_load %arg12[%swap3A_220] {strides = array<i32>} : memref<128xi32, #tpu.memory_space<vmem>>, vector<16xi32>,
        tpu.vector_store %arg12[%swap3A_220], %select_n3A_219 {strides = array<i32>} : memref<128xi32, #tpu.memory_space<vmem>>, vector<16xi32>,
        %jit3A_222 = arith.constant 5002 : i32
        %broadcast_in_dim3A_223 = vector.broadcast %jit3A_222 : i32 to vector<16xi32>
        %select_n3A_224 = arith.select %and3A_211, %gather3A_201, %broadcast_in_dim3A_223 : vector<16xi1>, vector<16xi32>
        %swap3A_225 = arith.constant 80 : index
        %swap3A_226 = tpu.vector_load %arg13[%swap3A_225] {strides = array<i32>} : memref<128xi32, #tpu.memory_space<vmem>>, vector<16xi32>,
        tpu.vector_store %arg13[%swap3A_225], %select_n3A_224 {strides = array<i32>} : memref<128xi32, #tpu.memory_space<vmem>>, vector<16xi32>,
        %get3A_227 = arith.constant 96 : index
        %get3A_228 = tpu.vector_load %arg10[%get3A_227] {strides = array<i32>} : memref<128xi32, #tpu.memory_space<vmem>>, vector<16xi32>,
        %get3A_229 = arith.constant 96 : index
        %get3A_230 = tpu.vector_load %arg11[%get3A_229] {strides = array<i32>} : memref<128xi32, #tpu.memory_space<vmem>>, vector<16xi32>,
        %gather3A_231 = tpu.vector_load_idx %arg17[%get3A_228] : memref<10240xi32, #tpu.memory_space<vmem>>[vector<16xi32>], vector<16xi32>,
        %gather3A_232 = tpu.vector_load_idx %arg17[%get3A_230] : memref<10240xi32, #tpu.memory_space<vmem>>[vector<16xi32>], vector<16xi32>,
        %sub3A_233 = arith.constant 0 : i32
        %sub3A_234 = vector.broadcast %sub3A_233 : i32 to vector<16xi32>
        %sub3A_235 = arith.subi %get3A_230, %sub3A_234 : vector<16xi32>
        %ge3A_236 = arith.constant 0 : i32
        %ge3A_237 = vector.broadcast %ge3A_236 : i32 to vector<16xi32>
        %ge3A_238 = arith.cmpi sge, %sub3A_235, %ge3A_237 : vector<16xi32>
        %lt3A_239 = arith.constant 5120 : i32
        %lt3A_240 = vector.broadcast %lt3A_239 : i32 to vector<16xi32>
        %lt3A_241 = arith.cmpi slt, %sub3A_235, %lt3A_240 : vector<16xi32>
        %and3A_242 = arith.andi %ge3A_238, %lt3A_241 : vector<16xi1>
        %jit3A_243 = arith.constant 0 : i32
        %broadcast_in_dim3A_244 = vector.broadcast %jit3A_243 : i32 to vector<16xi32>
        %select_n3A_245 = arith.select %and3A_242, %sub3A_235, %broadcast_in_dim3A_244 : vector<16xi1>, vector<16xi32>
        %swap3A_246 = arith.constant 96 : index
        %swap3A_247 = tpu.vector_load %arg11[%swap3A_246] {strides = array<i32>} : memref<128xi32, #tpu.memory_space<vmem>>, vector<16xi32>,
        tpu.vector_store %arg11[%swap3A_246], %select_n3A_245 {strides = array<i32>} : memref<128xi32, #tpu.memory_space<vmem>>, vector<16xi32>,
        %jit3A_248 = arith.constant 5002 : i32
        %broadcast_in_dim3A_249 = vector.broadcast %jit3A_248 : i32 to vector<16xi32>
        %select_n3A_250 = arith.select %and3A_242, %gather3A_231, %broadcast_in_dim3A_249 : vector<16xi1>, vector<16xi32>
        %swap3A_251 = arith.constant 96 : index
        %swap3A_252 = tpu.vector_load %arg12[%swap3A_251] {strides = array<i32>} : memref<128xi32, #tpu.memory_space<vmem>>, vector<16xi32>,
        tpu.vector_store %arg12[%swap3A_251], %select_n3A_250 {strides = array<i32>} : memref<128xi32, #tpu.memory_space<vmem>>, vector<16xi32>,
        %jit3A_253 = arith.constant 5002 : i32
        %broadcast_in_dim3A_254 = vector.broadcast %jit3A_253 : i32 to vector<16xi32>
        %select_n3A_255 = arith.select %and3A_242, %gather3A_232, %broadcast_in_dim3A_254 : vector<16xi1>, vector<16xi32>
        %swap3A_256 = arith.constant 96 : index
        %swap3A_257 = tpu.vector_load %arg13[%swap3A_256] {strides = array<i32>} : memref<128xi32, #tpu.memory_space<vmem>>, vector<16xi32>,
        tpu.vector_store %arg13[%swap3A_256], %select_n3A_255 {strides = array<i32>} : memref<128xi32, #tpu.memory_space<vmem>>, vector<16xi32>,
        %get3A_258 = arith.constant 112 : index
        %get3A_259 = tpu.vector_load %arg10[%get3A_258] {strides = array<i32>} : memref<128xi32, #tpu.memory_space<vmem>>, vector<16xi32>,
        %get3A_260 = arith.constant 112 : index
        %get3A_261 = tpu.vector_load %arg11[%get3A_260] {strides = array<i32>} : memref<128xi32, #tpu.memory_space<vmem>>, vector<16xi32>,
        %gather3A_262 = tpu.vector_load_idx %arg17[%get3A_259] : memref<10240xi32, #tpu.memory_space<vmem>>[vector<16xi32>], vector<16xi32>,
        %gather3A_263 = tpu.vector_load_idx %arg17[%get3A_261] : memref<10240xi32, #tpu.memory_space<vmem>>[vector<16xi32>], vector<16xi32>,
        %sub3A_264 = arith.constant 0 : i32
        %sub3A_265 = vector.broadcast %sub3A_264 : i32 to vector<16xi32>
        %sub3A_266 = arith.subi %get3A_261, %sub3A_265 : vector<16xi32>
        %ge3A_267 = arith.constant 0 : i32
        %ge3A_268 = vector.broadcast %ge3A_267 : i32 to vector<16xi32>
        %ge3A_269 = arith.cmpi sge, %sub3A_266, %ge3A_268 : vector<16xi32>
        %lt3A_270 = arith.constant 5120 : i32
        %lt3A_271 = vector.broadcast %lt3A_270 : i32 to vector<16xi32>
        %lt3A_272 = arith.cmpi slt, %sub3A_266, %lt3A_271 : vector<16xi32>
        %and3A_273 = arith.andi %ge3A_269, %lt3A_272 : vector<16xi1>
        %jit3A_274 = arith.constant 0 : i32
        %broadcast_in_dim3A_275 = vector.broadcast %jit3A_274 : i32 to vector<16xi32>
        %select_n3A_276 = arith.select %and3A_273, %sub3A_266, %broadcast_in_dim3A_275 : vector<16xi1>, vector<16xi32>
        %swap3A_277 = arith.constant 112 : index
        %swap3A_278 = tpu.vector_load %arg11[%swap3A_277] {strides = array<i32>} : memref<128xi32, #tpu.memory_space<vmem>>, vector<16xi32>,
        tpu.vector_store %arg11[%swap3A_277], %select_n3A_276 {strides = array<i32>} : memref<128xi32, #tpu.memory_space<vmem>>, vector<16xi32>,
        %jit3A_279 = arith.constant 5002 : i32
        %broadcast_in_dim3A_280 = vector.broadcast %jit3A_279 : i32 to vector<16xi32>
        %select_n3A_281 = arith.select %and3A_273, %gather3A_262, %broadcast_in_dim3A_280 : vector<16xi1>, vector<16xi32>
        %swap3A_282 = arith.constant 112 : index
        %swap3A_283 = tpu.vector_load %arg12[%swap3A_282] {strides = array<i32>} : memref<128xi32, #tpu.memory_space<vmem>>, vector<16xi32>,
        tpu.vector_store %arg12[%swap3A_282], %select_n3A_281 {strides = array<i32>} : memref<128xi32, #tpu.memory_space<vmem>>, vector<16xi32>,
        %jit3A_284 = arith.constant 5002 : i32
        %broadcast_in_dim3A_285 = vector.broadcast %jit3A_284 : i32 to vector<16xi32>
        %select_n3A_286 = arith.select %and3A_273, %gather3A_263, %broadcast_in_dim3A_285 : vector<16xi1>, vector<16xi32>
        %swap3A_287 = arith.constant 112 : index
        %swap3A_288 = tpu.vector_load %arg13[%swap3A_287] {strides = array<i32>} : memref<128xi32, #tpu.memory_space<vmem>>, vector<16xi32>,
        tpu.vector_store %arg13[%swap3A_287], %select_n3A_286 {strides = array<i32>} : memref<128xi32, #tpu.memory_space<vmem>>, vector<16xi32>,
        %dma_start3A = arith.constant 0 : i32
        %dma_start3A_289 = arith.constant 0 : i32
        %dma_start3A_290 = tpu.memref_slice %arg4[%dma_start3A, %dma_start3A_289] : memref<5120x128xf32, #tpu.memory_space<hbm>> -> memref<5120x128xf32, #tpu.memory_space<hbm>>
        tpu.enqueue_indirect_dma source(%dma_start3A_290 : memref<5120x128xf32, #tpu.memory_space<hbm>>) target(%arg14 : memref<128x128xf32, #tpu.memory_space<vmem>>) offsets(%arg13 : memref<128xi32, #tpu.memory_space<vmem>>) semaphore(%arg19 : memref<!tpu.dma_semaphore, #tpu.memory_space<semaphore_mem>>)
        %dma_start3A_291 = arith.constant 0 : i32
        %dma_start3A_292 = arith.constant 0 : i32
        %dma_start3A_293 = tpu.memref_slice %arg5[%dma_start3A_291, %dma_start3A_292] : memref<5120x128xf32, #tpu.memory_space<hbm>> -> memref<5120x128xf32, #tpu.memory_space<hbm>>
        tpu.enqueue_indirect_dma source(%dma_start3A_293 : memref<5120x128xf32, #tpu.memory_space<hbm>>) target(%arg15 : memref<128x128xf32, #tpu.memory_space<vmem>>) offsets(%arg12 : memref<128xi32, #tpu.memory_space<vmem>>) semaphore(%arg20 : memref<!tpu.dma_semaphore, #tpu.memory_space<semaphore_mem>>)
        %dma_wait3A = arith.constant 0 : i32
        %dma_wait3A_294 = arith.constant 0 : i32
        %dma_wait3A_295 = tpu.memref_slice %arg4[%dma_wait3A, %dma_wait3A_294] : memref<5120x128xf32, #tpu.memory_space<hbm>> -> memref<5120x128xf32, #tpu.memory_space<hbm>>
        tpu.wait_indirect_dma semaphore(%arg19 : memref<!tpu.dma_semaphore, #tpu.memory_space<semaphore_mem>>) src(%dma_wait3A_295 : memref<5120x128xf32, #tpu.memory_space<hbm>>) dst(%arg14 : memref<128x128xf32, #tpu.memory_space<vmem>>)
        %dma_wait3A_296 = arith.constant 0 : i32
        %dma_wait3A_297 = arith.constant 0 : i32
        %dma_wait3A_298 = tpu.memref_slice %arg5[%dma_wait3A_296, %dma_wait3A_297] : memref<5120x128xf32, #tpu.memory_space<hbm>> -> memref<5120x128xf32, #tpu.memory_space<hbm>>
        tpu.wait_indirect_dma semaphore(%arg20 : memref<!tpu.dma_semaphore, #tpu.memory_space<semaphore_mem>>) src(%dma_wait3A_298 : memref<5120x128xf32, #tpu.memory_space<hbm>>) dst(%arg15 : memref<128x128xf32, #tpu.memory_space<vmem>>)
        %scan3A_299 = arith.constant 0 : i32
        %scan3A_300 = arith.constant 0 : i32
        %scan3A_301 = arith.constant 128 : i32
        %scan3A_302 = arith.addi %scan3A_300, %scan3A_301 : i32
        %scan3A_303 = arith.constant 1 : i32
        scf.for %scan3A_305 = %scan3A_300 to %scan3A_302 step %scan3A_303  : i32 {
          %broadcast_in_dim3A_306 = arith.constant 0 : i32
          %broadcast_in_dim3A_307 = vector.broadcast %broadcast_in_dim3A_306 : i32 to vector<16xi32>
          %add3A_308 = vector.broadcast %scan3A_305 : i32 to vector<16xi32>
          %add3A_309 = arith.addi %broadcast_in_dim3A_307, %add3A_308 : vector<16xi32>
          %iota3A = tpu.iota {dimensions = array<i32: 0>} : vector<16xi32>
          %add3A_310 = arith.constant 0 : i32
          %add3A_311 = vector.broadcast %add3A_310 : i32 to vector<16xi32>
          %add3A_312 = arith.addi %add3A_311, %iota3A : vector<16xi32>
          %gather3A_313 = tpu.vector_load_idx %arg14[%add3A_309, %add3A_312] : memref<128x128xf32, #tpu.memory_space<vmem>>[vector<16xi32>, vector<16xi32>], vector<16xf32>,
          %gather3A_314 = tpu.vector_load_idx %arg15[%add3A_309, %add3A_312] : memref<128x128xf32, #tpu.memory_space<vmem>>[vector<16xi32>, vector<16xi32>], vector<16xf32>,
          %add3A_315 = arith.addf %gather3A_313, %gather3A_314 : vector<16xf32>
          %mul3A_316 = arith.constant 0.00999999977 : f32
          %mul3A_317 = vector.broadcast %mul3A_316 : f32 to vector<16xf32>
          %mul3A_318 = arith.mulf %mul3A_317, %add3A_315 : vector<16xf32>
          %max3A = arith.maximumf %add3A_315, %mul3A_318 : vector<16xf32>
          tpu.vector_store_idx %arg14[%add3A_309, %add3A_312], %max3A : memref<128x128xf32, #tpu.memory_space<vmem>>[vector<16xi32>, vector<16xi32>], vector<16xf32>,
          %iota3A_319 = tpu.iota {dimensions = array<i32: 0>} : vector<16xi32>
          %add3A_320 = arith.constant 16 : i32
          %add3A_321 = vector.broadcast %add3A_320 : i32 to vector<16xi32>
          %add3A_322 = arith.addi %add3A_321, %iota3A_319 : vector<16xi32>
          %gather3A_323 = tpu.vector_load_idx %arg14[%add3A_309, %add3A_322] : memref<128x128xf32, #tpu.memory_space<vmem>>[vector<16xi32>, vector<16xi32>], vector<16xf32>,
          %gather3A_324 = tpu.vector_load_idx %arg15[%add3A_309, %add3A_322] : memref<128x128xf32, #tpu.memory_space<vmem>>[vector<16xi32>, vector<16xi32>], vector<16xf32>,
          %add3A_325 = arith.addf %gather3A_323, %gather3A_324 : vector<16xf32>
          %mul3A_326 = arith.constant 0.00999999977 : f32
          %mul3A_327 = vector.broadcast %mul3A_326 : f32 to vector<16xf32>
          %mul3A_328 = arith.mulf %mul3A_327, %add3A_325 : vector<16xf32>
          %max3A_329 = arith.maximumf %add3A_325, %mul3A_328 : vector<16xf32>
          tpu.vector_store_idx %arg14[%add3A_309, %add3A_322], %max3A_329 : memref<128x128xf32, #tpu.memory_space<vmem>>[vector<16xi32>, vector<16xi32>], vector<16xf32>,
          %iota3A_330 = tpu.iota {dimensions = array<i32: 0>} : vector<16xi32>
          %add3A_331 = arith.constant 32 : i32
          %add3A_332 = vector.broadcast %add3A_331 : i32 to vector<16xi32>
          %add3A_333 = arith.addi %add3A_332, %iota3A_330 : vector<16xi32>
          %gather3A_334 = tpu.vector_load_idx %arg14[%add3A_309, %add3A_333] : memref<128x128xf32, #tpu.memory_space<vmem>>[vector<16xi32>, vector<16xi32>], vector<16xf32>,
          %gather3A_335 = tpu.vector_load_idx %arg15[%add3A_309, %add3A_333] : memref<128x128xf32, #tpu.memory_space<vmem>>[vector<16xi32>, vector<16xi32>], vector<16xf32>,
          %add3A_336 = arith.addf %gather3A_334, %gather3A_335 : vector<16xf32>
          %mul3A_337 = arith.constant 0.00999999977 : f32
          %mul3A_338 = vector.broadcast %mul3A_337 : f32 to vector<16xf32>
          %mul3A_339 = arith.mulf %mul3A_338, %add3A_336 : vector<16xf32>
          %max3A_340 = arith.maximumf %add3A_336, %mul3A_339 : vector<16xf32>
          tpu.vector_store_idx %arg14[%add3A_309, %add3A_333], %max3A_340 : memref<128x128xf32, #tpu.memory_space<vmem>>[vector<16xi32>, vector<16xi32>], vector<16xf32>,
          %iota3A_341 = tpu.iota {dimensions = array<i32: 0>} : vector<16xi32>
          %add3A_342 = arith.constant 48 : i32
          %add3A_343 = vector.broadcast %add3A_342 : i32 to vector<16xi32>
          %add3A_344 = arith.addi %add3A_343, %iota3A_341 : vector<16xi32>
          %gather3A_345 = tpu.vector_load_idx %arg14[%add3A_309, %add3A_344] : memref<128x128xf32, #tpu.memory_space<vmem>>[vector<16xi32>, vector<16xi32>], vector<16xf32>,
          %gather3A_346 = tpu.vector_load_idx %arg15[%add3A_309, %add3A_344] : memref<128x128xf32, #tpu.memory_space<vmem>>[vector<16xi32>, vector<16xi32>], vector<16xf32>,
          %add3A_347 = arith.addf %gather3A_345, %gather3A_346 : vector<16xf32>
          %mul3A_348 = arith.constant 0.00999999977 : f32
          %mul3A_349 = vector.broadcast %mul3A_348 : f32 to vector<16xf32>
          %mul3A_350 = arith.mulf %mul3A_349, %add3A_347 : vector<16xf32>
          %max3A_351 = arith.maximumf %add3A_347, %mul3A_350 : vector<16xf32>
          tpu.vector_store_idx %arg14[%add3A_309, %add3A_344], %max3A_351 : memref<128x128xf32, #tpu.memory_space<vmem>>[vector<16xi32>, vector<16xi32>], vector<16xf32>,
          %iota3A_352 = tpu.iota {dimensions = array<i32: 0>} : vector<16xi32>
          %add3A_353 = arith.constant 64 : i32
          %add3A_354 = vector.broadcast %add3A_353 : i32 to vector<16xi32>
          %add3A_355 = arith.addi %add3A_354, %iota3A_352 : vector<16xi32>
          %gather3A_356 = tpu.vector_load_idx %arg14[%add3A_309, %add3A_355] : memref<128x128xf32, #tpu.memory_space<vmem>>[vector<16xi32>, vector<16xi32>], vector<16xf32>,
          %gather3A_357 = tpu.vector_load_idx %arg15[%add3A_309, %add3A_355] : memref<128x128xf32, #tpu.memory_space<vmem>>[vector<16xi32>, vector<16xi32>], vector<16xf32>,
          %add3A_358 = arith.addf %gather3A_356, %gather3A_357 : vector<16xf32>
          %mul3A_359 = arith.constant 0.00999999977 : f32
          %mul3A_360 = vector.broadcast %mul3A_359 : f32 to vector<16xf32>
          %mul3A_361 = arith.mulf %mul3A_360, %add3A_358 : vector<16xf32>
          %max3A_362 = arith.maximumf %add3A_358, %mul3A_361 : vector<16xf32>
          tpu.vector_store_idx %arg14[%add3A_309, %add3A_355], %max3A_362 : memref<128x128xf32, #tpu.memory_space<vmem>>[vector<16xi32>, vector<16xi32>], vector<16xf32>,
          %iota3A_363 = tpu.iota {dimensions = array<i32: 0>} : vector<16xi32>
          %add3A_364 = arith.constant 80 : i32
          %add3A_365 = vector.broadcast %add3A_364 : i32 to vector<16xi32>
          %add3A_366 = arith.addi %add3A_365, %iota3A_363 : vector<16xi32>
          %gather3A_367 = tpu.vector_load_idx %arg14[%add3A_309, %add3A_366] : memref<128x128xf32, #tpu.memory_space<vmem>>[vector<16xi32>, vector<16xi32>], vector<16xf32>,
          %gather3A_368 = tpu.vector_load_idx %arg15[%add3A_309, %add3A_366] : memref<128x128xf32, #tpu.memory_space<vmem>>[vector<16xi32>, vector<16xi32>], vector<16xf32>,
          %add3A_369 = arith.addf %gather3A_367, %gather3A_368 : vector<16xf32>
          %mul3A_370 = arith.constant 0.00999999977 : f32
          %mul3A_371 = vector.broadcast %mul3A_370 : f32 to vector<16xf32>
          %mul3A_372 = arith.mulf %mul3A_371, %add3A_369 : vector<16xf32>
          %max3A_373 = arith.maximumf %add3A_369, %mul3A_372 : vector<16xf32>
          tpu.vector_store_idx %arg14[%add3A_309, %add3A_366], %max3A_373 : memref<128x128xf32, #tpu.memory_space<vmem>>[vector<16xi32>, vector<16xi32>], vector<16xf32>,
          %iota3A_374 = tpu.iota {dimensions = array<i32: 0>} : vector<16xi32>
          %add3A_375 = arith.constant 96 : i32
          %add3A_376 = vector.broadcast %add3A_375 : i32 to vector<16xi32>
          %add3A_377 = arith.addi %add3A_376, %iota3A_374 : vector<16xi32>
          %gather3A_378 = tpu.vector_load_idx %arg14[%add3A_309, %add3A_377] : memref<128x128xf32, #tpu.memory_space<vmem>>[vector<16xi32>, vector<16xi32>], vector<16xf32>,
          %gather3A_379 = tpu.vector_load_idx %arg15[%add3A_309, %add3A_377] : memref<128x128xf32, #tpu.memory_space<vmem>>[vector<16xi32>, vector<16xi32>], vector<16xf32>,
          %add3A_380 = arith.addf %gather3A_378, %gather3A_379 : vector<16xf32>
          %mul3A_381 = arith.constant 0.00999999977 : f32
          %mul3A_382 = vector.broadcast %mul3A_381 : f32 to vector<16xf32>
          %mul3A_383 = arith.mulf %mul3A_382, %add3A_380 : vector<16xf32>
          %max3A_384 = arith.maximumf %add3A_380, %mul3A_383 : vector<16xf32>
          tpu.vector_store_idx %arg14[%add3A_309, %add3A_377], %max3A_384 : memref<128x128xf32, #tpu.memory_space<vmem>>[vector<16xi32>, vector<16xi32>], vector<16xf32>,
          %iota3A_385 = tpu.iota {dimensions = array<i32: 0>} : vector<16xi32>
          %add3A_386 = arith.constant 112 : i32
          %add3A_387 = vector.broadcast %add3A_386 : i32 to vector<16xi32>
          %add3A_388 = arith.addi %add3A_387, %iota3A_385 : vector<16xi32>
          %gather3A_389 = tpu.vector_load_idx %arg14[%add3A_309, %add3A_388] : memref<128x128xf32, #tpu.memory_space<vmem>>[vector<16xi32>, vector<16xi32>], vector<16xf32>,
          %gather3A_390 = tpu.vector_load_idx %arg15[%add3A_309, %add3A_388] : memref<128x128xf32, #tpu.memory_space<vmem>>[vector<16xi32>, vector<16xi32>], vector<16xf32>,
          %add3A_391 = arith.addf %gather3A_389, %gather3A_390 : vector<16xf32>
          %mul3A_392 = arith.constant 0.00999999977 : f32
          %mul3A_393 = vector.broadcast %mul3A_392 : f32 to vector<16xf32>
          %mul3A_394 = arith.mulf %mul3A_393, %add3A_391 : vector<16xf32>
          %max3A_395 = arith.maximumf %add3A_391, %mul3A_394 : vector<16xf32>
          tpu.vector_store_idx %arg14[%add3A_309, %add3A_388], %max3A_395 : memref<128x128xf32, #tpu.memory_space<vmem>>[vector<16xi32>, vector<16xi32>], vector<16xf32>,
        }
        %scan3A_304 = arith.constant 128 : i32
        "tpu.region"() ({
          %run_scoped3A = tpu.sem_alloc : memref<!tpu.dma_semaphore, #tpu.memory_space<semaphore_mem>>
          %dma_start3A_305 = arith.constant 0 : i32
          %dma_start3A_306 = arith.constant 0 : i32
          %dma_start3A_307 = tpu.memref_slice %arg18[%dma_start3A_305, %dma_start3A_306] : memref<5120x128xf32, #tpu.memory_space<vmem_shared>> -> memref<5120x128xf32, #tpu.memory_space<vmem_shared>>
          tpu.enqueue_indirect_dma source(%arg14 : memref<128x128xf32, #tpu.memory_space<vmem>>) target(%dma_start3A_307 : memref<5120x128xf32, #tpu.memory_space<vmem_shared>>) offsets(%arg11 : memref<128xi32, #tpu.memory_space<vmem>>) semaphore(%run_scoped3A : memref<!tpu.dma_semaphore, #tpu.memory_space<semaphore_mem>>) {add = true}
          %dma_wait3A_308 = arith.constant 0 : i32
          %dma_wait3A_309 = arith.constant 0 : i32
          %dma_wait3A_310 = tpu.memref_slice %arg18[%dma_wait3A_308, %dma_wait3A_309] : memref<5120x128xf32, #tpu.memory_space<vmem_shared>> -> memref<5120x128xf32, #tpu.memory_space<vmem_shared>>
          tpu.wait_indirect_dma semaphore(%run_scoped3A : memref<!tpu.dma_semaphore, #tpu.memory_space<semaphore_mem>>) src(%arg14 : memref<128x128xf32, #tpu.memory_space<vmem>>) dst(%dma_wait3A_310 : memref<5120x128xf32, #tpu.memory_space<vmem_shared>>)
          tpu.yield
        }) : () -> ()
      }
      %scan3A_46 = arith.constant 157 : i32
    } else {
    }
    %barrier3A_15 = arith.constant 0 : index
    tpu.barrier barrier_id(%barrier3A_15)
    %mul3A_16 = arith.constant 320 : i32
    %mul3A_17 = arith.muli %arg1, %mul3A_16 : i32
    %mul3A_18 = arith.constant 320 : i32
    %mul3A_19 = arith.muli %arg1, %mul3A_18 : i32
    %add3A = arith.constant 0 : i32
    %add3A_20 = arith.addi %add3A, %mul3A_19 : i32
    "tpu.region"() ({
      %run_scoped3A = tpu.sem_alloc : memref<!tpu.dma_semaphore, #tpu.memory_space<semaphore_mem>>
      %dma_start3A = arith.constant 0 : i32
      %dma_start3A_41 = tpu.memref_slice %arg9[%arg0, %add3A_20, %dma_start3A] : memref<2x10240x128xf32, #tpu.memory_space<hbm>> -> memref<1x320x128xf32, #tpu.memory_space<hbm>>
      %dma_start3A_42 = tpu.memref_squeeze %dma_start3A_41 : memref<1x320x128xf32, #tpu.memory_space<hbm>> -> memref<320x128xf32, #tpu.memory_space<hbm>>
      %dma_start3A_43 = arith.constant 0 : i32
      %dma_start3A_44 = tpu.memref_slice %arg18[%mul3A_17, %dma_start3A_43] : memref<5120x128xf32, #tpu.memory_space<vmem_shared>> -> memref<320x128xf32, #tpu.memory_space<vmem_shared>>
      tpu.enqueue_dma source(%dma_start3A_44 : memref<320x128xf32, #tpu.memory_space<vmem_shared>>) target(%dma_start3A_42 : memref<320x128xf32, #tpu.memory_space<hbm>>) target_semaphore(%run_scoped3A : memref<!tpu.dma_semaphore, #tpu.memory_space<semaphore_mem>>)
      %dma_wait3A = arith.constant 0 : i32
      %dma_wait3A_45 = tpu.memref_slice %arg9[%arg0, %add3A_20, %dma_wait3A] : memref<2x10240x128xf32, #tpu.memory_space<hbm>> -> memref<1x320x128xf32, #tpu.memory_space<hbm>>
      %dma_wait3A_46 = tpu.memref_squeeze %dma_wait3A_45 : memref<1x320x128xf32, #tpu.memory_space<hbm>> -> memref<320x128xf32, #tpu.memory_space<hbm>>
      %dma_wait3A_47 = arith.constant 0 : i32
      %dma_wait3A_48 = tpu.memref_slice %arg18[%mul3A_17, %dma_wait3A_47] : memref<5120x128xf32, #tpu.memory_space<vmem_shared>> -> memref<320x128xf32, #tpu.memory_space<vmem_shared>>
      tpu.wait_dma2 semaphore(%run_scoped3A : memref<!tpu.dma_semaphore, #tpu.memory_space<semaphore_mem>>) src(%dma_wait3A_48 : memref<320x128xf32, #tpu.memory_space<vmem_shared>>) dst(%dma_wait3A_46 : memref<320x128xf32, #tpu.memory_space<hbm>>)
      tpu.yield
    }) : () -> ()
    %mul3A_21 = arith.constant 320 : i32
    %mul3A_22 = arith.muli %arg1, %mul3A_21 : i32
    "tpu.region"() ({
      %run_scoped3A = tpu.sem_alloc : memref<!tpu.dma_semaphore, #tpu.memory_space<semaphore_mem>>
      %dma_start3A = arith.constant 0 : i32
      %dma_start3A_41 = tpu.memref_slice %arg18[%mul3A_22, %dma_start3A] : memref<5120x128xf32, #tpu.memory_space<vmem_shared>> -> memref<320x128xf32, #tpu.memory_space<vmem_shared>>
      %dma_start3A_42 = arith.constant 0 : i32
      %dma_start3A_43 = tpu.memref_slice %arg18[%mul3A_22, %dma_start3A_42] : memref<5120x128xf32, #tpu.memory_space<vmem_shared>> -> memref<320x128xf32, #tpu.memory_space<vmem_shared>>
      tpu.enqueue_dma source(%arg16 : memref<320x128xf32, #tpu.memory_space<vmem>>) target(%dma_start3A_43 : memref<320x128xf32, #tpu.memory_space<vmem_shared>>) target_semaphore(%run_scoped3A : memref<!tpu.dma_semaphore, #tpu.memory_space<semaphore_mem>>)
      %dma_wait3A = arith.constant 0 : i32
      %dma_wait3A_44 = tpu.memref_slice %arg18[%mul3A_22, %dma_wait3A] : memref<5120x128xf32, #tpu.memory_space<vmem_shared>> -> memref<320x128xf32, #tpu.memory_space<vmem_shared>>
      %dma_wait3A_45 = arith.constant 0 : i32
      %dma_wait3A_46 = tpu.memref_slice %arg18[%mul3A_22, %dma_wait3A_45] : memref<5120x128xf32, #tpu.memory_space<vmem_shared>> -> memref<320x128xf32, #tpu.memory_space<vmem_shared>>
      tpu.wait_dma2 semaphore(%run_scoped3A : memref<!tpu.dma_semaphore, #tpu.memory_space<semaphore_mem>>) src(%arg16 : memref<320x128xf32, #tpu.memory_space<vmem>>) dst(%dma_wait3A_46 : memref<320x128xf32, #tpu.memory_space<vmem_shared>>)
      tpu.yield
    }) : () -> ()
    %barrier3A_23 = arith.constant 0 : index
    tpu.barrier barrier_id(%barrier3A_23)
    %eq3A_24 = arith.constant 0 : i32
    %eq3A_25 = arith.cmpi eq, %arg0, %eq3A_24 : i32
    %convert_element_type3A_26 = arith.extui %eq3A_25 : i1 to i32
    %cond3A_27 = arith.constant 0 : i32
    %cond3A_28 = arith.cmpi ne, %convert_element_type3A_26, %cond3A_27 : i32
    scf.if %cond3A_28 {
      %scan3A_41 = arith.constant 0 : i32
      %scan3A_42 = arith.constant 0 : i32
      %scan3A_43 = arith.constant 157 : i32
      %scan3A_44 = arith.addi %scan3A_42, %scan3A_43 : i32
      %scan3A_45 = arith.constant 1 : i32
      scf.for %scan3A_47 = %scan3A_42 to %scan3A_44 step %scan3A_45  : i32 {
        %mul3A_48 = arith.constant 128 : i32
        %mul3A_49 = arith.muli %scan3A_47, %mul3A_48 : i32
        %add3A_50 = arith.addi %mul3A_5, %mul3A_49 : i32
        "tpu.region"() ({
          %run_scoped3A = tpu.sem_alloc : memref<!tpu.dma_semaphore, #tpu.memory_space<semaphore_mem>>
          %dma_start3A_305 = tpu.memref_slice %arg6[%add3A_50] : memref<321536xi32, #tpu.memory_space<hbm>> -> memref<128xi32, #tpu.memory_space<hbm>>
          %dma_start3A_306 = tpu.memref_slice %arg6[%add3A_50] : memref<321536xi32, #tpu.memory_space<hbm>> -> memref<128xi32, #tpu.memory_space<hbm>>
          tpu.enqueue_dma source(%dma_start3A_306 : memref<128xi32, #tpu.memory_space<hbm>>) target(%arg10 : memref<128xi32, #tpu.memory_space<vmem>>) target_semaphore(%run_scoped3A : memref<!tpu.dma_semaphore, #tpu.memory_space<semaphore_mem>>)
          %dma_wait3A_307 = tpu.memref_slice %arg6[%add3A_50] : memref<321536xi32, #tpu.memory_space<hbm>> -> memref<128xi32, #tpu.memory_space<hbm>>
          %dma_wait3A_308 = tpu.memref_slice %arg6[%add3A_50] : memref<321536xi32, #tpu.memory_space<hbm>> -> memref<128xi32, #tpu.memory_space<hbm>>
          tpu.wait_dma2 semaphore(%run_scoped3A : memref<!tpu.dma_semaphore, #tpu.memory_space<semaphore_mem>>) src(%dma_wait3A_308 : memref<128xi32, #tpu.memory_space<hbm>>) dst(%arg10 : memref<128xi32, #tpu.memory_space<vmem>>)
          tpu.yield
        }) : () -> ()
        "tpu.region"() ({
          %run_scoped3A = tpu.sem_alloc : memref<!tpu.dma_semaphore, #tpu.memory_space<semaphore_mem>>
          %dma_start3A_305 = tpu.memref_slice %arg7[%add3A_50] : memref<321536xi32, #tpu.memory_space<hbm>> -> memref<128xi32, #tpu.memory_space<hbm>>
          %dma_start3A_306 = tpu.memref_slice %arg7[%add3A_50] : memref<321536xi32, #tpu.memory_space<hbm>> -> memref<128xi32, #tpu.memory_space<hbm>>
          tpu.enqueue_dma source(%dma_start3A_306 : memref<128xi32, #tpu.memory_space<hbm>>) target(%arg11 : memref<128xi32, #tpu.memory_space<vmem>>) target_semaphore(%run_scoped3A : memref<!tpu.dma_semaphore, #tpu.memory_space<semaphore_mem>>)
          %dma_wait3A_307 = tpu.memref_slice %arg7[%add3A_50] : memref<321536xi32, #tpu.memory_space<hbm>> -> memref<128xi32, #tpu.memory_space<hbm>>
          %dma_wait3A_308 = tpu.memref_slice %arg7[%add3A_50] : memref<321536xi32, #tpu.memory_space<hbm>> -> memref<128xi32, #tpu.memory_space<hbm>>
          tpu.wait_dma2 semaphore(%run_scoped3A : memref<!tpu.dma_semaphore, #tpu.memory_space<semaphore_mem>>) src(%dma_wait3A_308 : memref<128xi32, #tpu.memory_space<hbm>>) dst(%arg11 : memref<128xi32, #tpu.memory_space<vmem>>)
          tpu.yield
        }) : () -> ()
        %get3A = arith.constant 0 : index
        %get3A_51 = tpu.vector_load %arg10[%get3A] {strides = array<i32>} : memref<128xi32, #tpu.memory_space<vmem>>, vector<16xi32>,
        %get3A_52 = arith.constant 0 : index
        %get3A_53 = tpu.vector_load %arg11[%get3A_52] {strides = array<i32>} : memref<128xi32, #tpu.memory_space<vmem>>, vector<16xi32>,
        %gather3A = tpu.vector_load_idx %arg17[%get3A_51] : memref<10240xi32, #tpu.memory_space<vmem>>[vector<16xi32>], vector<16xi32>,
        %gather3A_54 = tpu.vector_load_idx %arg17[%get3A_53] : memref<10240xi32, #tpu.memory_space<vmem>>[vector<16xi32>], vector<16xi32>,
        %sub3A = arith.constant 5120 : i32
        %sub3A_55 = vector.broadcast %sub3A : i32 to vector<16xi32>
        %sub3A_56 = arith.subi %get3A_53, %sub3A_55 : vector<16xi32>
        %ge3A = arith.constant 0 : i32
        %ge3A_57 = vector.broadcast %ge3A : i32 to vector<16xi32>
        %ge3A_58 = arith.cmpi sge, %sub3A_56, %ge3A_57 : vector<16xi32>
        %lt3A = arith.constant 5120 : i32
        %lt3A_59 = vector.broadcast %lt3A : i32 to vector<16xi32>
        %lt3A_60 = arith.cmpi slt, %sub3A_56, %lt3A_59 : vector<16xi32>
        %and3A = arith.andi %ge3A_58, %lt3A_60 : vector<16xi1>
        %jit3A = arith.constant 0 : i32
        %broadcast_in_dim3A = vector.broadcast %jit3A : i32 to vector<16xi32>
        %select_n3A = arith.select %and3A, %sub3A_56, %broadcast_in_dim3A : vector<16xi1>, vector<16xi32>
        %swap3A = arith.constant 0 : index
        %swap3A_61 = tpu.vector_load %arg11[%swap3A] {strides = array<i32>} : memref<128xi32, #tpu.memory_space<vmem>>, vector<16xi32>,
        tpu.vector_store %arg11[%swap3A], %select_n3A {strides = array<i32>} : memref<128xi32, #tpu.memory_space<vmem>>, vector<16xi32>,
        %jit3A_62 = arith.constant 5002 : i32
        %broadcast_in_dim3A_63 = vector.broadcast %jit3A_62 : i32 to vector<16xi32>
        %select_n3A_64 = arith.select %and3A, %gather3A, %broadcast_in_dim3A_63 : vector<16xi1>, vector<16xi32>
        %swap3A_65 = arith.constant 0 : index
        %swap3A_66 = tpu.vector_load %arg12[%swap3A_65] {strides = array<i32>} : memref<128xi32, #tpu.memory_space<vmem>>, vector<16xi32>,
        tpu.vector_store %arg12[%swap3A_65], %select_n3A_64 {strides = array<i32>} : memref<128xi32, #tpu.memory_space<vmem>>, vector<16xi32>,
        %jit3A_67 = arith.constant 5002 : i32
        %broadcast_in_dim3A_68 = vector.broadcast %jit3A_67 : i32 to vector<16xi32>
        %select_n3A_69 = arith.select %and3A, %gather3A_54, %broadcast_in_dim3A_68 : vector<16xi1>, vector<16xi32>
        %swap3A_70 = arith.constant 0 : index
        %swap3A_71 = tpu.vector_load %arg13[%swap3A_70] {strides = array<i32>} : memref<128xi32, #tpu.memory_space<vmem>>, vector<16xi32>,
        tpu.vector_store %arg13[%swap3A_70], %select_n3A_69 {strides = array<i32>} : memref<128xi32, #tpu.memory_space<vmem>>, vector<16xi32>,
        %get3A_72 = arith.constant 16 : index
        %get3A_73 = tpu.vector_load %arg10[%get3A_72] {strides = array<i32>} : memref<128xi32, #tpu.memory_space<vmem>>, vector<16xi32>,
        %get3A_74 = arith.constant 16 : index
        %get3A_75 = tpu.vector_load %arg11[%get3A_74] {strides = array<i32>} : memref<128xi32, #tpu.memory_space<vmem>>, vector<16xi32>,
        %gather3A_76 = tpu.vector_load_idx %arg17[%get3A_73] : memref<10240xi32, #tpu.memory_space<vmem>>[vector<16xi32>], vector<16xi32>,
        %gather3A_77 = tpu.vector_load_idx %arg17[%get3A_75] : memref<10240xi32, #tpu.memory_space<vmem>>[vector<16xi32>], vector<16xi32>,
        %sub3A_78 = arith.constant 5120 : i32
        %sub3A_79 = vector.broadcast %sub3A_78 : i32 to vector<16xi32>
        %sub3A_80 = arith.subi %get3A_75, %sub3A_79 : vector<16xi32>
        %ge3A_81 = arith.constant 0 : i32
        %ge3A_82 = vector.broadcast %ge3A_81 : i32 to vector<16xi32>
        %ge3A_83 = arith.cmpi sge, %sub3A_80, %ge3A_82 : vector<16xi32>
        %lt3A_84 = arith.constant 5120 : i32
        %lt3A_85 = vector.broadcast %lt3A_84 : i32 to vector<16xi32>
        %lt3A_86 = arith.cmpi slt, %sub3A_80, %lt3A_85 : vector<16xi32>
        %and3A_87 = arith.andi %ge3A_83, %lt3A_86 : vector<16xi1>
        %jit3A_88 = arith.constant 0 : i32
        %broadcast_in_dim3A_89 = vector.broadcast %jit3A_88 : i32 to vector<16xi32>
        %select_n3A_90 = arith.select %and3A_87, %sub3A_80, %broadcast_in_dim3A_89 : vector<16xi1>, vector<16xi32>
        %swap3A_91 = arith.constant 16 : index
        %swap3A_92 = tpu.vector_load %arg11[%swap3A_91] {strides = array<i32>} : memref<128xi32, #tpu.memory_space<vmem>>, vector<16xi32>,
        tpu.vector_store %arg11[%swap3A_91], %select_n3A_90 {strides = array<i32>} : memref<128xi32, #tpu.memory_space<vmem>>, vector<16xi32>,
        %jit3A_93 = arith.constant 5002 : i32
        %broadcast_in_dim3A_94 = vector.broadcast %jit3A_93 : i32 to vector<16xi32>
        %select_n3A_95 = arith.select %and3A_87, %gather3A_76, %broadcast_in_dim3A_94 : vector<16xi1>, vector<16xi32>
        %swap3A_96 = arith.constant 16 : index
        %swap3A_97 = tpu.vector_load %arg12[%swap3A_96] {strides = array<i32>} : memref<128xi32, #tpu.memory_space<vmem>>, vector<16xi32>,
        tpu.vector_store %arg12[%swap3A_96], %select_n3A_95 {strides = array<i32>} : memref<128xi32, #tpu.memory_space<vmem>>, vector<16xi32>,
        %jit3A_98 = arith.constant 5002 : i32
        %broadcast_in_dim3A_99 = vector.broadcast %jit3A_98 : i32 to vector<16xi32>
        %select_n3A_100 = arith.select %and3A_87, %gather3A_77, %broadcast_in_dim3A_99 : vector<16xi1>, vector<16xi32>
        %swap3A_101 = arith.constant 16 : index
        %swap3A_102 = tpu.vector_load %arg13[%swap3A_101] {strides = array<i32>} : memref<128xi32, #tpu.memory_space<vmem>>, vector<16xi32>,
        tpu.vector_store %arg13[%swap3A_101], %select_n3A_100 {strides = array<i32>} : memref<128xi32, #tpu.memory_space<vmem>>, vector<16xi32>,
        %get3A_103 = arith.constant 32 : index
        %get3A_104 = tpu.vector_load %arg10[%get3A_103] {strides = array<i32>} : memref<128xi32, #tpu.memory_space<vmem>>, vector<16xi32>,
        %get3A_105 = arith.constant 32 : index
        %get3A_106 = tpu.vector_load %arg11[%get3A_105] {strides = array<i32>} : memref<128xi32, #tpu.memory_space<vmem>>, vector<16xi32>,
        %gather3A_107 = tpu.vector_load_idx %arg17[%get3A_104] : memref<10240xi32, #tpu.memory_space<vmem>>[vector<16xi32>], vector<16xi32>,
        %gather3A_108 = tpu.vector_load_idx %arg17[%get3A_106] : memref<10240xi32, #tpu.memory_space<vmem>>[vector<16xi32>], vector<16xi32>,
        %sub3A_109 = arith.constant 5120 : i32
        %sub3A_110 = vector.broadcast %sub3A_109 : i32 to vector<16xi32>
        %sub3A_111 = arith.subi %get3A_106, %sub3A_110 : vector<16xi32>
        %ge3A_112 = arith.constant 0 : i32
        %ge3A_113 = vector.broadcast %ge3A_112 : i32 to vector<16xi32>
        %ge3A_114 = arith.cmpi sge, %sub3A_111, %ge3A_113 : vector<16xi32>
        %lt3A_115 = arith.constant 5120 : i32
        %lt3A_116 = vector.broadcast %lt3A_115 : i32 to vector<16xi32>
        %lt3A_117 = arith.cmpi slt, %sub3A_111, %lt3A_116 : vector<16xi32>
        %and3A_118 = arith.andi %ge3A_114, %lt3A_117 : vector<16xi1>
        %jit3A_119 = arith.constant 0 : i32
        %broadcast_in_dim3A_120 = vector.broadcast %jit3A_119 : i32 to vector<16xi32>
        %select_n3A_121 = arith.select %and3A_118, %sub3A_111, %broadcast_in_dim3A_120 : vector<16xi1>, vector<16xi32>
        %swap3A_122 = arith.constant 32 : index
        %swap3A_123 = tpu.vector_load %arg11[%swap3A_122] {strides = array<i32>} : memref<128xi32, #tpu.memory_space<vmem>>, vector<16xi32>,
        tpu.vector_store %arg11[%swap3A_122], %select_n3A_121 {strides = array<i32>} : memref<128xi32, #tpu.memory_space<vmem>>, vector<16xi32>,
        %jit3A_124 = arith.constant 5002 : i32
        %broadcast_in_dim3A_125 = vector.broadcast %jit3A_124 : i32 to vector<16xi32>
        %select_n3A_126 = arith.select %and3A_118, %gather3A_107, %broadcast_in_dim3A_125 : vector<16xi1>, vector<16xi32>
        %swap3A_127 = arith.constant 32 : index
        %swap3A_128 = tpu.vector_load %arg12[%swap3A_127] {strides = array<i32>} : memref<128xi32, #tpu.memory_space<vmem>>, vector<16xi32>,
        tpu.vector_store %arg12[%swap3A_127], %select_n3A_126 {strides = array<i32>} : memref<128xi32, #tpu.memory_space<vmem>>, vector<16xi32>,
        %jit3A_129 = arith.constant 5002 : i32
        %broadcast_in_dim3A_130 = vector.broadcast %jit3A_129 : i32 to vector<16xi32>
        %select_n3A_131 = arith.select %and3A_118, %gather3A_108, %broadcast_in_dim3A_130 : vector<16xi1>, vector<16xi32>
        %swap3A_132 = arith.constant 32 : index
        %swap3A_133 = tpu.vector_load %arg13[%swap3A_132] {strides = array<i32>} : memref<128xi32, #tpu.memory_space<vmem>>, vector<16xi32>,
        tpu.vector_store %arg13[%swap3A_132], %select_n3A_131 {strides = array<i32>} : memref<128xi32, #tpu.memory_space<vmem>>, vector<16xi32>,
        %get3A_134 = arith.constant 48 : index
        %get3A_135 = tpu.vector_load %arg10[%get3A_134] {strides = array<i32>} : memref<128xi32, #tpu.memory_space<vmem>>, vector<16xi32>,
        %get3A_136 = arith.constant 48 : index
        %get3A_137 = tpu.vector_load %arg11[%get3A_136] {strides = array<i32>} : memref<128xi32, #tpu.memory_space<vmem>>, vector<16xi32>,
        %gather3A_138 = tpu.vector_load_idx %arg17[%get3A_135] : memref<10240xi32, #tpu.memory_space<vmem>>[vector<16xi32>], vector<16xi32>,
        %gather3A_139 = tpu.vector_load_idx %arg17[%get3A_137] : memref<10240xi32, #tpu.memory_space<vmem>>[vector<16xi32>], vector<16xi32>,
        %sub3A_140 = arith.constant 5120 : i32
        %sub3A_141 = vector.broadcast %sub3A_140 : i32 to vector<16xi32>
        %sub3A_142 = arith.subi %get3A_137, %sub3A_141 : vector<16xi32>
        %ge3A_143 = arith.constant 0 : i32
        %ge3A_144 = vector.broadcast %ge3A_143 : i32 to vector<16xi32>
        %ge3A_145 = arith.cmpi sge, %sub3A_142, %ge3A_144 : vector<16xi32>
        %lt3A_146 = arith.constant 5120 : i32
        %lt3A_147 = vector.broadcast %lt3A_146 : i32 to vector<16xi32>
        %lt3A_148 = arith.cmpi slt, %sub3A_142, %lt3A_147 : vector<16xi32>
        %and3A_149 = arith.andi %ge3A_145, %lt3A_148 : vector<16xi1>
        %jit3A_150 = arith.constant 0 : i32
        %broadcast_in_dim3A_151 = vector.broadcast %jit3A_150 : i32 to vector<16xi32>
        %select_n3A_152 = arith.select %and3A_149, %sub3A_142, %broadcast_in_dim3A_151 : vector<16xi1>, vector<16xi32>
        %swap3A_153 = arith.constant 48 : index
        %swap3A_154 = tpu.vector_load %arg11[%swap3A_153] {strides = array<i32>} : memref<128xi32, #tpu.memory_space<vmem>>, vector<16xi32>,
        tpu.vector_store %arg11[%swap3A_153], %select_n3A_152 {strides = array<i32>} : memref<128xi32, #tpu.memory_space<vmem>>, vector<16xi32>,
        %jit3A_155 = arith.constant 5002 : i32
        %broadcast_in_dim3A_156 = vector.broadcast %jit3A_155 : i32 to vector<16xi32>
        %select_n3A_157 = arith.select %and3A_149, %gather3A_138, %broadcast_in_dim3A_156 : vector<16xi1>, vector<16xi32>
        %swap3A_158 = arith.constant 48 : index
        %swap3A_159 = tpu.vector_load %arg12[%swap3A_158] {strides = array<i32>} : memref<128xi32, #tpu.memory_space<vmem>>, vector<16xi32>,
        tpu.vector_store %arg12[%swap3A_158], %select_n3A_157 {strides = array<i32>} : memref<128xi32, #tpu.memory_space<vmem>>, vector<16xi32>,
        %jit3A_160 = arith.constant 5002 : i32
        %broadcast_in_dim3A_161 = vector.broadcast %jit3A_160 : i32 to vector<16xi32>
        %select_n3A_162 = arith.select %and3A_149, %gather3A_139, %broadcast_in_dim3A_161 : vector<16xi1>, vector<16xi32>
        %swap3A_163 = arith.constant 48 : index
        %swap3A_164 = tpu.vector_load %arg13[%swap3A_163] {strides = array<i32>} : memref<128xi32, #tpu.memory_space<vmem>>, vector<16xi32>,
        tpu.vector_store %arg13[%swap3A_163], %select_n3A_162 {strides = array<i32>} : memref<128xi32, #tpu.memory_space<vmem>>, vector<16xi32>,
        %get3A_165 = arith.constant 64 : index
        %get3A_166 = tpu.vector_load %arg10[%get3A_165] {strides = array<i32>} : memref<128xi32, #tpu.memory_space<vmem>>, vector<16xi32>,
        %get3A_167 = arith.constant 64 : index
        %get3A_168 = tpu.vector_load %arg11[%get3A_167] {strides = array<i32>} : memref<128xi32, #tpu.memory_space<vmem>>, vector<16xi32>,
        %gather3A_169 = tpu.vector_load_idx %arg17[%get3A_166] : memref<10240xi32, #tpu.memory_space<vmem>>[vector<16xi32>], vector<16xi32>,
        %gather3A_170 = tpu.vector_load_idx %arg17[%get3A_168] : memref<10240xi32, #tpu.memory_space<vmem>>[vector<16xi32>], vector<16xi32>,
        %sub3A_171 = arith.constant 5120 : i32
        %sub3A_172 = vector.broadcast %sub3A_171 : i32 to vector<16xi32>
        %sub3A_173 = arith.subi %get3A_168, %sub3A_172 : vector<16xi32>
        %ge3A_174 = arith.constant 0 : i32
        %ge3A_175 = vector.broadcast %ge3A_174 : i32 to vector<16xi32>
        %ge3A_176 = arith.cmpi sge, %sub3A_173, %ge3A_175 : vector<16xi32>
        %lt3A_177 = arith.constant 5120 : i32
        %lt3A_178 = vector.broadcast %lt3A_177 : i32 to vector<16xi32>
        %lt3A_179 = arith.cmpi slt, %sub3A_173, %lt3A_178 : vector<16xi32>
        %and3A_180 = arith.andi %ge3A_176, %lt3A_179 : vector<16xi1>
        %jit3A_181 = arith.constant 0 : i32
        %broadcast_in_dim3A_182 = vector.broadcast %jit3A_181 : i32 to vector<16xi32>
        %select_n3A_183 = arith.select %and3A_180, %sub3A_173, %broadcast_in_dim3A_182 : vector<16xi1>, vector<16xi32>
        %swap3A_184 = arith.constant 64 : index
        %swap3A_185 = tpu.vector_load %arg11[%swap3A_184] {strides = array<i32>} : memref<128xi32, #tpu.memory_space<vmem>>, vector<16xi32>,
        tpu.vector_store %arg11[%swap3A_184], %select_n3A_183 {strides = array<i32>} : memref<128xi32, #tpu.memory_space<vmem>>, vector<16xi32>,
        %jit3A_186 = arith.constant 5002 : i32
        %broadcast_in_dim3A_187 = vector.broadcast %jit3A_186 : i32 to vector<16xi32>
        %select_n3A_188 = arith.select %and3A_180, %gather3A_169, %broadcast_in_dim3A_187 : vector<16xi1>, vector<16xi32>
        %swap3A_189 = arith.constant 64 : index
        %swap3A_190 = tpu.vector_load %arg12[%swap3A_189] {strides = array<i32>} : memref<128xi32, #tpu.memory_space<vmem>>, vector<16xi32>,
        tpu.vector_store %arg12[%swap3A_189], %select_n3A_188 {strides = array<i32>} : memref<128xi32, #tpu.memory_space<vmem>>, vector<16xi32>,
        %jit3A_191 = arith.constant 5002 : i32
        %broadcast_in_dim3A_192 = vector.broadcast %jit3A_191 : i32 to vector<16xi32>
        %select_n3A_193 = arith.select %and3A_180, %gather3A_170, %broadcast_in_dim3A_192 : vector<16xi1>, vector<16xi32>
        %swap3A_194 = arith.constant 64 : index
        %swap3A_195 = tpu.vector_load %arg13[%swap3A_194] {strides = array<i32>} : memref<128xi32, #tpu.memory_space<vmem>>, vector<16xi32>,
        tpu.vector_store %arg13[%swap3A_194], %select_n3A_193 {strides = array<i32>} : memref<128xi32, #tpu.memory_space<vmem>>, vector<16xi32>,
        %get3A_196 = arith.constant 80 : index
        %get3A_197 = tpu.vector_load %arg10[%get3A_196] {strides = array<i32>} : memref<128xi32, #tpu.memory_space<vmem>>, vector<16xi32>,
        %get3A_198 = arith.constant 80 : index
        %get3A_199 = tpu.vector_load %arg11[%get3A_198] {strides = array<i32>} : memref<128xi32, #tpu.memory_space<vmem>>, vector<16xi32>,
        %gather3A_200 = tpu.vector_load_idx %arg17[%get3A_197] : memref<10240xi32, #tpu.memory_space<vmem>>[vector<16xi32>], vector<16xi32>,
        %gather3A_201 = tpu.vector_load_idx %arg17[%get3A_199] : memref<10240xi32, #tpu.memory_space<vmem>>[vector<16xi32>], vector<16xi32>,
        %sub3A_202 = arith.constant 5120 : i32
        %sub3A_203 = vector.broadcast %sub3A_202 : i32 to vector<16xi32>
        %sub3A_204 = arith.subi %get3A_199, %sub3A_203 : vector<16xi32>
        %ge3A_205 = arith.constant 0 : i32
        %ge3A_206 = vector.broadcast %ge3A_205 : i32 to vector<16xi32>
        %ge3A_207 = arith.cmpi sge, %sub3A_204, %ge3A_206 : vector<16xi32>
        %lt3A_208 = arith.constant 5120 : i32
        %lt3A_209 = vector.broadcast %lt3A_208 : i32 to vector<16xi32>
        %lt3A_210 = arith.cmpi slt, %sub3A_204, %lt3A_209 : vector<16xi32>
        %and3A_211 = arith.andi %ge3A_207, %lt3A_210 : vector<16xi1>
        %jit3A_212 = arith.constant 0 : i32
        %broadcast_in_dim3A_213 = vector.broadcast %jit3A_212 : i32 to vector<16xi32>
        %select_n3A_214 = arith.select %and3A_211, %sub3A_204, %broadcast_in_dim3A_213 : vector<16xi1>, vector<16xi32>
        %swap3A_215 = arith.constant 80 : index
        %swap3A_216 = tpu.vector_load %arg11[%swap3A_215] {strides = array<i32>} : memref<128xi32, #tpu.memory_space<vmem>>, vector<16xi32>,
        tpu.vector_store %arg11[%swap3A_215], %select_n3A_214 {strides = array<i32>} : memref<128xi32, #tpu.memory_space<vmem>>, vector<16xi32>,
        %jit3A_217 = arith.constant 5002 : i32
        %broadcast_in_dim3A_218 = vector.broadcast %jit3A_217 : i32 to vector<16xi32>
        %select_n3A_219 = arith.select %and3A_211, %gather3A_200, %broadcast_in_dim3A_218 : vector<16xi1>, vector<16xi32>
        %swap3A_220 = arith.constant 80 : index
        %swap3A_221 = tpu.vector_load %arg12[%swap3A_220] {strides = array<i32>} : memref<128xi32, #tpu.memory_space<vmem>>, vector<16xi32>,
        tpu.vector_store %arg12[%swap3A_220], %select_n3A_219 {strides = array<i32>} : memref<128xi32, #tpu.memory_space<vmem>>, vector<16xi32>,
        %jit3A_222 = arith.constant 5002 : i32
        %broadcast_in_dim3A_223 = vector.broadcast %jit3A_222 : i32 to vector<16xi32>
        %select_n3A_224 = arith.select %and3A_211, %gather3A_201, %broadcast_in_dim3A_223 : vector<16xi1>, vector<16xi32>
        %swap3A_225 = arith.constant 80 : index
        %swap3A_226 = tpu.vector_load %arg13[%swap3A_225] {strides = array<i32>} : memref<128xi32, #tpu.memory_space<vmem>>, vector<16xi32>,
        tpu.vector_store %arg13[%swap3A_225], %select_n3A_224 {strides = array<i32>} : memref<128xi32, #tpu.memory_space<vmem>>, vector<16xi32>,
        %get3A_227 = arith.constant 96 : index
        %get3A_228 = tpu.vector_load %arg10[%get3A_227] {strides = array<i32>} : memref<128xi32, #tpu.memory_space<vmem>>, vector<16xi32>,
        %get3A_229 = arith.constant 96 : index
        %get3A_230 = tpu.vector_load %arg11[%get3A_229] {strides = array<i32>} : memref<128xi32, #tpu.memory_space<vmem>>, vector<16xi32>,
        %gather3A_231 = tpu.vector_load_idx %arg17[%get3A_228] : memref<10240xi32, #tpu.memory_space<vmem>>[vector<16xi32>], vector<16xi32>,
        %gather3A_232 = tpu.vector_load_idx %arg17[%get3A_230] : memref<10240xi32, #tpu.memory_space<vmem>>[vector<16xi32>], vector<16xi32>,
        %sub3A_233 = arith.constant 5120 : i32
        %sub3A_234 = vector.broadcast %sub3A_233 : i32 to vector<16xi32>
        %sub3A_235 = arith.subi %get3A_230, %sub3A_234 : vector<16xi32>
        %ge3A_236 = arith.constant 0 : i32
        %ge3A_237 = vector.broadcast %ge3A_236 : i32 to vector<16xi32>
        %ge3A_238 = arith.cmpi sge, %sub3A_235, %ge3A_237 : vector<16xi32>
        %lt3A_239 = arith.constant 5120 : i32
        %lt3A_240 = vector.broadcast %lt3A_239 : i32 to vector<16xi32>
        %lt3A_241 = arith.cmpi slt, %sub3A_235, %lt3A_240 : vector<16xi32>
        %and3A_242 = arith.andi %ge3A_238, %lt3A_241 : vector<16xi1>
        %jit3A_243 = arith.constant 0 : i32
        %broadcast_in_dim3A_244 = vector.broadcast %jit3A_243 : i32 to vector<16xi32>
        %select_n3A_245 = arith.select %and3A_242, %sub3A_235, %broadcast_in_dim3A_244 : vector<16xi1>, vector<16xi32>
        %swap3A_246 = arith.constant 96 : index
        %swap3A_247 = tpu.vector_load %arg11[%swap3A_246] {strides = array<i32>} : memref<128xi32, #tpu.memory_space<vmem>>, vector<16xi32>,
        tpu.vector_store %arg11[%swap3A_246], %select_n3A_245 {strides = array<i32>} : memref<128xi32, #tpu.memory_space<vmem>>, vector<16xi32>,
        %jit3A_248 = arith.constant 5002 : i32
        %broadcast_in_dim3A_249 = vector.broadcast %jit3A_248 : i32 to vector<16xi32>
        %select_n3A_250 = arith.select %and3A_242, %gather3A_231, %broadcast_in_dim3A_249 : vector<16xi1>, vector<16xi32>
        %swap3A_251 = arith.constant 96 : index
        %swap3A_252 = tpu.vector_load %arg12[%swap3A_251] {strides = array<i32>} : memref<128xi32, #tpu.memory_space<vmem>>, vector<16xi32>,
        tpu.vector_store %arg12[%swap3A_251], %select_n3A_250 {strides = array<i32>} : memref<128xi32, #tpu.memory_space<vmem>>, vector<16xi32>,
        %jit3A_253 = arith.constant 5002 : i32
        %broadcast_in_dim3A_254 = vector.broadcast %jit3A_253 : i32 to vector<16xi32>
        %select_n3A_255 = arith.select %and3A_242, %gather3A_232, %broadcast_in_dim3A_254 : vector<16xi1>, vector<16xi32>
        %swap3A_256 = arith.constant 96 : index
        %swap3A_257 = tpu.vector_load %arg13[%swap3A_256] {strides = array<i32>} : memref<128xi32, #tpu.memory_space<vmem>>, vector<16xi32>,
        tpu.vector_store %arg13[%swap3A_256], %select_n3A_255 {strides = array<i32>} : memref<128xi32, #tpu.memory_space<vmem>>, vector<16xi32>,
        %get3A_258 = arith.constant 112 : index
        %get3A_259 = tpu.vector_load %arg10[%get3A_258] {strides = array<i32>} : memref<128xi32, #tpu.memory_space<vmem>>, vector<16xi32>,
        %get3A_260 = arith.constant 112 : index
        %get3A_261 = tpu.vector_load %arg11[%get3A_260] {strides = array<i32>} : memref<128xi32, #tpu.memory_space<vmem>>, vector<16xi32>,
        %gather3A_262 = tpu.vector_load_idx %arg17[%get3A_259] : memref<10240xi32, #tpu.memory_space<vmem>>[vector<16xi32>], vector<16xi32>,
        %gather3A_263 = tpu.vector_load_idx %arg17[%get3A_261] : memref<10240xi32, #tpu.memory_space<vmem>>[vector<16xi32>], vector<16xi32>,
        %sub3A_264 = arith.constant 5120 : i32
        %sub3A_265 = vector.broadcast %sub3A_264 : i32 to vector<16xi32>
        %sub3A_266 = arith.subi %get3A_261, %sub3A_265 : vector<16xi32>
        %ge3A_267 = arith.constant 0 : i32
        %ge3A_268 = vector.broadcast %ge3A_267 : i32 to vector<16xi32>
        %ge3A_269 = arith.cmpi sge, %sub3A_266, %ge3A_268 : vector<16xi32>
        %lt3A_270 = arith.constant 5120 : i32
        %lt3A_271 = vector.broadcast %lt3A_270 : i32 to vector<16xi32>
        %lt3A_272 = arith.cmpi slt, %sub3A_266, %lt3A_271 : vector<16xi32>
        %and3A_273 = arith.andi %ge3A_269, %lt3A_272 : vector<16xi1>
        %jit3A_274 = arith.constant 0 : i32
        %broadcast_in_dim3A_275 = vector.broadcast %jit3A_274 : i32 to vector<16xi32>
        %select_n3A_276 = arith.select %and3A_273, %sub3A_266, %broadcast_in_dim3A_275 : vector<16xi1>, vector<16xi32>
        %swap3A_277 = arith.constant 112 : index
        %swap3A_278 = tpu.vector_load %arg11[%swap3A_277] {strides = array<i32>} : memref<128xi32, #tpu.memory_space<vmem>>, vector<16xi32>,
        tpu.vector_store %arg11[%swap3A_277], %select_n3A_276 {strides = array<i32>} : memref<128xi32, #tpu.memory_space<vmem>>, vector<16xi32>,
        %jit3A_279 = arith.constant 5002 : i32
        %broadcast_in_dim3A_280 = vector.broadcast %jit3A_279 : i32 to vector<16xi32>
        %select_n3A_281 = arith.select %and3A_273, %gather3A_262, %broadcast_in_dim3A_280 : vector<16xi1>, vector<16xi32>
        %swap3A_282 = arith.constant 112 : index
        %swap3A_283 = tpu.vector_load %arg12[%swap3A_282] {strides = array<i32>} : memref<128xi32, #tpu.memory_space<vmem>>, vector<16xi32>,
        tpu.vector_store %arg12[%swap3A_282], %select_n3A_281 {strides = array<i32>} : memref<128xi32, #tpu.memory_space<vmem>>, vector<16xi32>,
        %jit3A_284 = arith.constant 5002 : i32
        %broadcast_in_dim3A_285 = vector.broadcast %jit3A_284 : i32 to vector<16xi32>
        %select_n3A_286 = arith.select %and3A_273, %gather3A_263, %broadcast_in_dim3A_285 : vector<16xi1>, vector<16xi32>
        %swap3A_287 = arith.constant 112 : index
        %swap3A_288 = tpu.vector_load %arg13[%swap3A_287] {strides = array<i32>} : memref<128xi32, #tpu.memory_space<vmem>>, vector<16xi32>,
        tpu.vector_store %arg13[%swap3A_287], %select_n3A_286 {strides = array<i32>} : memref<128xi32, #tpu.memory_space<vmem>>, vector<16xi32>,
        %dma_start3A = arith.constant 0 : i32
        %dma_start3A_289 = arith.constant 0 : i32
        %dma_start3A_290 = tpu.memref_slice %arg2[%dma_start3A, %dma_start3A_289] : memref<5120x128xf32, #tpu.memory_space<hbm>> -> memref<5120x128xf32, #tpu.memory_space<hbm>>
        tpu.enqueue_indirect_dma source(%dma_start3A_290 : memref<5120x128xf32, #tpu.memory_space<hbm>>) target(%arg14 : memref<128x128xf32, #tpu.memory_space<vmem>>) offsets(%arg13 : memref<128xi32, #tpu.memory_space<vmem>>) semaphore(%arg19 : memref<!tpu.dma_semaphore, #tpu.memory_space<semaphore_mem>>)
        %dma_start3A_291 = arith.constant 0 : i32
        %dma_start3A_292 = arith.constant 0 : i32
        %dma_start3A_293 = tpu.memref_slice %arg3[%dma_start3A_291, %dma_start3A_292] : memref<5120x128xf32, #tpu.memory_space<hbm>> -> memref<5120x128xf32, #tpu.memory_space<hbm>>
        tpu.enqueue_indirect_dma source(%dma_start3A_293 : memref<5120x128xf32, #tpu.memory_space<hbm>>) target(%arg15 : memref<128x128xf32, #tpu.memory_space<vmem>>) offsets(%arg12 : memref<128xi32, #tpu.memory_space<vmem>>) semaphore(%arg20 : memref<!tpu.dma_semaphore, #tpu.memory_space<semaphore_mem>>)
        %dma_wait3A = arith.constant 0 : i32
        %dma_wait3A_294 = arith.constant 0 : i32
        %dma_wait3A_295 = tpu.memref_slice %arg2[%dma_wait3A, %dma_wait3A_294] : memref<5120x128xf32, #tpu.memory_space<hbm>> -> memref<5120x128xf32, #tpu.memory_space<hbm>>
        tpu.wait_indirect_dma semaphore(%arg19 : memref<!tpu.dma_semaphore, #tpu.memory_space<semaphore_mem>>) src(%dma_wait3A_295 : memref<5120x128xf32, #tpu.memory_space<hbm>>) dst(%arg14 : memref<128x128xf32, #tpu.memory_space<vmem>>)
        %dma_wait3A_296 = arith.constant 0 : i32
        %dma_wait3A_297 = arith.constant 0 : i32
        %dma_wait3A_298 = tpu.memref_slice %arg3[%dma_wait3A_296, %dma_wait3A_297] : memref<5120x128xf32, #tpu.memory_space<hbm>> -> memref<5120x128xf32, #tpu.memory_space<hbm>>
        tpu.wait_indirect_dma semaphore(%arg20 : memref<!tpu.dma_semaphore, #tpu.memory_space<semaphore_mem>>) src(%dma_wait3A_298 : memref<5120x128xf32, #tpu.memory_space<hbm>>) dst(%arg15 : memref<128x128xf32, #tpu.memory_space<vmem>>)
        %scan3A_299 = arith.constant 0 : i32
        %scan3A_300 = arith.constant 0 : i32
        %scan3A_301 = arith.constant 128 : i32
        %scan3A_302 = arith.addi %scan3A_300, %scan3A_301 : i32
        %scan3A_303 = arith.constant 1 : i32
        scf.for %scan3A_305 = %scan3A_300 to %scan3A_302 step %scan3A_303  : i32 {
          %broadcast_in_dim3A_306 = arith.constant 0 : i32
          %broadcast_in_dim3A_307 = vector.broadcast %broadcast_in_dim3A_306 : i32 to vector<16xi32>
          %add3A_308 = vector.broadcast %scan3A_305 : i32 to vector<16xi32>
          %add3A_309 = arith.addi %broadcast_in_dim3A_307, %add3A_308 : vector<16xi32>
          %iota3A = tpu.iota {dimensions = array<i32: 0>} : vector<16xi32>
          %add3A_310 = arith.constant 0 : i32
          %add3A_311 = vector.broadcast %add3A_310 : i32 to vector<16xi32>
          %add3A_312 = arith.addi %add3A_311, %iota3A : vector<16xi32>
          %gather3A_313 = tpu.vector_load_idx %arg14[%add3A_309, %add3A_312] : memref<128x128xf32, #tpu.memory_space<vmem>>[vector<16xi32>, vector<16xi32>], vector<16xf32>,
          %gather3A_314 = tpu.vector_load_idx %arg15[%add3A_309, %add3A_312] : memref<128x128xf32, #tpu.memory_space<vmem>>[vector<16xi32>, vector<16xi32>], vector<16xf32>,
          %add3A_315 = arith.addf %gather3A_313, %gather3A_314 : vector<16xf32>
          %mul3A_316 = arith.constant 0.00999999977 : f32
          %mul3A_317 = vector.broadcast %mul3A_316 : f32 to vector<16xf32>
          %mul3A_318 = arith.mulf %mul3A_317, %add3A_315 : vector<16xf32>
          %max3A = arith.maximumf %add3A_315, %mul3A_318 : vector<16xf32>
          tpu.vector_store_idx %arg14[%add3A_309, %add3A_312], %max3A : memref<128x128xf32, #tpu.memory_space<vmem>>[vector<16xi32>, vector<16xi32>], vector<16xf32>,
          %iota3A_319 = tpu.iota {dimensions = array<i32: 0>} : vector<16xi32>
          %add3A_320 = arith.constant 16 : i32
          %add3A_321 = vector.broadcast %add3A_320 : i32 to vector<16xi32>
          %add3A_322 = arith.addi %add3A_321, %iota3A_319 : vector<16xi32>
          %gather3A_323 = tpu.vector_load_idx %arg14[%add3A_309, %add3A_322] : memref<128x128xf32, #tpu.memory_space<vmem>>[vector<16xi32>, vector<16xi32>], vector<16xf32>,
          %gather3A_324 = tpu.vector_load_idx %arg15[%add3A_309, %add3A_322] : memref<128x128xf32, #tpu.memory_space<vmem>>[vector<16xi32>, vector<16xi32>], vector<16xf32>,
          %add3A_325 = arith.addf %gather3A_323, %gather3A_324 : vector<16xf32>
          %mul3A_326 = arith.constant 0.00999999977 : f32
          %mul3A_327 = vector.broadcast %mul3A_326 : f32 to vector<16xf32>
          %mul3A_328 = arith.mulf %mul3A_327, %add3A_325 : vector<16xf32>
          %max3A_329 = arith.maximumf %add3A_325, %mul3A_328 : vector<16xf32>
          tpu.vector_store_idx %arg14[%add3A_309, %add3A_322], %max3A_329 : memref<128x128xf32, #tpu.memory_space<vmem>>[vector<16xi32>, vector<16xi32>], vector<16xf32>,
          %iota3A_330 = tpu.iota {dimensions = array<i32: 0>} : vector<16xi32>
          %add3A_331 = arith.constant 32 : i32
          %add3A_332 = vector.broadcast %add3A_331 : i32 to vector<16xi32>
          %add3A_333 = arith.addi %add3A_332, %iota3A_330 : vector<16xi32>
          %gather3A_334 = tpu.vector_load_idx %arg14[%add3A_309, %add3A_333] : memref<128x128xf32, #tpu.memory_space<vmem>>[vector<16xi32>, vector<16xi32>], vector<16xf32>,
          %gather3A_335 = tpu.vector_load_idx %arg15[%add3A_309, %add3A_333] : memref<128x128xf32, #tpu.memory_space<vmem>>[vector<16xi32>, vector<16xi32>], vector<16xf32>,
          %add3A_336 = arith.addf %gather3A_334, %gather3A_335 : vector<16xf32>
          %mul3A_337 = arith.constant 0.00999999977 : f32
          %mul3A_338 = vector.broadcast %mul3A_337 : f32 to vector<16xf32>
          %mul3A_339 = arith.mulf %mul3A_338, %add3A_336 : vector<16xf32>
          %max3A_340 = arith.maximumf %add3A_336, %mul3A_339 : vector<16xf32>
          tpu.vector_store_idx %arg14[%add3A_309, %add3A_333], %max3A_340 : memref<128x128xf32, #tpu.memory_space<vmem>>[vector<16xi32>, vector<16xi32>], vector<16xf32>,
          %iota3A_341 = tpu.iota {dimensions = array<i32: 0>} : vector<16xi32>
          %add3A_342 = arith.constant 48 : i32
          %add3A_343 = vector.broadcast %add3A_342 : i32 to vector<16xi32>
          %add3A_344 = arith.addi %add3A_343, %iota3A_341 : vector<16xi32>
          %gather3A_345 = tpu.vector_load_idx %arg14[%add3A_309, %add3A_344] : memref<128x128xf32, #tpu.memory_space<vmem>>[vector<16xi32>, vector<16xi32>], vector<16xf32>,
          %gather3A_346 = tpu.vector_load_idx %arg15[%add3A_309, %add3A_344] : memref<128x128xf32, #tpu.memory_space<vmem>>[vector<16xi32>, vector<16xi32>], vector<16xf32>,
          %add3A_347 = arith.addf %gather3A_345, %gather3A_346 : vector<16xf32>
          %mul3A_348 = arith.constant 0.00999999977 : f32
          %mul3A_349 = vector.broadcast %mul3A_348 : f32 to vector<16xf32>
          %mul3A_350 = arith.mulf %mul3A_349, %add3A_347 : vector<16xf32>
          %max3A_351 = arith.maximumf %add3A_347, %mul3A_350 : vector<16xf32>
          tpu.vector_store_idx %arg14[%add3A_309, %add3A_344], %max3A_351 : memref<128x128xf32, #tpu.memory_space<vmem>>[vector<16xi32>, vector<16xi32>], vector<16xf32>,
          %iota3A_352 = tpu.iota {dimensions = array<i32: 0>} : vector<16xi32>
          %add3A_353 = arith.constant 64 : i32
          %add3A_354 = vector.broadcast %add3A_353 : i32 to vector<16xi32>
          %add3A_355 = arith.addi %add3A_354, %iota3A_352 : vector<16xi32>
          %gather3A_356 = tpu.vector_load_idx %arg14[%add3A_309, %add3A_355] : memref<128x128xf32, #tpu.memory_space<vmem>>[vector<16xi32>, vector<16xi32>], vector<16xf32>,
          %gather3A_357 = tpu.vector_load_idx %arg15[%add3A_309, %add3A_355] : memref<128x128xf32, #tpu.memory_space<vmem>>[vector<16xi32>, vector<16xi32>], vector<16xf32>,
          %add3A_358 = arith.addf %gather3A_356, %gather3A_357 : vector<16xf32>
          %mul3A_359 = arith.constant 0.00999999977 : f32
          %mul3A_360 = vector.broadcast %mul3A_359 : f32 to vector<16xf32>
          %mul3A_361 = arith.mulf %mul3A_360, %add3A_358 : vector<16xf32>
          %max3A_362 = arith.maximumf %add3A_358, %mul3A_361 : vector<16xf32>
          tpu.vector_store_idx %arg14[%add3A_309, %add3A_355], %max3A_362 : memref<128x128xf32, #tpu.memory_space<vmem>>[vector<16xi32>, vector<16xi32>], vector<16xf32>,
          %iota3A_363 = tpu.iota {dimensions = array<i32: 0>} : vector<16xi32>
          %add3A_364 = arith.constant 80 : i32
          %add3A_365 = vector.broadcast %add3A_364 : i32 to vector<16xi32>
          %add3A_366 = arith.addi %add3A_365, %iota3A_363 : vector<16xi32>
          %gather3A_367 = tpu.vector_load_idx %arg14[%add3A_309, %add3A_366] : memref<128x128xf32, #tpu.memory_space<vmem>>[vector<16xi32>, vector<16xi32>], vector<16xf32>,
          %gather3A_368 = tpu.vector_load_idx %arg15[%add3A_309, %add3A_366] : memref<128x128xf32, #tpu.memory_space<vmem>>[vector<16xi32>, vector<16xi32>], vector<16xf32>,
          %add3A_369 = arith.addf %gather3A_367, %gather3A_368 : vector<16xf32>
          %mul3A_370 = arith.constant 0.00999999977 : f32
          %mul3A_371 = vector.broadcast %mul3A_370 : f32 to vector<16xf32>
          %mul3A_372 = arith.mulf %mul3A_371, %add3A_369 : vector<16xf32>
          %max3A_373 = arith.maximumf %add3A_369, %mul3A_372 : vector<16xf32>
          tpu.vector_store_idx %arg14[%add3A_309, %add3A_366], %max3A_373 : memref<128x128xf32, #tpu.memory_space<vmem>>[vector<16xi32>, vector<16xi32>], vector<16xf32>,
          %iota3A_374 = tpu.iota {dimensions = array<i32: 0>} : vector<16xi32>
          %add3A_375 = arith.constant 96 : i32
          %add3A_376 = vector.broadcast %add3A_375 : i32 to vector<16xi32>
          %add3A_377 = arith.addi %add3A_376, %iota3A_374 : vector<16xi32>
          %gather3A_378 = tpu.vector_load_idx %arg14[%add3A_309, %add3A_377] : memref<128x128xf32, #tpu.memory_space<vmem>>[vector<16xi32>, vector<16xi32>], vector<16xf32>,
          %gather3A_379 = tpu.vector_load_idx %arg15[%add3A_309, %add3A_377] : memref<128x128xf32, #tpu.memory_space<vmem>>[vector<16xi32>, vector<16xi32>], vector<16xf32>,
          %add3A_380 = arith.addf %gather3A_378, %gather3A_379 : vector<16xf32>
          %mul3A_381 = arith.constant 0.00999999977 : f32
          %mul3A_382 = vector.broadcast %mul3A_381 : f32 to vector<16xf32>
          %mul3A_383 = arith.mulf %mul3A_382, %add3A_380 : vector<16xf32>
          %max3A_384 = arith.maximumf %add3A_380, %mul3A_383 : vector<16xf32>
          tpu.vector_store_idx %arg14[%add3A_309, %add3A_377], %max3A_384 : memref<128x128xf32, #tpu.memory_space<vmem>>[vector<16xi32>, vector<16xi32>], vector<16xf32>,
          %iota3A_385 = tpu.iota {dimensions = array<i32: 0>} : vector<16xi32>
          %add3A_386 = arith.constant 112 : i32
          %add3A_387 = vector.broadcast %add3A_386 : i32 to vector<16xi32>
          %add3A_388 = arith.addi %add3A_387, %iota3A_385 : vector<16xi32>
          %gather3A_389 = tpu.vector_load_idx %arg14[%add3A_309, %add3A_388] : memref<128x128xf32, #tpu.memory_space<vmem>>[vector<16xi32>, vector<16xi32>], vector<16xf32>,
          %gather3A_390 = tpu.vector_load_idx %arg15[%add3A_309, %add3A_388] : memref<128x128xf32, #tpu.memory_space<vmem>>[vector<16xi32>, vector<16xi32>], vector<16xf32>,
          %add3A_391 = arith.addf %gather3A_389, %gather3A_390 : vector<16xf32>
          %mul3A_392 = arith.constant 0.00999999977 : f32
          %mul3A_393 = vector.broadcast %mul3A_392 : f32 to vector<16xf32>
          %mul3A_394 = arith.mulf %mul3A_393, %add3A_391 : vector<16xf32>
          %max3A_395 = arith.maximumf %add3A_391, %mul3A_394 : vector<16xf32>
          tpu.vector_store_idx %arg14[%add3A_309, %add3A_388], %max3A_395 : memref<128x128xf32, #tpu.memory_space<vmem>>[vector<16xi32>, vector<16xi32>], vector<16xf32>,
        }
        %scan3A_304 = arith.constant 128 : i32
        "tpu.region"() ({
          %run_scoped3A = tpu.sem_alloc : memref<!tpu.dma_semaphore, #tpu.memory_space<semaphore_mem>>
          %dma_start3A_305 = arith.constant 0 : i32
          %dma_start3A_306 = arith.constant 0 : i32
          %dma_start3A_307 = tpu.memref_slice %arg18[%dma_start3A_305, %dma_start3A_306] : memref<5120x128xf32, #tpu.memory_space<vmem_shared>> -> memref<5120x128xf32, #tpu.memory_space<vmem_shared>>
          tpu.enqueue_indirect_dma source(%arg14 : memref<128x128xf32, #tpu.memory_space<vmem>>) target(%dma_start3A_307 : memref<5120x128xf32, #tpu.memory_space<vmem_shared>>) offsets(%arg11 : memref<128xi32, #tpu.memory_space<vmem>>) semaphore(%run_scoped3A : memref<!tpu.dma_semaphore, #tpu.memory_space<semaphore_mem>>) {add = true}
          %dma_wait3A_308 = arith.constant 0 : i32
          %dma_wait3A_309 = arith.constant 0 : i32
          %dma_wait3A_310 = tpu.memref_slice %arg18[%dma_wait3A_308, %dma_wait3A_309] : memref<5120x128xf32, #tpu.memory_space<vmem_shared>> -> memref<5120x128xf32, #tpu.memory_space<vmem_shared>>
          tpu.wait_indirect_dma semaphore(%run_scoped3A : memref<!tpu.dma_semaphore, #tpu.memory_space<semaphore_mem>>) src(%arg14 : memref<128x128xf32, #tpu.memory_space<vmem>>) dst(%dma_wait3A_310 : memref<5120x128xf32, #tpu.memory_space<vmem_shared>>)
          tpu.yield
        }) : () -> ()
      }
      %scan3A_46 = arith.constant 157 : i32
    } else {
    }
    %eq3A_29 = arith.constant 1 : i32
    %eq3A_30 = arith.cmpi eq, %arg0, %eq3A_29 : i32
    %convert_element_type3A_31 = arith.extui %eq3A_30 : i1 to i32
    %cond3A_32 = arith.constant 0 : i32
    %cond3A_33 = arith.cmpi ne, %convert_element_type3A_31, %cond3A_32 : i32
    scf.if %cond3A_33 {
      %scan3A_41 = arith.constant 0 : i32
      %scan3A_42 = arith.constant 0 : i32
      %scan3A_43 = arith.constant 157 : i32
      %scan3A_44 = arith.addi %scan3A_42, %scan3A_43 : i32
      %scan3A_45 = arith.constant 1 : i32
      scf.for %scan3A_47 = %scan3A_42 to %scan3A_44 step %scan3A_45  : i32 {
        %mul3A_48 = arith.constant 128 : i32
        %mul3A_49 = arith.muli %scan3A_47, %mul3A_48 : i32
        %add3A_50 = arith.addi %mul3A_5, %mul3A_49 : i32
        "tpu.region"() ({
          %run_scoped3A = tpu.sem_alloc : memref<!tpu.dma_semaphore, #tpu.memory_space<semaphore_mem>>
          %dma_start3A_305 = tpu.memref_slice %arg6[%add3A_50] : memref<321536xi32, #tpu.memory_space<hbm>> -> memref<128xi32, #tpu.memory_space<hbm>>
          %dma_start3A_306 = tpu.memref_slice %arg6[%add3A_50] : memref<321536xi32, #tpu.memory_space<hbm>> -> memref<128xi32, #tpu.memory_space<hbm>>
          tpu.enqueue_dma source(%dma_start3A_306 : memref<128xi32, #tpu.memory_space<hbm>>) target(%arg10 : memref<128xi32, #tpu.memory_space<vmem>>) target_semaphore(%run_scoped3A : memref<!tpu.dma_semaphore, #tpu.memory_space<semaphore_mem>>)
          %dma_wait3A_307 = tpu.memref_slice %arg6[%add3A_50] : memref<321536xi32, #tpu.memory_space<hbm>> -> memref<128xi32, #tpu.memory_space<hbm>>
          %dma_wait3A_308 = tpu.memref_slice %arg6[%add3A_50] : memref<321536xi32, #tpu.memory_space<hbm>> -> memref<128xi32, #tpu.memory_space<hbm>>
          tpu.wait_dma2 semaphore(%run_scoped3A : memref<!tpu.dma_semaphore, #tpu.memory_space<semaphore_mem>>) src(%dma_wait3A_308 : memref<128xi32, #tpu.memory_space<hbm>>) dst(%arg10 : memref<128xi32, #tpu.memory_space<vmem>>)
          tpu.yield
        }) : () -> ()
        "tpu.region"() ({
          %run_scoped3A = tpu.sem_alloc : memref<!tpu.dma_semaphore, #tpu.memory_space<semaphore_mem>>
          %dma_start3A_305 = tpu.memref_slice %arg7[%add3A_50] : memref<321536xi32, #tpu.memory_space<hbm>> -> memref<128xi32, #tpu.memory_space<hbm>>
          %dma_start3A_306 = tpu.memref_slice %arg7[%add3A_50] : memref<321536xi32, #tpu.memory_space<hbm>> -> memref<128xi32, #tpu.memory_space<hbm>>
          tpu.enqueue_dma source(%dma_start3A_306 : memref<128xi32, #tpu.memory_space<hbm>>) target(%arg11 : memref<128xi32, #tpu.memory_space<vmem>>) target_semaphore(%run_scoped3A : memref<!tpu.dma_semaphore, #tpu.memory_space<semaphore_mem>>)
          %dma_wait3A_307 = tpu.memref_slice %arg7[%add3A_50] : memref<321536xi32, #tpu.memory_space<hbm>> -> memref<128xi32, #tpu.memory_space<hbm>>
          %dma_wait3A_308 = tpu.memref_slice %arg7[%add3A_50] : memref<321536xi32, #tpu.memory_space<hbm>> -> memref<128xi32, #tpu.memory_space<hbm>>
          tpu.wait_dma2 semaphore(%run_scoped3A : memref<!tpu.dma_semaphore, #tpu.memory_space<semaphore_mem>>) src(%dma_wait3A_308 : memref<128xi32, #tpu.memory_space<hbm>>) dst(%arg11 : memref<128xi32, #tpu.memory_space<vmem>>)
          tpu.yield
        }) : () -> ()
        %get3A = arith.constant 0 : index
        %get3A_51 = tpu.vector_load %arg10[%get3A] {strides = array<i32>} : memref<128xi32, #tpu.memory_space<vmem>>, vector<16xi32>,
        %get3A_52 = arith.constant 0 : index
        %get3A_53 = tpu.vector_load %arg11[%get3A_52] {strides = array<i32>} : memref<128xi32, #tpu.memory_space<vmem>>, vector<16xi32>,
        %gather3A = tpu.vector_load_idx %arg17[%get3A_51] : memref<10240xi32, #tpu.memory_space<vmem>>[vector<16xi32>], vector<16xi32>,
        %gather3A_54 = tpu.vector_load_idx %arg17[%get3A_53] : memref<10240xi32, #tpu.memory_space<vmem>>[vector<16xi32>], vector<16xi32>,
        %sub3A = arith.constant 5120 : i32
        %sub3A_55 = vector.broadcast %sub3A : i32 to vector<16xi32>
        %sub3A_56 = arith.subi %get3A_53, %sub3A_55 : vector<16xi32>
        %ge3A = arith.constant 0 : i32
        %ge3A_57 = vector.broadcast %ge3A : i32 to vector<16xi32>
        %ge3A_58 = arith.cmpi sge, %sub3A_56, %ge3A_57 : vector<16xi32>
        %lt3A = arith.constant 5120 : i32
        %lt3A_59 = vector.broadcast %lt3A : i32 to vector<16xi32>
        %lt3A_60 = arith.cmpi slt, %sub3A_56, %lt3A_59 : vector<16xi32>
        %and3A = arith.andi %ge3A_58, %lt3A_60 : vector<16xi1>
        %jit3A = arith.constant 0 : i32
        %broadcast_in_dim3A = vector.broadcast %jit3A : i32 to vector<16xi32>
        %select_n3A = arith.select %and3A, %sub3A_56, %broadcast_in_dim3A : vector<16xi1>, vector<16xi32>
        %swap3A = arith.constant 0 : index
        %swap3A_61 = tpu.vector_load %arg11[%swap3A] {strides = array<i32>} : memref<128xi32, #tpu.memory_space<vmem>>, vector<16xi32>,
        tpu.vector_store %arg11[%swap3A], %select_n3A {strides = array<i32>} : memref<128xi32, #tpu.memory_space<vmem>>, vector<16xi32>,
        %jit3A_62 = arith.constant 5002 : i32
        %broadcast_in_dim3A_63 = vector.broadcast %jit3A_62 : i32 to vector<16xi32>
        %select_n3A_64 = arith.select %and3A, %gather3A, %broadcast_in_dim3A_63 : vector<16xi1>, vector<16xi32>
        %swap3A_65 = arith.constant 0 : index
        %swap3A_66 = tpu.vector_load %arg12[%swap3A_65] {strides = array<i32>} : memref<128xi32, #tpu.memory_space<vmem>>, vector<16xi32>,
        tpu.vector_store %arg12[%swap3A_65], %select_n3A_64 {strides = array<i32>} : memref<128xi32, #tpu.memory_space<vmem>>, vector<16xi32>,
        %jit3A_67 = arith.constant 5002 : i32
        %broadcast_in_dim3A_68 = vector.broadcast %jit3A_67 : i32 to vector<16xi32>
        %select_n3A_69 = arith.select %and3A, %gather3A_54, %broadcast_in_dim3A_68 : vector<16xi1>, vector<16xi32>
        %swap3A_70 = arith.constant 0 : index
        %swap3A_71 = tpu.vector_load %arg13[%swap3A_70] {strides = array<i32>} : memref<128xi32, #tpu.memory_space<vmem>>, vector<16xi32>,
        tpu.vector_store %arg13[%swap3A_70], %select_n3A_69 {strides = array<i32>} : memref<128xi32, #tpu.memory_space<vmem>>, vector<16xi32>,
        %get3A_72 = arith.constant 16 : index
        %get3A_73 = tpu.vector_load %arg10[%get3A_72] {strides = array<i32>} : memref<128xi32, #tpu.memory_space<vmem>>, vector<16xi32>,
        %get3A_74 = arith.constant 16 : index
        %get3A_75 = tpu.vector_load %arg11[%get3A_74] {strides = array<i32>} : memref<128xi32, #tpu.memory_space<vmem>>, vector<16xi32>,
        %gather3A_76 = tpu.vector_load_idx %arg17[%get3A_73] : memref<10240xi32, #tpu.memory_space<vmem>>[vector<16xi32>], vector<16xi32>,
        %gather3A_77 = tpu.vector_load_idx %arg17[%get3A_75] : memref<10240xi32, #tpu.memory_space<vmem>>[vector<16xi32>], vector<16xi32>,
        %sub3A_78 = arith.constant 5120 : i32
        %sub3A_79 = vector.broadcast %sub3A_78 : i32 to vector<16xi32>
        %sub3A_80 = arith.subi %get3A_75, %sub3A_79 : vector<16xi32>
        %ge3A_81 = arith.constant 0 : i32
        %ge3A_82 = vector.broadcast %ge3A_81 : i32 to vector<16xi32>
        %ge3A_83 = arith.cmpi sge, %sub3A_80, %ge3A_82 : vector<16xi32>
        %lt3A_84 = arith.constant 5120 : i32
        %lt3A_85 = vector.broadcast %lt3A_84 : i32 to vector<16xi32>
        %lt3A_86 = arith.cmpi slt, %sub3A_80, %lt3A_85 : vector<16xi32>
        %and3A_87 = arith.andi %ge3A_83, %lt3A_86 : vector<16xi1>
        %jit3A_88 = arith.constant 0 : i32
        %broadcast_in_dim3A_89 = vector.broadcast %jit3A_88 : i32 to vector<16xi32>
        %select_n3A_90 = arith.select %and3A_87, %sub3A_80, %broadcast_in_dim3A_89 : vector<16xi1>, vector<16xi32>
        %swap3A_91 = arith.constant 16 : index
        %swap3A_92 = tpu.vector_load %arg11[%swap3A_91] {strides = array<i32>} : memref<128xi32, #tpu.memory_space<vmem>>, vector<16xi32>,
        tpu.vector_store %arg11[%swap3A_91], %select_n3A_90 {strides = array<i32>} : memref<128xi32, #tpu.memory_space<vmem>>, vector<16xi32>,
        %jit3A_93 = arith.constant 5002 : i32
        %broadcast_in_dim3A_94 = vector.broadcast %jit3A_93 : i32 to vector<16xi32>
        %select_n3A_95 = arith.select %and3A_87, %gather3A_76, %broadcast_in_dim3A_94 : vector<16xi1>, vector<16xi32>
        %swap3A_96 = arith.constant 16 : index
        %swap3A_97 = tpu.vector_load %arg12[%swap3A_96] {strides = array<i32>} : memref<128xi32, #tpu.memory_space<vmem>>, vector<16xi32>,
        tpu.vector_store %arg12[%swap3A_96], %select_n3A_95 {strides = array<i32>} : memref<128xi32, #tpu.memory_space<vmem>>, vector<16xi32>,
        %jit3A_98 = arith.constant 5002 : i32
        %broadcast_in_dim3A_99 = vector.broadcast %jit3A_98 : i32 to vector<16xi32>
        %select_n3A_100 = arith.select %and3A_87, %gather3A_77, %broadcast_in_dim3A_99 : vector<16xi1>, vector<16xi32>
        %swap3A_101 = arith.constant 16 : index
        %swap3A_102 = tpu.vector_load %arg13[%swap3A_101] {strides = array<i32>} : memref<128xi32, #tpu.memory_space<vmem>>, vector<16xi32>,
        tpu.vector_store %arg13[%swap3A_101], %select_n3A_100 {strides = array<i32>} : memref<128xi32, #tpu.memory_space<vmem>>, vector<16xi32>,
        %get3A_103 = arith.constant 32 : index
        %get3A_104 = tpu.vector_load %arg10[%get3A_103] {strides = array<i32>} : memref<128xi32, #tpu.memory_space<vmem>>, vector<16xi32>,
        %get3A_105 = arith.constant 32 : index
        %get3A_106 = tpu.vector_load %arg11[%get3A_105] {strides = array<i32>} : memref<128xi32, #tpu.memory_space<vmem>>, vector<16xi32>,
        %gather3A_107 = tpu.vector_load_idx %arg17[%get3A_104] : memref<10240xi32, #tpu.memory_space<vmem>>[vector<16xi32>], vector<16xi32>,
        %gather3A_108 = tpu.vector_load_idx %arg17[%get3A_106] : memref<10240xi32, #tpu.memory_space<vmem>>[vector<16xi32>], vector<16xi32>,
        %sub3A_109 = arith.constant 5120 : i32
        %sub3A_110 = vector.broadcast %sub3A_109 : i32 to vector<16xi32>
        %sub3A_111 = arith.subi %get3A_106, %sub3A_110 : vector<16xi32>
        %ge3A_112 = arith.constant 0 : i32
        %ge3A_113 = vector.broadcast %ge3A_112 : i32 to vector<16xi32>
        %ge3A_114 = arith.cmpi sge, %sub3A_111, %ge3A_113 : vector<16xi32>
        %lt3A_115 = arith.constant 5120 : i32
        %lt3A_116 = vector.broadcast %lt3A_115 : i32 to vector<16xi32>
        %lt3A_117 = arith.cmpi slt, %sub3A_111, %lt3A_116 : vector<16xi32>
        %and3A_118 = arith.andi %ge3A_114, %lt3A_117 : vector<16xi1>
        %jit3A_119 = arith.constant 0 : i32
        %broadcast_in_dim3A_120 = vector.broadcast %jit3A_119 : i32 to vector<16xi32>
        %select_n3A_121 = arith.select %and3A_118, %sub3A_111, %broadcast_in_dim3A_120 : vector<16xi1>, vector<16xi32>
        %swap3A_122 = arith.constant 32 : index
        %swap3A_123 = tpu.vector_load %arg11[%swap3A_122] {strides = array<i32>} : memref<128xi32, #tpu.memory_space<vmem>>, vector<16xi32>,
        tpu.vector_store %arg11[%swap3A_122], %select_n3A_121 {strides = array<i32>} : memref<128xi32, #tpu.memory_space<vmem>>, vector<16xi32>,
        %jit3A_124 = arith.constant 5002 : i32
        %broadcast_in_dim3A_125 = vector.broadcast %jit3A_124 : i32 to vector<16xi32>
        %select_n3A_126 = arith.select %and3A_118, %gather3A_107, %broadcast_in_dim3A_125 : vector<16xi1>, vector<16xi32>
        %swap3A_127 = arith.constant 32 : index
        %swap3A_128 = tpu.vector_load %arg12[%swap3A_127] {strides = array<i32>} : memref<128xi32, #tpu.memory_space<vmem>>, vector<16xi32>,
        tpu.vector_store %arg12[%swap3A_127], %select_n3A_126 {strides = array<i32>} : memref<128xi32, #tpu.memory_space<vmem>>, vector<16xi32>,
        %jit3A_129 = arith.constant 5002 : i32
        %broadcast_in_dim3A_130 = vector.broadcast %jit3A_129 : i32 to vector<16xi32>
        %select_n3A_131 = arith.select %and3A_118, %gather3A_108, %broadcast_in_dim3A_130 : vector<16xi1>, vector<16xi32>
        %swap3A_132 = arith.constant 32 : index
        %swap3A_133 = tpu.vector_load %arg13[%swap3A_132] {strides = array<i32>} : memref<128xi32, #tpu.memory_space<vmem>>, vector<16xi32>,
        tpu.vector_store %arg13[%swap3A_132], %select_n3A_131 {strides = array<i32>} : memref<128xi32, #tpu.memory_space<vmem>>, vector<16xi32>,
        %get3A_134 = arith.constant 48 : index
        %get3A_135 = tpu.vector_load %arg10[%get3A_134] {strides = array<i32>} : memref<128xi32, #tpu.memory_space<vmem>>, vector<16xi32>,
        %get3A_136 = arith.constant 48 : index
        %get3A_137 = tpu.vector_load %arg11[%get3A_136] {strides = array<i32>} : memref<128xi32, #tpu.memory_space<vmem>>, vector<16xi32>,
        %gather3A_138 = tpu.vector_load_idx %arg17[%get3A_135] : memref<10240xi32, #tpu.memory_space<vmem>>[vector<16xi32>], vector<16xi32>,
        %gather3A_139 = tpu.vector_load_idx %arg17[%get3A_137] : memref<10240xi32, #tpu.memory_space<vmem>>[vector<16xi32>], vector<16xi32>,
        %sub3A_140 = arith.constant 5120 : i32
        %sub3A_141 = vector.broadcast %sub3A_140 : i32 to vector<16xi32>
        %sub3A_142 = arith.subi %get3A_137, %sub3A_141 : vector<16xi32>
        %ge3A_143 = arith.constant 0 : i32
        %ge3A_144 = vector.broadcast %ge3A_143 : i32 to vector<16xi32>
        %ge3A_145 = arith.cmpi sge, %sub3A_142, %ge3A_144 : vector<16xi32>
        %lt3A_146 = arith.constant 5120 : i32
        %lt3A_147 = vector.broadcast %lt3A_146 : i32 to vector<16xi32>
        %lt3A_148 = arith.cmpi slt, %sub3A_142, %lt3A_147 : vector<16xi32>
        %and3A_149 = arith.andi %ge3A_145, %lt3A_148 : vector<16xi1>
        %jit3A_150 = arith.constant 0 : i32
        %broadcast_in_dim3A_151 = vector.broadcast %jit3A_150 : i32 to vector<16xi32>
        %select_n3A_152 = arith.select %and3A_149, %sub3A_142, %broadcast_in_dim3A_151 : vector<16xi1>, vector<16xi32>
        %swap3A_153 = arith.constant 48 : index
        %swap3A_154 = tpu.vector_load %arg11[%swap3A_153] {strides = array<i32>} : memref<128xi32, #tpu.memory_space<vmem>>, vector<16xi32>,
        tpu.vector_store %arg11[%swap3A_153], %select_n3A_152 {strides = array<i32>} : memref<128xi32, #tpu.memory_space<vmem>>, vector<16xi32>,
        %jit3A_155 = arith.constant 5002 : i32
        %broadcast_in_dim3A_156 = vector.broadcast %jit3A_155 : i32 to vector<16xi32>
        %select_n3A_157 = arith.select %and3A_149, %gather3A_138, %broadcast_in_dim3A_156 : vector<16xi1>, vector<16xi32>
        %swap3A_158 = arith.constant 48 : index
        %swap3A_159 = tpu.vector_load %arg12[%swap3A_158] {strides = array<i32>} : memref<128xi32, #tpu.memory_space<vmem>>, vector<16xi32>,
        tpu.vector_store %arg12[%swap3A_158], %select_n3A_157 {strides = array<i32>} : memref<128xi32, #tpu.memory_space<vmem>>, vector<16xi32>,
        %jit3A_160 = arith.constant 5002 : i32
        %broadcast_in_dim3A_161 = vector.broadcast %jit3A_160 : i32 to vector<16xi32>
        %select_n3A_162 = arith.select %and3A_149, %gather3A_139, %broadcast_in_dim3A_161 : vector<16xi1>, vector<16xi32>
        %swap3A_163 = arith.constant 48 : index
        %swap3A_164 = tpu.vector_load %arg13[%swap3A_163] {strides = array<i32>} : memref<128xi32, #tpu.memory_space<vmem>>, vector<16xi32>,
        tpu.vector_store %arg13[%swap3A_163], %select_n3A_162 {strides = array<i32>} : memref<128xi32, #tpu.memory_space<vmem>>, vector<16xi32>,
        %get3A_165 = arith.constant 64 : index
        %get3A_166 = tpu.vector_load %arg10[%get3A_165] {strides = array<i32>} : memref<128xi32, #tpu.memory_space<vmem>>, vector<16xi32>,
        %get3A_167 = arith.constant 64 : index
        %get3A_168 = tpu.vector_load %arg11[%get3A_167] {strides = array<i32>} : memref<128xi32, #tpu.memory_space<vmem>>, vector<16xi32>,
        %gather3A_169 = tpu.vector_load_idx %arg17[%get3A_166] : memref<10240xi32, #tpu.memory_space<vmem>>[vector<16xi32>], vector<16xi32>,
        %gather3A_170 = tpu.vector_load_idx %arg17[%get3A_168] : memref<10240xi32, #tpu.memory_space<vmem>>[vector<16xi32>], vector<16xi32>,
        %sub3A_171 = arith.constant 5120 : i32
        %sub3A_172 = vector.broadcast %sub3A_171 : i32 to vector<16xi32>
        %sub3A_173 = arith.subi %get3A_168, %sub3A_172 : vector<16xi32>
        %ge3A_174 = arith.constant 0 : i32
        %ge3A_175 = vector.broadcast %ge3A_174 : i32 to vector<16xi32>
        %ge3A_176 = arith.cmpi sge, %sub3A_173, %ge3A_175 : vector<16xi32>
        %lt3A_177 = arith.constant 5120 : i32
        %lt3A_178 = vector.broadcast %lt3A_177 : i32 to vector<16xi32>
        %lt3A_179 = arith.cmpi slt, %sub3A_173, %lt3A_178 : vector<16xi32>
        %and3A_180 = arith.andi %ge3A_176, %lt3A_179 : vector<16xi1>
        %jit3A_181 = arith.constant 0 : i32
        %broadcast_in_dim3A_182 = vector.broadcast %jit3A_181 : i32 to vector<16xi32>
        %select_n3A_183 = arith.select %and3A_180, %sub3A_173, %broadcast_in_dim3A_182 : vector<16xi1>, vector<16xi32>
        %swap3A_184 = arith.constant 64 : index
        %swap3A_185 = tpu.vector_load %arg11[%swap3A_184] {strides = array<i32>} : memref<128xi32, #tpu.memory_space<vmem>>, vector<16xi32>,
        tpu.vector_store %arg11[%swap3A_184], %select_n3A_183 {strides = array<i32>} : memref<128xi32, #tpu.memory_space<vmem>>, vector<16xi32>,
        %jit3A_186 = arith.constant 5002 : i32
        %broadcast_in_dim3A_187 = vector.broadcast %jit3A_186 : i32 to vector<16xi32>
        %select_n3A_188 = arith.select %and3A_180, %gather3A_169, %broadcast_in_dim3A_187 : vector<16xi1>, vector<16xi32>
        %swap3A_189 = arith.constant 64 : index
        %swap3A_190 = tpu.vector_load %arg12[%swap3A_189] {strides = array<i32>} : memref<128xi32, #tpu.memory_space<vmem>>, vector<16xi32>,
        tpu.vector_store %arg12[%swap3A_189], %select_n3A_188 {strides = array<i32>} : memref<128xi32, #tpu.memory_space<vmem>>, vector<16xi32>,
        %jit3A_191 = arith.constant 5002 : i32
        %broadcast_in_dim3A_192 = vector.broadcast %jit3A_191 : i32 to vector<16xi32>
        %select_n3A_193 = arith.select %and3A_180, %gather3A_170, %broadcast_in_dim3A_192 : vector<16xi1>, vector<16xi32>
        %swap3A_194 = arith.constant 64 : index
        %swap3A_195 = tpu.vector_load %arg13[%swap3A_194] {strides = array<i32>} : memref<128xi32, #tpu.memory_space<vmem>>, vector<16xi32>,
        tpu.vector_store %arg13[%swap3A_194], %select_n3A_193 {strides = array<i32>} : memref<128xi32, #tpu.memory_space<vmem>>, vector<16xi32>,
        %get3A_196 = arith.constant 80 : index
        %get3A_197 = tpu.vector_load %arg10[%get3A_196] {strides = array<i32>} : memref<128xi32, #tpu.memory_space<vmem>>, vector<16xi32>,
        %get3A_198 = arith.constant 80 : index
        %get3A_199 = tpu.vector_load %arg11[%get3A_198] {strides = array<i32>} : memref<128xi32, #tpu.memory_space<vmem>>, vector<16xi32>,
        %gather3A_200 = tpu.vector_load_idx %arg17[%get3A_197] : memref<10240xi32, #tpu.memory_space<vmem>>[vector<16xi32>], vector<16xi32>,
        %gather3A_201 = tpu.vector_load_idx %arg17[%get3A_199] : memref<10240xi32, #tpu.memory_space<vmem>>[vector<16xi32>], vector<16xi32>,
        %sub3A_202 = arith.constant 5120 : i32
        %sub3A_203 = vector.broadcast %sub3A_202 : i32 to vector<16xi32>
        %sub3A_204 = arith.subi %get3A_199, %sub3A_203 : vector<16xi32>
        %ge3A_205 = arith.constant 0 : i32
        %ge3A_206 = vector.broadcast %ge3A_205 : i32 to vector<16xi32>
        %ge3A_207 = arith.cmpi sge, %sub3A_204, %ge3A_206 : vector<16xi32>
        %lt3A_208 = arith.constant 5120 : i32
        %lt3A_209 = vector.broadcast %lt3A_208 : i32 to vector<16xi32>
        %lt3A_210 = arith.cmpi slt, %sub3A_204, %lt3A_209 : vector<16xi32>
        %and3A_211 = arith.andi %ge3A_207, %lt3A_210 : vector<16xi1>
        %jit3A_212 = arith.constant 0 : i32
        %broadcast_in_dim3A_213 = vector.broadcast %jit3A_212 : i32 to vector<16xi32>
        %select_n3A_214 = arith.select %and3A_211, %sub3A_204, %broadcast_in_dim3A_213 : vector<16xi1>, vector<16xi32>
        %swap3A_215 = arith.constant 80 : index
        %swap3A_216 = tpu.vector_load %arg11[%swap3A_215] {strides = array<i32>} : memref<128xi32, #tpu.memory_space<vmem>>, vector<16xi32>,
        tpu.vector_store %arg11[%swap3A_215], %select_n3A_214 {strides = array<i32>} : memref<128xi32, #tpu.memory_space<vmem>>, vector<16xi32>,
        %jit3A_217 = arith.constant 5002 : i32
        %broadcast_in_dim3A_218 = vector.broadcast %jit3A_217 : i32 to vector<16xi32>
        %select_n3A_219 = arith.select %and3A_211, %gather3A_200, %broadcast_in_dim3A_218 : vector<16xi1>, vector<16xi32>
        %swap3A_220 = arith.constant 80 : index
        %swap3A_221 = tpu.vector_load %arg12[%swap3A_220] {strides = array<i32>} : memref<128xi32, #tpu.memory_space<vmem>>, vector<16xi32>,
        tpu.vector_store %arg12[%swap3A_220], %select_n3A_219 {strides = array<i32>} : memref<128xi32, #tpu.memory_space<vmem>>, vector<16xi32>,
        %jit3A_222 = arith.constant 5002 : i32
        %broadcast_in_dim3A_223 = vector.broadcast %jit3A_222 : i32 to vector<16xi32>
        %select_n3A_224 = arith.select %and3A_211, %gather3A_201, %broadcast_in_dim3A_223 : vector<16xi1>, vector<16xi32>
        %swap3A_225 = arith.constant 80 : index
        %swap3A_226 = tpu.vector_load %arg13[%swap3A_225] {strides = array<i32>} : memref<128xi32, #tpu.memory_space<vmem>>, vector<16xi32>,
        tpu.vector_store %arg13[%swap3A_225], %select_n3A_224 {strides = array<i32>} : memref<128xi32, #tpu.memory_space<vmem>>, vector<16xi32>,
        %get3A_227 = arith.constant 96 : index
        %get3A_228 = tpu.vector_load %arg10[%get3A_227] {strides = array<i32>} : memref<128xi32, #tpu.memory_space<vmem>>, vector<16xi32>,
        %get3A_229 = arith.constant 96 : index
        %get3A_230 = tpu.vector_load %arg11[%get3A_229] {strides = array<i32>} : memref<128xi32, #tpu.memory_space<vmem>>, vector<16xi32>,
        %gather3A_231 = tpu.vector_load_idx %arg17[%get3A_228] : memref<10240xi32, #tpu.memory_space<vmem>>[vector<16xi32>], vector<16xi32>,
        %gather3A_232 = tpu.vector_load_idx %arg17[%get3A_230] : memref<10240xi32, #tpu.memory_space<vmem>>[vector<16xi32>], vector<16xi32>,
        %sub3A_233 = arith.constant 5120 : i32
        %sub3A_234 = vector.broadcast %sub3A_233 : i32 to vector<16xi32>
        %sub3A_235 = arith.subi %get3A_230, %sub3A_234 : vector<16xi32>
        %ge3A_236 = arith.constant 0 : i32
        %ge3A_237 = vector.broadcast %ge3A_236 : i32 to vector<16xi32>
        %ge3A_238 = arith.cmpi sge, %sub3A_235, %ge3A_237 : vector<16xi32>
        %lt3A_239 = arith.constant 5120 : i32
        %lt3A_240 = vector.broadcast %lt3A_239 : i32 to vector<16xi32>
        %lt3A_241 = arith.cmpi slt, %sub3A_235, %lt3A_240 : vector<16xi32>
        %and3A_242 = arith.andi %ge3A_238, %lt3A_241 : vector<16xi1>
        %jit3A_243 = arith.constant 0 : i32
        %broadcast_in_dim3A_244 = vector.broadcast %jit3A_243 : i32 to vector<16xi32>
        %select_n3A_245 = arith.select %and3A_242, %sub3A_235, %broadcast_in_dim3A_244 : vector<16xi1>, vector<16xi32>
        %swap3A_246 = arith.constant 96 : index
        %swap3A_247 = tpu.vector_load %arg11[%swap3A_246] {strides = array<i32>} : memref<128xi32, #tpu.memory_space<vmem>>, vector<16xi32>,
        tpu.vector_store %arg11[%swap3A_246], %select_n3A_245 {strides = array<i32>} : memref<128xi32, #tpu.memory_space<vmem>>, vector<16xi32>,
        %jit3A_248 = arith.constant 5002 : i32
        %broadcast_in_dim3A_249 = vector.broadcast %jit3A_248 : i32 to vector<16xi32>
        %select_n3A_250 = arith.select %and3A_242, %gather3A_231, %broadcast_in_dim3A_249 : vector<16xi1>, vector<16xi32>
        %swap3A_251 = arith.constant 96 : index
        %swap3A_252 = tpu.vector_load %arg12[%swap3A_251] {strides = array<i32>} : memref<128xi32, #tpu.memory_space<vmem>>, vector<16xi32>,
        tpu.vector_store %arg12[%swap3A_251], %select_n3A_250 {strides = array<i32>} : memref<128xi32, #tpu.memory_space<vmem>>, vector<16xi32>,
        %jit3A_253 = arith.constant 5002 : i32
        %broadcast_in_dim3A_254 = vector.broadcast %jit3A_253 : i32 to vector<16xi32>
        %select_n3A_255 = arith.select %and3A_242, %gather3A_232, %broadcast_in_dim3A_254 : vector<16xi1>, vector<16xi32>
        %swap3A_256 = arith.constant 96 : index
        %swap3A_257 = tpu.vector_load %arg13[%swap3A_256] {strides = array<i32>} : memref<128xi32, #tpu.memory_space<vmem>>, vector<16xi32>,
        tpu.vector_store %arg13[%swap3A_256], %select_n3A_255 {strides = array<i32>} : memref<128xi32, #tpu.memory_space<vmem>>, vector<16xi32>,
        %get3A_258 = arith.constant 112 : index
        %get3A_259 = tpu.vector_load %arg10[%get3A_258] {strides = array<i32>} : memref<128xi32, #tpu.memory_space<vmem>>, vector<16xi32>,
        %get3A_260 = arith.constant 112 : index
        %get3A_261 = tpu.vector_load %arg11[%get3A_260] {strides = array<i32>} : memref<128xi32, #tpu.memory_space<vmem>>, vector<16xi32>,
        %gather3A_262 = tpu.vector_load_idx %arg17[%get3A_259] : memref<10240xi32, #tpu.memory_space<vmem>>[vector<16xi32>], vector<16xi32>,
        %gather3A_263 = tpu.vector_load_idx %arg17[%get3A_261] : memref<10240xi32, #tpu.memory_space<vmem>>[vector<16xi32>], vector<16xi32>,
        %sub3A_264 = arith.constant 5120 : i32
        %sub3A_265 = vector.broadcast %sub3A_264 : i32 to vector<16xi32>
        %sub3A_266 = arith.subi %get3A_261, %sub3A_265 : vector<16xi32>
        %ge3A_267 = arith.constant 0 : i32
        %ge3A_268 = vector.broadcast %ge3A_267 : i32 to vector<16xi32>
        %ge3A_269 = arith.cmpi sge, %sub3A_266, %ge3A_268 : vector<16xi32>
        %lt3A_270 = arith.constant 5120 : i32
        %lt3A_271 = vector.broadcast %lt3A_270 : i32 to vector<16xi32>
        %lt3A_272 = arith.cmpi slt, %sub3A_266, %lt3A_271 : vector<16xi32>
        %and3A_273 = arith.andi %ge3A_269, %lt3A_272 : vector<16xi1>
        %jit3A_274 = arith.constant 0 : i32
        %broadcast_in_dim3A_275 = vector.broadcast %jit3A_274 : i32 to vector<16xi32>
        %select_n3A_276 = arith.select %and3A_273, %sub3A_266, %broadcast_in_dim3A_275 : vector<16xi1>, vector<16xi32>
        %swap3A_277 = arith.constant 112 : index
        %swap3A_278 = tpu.vector_load %arg11[%swap3A_277] {strides = array<i32>} : memref<128xi32, #tpu.memory_space<vmem>>, vector<16xi32>,
        tpu.vector_store %arg11[%swap3A_277], %select_n3A_276 {strides = array<i32>} : memref<128xi32, #tpu.memory_space<vmem>>, vector<16xi32>,
        %jit3A_279 = arith.constant 5002 : i32
        %broadcast_in_dim3A_280 = vector.broadcast %jit3A_279 : i32 to vector<16xi32>
        %select_n3A_281 = arith.select %and3A_273, %gather3A_262, %broadcast_in_dim3A_280 : vector<16xi1>, vector<16xi32>
        %swap3A_282 = arith.constant 112 : index
        %swap3A_283 = tpu.vector_load %arg12[%swap3A_282] {strides = array<i32>} : memref<128xi32, #tpu.memory_space<vmem>>, vector<16xi32>,
        tpu.vector_store %arg12[%swap3A_282], %select_n3A_281 {strides = array<i32>} : memref<128xi32, #tpu.memory_space<vmem>>, vector<16xi32>,
        %jit3A_284 = arith.constant 5002 : i32
        %broadcast_in_dim3A_285 = vector.broadcast %jit3A_284 : i32 to vector<16xi32>
        %select_n3A_286 = arith.select %and3A_273, %gather3A_263, %broadcast_in_dim3A_285 : vector<16xi1>, vector<16xi32>
        %swap3A_287 = arith.constant 112 : index
        %swap3A_288 = tpu.vector_load %arg13[%swap3A_287] {strides = array<i32>} : memref<128xi32, #tpu.memory_space<vmem>>, vector<16xi32>,
        tpu.vector_store %arg13[%swap3A_287], %select_n3A_286 {strides = array<i32>} : memref<128xi32, #tpu.memory_space<vmem>>, vector<16xi32>,
        %dma_start3A = arith.constant 0 : i32
        %dma_start3A_289 = arith.constant 0 : i32
        %dma_start3A_290 = tpu.memref_slice %arg4[%dma_start3A, %dma_start3A_289] : memref<5120x128xf32, #tpu.memory_space<hbm>> -> memref<5120x128xf32, #tpu.memory_space<hbm>>
        tpu.enqueue_indirect_dma source(%dma_start3A_290 : memref<5120x128xf32, #tpu.memory_space<hbm>>) target(%arg14 : memref<128x128xf32, #tpu.memory_space<vmem>>) offsets(%arg13 : memref<128xi32, #tpu.memory_space<vmem>>) semaphore(%arg19 : memref<!tpu.dma_semaphore, #tpu.memory_space<semaphore_mem>>)
        %dma_start3A_291 = arith.constant 0 : i32
        %dma_start3A_292 = arith.constant 0 : i32
        %dma_start3A_293 = tpu.memref_slice %arg5[%dma_start3A_291, %dma_start3A_292] : memref<5120x128xf32, #tpu.memory_space<hbm>> -> memref<5120x128xf32, #tpu.memory_space<hbm>>
        tpu.enqueue_indirect_dma source(%dma_start3A_293 : memref<5120x128xf32, #tpu.memory_space<hbm>>) target(%arg15 : memref<128x128xf32, #tpu.memory_space<vmem>>) offsets(%arg12 : memref<128xi32, #tpu.memory_space<vmem>>) semaphore(%arg20 : memref<!tpu.dma_semaphore, #tpu.memory_space<semaphore_mem>>)
        %dma_wait3A = arith.constant 0 : i32
        %dma_wait3A_294 = arith.constant 0 : i32
        %dma_wait3A_295 = tpu.memref_slice %arg4[%dma_wait3A, %dma_wait3A_294] : memref<5120x128xf32, #tpu.memory_space<hbm>> -> memref<5120x128xf32, #tpu.memory_space<hbm>>
        tpu.wait_indirect_dma semaphore(%arg19 : memref<!tpu.dma_semaphore, #tpu.memory_space<semaphore_mem>>) src(%dma_wait3A_295 : memref<5120x128xf32, #tpu.memory_space<hbm>>) dst(%arg14 : memref<128x128xf32, #tpu.memory_space<vmem>>)
        %dma_wait3A_296 = arith.constant 0 : i32
        %dma_wait3A_297 = arith.constant 0 : i32
        %dma_wait3A_298 = tpu.memref_slice %arg5[%dma_wait3A_296, %dma_wait3A_297] : memref<5120x128xf32, #tpu.memory_space<hbm>> -> memref<5120x128xf32, #tpu.memory_space<hbm>>
        tpu.wait_indirect_dma semaphore(%arg20 : memref<!tpu.dma_semaphore, #tpu.memory_space<semaphore_mem>>) src(%dma_wait3A_298 : memref<5120x128xf32, #tpu.memory_space<hbm>>) dst(%arg15 : memref<128x128xf32, #tpu.memory_space<vmem>>)
        %scan3A_299 = arith.constant 0 : i32
        %scan3A_300 = arith.constant 0 : i32
        %scan3A_301 = arith.constant 128 : i32
        %scan3A_302 = arith.addi %scan3A_300, %scan3A_301 : i32
        %scan3A_303 = arith.constant 1 : i32
        scf.for %scan3A_305 = %scan3A_300 to %scan3A_302 step %scan3A_303  : i32 {
          %broadcast_in_dim3A_306 = arith.constant 0 : i32
          %broadcast_in_dim3A_307 = vector.broadcast %broadcast_in_dim3A_306 : i32 to vector<16xi32>
          %add3A_308 = vector.broadcast %scan3A_305 : i32 to vector<16xi32>
          %add3A_309 = arith.addi %broadcast_in_dim3A_307, %add3A_308 : vector<16xi32>
          %iota3A = tpu.iota {dimensions = array<i32: 0>} : vector<16xi32>
          %add3A_310 = arith.constant 0 : i32
          %add3A_311 = vector.broadcast %add3A_310 : i32 to vector<16xi32>
          %add3A_312 = arith.addi %add3A_311, %iota3A : vector<16xi32>
          %gather3A_313 = tpu.vector_load_idx %arg14[%add3A_309, %add3A_312] : memref<128x128xf32, #tpu.memory_space<vmem>>[vector<16xi32>, vector<16xi32>], vector<16xf32>,
          %gather3A_314 = tpu.vector_load_idx %arg15[%add3A_309, %add3A_312] : memref<128x128xf32, #tpu.memory_space<vmem>>[vector<16xi32>, vector<16xi32>], vector<16xf32>,
          %add3A_315 = arith.addf %gather3A_313, %gather3A_314 : vector<16xf32>
          %mul3A_316 = arith.constant 0.00999999977 : f32
          %mul3A_317 = vector.broadcast %mul3A_316 : f32 to vector<16xf32>
          %mul3A_318 = arith.mulf %mul3A_317, %add3A_315 : vector<16xf32>
          %max3A = arith.maximumf %add3A_315, %mul3A_318 : vector<16xf32>
          tpu.vector_store_idx %arg14[%add3A_309, %add3A_312], %max3A : memref<128x128xf32, #tpu.memory_space<vmem>>[vector<16xi32>, vector<16xi32>], vector<16xf32>,
          %iota3A_319 = tpu.iota {dimensions = array<i32: 0>} : vector<16xi32>
          %add3A_320 = arith.constant 16 : i32
          %add3A_321 = vector.broadcast %add3A_320 : i32 to vector<16xi32>
          %add3A_322 = arith.addi %add3A_321, %iota3A_319 : vector<16xi32>
          %gather3A_323 = tpu.vector_load_idx %arg14[%add3A_309, %add3A_322] : memref<128x128xf32, #tpu.memory_space<vmem>>[vector<16xi32>, vector<16xi32>], vector<16xf32>,
          %gather3A_324 = tpu.vector_load_idx %arg15[%add3A_309, %add3A_322] : memref<128x128xf32, #tpu.memory_space<vmem>>[vector<16xi32>, vector<16xi32>], vector<16xf32>,
          %add3A_325 = arith.addf %gather3A_323, %gather3A_324 : vector<16xf32>
          %mul3A_326 = arith.constant 0.00999999977 : f32
          %mul3A_327 = vector.broadcast %mul3A_326 : f32 to vector<16xf32>
          %mul3A_328 = arith.mulf %mul3A_327, %add3A_325 : vector<16xf32>
          %max3A_329 = arith.maximumf %add3A_325, %mul3A_328 : vector<16xf32>
          tpu.vector_store_idx %arg14[%add3A_309, %add3A_322], %max3A_329 : memref<128x128xf32, #tpu.memory_space<vmem>>[vector<16xi32>, vector<16xi32>], vector<16xf32>,
          %iota3A_330 = tpu.iota {dimensions = array<i32: 0>} : vector<16xi32>
          %add3A_331 = arith.constant 32 : i32
          %add3A_332 = vector.broadcast %add3A_331 : i32 to vector<16xi32>
          %add3A_333 = arith.addi %add3A_332, %iota3A_330 : vector<16xi32>
          %gather3A_334 = tpu.vector_load_idx %arg14[%add3A_309, %add3A_333] : memref<128x128xf32, #tpu.memory_space<vmem>>[vector<16xi32>, vector<16xi32>], vector<16xf32>,
          %gather3A_335 = tpu.vector_load_idx %arg15[%add3A_309, %add3A_333] : memref<128x128xf32, #tpu.memory_space<vmem>>[vector<16xi32>, vector<16xi32>], vector<16xf32>,
          %add3A_336 = arith.addf %gather3A_334, %gather3A_335 : vector<16xf32>
          %mul3A_337 = arith.constant 0.00999999977 : f32
          %mul3A_338 = vector.broadcast %mul3A_337 : f32 to vector<16xf32>
          %mul3A_339 = arith.mulf %mul3A_338, %add3A_336 : vector<16xf32>
          %max3A_340 = arith.maximumf %add3A_336, %mul3A_339 : vector<16xf32>
          tpu.vector_store_idx %arg14[%add3A_309, %add3A_333], %max3A_340 : memref<128x128xf32, #tpu.memory_space<vmem>>[vector<16xi32>, vector<16xi32>], vector<16xf32>,
          %iota3A_341 = tpu.iota {dimensions = array<i32: 0>} : vector<16xi32>
          %add3A_342 = arith.constant 48 : i32
          %add3A_343 = vector.broadcast %add3A_342 : i32 to vector<16xi32>
          %add3A_344 = arith.addi %add3A_343, %iota3A_341 : vector<16xi32>
          %gather3A_345 = tpu.vector_load_idx %arg14[%add3A_309, %add3A_344] : memref<128x128xf32, #tpu.memory_space<vmem>>[vector<16xi32>, vector<16xi32>], vector<16xf32>,
          %gather3A_346 = tpu.vector_load_idx %arg15[%add3A_309, %add3A_344] : memref<128x128xf32, #tpu.memory_space<vmem>>[vector<16xi32>, vector<16xi32>], vector<16xf32>,
          %add3A_347 = arith.addf %gather3A_345, %gather3A_346 : vector<16xf32>
          %mul3A_348 = arith.constant 0.00999999977 : f32
          %mul3A_349 = vector.broadcast %mul3A_348 : f32 to vector<16xf32>
          %mul3A_350 = arith.mulf %mul3A_349, %add3A_347 : vector<16xf32>
          %max3A_351 = arith.maximumf %add3A_347, %mul3A_350 : vector<16xf32>
          tpu.vector_store_idx %arg14[%add3A_309, %add3A_344], %max3A_351 : memref<128x128xf32, #tpu.memory_space<vmem>>[vector<16xi32>, vector<16xi32>], vector<16xf32>,
          %iota3A_352 = tpu.iota {dimensions = array<i32: 0>} : vector<16xi32>
          %add3A_353 = arith.constant 64 : i32
          %add3A_354 = vector.broadcast %add3A_353 : i32 to vector<16xi32>
          %add3A_355 = arith.addi %add3A_354, %iota3A_352 : vector<16xi32>
          %gather3A_356 = tpu.vector_load_idx %arg14[%add3A_309, %add3A_355] : memref<128x128xf32, #tpu.memory_space<vmem>>[vector<16xi32>, vector<16xi32>], vector<16xf32>,
          %gather3A_357 = tpu.vector_load_idx %arg15[%add3A_309, %add3A_355] : memref<128x128xf32, #tpu.memory_space<vmem>>[vector<16xi32>, vector<16xi32>], vector<16xf32>,
          %add3A_358 = arith.addf %gather3A_356, %gather3A_357 : vector<16xf32>
          %mul3A_359 = arith.constant 0.00999999977 : f32
          %mul3A_360 = vector.broadcast %mul3A_359 : f32 to vector<16xf32>
          %mul3A_361 = arith.mulf %mul3A_360, %add3A_358 : vector<16xf32>
          %max3A_362 = arith.maximumf %add3A_358, %mul3A_361 : vector<16xf32>
          tpu.vector_store_idx %arg14[%add3A_309, %add3A_355], %max3A_362 : memref<128x128xf32, #tpu.memory_space<vmem>>[vector<16xi32>, vector<16xi32>], vector<16xf32>,
          %iota3A_363 = tpu.iota {dimensions = array<i32: 0>} : vector<16xi32>
          %add3A_364 = arith.constant 80 : i32
          %add3A_365 = vector.broadcast %add3A_364 : i32 to vector<16xi32>
          %add3A_366 = arith.addi %add3A_365, %iota3A_363 : vector<16xi32>
          %gather3A_367 = tpu.vector_load_idx %arg14[%add3A_309, %add3A_366] : memref<128x128xf32, #tpu.memory_space<vmem>>[vector<16xi32>, vector<16xi32>], vector<16xf32>,
          %gather3A_368 = tpu.vector_load_idx %arg15[%add3A_309, %add3A_366] : memref<128x128xf32, #tpu.memory_space<vmem>>[vector<16xi32>, vector<16xi32>], vector<16xf32>,
          %add3A_369 = arith.addf %gather3A_367, %gather3A_368 : vector<16xf32>
          %mul3A_370 = arith.constant 0.00999999977 : f32
          %mul3A_371 = vector.broadcast %mul3A_370 : f32 to vector<16xf32>
          %mul3A_372 = arith.mulf %mul3A_371, %add3A_369 : vector<16xf32>
          %max3A_373 = arith.maximumf %add3A_369, %mul3A_372 : vector<16xf32>
          tpu.vector_store_idx %arg14[%add3A_309, %add3A_366], %max3A_373 : memref<128x128xf32, #tpu.memory_space<vmem>>[vector<16xi32>, vector<16xi32>], vector<16xf32>,
          %iota3A_374 = tpu.iota {dimensions = array<i32: 0>} : vector<16xi32>
          %add3A_375 = arith.constant 96 : i32
          %add3A_376 = vector.broadcast %add3A_375 : i32 to vector<16xi32>
          %add3A_377 = arith.addi %add3A_376, %iota3A_374 : vector<16xi32>
          %gather3A_378 = tpu.vector_load_idx %arg14[%add3A_309, %add3A_377] : memref<128x128xf32, #tpu.memory_space<vmem>>[vector<16xi32>, vector<16xi32>], vector<16xf32>,
          %gather3A_379 = tpu.vector_load_idx %arg15[%add3A_309, %add3A_377] : memref<128x128xf32, #tpu.memory_space<vmem>>[vector<16xi32>, vector<16xi32>], vector<16xf32>,
          %add3A_380 = arith.addf %gather3A_378, %gather3A_379 : vector<16xf32>
          %mul3A_381 = arith.constant 0.00999999977 : f32
          %mul3A_382 = vector.broadcast %mul3A_381 : f32 to vector<16xf32>
          %mul3A_383 = arith.mulf %mul3A_382, %add3A_380 : vector<16xf32>
          %max3A_384 = arith.maximumf %add3A_380, %mul3A_383 : vector<16xf32>
          tpu.vector_store_idx %arg14[%add3A_309, %add3A_377], %max3A_384 : memref<128x128xf32, #tpu.memory_space<vmem>>[vector<16xi32>, vector<16xi32>], vector<16xf32>,
          %iota3A_385 = tpu.iota {dimensions = array<i32: 0>} : vector<16xi32>
          %add3A_386 = arith.constant 112 : i32
          %add3A_387 = vector.broadcast %add3A_386 : i32 to vector<16xi32>
          %add3A_388 = arith.addi %add3A_387, %iota3A_385 : vector<16xi32>
          %gather3A_389 = tpu.vector_load_idx %arg14[%add3A_309, %add3A_388] : memref<128x128xf32, #tpu.memory_space<vmem>>[vector<16xi32>, vector<16xi32>], vector<16xf32>,
          %gather3A_390 = tpu.vector_load_idx %arg15[%add3A_309, %add3A_388] : memref<128x128xf32, #tpu.memory_space<vmem>>[vector<16xi32>, vector<16xi32>], vector<16xf32>,
          %add3A_391 = arith.addf %gather3A_389, %gather3A_390 : vector<16xf32>
          %mul3A_392 = arith.constant 0.00999999977 : f32
          %mul3A_393 = vector.broadcast %mul3A_392 : f32 to vector<16xf32>
          %mul3A_394 = arith.mulf %mul3A_393, %add3A_391 : vector<16xf32>
          %max3A_395 = arith.maximumf %add3A_391, %mul3A_394 : vector<16xf32>
          tpu.vector_store_idx %arg14[%add3A_309, %add3A_388], %max3A_395 : memref<128x128xf32, #tpu.memory_space<vmem>>[vector<16xi32>, vector<16xi32>], vector<16xf32>,
        }
        %scan3A_304 = arith.constant 128 : i32
        "tpu.region"() ({
          %run_scoped3A = tpu.sem_alloc : memref<!tpu.dma_semaphore, #tpu.memory_space<semaphore_mem>>
          %dma_start3A_305 = arith.constant 0 : i32
          %dma_start3A_306 = arith.constant 0 : i32
          %dma_start3A_307 = tpu.memref_slice %arg18[%dma_start3A_305, %dma_start3A_306] : memref<5120x128xf32, #tpu.memory_space<vmem_shared>> -> memref<5120x128xf32, #tpu.memory_space<vmem_shared>>
          tpu.enqueue_indirect_dma source(%arg14 : memref<128x128xf32, #tpu.memory_space<vmem>>) target(%dma_start3A_307 : memref<5120x128xf32, #tpu.memory_space<vmem_shared>>) offsets(%arg11 : memref<128xi32, #tpu.memory_space<vmem>>) semaphore(%run_scoped3A : memref<!tpu.dma_semaphore, #tpu.memory_space<semaphore_mem>>) {add = true}
          %dma_wait3A_308 = arith.constant 0 : i32
          %dma_wait3A_309 = arith.constant 0 : i32
          %dma_wait3A_310 = tpu.memref_slice %arg18[%dma_wait3A_308, %dma_wait3A_309] : memref<5120x128xf32, #tpu.memory_space<vmem_shared>> -> memref<5120x128xf32, #tpu.memory_space<vmem_shared>>
          tpu.wait_indirect_dma semaphore(%run_scoped3A : memref<!tpu.dma_semaphore, #tpu.memory_space<semaphore_mem>>) src(%arg14 : memref<128x128xf32, #tpu.memory_space<vmem>>) dst(%dma_wait3A_310 : memref<5120x128xf32, #tpu.memory_space<vmem_shared>>)
          tpu.yield
        }) : () -> ()
      }
      %scan3A_46 = arith.constant 157 : i32
    } else {
    }
    %barrier3A_34 = arith.constant 0 : index
    tpu.barrier barrier_id(%barrier3A_34)
    %mul3A_35 = arith.constant 320 : i32
    %mul3A_36 = arith.muli %arg1, %mul3A_35 : i32
    %mul3A_37 = arith.constant 320 : i32
    %mul3A_38 = arith.muli %arg1, %mul3A_37 : i32
    %add3A_39 = arith.constant 5120 : i32
    %add3A_40 = arith.addi %add3A_39, %mul3A_38 : i32
    "tpu.region"() ({
      %run_scoped3A = tpu.sem_alloc : memref<!tpu.dma_semaphore, #tpu.memory_space<semaphore_mem>>
      %dma_start3A = arith.constant 0 : i32
      %dma_start3A_41 = tpu.memref_slice %arg9[%arg0, %add3A_40, %dma_start3A] : memref<2x10240x128xf32, #tpu.memory_space<hbm>> -> memref<1x320x128xf32, #tpu.memory_space<hbm>>
      %dma_start3A_42 = tpu.memref_squeeze %dma_start3A_41 : memref<1x320x128xf32, #tpu.memory_space<hbm>> -> memref<320x128xf32, #tpu.memory_space<hbm>>
      %dma_start3A_43 = arith.constant 0 : i32
      %dma_start3A_44 = tpu.memref_slice %arg18[%mul3A_36, %dma_start3A_43] : memref<5120x128xf32, #tpu.memory_space<vmem_shared>> -> memref<320x128xf32, #tpu.memory_space<vmem_shared>>
      tpu.enqueue_dma source(%dma_start3A_44 : memref<320x128xf32, #tpu.memory_space<vmem_shared>>) target(%dma_start3A_42 : memref<320x128xf32, #tpu.memory_space<hbm>>) target_semaphore(%run_scoped3A : memref<!tpu.dma_semaphore, #tpu.memory_space<semaphore_mem>>)
      %dma_wait3A = arith.constant 0 : i32
      %dma_wait3A_45 = tpu.memref_slice %arg9[%arg0, %add3A_40, %dma_wait3A] : memref<2x10240x128xf32, #tpu.memory_space<hbm>> -> memref<1x320x128xf32, #tpu.memory_space<hbm>>
      %dma_wait3A_46 = tpu.memref_squeeze %dma_wait3A_45 : memref<1x320x128xf32, #tpu.memory_space<hbm>> -> memref<320x128xf32, #tpu.memory_space<hbm>>
      %dma_wait3A_47 = arith.constant 0 : i32
      %dma_wait3A_48 = tpu.memref_slice %arg18[%mul3A_36, %dma_wait3A_47] : memref<5120x128xf32, #tpu.memory_space<vmem_shared>> -> memref<320x128xf32, #tpu.memory_space<vmem_shared>>
      tpu.wait_dma2 semaphore(%run_scoped3A : memref<!tpu.dma_semaphore, #tpu.memory_space<semaphore_mem>>) src(%dma_wait3A_48 : memref<320x128xf32, #tpu.memory_space<vmem_shared>>) dst(%dma_wait3A_46 : memref<320x128xf32, #tpu.memory_space<hbm>>)
      tpu.yield
    }) : () -> ()
    return
  }
}

#map = affine_map<(d0, d1) -> (0, 0)>
#map1 = affine_map<(d0, d1) -> (0)>
#map2 = affine_map<(d0, d1) -> (0, 0, 0)>
module attributes {stable_mosaic.version = 14 : i64} {
  func.func @_sc_coarse(%arg0: i32, %arg1: i32, %arg2: memref<5120x128xf32, #tpu.memory_space<hbm>>, %arg3: memref<163840xi32, #tpu.memory_space<hbm>>, %arg4: memref<163840xi32, #tpu.memory_space<hbm>>, %arg5: memref<5120xi32, #tpu.memory_space<hbm>>, %arg6: memref<5120xf32, #tpu.memory_space<hbm>>, %arg7: memref<2x5120x128xf32, #tpu.memory_space<hbm>>, %arg8: memref<10240xi32, #tpu.memory_space<hbm>>, %arg9: memref<10240xf32, #tpu.memory_space<hbm>>, %arg10: memref<128xi32, #tpu.memory_space<vmem>>, %arg11: memref<128xi32, #tpu.memory_space<vmem>>, %arg12: memref<128xi32, #tpu.memory_space<vmem>>, %arg13: memref<128xi32, #tpu.memory_space<vmem>>, %arg14: memref<128x128xf32, #tpu.memory_space<vmem>>, %arg15: memref<128x128xf32, #tpu.memory_space<vmem>>, %arg16: memref<128x128xf32, #tpu.memory_space<vmem>>, %arg17: memref<160x128xf32, #tpu.memory_space<vmem>>, %arg18: memref<10240xi32, #tpu.memory_space<vmem>>, %arg19: memref<10240xf32, #tpu.memory_space<vmem>>, %arg20: memref<5120xi32, #tpu.memory_space<vmem>>, %arg21: memref<5120xf32, #tpu.memory_space<vmem>>, %arg22: memref<2560x128xf32, #tpu.memory_space<vmem_shared>>, %arg23: memref<!tpu.dma_semaphore, #tpu.memory_space<semaphore_mem>>, %arg24: memref<!tpu.dma_semaphore, #tpu.memory_space<semaphore_mem>>) attributes {dimension_semantics = [#tpu.dimension_semantics<core_parallel>, #tpu.dimension_semantics<subcore_parallel>], iteration_bounds = array<i64: 2, 16>, scalar_prefetch = 0 : i64, scratch_operands = 15 : i64, tpu.core_type = #tpu.core_type<sc_vector_subcore>, window_params = [{transform_indices = #map}, {transform_indices = #map1}, {transform_indices = #map1}, {transform_indices = #map1}, {transform_indices = #map1}, {transform_indices = #map2}, {transform_indices = #map1}, {transform_indices = #map1}]} {
    %scan3A = arith.constant 0 : i32
    %scan3A_0 = arith.constant 0 : i32
    %scan3A_1 = arith.constant 160 : i32
    %scan3A_2 = arith.addi %scan3A_0, %scan3A_1 : i32
    %scan3A_3 = arith.constant 1 : i32
    scf.for %scan3A_49 = %scan3A_0 to %scan3A_2 step %scan3A_3  : i32 {
      %broadcast_in_dim3A = arith.constant 0.000000e+00 : f32
      %broadcast_in_dim3A_50 = vector.broadcast %broadcast_in_dim3A : f32 to vector<16xf32>
      %swap3A = arith.index_cast %scan3A_49 : i32 to index
      %swap3A_51 = arith.constant 0 : index
      %swap3A_52 = tpu.vector_load %arg17[%swap3A, %swap3A_51] {strides = array<i32>} : memref<160x128xf32, #tpu.memory_space<vmem>>, vector<16xf32>,
      tpu.vector_store %arg17[%swap3A, %swap3A_51], %broadcast_in_dim3A_50 {strides = array<i32>} : memref<160x128xf32, #tpu.memory_space<vmem>>, vector<16xf32>,
      %broadcast_in_dim3A_53 = arith.constant 0.000000e+00 : f32
      %broadcast_in_dim3A_54 = vector.broadcast %broadcast_in_dim3A_53 : f32 to vector<16xf32>
      %swap3A_55 = arith.index_cast %scan3A_49 : i32 to index
      %swap3A_56 = arith.constant 16 : index
      %swap3A_57 = tpu.vector_load %arg17[%swap3A_55, %swap3A_56] {strides = array<i32>} : memref<160x128xf32, #tpu.memory_space<vmem>>, vector<16xf32>,
      tpu.vector_store %arg17[%swap3A_55, %swap3A_56], %broadcast_in_dim3A_54 {strides = array<i32>} : memref<160x128xf32, #tpu.memory_space<vmem>>, vector<16xf32>,
      %broadcast_in_dim3A_58 = arith.constant 0.000000e+00 : f32
      %broadcast_in_dim3A_59 = vector.broadcast %broadcast_in_dim3A_58 : f32 to vector<16xf32>
      %swap3A_60 = arith.index_cast %scan3A_49 : i32 to index
      %swap3A_61 = arith.constant 32 : index
      %swap3A_62 = tpu.vector_load %arg17[%swap3A_60, %swap3A_61] {strides = array<i32>} : memref<160x128xf32, #tpu.memory_space<vmem>>, vector<16xf32>,
      tpu.vector_store %arg17[%swap3A_60, %swap3A_61], %broadcast_in_dim3A_59 {strides = array<i32>} : memref<160x128xf32, #tpu.memory_space<vmem>>, vector<16xf32>,
      %broadcast_in_dim3A_63 = arith.constant 0.000000e+00 : f32
      %broadcast_in_dim3A_64 = vector.broadcast %broadcast_in_dim3A_63 : f32 to vector<16xf32>
      %swap3A_65 = arith.index_cast %scan3A_49 : i32 to index
      %swap3A_66 = arith.constant 48 : index
      %swap3A_67 = tpu.vector_load %arg17[%swap3A_65, %swap3A_66] {strides = array<i32>} : memref<160x128xf32, #tpu.memory_space<vmem>>, vector<16xf32>,
      tpu.vector_store %arg17[%swap3A_65, %swap3A_66], %broadcast_in_dim3A_64 {strides = array<i32>} : memref<160x128xf32, #tpu.memory_space<vmem>>, vector<16xf32>,
      %broadcast_in_dim3A_68 = arith.constant 0.000000e+00 : f32
      %broadcast_in_dim3A_69 = vector.broadcast %broadcast_in_dim3A_68 : f32 to vector<16xf32>
      %swap3A_70 = arith.index_cast %scan3A_49 : i32 to index
      %swap3A_71 = arith.constant 64 : index
      %swap3A_72 = tpu.vector_load %arg17[%swap3A_70, %swap3A_71] {strides = array<i32>} : memref<160x128xf32, #tpu.memory_space<vmem>>, vector<16xf32>,
      tpu.vector_store %arg17[%swap3A_70, %swap3A_71], %broadcast_in_dim3A_69 {strides = array<i32>} : memref<160x128xf32, #tpu.memory_space<vmem>>, vector<16xf32>,
      %broadcast_in_dim3A_73 = arith.constant 0.000000e+00 : f32
      %broadcast_in_dim3A_74 = vector.broadcast %broadcast_in_dim3A_73 : f32 to vector<16xf32>
      %swap3A_75 = arith.index_cast %scan3A_49 : i32 to index
      %swap3A_76 = arith.constant 80 : index
      %swap3A_77 = tpu.vector_load %arg17[%swap3A_75, %swap3A_76] {strides = array<i32>} : memref<160x128xf32, #tpu.memory_space<vmem>>, vector<16xf32>,
      tpu.vector_store %arg17[%swap3A_75, %swap3A_76], %broadcast_in_dim3A_74 {strides = array<i32>} : memref<160x128xf32, #tpu.memory_space<vmem>>, vector<16xf32>,
      %broadcast_in_dim3A_78 = arith.constant 0.000000e+00 : f32
      %broadcast_in_dim3A_79 = vector.broadcast %broadcast_in_dim3A_78 : f32 to vector<16xf32>
      %swap3A_80 = arith.index_cast %scan3A_49 : i32 to index
      %swap3A_81 = arith.constant 96 : index
      %swap3A_82 = tpu.vector_load %arg17[%swap3A_80, %swap3A_81] {strides = array<i32>} : memref<160x128xf32, #tpu.memory_space<vmem>>, vector<16xf32>,
      tpu.vector_store %arg17[%swap3A_80, %swap3A_81], %broadcast_in_dim3A_79 {strides = array<i32>} : memref<160x128xf32, #tpu.memory_space<vmem>>, vector<16xf32>,
      %broadcast_in_dim3A_83 = arith.constant 0.000000e+00 : f32
      %broadcast_in_dim3A_84 = vector.broadcast %broadcast_in_dim3A_83 : f32 to vector<16xf32>
      %swap3A_85 = arith.index_cast %scan3A_49 : i32 to index
      %swap3A_86 = arith.constant 112 : index
      %swap3A_87 = tpu.vector_load %arg17[%swap3A_85, %swap3A_86] {strides = array<i32>} : memref<160x128xf32, #tpu.memory_space<vmem>>, vector<16xf32>,
      tpu.vector_store %arg17[%swap3A_85, %swap3A_86], %broadcast_in_dim3A_84 {strides = array<i32>} : memref<160x128xf32, #tpu.memory_space<vmem>>, vector<16xf32>,
    }
    %scan3A_4 = arith.constant 160 : i32
    %scan3A_5 = arith.constant 0 : i32
    %scan3A_6 = arith.constant 0 : i32
    %scan3A_7 = arith.constant 128 : i32
    %scan3A_8 = arith.addi %scan3A_6, %scan3A_7 : i32
    %scan3A_9 = arith.constant 1 : i32
    scf.for %scan3A_49 = %scan3A_6 to %scan3A_8 step %scan3A_9  : i32 {
      %broadcast_in_dim3A = arith.constant 0.000000e+00 : f32
      %broadcast_in_dim3A_50 = vector.broadcast %broadcast_in_dim3A : f32 to vector<16xf32>
      %swap3A = arith.index_cast %scan3A_49 : i32 to index
      %swap3A_51 = arith.constant 64 : index
      %swap3A_52 = tpu.vector_load %arg16[%swap3A, %swap3A_51] {strides = array<i32>} : memref<128x128xf32, #tpu.memory_space<vmem>>, vector<16xf32>,
      tpu.vector_store %arg16[%swap3A, %swap3A_51], %broadcast_in_dim3A_50 {strides = array<i32>} : memref<128x128xf32, #tpu.memory_space<vmem>>, vector<16xf32>,
      %broadcast_in_dim3A_53 = arith.constant 0.000000e+00 : f32
      %broadcast_in_dim3A_54 = vector.broadcast %broadcast_in_dim3A_53 : f32 to vector<16xf32>
      %swap3A_55 = arith.index_cast %scan3A_49 : i32 to index
      %swap3A_56 = arith.constant 80 : index
      %swap3A_57 = tpu.vector_load %arg16[%swap3A_55, %swap3A_56] {strides = array<i32>} : memref<128x128xf32, #tpu.memory_space<vmem>>, vector<16xf32>,
      tpu.vector_store %arg16[%swap3A_55, %swap3A_56], %broadcast_in_dim3A_54 {strides = array<i32>} : memref<128x128xf32, #tpu.memory_space<vmem>>, vector<16xf32>,
      %broadcast_in_dim3A_58 = arith.constant 0.000000e+00 : f32
      %broadcast_in_dim3A_59 = vector.broadcast %broadcast_in_dim3A_58 : f32 to vector<16xf32>
      %swap3A_60 = arith.index_cast %scan3A_49 : i32 to index
      %swap3A_61 = arith.constant 96 : index
      %swap3A_62 = tpu.vector_load %arg16[%swap3A_60, %swap3A_61] {strides = array<i32>} : memref<128x128xf32, #tpu.memory_space<vmem>>, vector<16xf32>,
      tpu.vector_store %arg16[%swap3A_60, %swap3A_61], %broadcast_in_dim3A_59 {strides = array<i32>} : memref<128x128xf32, #tpu.memory_space<vmem>>, vector<16xf32>,
      %broadcast_in_dim3A_63 = arith.constant 0.000000e+00 : f32
      %broadcast_in_dim3A_64 = vector.broadcast %broadcast_in_dim3A_63 : f32 to vector<16xf32>
      %swap3A_65 = arith.index_cast %scan3A_49 : i32 to index
      %swap3A_66 = arith.constant 112 : index
      %swap3A_67 = tpu.vector_load %arg16[%swap3A_65, %swap3A_66] {strides = array<i32>} : memref<128x128xf32, #tpu.memory_space<vmem>>, vector<16xf32>,
      tpu.vector_store %arg16[%swap3A_65, %swap3A_66], %broadcast_in_dim3A_64 {strides = array<i32>} : memref<128x128xf32, #tpu.memory_space<vmem>>, vector<16xf32>,
    }
    %scan3A_10 = arith.constant 128 : i32
    %mul3A = arith.constant 16 : i32
    %mul3A_11 = arith.muli %arg0, %mul3A : i32
    %add3A = arith.addi %mul3A_11, %arg1 : i32
    %mul3A_12 = arith.constant 5120 : i32
    %mul3A_13 = arith.muli %add3A, %mul3A_12 : i32
    %mul3A_14 = arith.constant 160 : i32
    %mul3A_15 = arith.muli %arg1, %mul3A_14 : i32
    "tpu.region"() ({
      %run_scoped3A = tpu.sem_alloc : memref<!tpu.dma_semaphore, #tpu.memory_space<semaphore_mem>>
      %dma_start3A = arith.constant 0 : i32
      %dma_start3A_49 = tpu.memref_slice %arg22[%mul3A_15, %dma_start3A] : memref<2560x128xf32, #tpu.memory_space<vmem_shared>> -> memref<160x128xf32, #tpu.memory_space<vmem_shared>>
      %dma_start3A_50 = arith.constant 0 : i32
      %dma_start3A_51 = tpu.memref_slice %arg22[%mul3A_15, %dma_start3A_50] : memref<2560x128xf32, #tpu.memory_space<vmem_shared>> -> memref<160x128xf32, #tpu.memory_space<vmem_shared>>
      tpu.enqueue_dma source(%arg17 : memref<160x128xf32, #tpu.memory_space<vmem>>) target(%dma_start3A_51 : memref<160x128xf32, #tpu.memory_space<vmem_shared>>) target_semaphore(%run_scoped3A : memref<!tpu.dma_semaphore, #tpu.memory_space<semaphore_mem>>)
      %dma_wait3A = arith.constant 0 : i32
      %dma_wait3A_52 = tpu.memref_slice %arg22[%mul3A_15, %dma_wait3A] : memref<2560x128xf32, #tpu.memory_space<vmem_shared>> -> memref<160x128xf32, #tpu.memory_space<vmem_shared>>
      %dma_wait3A_53 = arith.constant 0 : i32
      %dma_wait3A_54 = tpu.memref_slice %arg22[%mul3A_15, %dma_wait3A_53] : memref<2560x128xf32, #tpu.memory_space<vmem_shared>> -> memref<160x128xf32, #tpu.memory_space<vmem_shared>>
      tpu.wait_dma2 semaphore(%run_scoped3A : memref<!tpu.dma_semaphore, #tpu.memory_space<semaphore_mem>>) src(%arg17 : memref<160x128xf32, #tpu.memory_space<vmem>>) dst(%dma_wait3A_54 : memref<160x128xf32, #tpu.memory_space<vmem_shared>>)
      tpu.yield
    }) : () -> ()
    %barrier3A = arith.constant 0 : index
    tpu.barrier barrier_id(%barrier3A)
    %scan3A_16 = arith.constant 0 : i32
    %scan3A_17 = arith.constant 0 : i32
    %scan3A_18 = arith.constant 40 : i32
    %scan3A_19 = arith.addi %scan3A_17, %scan3A_18 : i32
    %scan3A_20 = arith.constant 1 : i32
    scf.for %scan3A_49 = %scan3A_17 to %scan3A_19 step %scan3A_20  : i32 {
      %mul3A_50 = arith.constant 128 : i32
      %mul3A_51 = arith.muli %scan3A_49, %mul3A_50 : i32
      %add3A_52 = arith.addi %mul3A_13, %mul3A_51 : i32
      "tpu.region"() ({
        %run_scoped3A = tpu.sem_alloc : memref<!tpu.dma_semaphore, #tpu.memory_space<semaphore_mem>>
        %dma_start3A_285 = tpu.memref_slice %arg3[%add3A_52] : memref<163840xi32, #tpu.memory_space<hbm>> -> memref<128xi32, #tpu.memory_space<hbm>>
        %dma_start3A_286 = tpu.memref_slice %arg3[%add3A_52] : memref<163840xi32, #tpu.memory_space<hbm>> -> memref<128xi32, #tpu.memory_space<hbm>>
        tpu.enqueue_dma source(%dma_start3A_286 : memref<128xi32, #tpu.memory_space<hbm>>) target(%arg10 : memref<128xi32, #tpu.memory_space<vmem>>) target_semaphore(%run_scoped3A : memref<!tpu.dma_semaphore, #tpu.memory_space<semaphore_mem>>)
        %dma_wait3A_287 = tpu.memref_slice %arg3[%add3A_52] : memref<163840xi32, #tpu.memory_space<hbm>> -> memref<128xi32, #tpu.memory_space<hbm>>
        %dma_wait3A_288 = tpu.memref_slice %arg3[%add3A_52] : memref<163840xi32, #tpu.memory_space<hbm>> -> memref<128xi32, #tpu.memory_space<hbm>>
        tpu.wait_dma2 semaphore(%run_scoped3A : memref<!tpu.dma_semaphore, #tpu.memory_space<semaphore_mem>>) src(%dma_wait3A_288 : memref<128xi32, #tpu.memory_space<hbm>>) dst(%arg10 : memref<128xi32, #tpu.memory_space<vmem>>)
        tpu.yield
      }) : () -> ()
      "tpu.region"() ({
        %run_scoped3A = tpu.sem_alloc : memref<!tpu.dma_semaphore, #tpu.memory_space<semaphore_mem>>
        %dma_start3A_285 = tpu.memref_slice %arg4[%add3A_52] : memref<163840xi32, #tpu.memory_space<hbm>> -> memref<128xi32, #tpu.memory_space<hbm>>
        %dma_start3A_286 = tpu.memref_slice %arg4[%add3A_52] : memref<163840xi32, #tpu.memory_space<hbm>> -> memref<128xi32, #tpu.memory_space<hbm>>
        tpu.enqueue_dma source(%dma_start3A_286 : memref<128xi32, #tpu.memory_space<hbm>>) target(%arg11 : memref<128xi32, #tpu.memory_space<vmem>>) target_semaphore(%run_scoped3A : memref<!tpu.dma_semaphore, #tpu.memory_space<semaphore_mem>>)
        %dma_wait3A_287 = tpu.memref_slice %arg4[%add3A_52] : memref<163840xi32, #tpu.memory_space<hbm>> -> memref<128xi32, #tpu.memory_space<hbm>>
        %dma_wait3A_288 = tpu.memref_slice %arg4[%add3A_52] : memref<163840xi32, #tpu.memory_space<hbm>> -> memref<128xi32, #tpu.memory_space<hbm>>
        tpu.wait_dma2 semaphore(%run_scoped3A : memref<!tpu.dma_semaphore, #tpu.memory_space<semaphore_mem>>) src(%dma_wait3A_288 : memref<128xi32, #tpu.memory_space<hbm>>) dst(%arg11 : memref<128xi32, #tpu.memory_space<vmem>>)
        tpu.yield
      }) : () -> ()
      %get3A = arith.constant 0 : index
      %get3A_53 = tpu.vector_load %arg10[%get3A] {strides = array<i32>} : memref<128xi32, #tpu.memory_space<vmem>>, vector<16xi32>,
      %get3A_54 = arith.constant 0 : index
      %get3A_55 = tpu.vector_load %arg11[%get3A_54] {strides = array<i32>} : memref<128xi32, #tpu.memory_space<vmem>>, vector<16xi32>,
      %sub3A = vector.broadcast %scan3A_16 : i32 to vector<16xi32>
      %sub3A_56 = arith.subi %get3A_55, %sub3A : vector<16xi32>
      %ge3A = arith.constant 0 : i32
      %ge3A_57 = vector.broadcast %ge3A : i32 to vector<16xi32>
      %ge3A_58 = arith.cmpi sge, %sub3A_56, %ge3A_57 : vector<16xi32>
      %lt3A = arith.constant 2560 : i32
      %lt3A_59 = vector.broadcast %lt3A : i32 to vector<16xi32>
      %lt3A_60 = arith.cmpi slt, %sub3A_56, %lt3A_59 : vector<16xi32>
      %and3A_61 = arith.andi %ge3A_58, %lt3A_60 : vector<16xi1>
      %jit3A = arith.constant 0 : i32
      %broadcast_in_dim3A = vector.broadcast %jit3A : i32 to vector<16xi32>
      %select_n3A = arith.select %and3A_61, %sub3A_56, %broadcast_in_dim3A : vector<16xi1>, vector<16xi32>
      %swap3A = arith.constant 0 : index
      %swap3A_62 = tpu.vector_load %arg11[%swap3A] {strides = array<i32>} : memref<128xi32, #tpu.memory_space<vmem>>, vector<16xi32>,
      tpu.vector_store %arg11[%swap3A], %select_n3A {strides = array<i32>} : memref<128xi32, #tpu.memory_space<vmem>>, vector<16xi32>,
      %jit3A_63 = arith.constant 5002 : i32
      %broadcast_in_dim3A_64 = vector.broadcast %jit3A_63 : i32 to vector<16xi32>
      %select_n3A_65 = arith.select %and3A_61, %get3A_55, %broadcast_in_dim3A_64 : vector<16xi1>, vector<16xi32>
      %swap3A_66 = arith.constant 0 : index
      %swap3A_67 = tpu.vector_load %arg13[%swap3A_66] {strides = array<i32>} : memref<128xi32, #tpu.memory_space<vmem>>, vector<16xi32>,
      tpu.vector_store %arg13[%swap3A_66], %select_n3A_65 {strides = array<i32>} : memref<128xi32, #tpu.memory_space<vmem>>, vector<16xi32>,
      %jit3A_68 = arith.constant 5002 : i32
      %broadcast_in_dim3A_69 = vector.broadcast %jit3A_68 : i32 to vector<16xi32>
      %select_n3A_70 = arith.select %and3A_61, %get3A_53, %broadcast_in_dim3A_69 : vector<16xi1>, vector<16xi32>
      %swap3A_71 = arith.constant 0 : index
      %swap3A_72 = tpu.vector_load %arg12[%swap3A_71] {strides = array<i32>} : memref<128xi32, #tpu.memory_space<vmem>>, vector<16xi32>,
      tpu.vector_store %arg12[%swap3A_71], %select_n3A_70 {strides = array<i32>} : memref<128xi32, #tpu.memory_space<vmem>>, vector<16xi32>,
      %get3A_73 = arith.constant 16 : index
      %get3A_74 = tpu.vector_load %arg10[%get3A_73] {strides = array<i32>} : memref<128xi32, #tpu.memory_space<vmem>>, vector<16xi32>,
      %get3A_75 = arith.constant 16 : index
      %get3A_76 = tpu.vector_load %arg11[%get3A_75] {strides = array<i32>} : memref<128xi32, #tpu.memory_space<vmem>>, vector<16xi32>,
      %sub3A_77 = vector.broadcast %scan3A_16 : i32 to vector<16xi32>
      %sub3A_78 = arith.subi %get3A_76, %sub3A_77 : vector<16xi32>
      %ge3A_79 = arith.constant 0 : i32
      %ge3A_80 = vector.broadcast %ge3A_79 : i32 to vector<16xi32>
      %ge3A_81 = arith.cmpi sge, %sub3A_78, %ge3A_80 : vector<16xi32>
      %lt3A_82 = arith.constant 2560 : i32
      %lt3A_83 = vector.broadcast %lt3A_82 : i32 to vector<16xi32>
      %lt3A_84 = arith.cmpi slt, %sub3A_78, %lt3A_83 : vector<16xi32>
      %and3A_85 = arith.andi %ge3A_81, %lt3A_84 : vector<16xi1>
      %jit3A_86 = arith.constant 0 : i32
      %broadcast_in_dim3A_87 = vector.broadcast %jit3A_86 : i32 to vector<16xi32>
      %select_n3A_88 = arith.select %and3A_85, %sub3A_78, %broadcast_in_dim3A_87 : vector<16xi1>, vector<16xi32>
      %swap3A_89 = arith.constant 16 : index
      %swap3A_90 = tpu.vector_load %arg11[%swap3A_89] {strides = array<i32>} : memref<128xi32, #tpu.memory_space<vmem>>, vector<16xi32>,
      tpu.vector_store %arg11[%swap3A_89], %select_n3A_88 {strides = array<i32>} : memref<128xi32, #tpu.memory_space<vmem>>, vector<16xi32>,
      %jit3A_91 = arith.constant 5002 : i32
      %broadcast_in_dim3A_92 = vector.broadcast %jit3A_91 : i32 to vector<16xi32>
      %select_n3A_93 = arith.select %and3A_85, %get3A_76, %broadcast_in_dim3A_92 : vector<16xi1>, vector<16xi32>
      %swap3A_94 = arith.constant 16 : index
      %swap3A_95 = tpu.vector_load %arg13[%swap3A_94] {strides = array<i32>} : memref<128xi32, #tpu.memory_space<vmem>>, vector<16xi32>,
      tpu.vector_store %arg13[%swap3A_94], %select_n3A_93 {strides = array<i32>} : memref<128xi32, #tpu.memory_space<vmem>>, vector<16xi32>,
      %jit3A_96 = arith.constant 5002 : i32
      %broadcast_in_dim3A_97 = vector.broadcast %jit3A_96 : i32 to vector<16xi32>
      %select_n3A_98 = arith.select %and3A_85, %get3A_74, %broadcast_in_dim3A_97 : vector<16xi1>, vector<16xi32>
      %swap3A_99 = arith.constant 16 : index
      %swap3A_100 = tpu.vector_load %arg12[%swap3A_99] {strides = array<i32>} : memref<128xi32, #tpu.memory_space<vmem>>, vector<16xi32>,
      tpu.vector_store %arg12[%swap3A_99], %select_n3A_98 {strides = array<i32>} : memref<128xi32, #tpu.memory_space<vmem>>, vector<16xi32>,
      %get3A_101 = arith.constant 32 : index
      %get3A_102 = tpu.vector_load %arg10[%get3A_101] {strides = array<i32>} : memref<128xi32, #tpu.memory_space<vmem>>, vector<16xi32>,
      %get3A_103 = arith.constant 32 : index
      %get3A_104 = tpu.vector_load %arg11[%get3A_103] {strides = array<i32>} : memref<128xi32, #tpu.memory_space<vmem>>, vector<16xi32>,
      %sub3A_105 = vector.broadcast %scan3A_16 : i32 to vector<16xi32>
      %sub3A_106 = arith.subi %get3A_104, %sub3A_105 : vector<16xi32>
      %ge3A_107 = arith.constant 0 : i32
      %ge3A_108 = vector.broadcast %ge3A_107 : i32 to vector<16xi32>
      %ge3A_109 = arith.cmpi sge, %sub3A_106, %ge3A_108 : vector<16xi32>
      %lt3A_110 = arith.constant 2560 : i32
      %lt3A_111 = vector.broadcast %lt3A_110 : i32 to vector<16xi32>
      %lt3A_112 = arith.cmpi slt, %sub3A_106, %lt3A_111 : vector<16xi32>
      %and3A_113 = arith.andi %ge3A_109, %lt3A_112 : vector<16xi1>
      %jit3A_114 = arith.constant 0 : i32
      %broadcast_in_dim3A_115 = vector.broadcast %jit3A_114 : i32 to vector<16xi32>
      %select_n3A_116 = arith.select %and3A_113, %sub3A_106, %broadcast_in_dim3A_115 : vector<16xi1>, vector<16xi32>
      %swap3A_117 = arith.constant 32 : index
      %swap3A_118 = tpu.vector_load %arg11[%swap3A_117] {strides = array<i32>} : memref<128xi32, #tpu.memory_space<vmem>>, vector<16xi32>,
      tpu.vector_store %arg11[%swap3A_117], %select_n3A_116 {strides = array<i32>} : memref<128xi32, #tpu.memory_space<vmem>>, vector<16xi32>,
      %jit3A_119 = arith.constant 5002 : i32
      %broadcast_in_dim3A_120 = vector.broadcast %jit3A_119 : i32 to vector<16xi32>
      %select_n3A_121 = arith.select %and3A_113, %get3A_104, %broadcast_in_dim3A_120 : vector<16xi1>, vector<16xi32>
      %swap3A_122 = arith.constant 32 : index
      %swap3A_123 = tpu.vector_load %arg13[%swap3A_122] {strides = array<i32>} : memref<128xi32, #tpu.memory_space<vmem>>, vector<16xi32>,
      tpu.vector_store %arg13[%swap3A_122], %select_n3A_121 {strides = array<i32>} : memref<128xi32, #tpu.memory_space<vmem>>, vector<16xi32>,
      %jit3A_124 = arith.constant 5002 : i32
      %broadcast_in_dim3A_125 = vector.broadcast %jit3A_124 : i32 to vector<16xi32>
      %select_n3A_126 = arith.select %and3A_113, %get3A_102, %broadcast_in_dim3A_125 : vector<16xi1>, vector<16xi32>
      %swap3A_127 = arith.constant 32 : index
      %swap3A_128 = tpu.vector_load %arg12[%swap3A_127] {strides = array<i32>} : memref<128xi32, #tpu.memory_space<vmem>>, vector<16xi32>,
      tpu.vector_store %arg12[%swap3A_127], %select_n3A_126 {strides = array<i32>} : memref<128xi32, #tpu.memory_space<vmem>>, vector<16xi32>,
      %get3A_129 = arith.constant 48 : index
      %get3A_130 = tpu.vector_load %arg10[%get3A_129] {strides = array<i32>} : memref<128xi32, #tpu.memory_space<vmem>>, vector<16xi32>,
      %get3A_131 = arith.constant 48 : index
      %get3A_132 = tpu.vector_load %arg11[%get3A_131] {strides = array<i32>} : memref<128xi32, #tpu.memory_space<vmem>>, vector<16xi32>,
      %sub3A_133 = vector.broadcast %scan3A_16 : i32 to vector<16xi32>
      %sub3A_134 = arith.subi %get3A_132, %sub3A_133 : vector<16xi32>
      %ge3A_135 = arith.constant 0 : i32
      %ge3A_136 = vector.broadcast %ge3A_135 : i32 to vector<16xi32>
      %ge3A_137 = arith.cmpi sge, %sub3A_134, %ge3A_136 : vector<16xi32>
      %lt3A_138 = arith.constant 2560 : i32
      %lt3A_139 = vector.broadcast %lt3A_138 : i32 to vector<16xi32>
      %lt3A_140 = arith.cmpi slt, %sub3A_134, %lt3A_139 : vector<16xi32>
      %and3A_141 = arith.andi %ge3A_137, %lt3A_140 : vector<16xi1>
      %jit3A_142 = arith.constant 0 : i32
      %broadcast_in_dim3A_143 = vector.broadcast %jit3A_142 : i32 to vector<16xi32>
      %select_n3A_144 = arith.select %and3A_141, %sub3A_134, %broadcast_in_dim3A_143 : vector<16xi1>, vector<16xi32>
      %swap3A_145 = arith.constant 48 : index
      %swap3A_146 = tpu.vector_load %arg11[%swap3A_145] {strides = array<i32>} : memref<128xi32, #tpu.memory_space<vmem>>, vector<16xi32>,
      tpu.vector_store %arg11[%swap3A_145], %select_n3A_144 {strides = array<i32>} : memref<128xi32, #tpu.memory_space<vmem>>, vector<16xi32>,
      %jit3A_147 = arith.constant 5002 : i32
      %broadcast_in_dim3A_148 = vector.broadcast %jit3A_147 : i32 to vector<16xi32>
      %select_n3A_149 = arith.select %and3A_141, %get3A_132, %broadcast_in_dim3A_148 : vector<16xi1>, vector<16xi32>
      %swap3A_150 = arith.constant 48 : index
      %swap3A_151 = tpu.vector_load %arg13[%swap3A_150] {strides = array<i32>} : memref<128xi32, #tpu.memory_space<vmem>>, vector<16xi32>,
      tpu.vector_store %arg13[%swap3A_150], %select_n3A_149 {strides = array<i32>} : memref<128xi32, #tpu.memory_space<vmem>>, vector<16xi32>,
      %jit3A_152 = arith.constant 5002 : i32
      %broadcast_in_dim3A_153 = vector.broadcast %jit3A_152 : i32 to vector<16xi32>
      %select_n3A_154 = arith.select %and3A_141, %get3A_130, %broadcast_in_dim3A_153 : vector<16xi1>, vector<16xi32>
      %swap3A_155 = arith.constant 48 : index
      %swap3A_156 = tpu.vector_load %arg12[%swap3A_155] {strides = array<i32>} : memref<128xi32, #tpu.memory_space<vmem>>, vector<16xi32>,
      tpu.vector_store %arg12[%swap3A_155], %select_n3A_154 {strides = array<i32>} : memref<128xi32, #tpu.memory_space<vmem>>, vector<16xi32>,
      %get3A_157 = arith.constant 64 : index
      %get3A_158 = tpu.vector_load %arg10[%get3A_157] {strides = array<i32>} : memref<128xi32, #tpu.memory_space<vmem>>, vector<16xi32>,
      %get3A_159 = arith.constant 64 : index
      %get3A_160 = tpu.vector_load %arg11[%get3A_159] {strides = array<i32>} : memref<128xi32, #tpu.memory_space<vmem>>, vector<16xi32>,
      %sub3A_161 = vector.broadcast %scan3A_16 : i32 to vector<16xi32>
      %sub3A_162 = arith.subi %get3A_160, %sub3A_161 : vector<16xi32>
      %ge3A_163 = arith.constant 0 : i32
      %ge3A_164 = vector.broadcast %ge3A_163 : i32 to vector<16xi32>
      %ge3A_165 = arith.cmpi sge, %sub3A_162, %ge3A_164 : vector<16xi32>
      %lt3A_166 = arith.constant 2560 : i32
      %lt3A_167 = vector.broadcast %lt3A_166 : i32 to vector<16xi32>
      %lt3A_168 = arith.cmpi slt, %sub3A_162, %lt3A_167 : vector<16xi32>
      %and3A_169 = arith.andi %ge3A_165, %lt3A_168 : vector<16xi1>
      %jit3A_170 = arith.constant 0 : i32
      %broadcast_in_dim3A_171 = vector.broadcast %jit3A_170 : i32 to vector<16xi32>
      %select_n3A_172 = arith.select %and3A_169, %sub3A_162, %broadcast_in_dim3A_171 : vector<16xi1>, vector<16xi32>
      %swap3A_173 = arith.constant 64 : index
      %swap3A_174 = tpu.vector_load %arg11[%swap3A_173] {strides = array<i32>} : memref<128xi32, #tpu.memory_space<vmem>>, vector<16xi32>,
      tpu.vector_store %arg11[%swap3A_173], %select_n3A_172 {strides = array<i32>} : memref<128xi32, #tpu.memory_space<vmem>>, vector<16xi32>,
      %jit3A_175 = arith.constant 5002 : i32
      %broadcast_in_dim3A_176 = vector.broadcast %jit3A_175 : i32 to vector<16xi32>
      %select_n3A_177 = arith.select %and3A_169, %get3A_160, %broadcast_in_dim3A_176 : vector<16xi1>, vector<16xi32>
      %swap3A_178 = arith.constant 64 : index
      %swap3A_179 = tpu.vector_load %arg13[%swap3A_178] {strides = array<i32>} : memref<128xi32, #tpu.memory_space<vmem>>, vector<16xi32>,
      tpu.vector_store %arg13[%swap3A_178], %select_n3A_177 {strides = array<i32>} : memref<128xi32, #tpu.memory_space<vmem>>, vector<16xi32>,
      %jit3A_180 = arith.constant 5002 : i32
      %broadcast_in_dim3A_181 = vector.broadcast %jit3A_180 : i32 to vector<16xi32>
      %select_n3A_182 = arith.select %and3A_169, %get3A_158, %broadcast_in_dim3A_181 : vector<16xi1>, vector<16xi32>
      %swap3A_183 = arith.constant 64 : index
      %swap3A_184 = tpu.vector_load %arg12[%swap3A_183] {strides = array<i32>} : memref<128xi32, #tpu.memory_space<vmem>>, vector<16xi32>,
      tpu.vector_store %arg12[%swap3A_183], %select_n3A_182 {strides = array<i32>} : memref<128xi32, #tpu.memory_space<vmem>>, vector<16xi32>,
      %get3A_185 = arith.constant 80 : index
      %get3A_186 = tpu.vector_load %arg10[%get3A_185] {strides = array<i32>} : memref<128xi32, #tpu.memory_space<vmem>>, vector<16xi32>,
      %get3A_187 = arith.constant 80 : index
      %get3A_188 = tpu.vector_load %arg11[%get3A_187] {strides = array<i32>} : memref<128xi32, #tpu.memory_space<vmem>>, vector<16xi32>,
      %sub3A_189 = vector.broadcast %scan3A_16 : i32 to vector<16xi32>
      %sub3A_190 = arith.subi %get3A_188, %sub3A_189 : vector<16xi32>
      %ge3A_191 = arith.constant 0 : i32
      %ge3A_192 = vector.broadcast %ge3A_191 : i32 to vector<16xi32>
      %ge3A_193 = arith.cmpi sge, %sub3A_190, %ge3A_192 : vector<16xi32>
      %lt3A_194 = arith.constant 2560 : i32
      %lt3A_195 = vector.broadcast %lt3A_194 : i32 to vector<16xi32>
      %lt3A_196 = arith.cmpi slt, %sub3A_190, %lt3A_195 : vector<16xi32>
      %and3A_197 = arith.andi %ge3A_193, %lt3A_196 : vector<16xi1>
      %jit3A_198 = arith.constant 0 : i32
      %broadcast_in_dim3A_199 = vector.broadcast %jit3A_198 : i32 to vector<16xi32>
      %select_n3A_200 = arith.select %and3A_197, %sub3A_190, %broadcast_in_dim3A_199 : vector<16xi1>, vector<16xi32>
      %swap3A_201 = arith.constant 80 : index
      %swap3A_202 = tpu.vector_load %arg11[%swap3A_201] {strides = array<i32>} : memref<128xi32, #tpu.memory_space<vmem>>, vector<16xi32>,
      tpu.vector_store %arg11[%swap3A_201], %select_n3A_200 {strides = array<i32>} : memref<128xi32, #tpu.memory_space<vmem>>, vector<16xi32>,
      %jit3A_203 = arith.constant 5002 : i32
      %broadcast_in_dim3A_204 = vector.broadcast %jit3A_203 : i32 to vector<16xi32>
      %select_n3A_205 = arith.select %and3A_197, %get3A_188, %broadcast_in_dim3A_204 : vector<16xi1>, vector<16xi32>
      %swap3A_206 = arith.constant 80 : index
      %swap3A_207 = tpu.vector_load %arg13[%swap3A_206] {strides = array<i32>} : memref<128xi32, #tpu.memory_space<vmem>>, vector<16xi32>,
      tpu.vector_store %arg13[%swap3A_206], %select_n3A_205 {strides = array<i32>} : memref<128xi32, #tpu.memory_space<vmem>>, vector<16xi32>,
      %jit3A_208 = arith.constant 5002 : i32
      %broadcast_in_dim3A_209 = vector.broadcast %jit3A_208 : i32 to vector<16xi32>
      %select_n3A_210 = arith.select %and3A_197, %get3A_186, %broadcast_in_dim3A_209 : vector<16xi1>, vector<16xi32>
      %swap3A_211 = arith.constant 80 : index
      %swap3A_212 = tpu.vector_load %arg12[%swap3A_211] {strides = array<i32>} : memref<128xi32, #tpu.memory_space<vmem>>, vector<16xi32>,
      tpu.vector_store %arg12[%swap3A_211], %select_n3A_210 {strides = array<i32>} : memref<128xi32, #tpu.memory_space<vmem>>, vector<16xi32>,
      %get3A_213 = arith.constant 96 : index
      %get3A_214 = tpu.vector_load %arg10[%get3A_213] {strides = array<i32>} : memref<128xi32, #tpu.memory_space<vmem>>, vector<16xi32>,
      %get3A_215 = arith.constant 96 : index
      %get3A_216 = tpu.vector_load %arg11[%get3A_215] {strides = array<i32>} : memref<128xi32, #tpu.memory_space<vmem>>, vector<16xi32>,
      %sub3A_217 = vector.broadcast %scan3A_16 : i32 to vector<16xi32>
      %sub3A_218 = arith.subi %get3A_216, %sub3A_217 : vector<16xi32>
      %ge3A_219 = arith.constant 0 : i32
      %ge3A_220 = vector.broadcast %ge3A_219 : i32 to vector<16xi32>
      %ge3A_221 = arith.cmpi sge, %sub3A_218, %ge3A_220 : vector<16xi32>
      %lt3A_222 = arith.constant 2560 : i32
      %lt3A_223 = vector.broadcast %lt3A_222 : i32 to vector<16xi32>
      %lt3A_224 = arith.cmpi slt, %sub3A_218, %lt3A_223 : vector<16xi32>
      %and3A_225 = arith.andi %ge3A_221, %lt3A_224 : vector<16xi1>
      %jit3A_226 = arith.constant 0 : i32
      %broadcast_in_dim3A_227 = vector.broadcast %jit3A_226 : i32 to vector<16xi32>
      %select_n3A_228 = arith.select %and3A_225, %sub3A_218, %broadcast_in_dim3A_227 : vector<16xi1>, vector<16xi32>
      %swap3A_229 = arith.constant 96 : index
      %swap3A_230 = tpu.vector_load %arg11[%swap3A_229] {strides = array<i32>} : memref<128xi32, #tpu.memory_space<vmem>>, vector<16xi32>,
      tpu.vector_store %arg11[%swap3A_229], %select_n3A_228 {strides = array<i32>} : memref<128xi32, #tpu.memory_space<vmem>>, vector<16xi32>,
      %jit3A_231 = arith.constant 5002 : i32
      %broadcast_in_dim3A_232 = vector.broadcast %jit3A_231 : i32 to vector<16xi32>
      %select_n3A_233 = arith.select %and3A_225, %get3A_216, %broadcast_in_dim3A_232 : vector<16xi1>, vector<16xi32>
      %swap3A_234 = arith.constant 96 : index
      %swap3A_235 = tpu.vector_load %arg13[%swap3A_234] {strides = array<i32>} : memref<128xi32, #tpu.memory_space<vmem>>, vector<16xi32>,
      tpu.vector_store %arg13[%swap3A_234], %select_n3A_233 {strides = array<i32>} : memref<128xi32, #tpu.memory_space<vmem>>, vector<16xi32>,
      %jit3A_236 = arith.constant 5002 : i32
      %broadcast_in_dim3A_237 = vector.broadcast %jit3A_236 : i32 to vector<16xi32>
      %select_n3A_238 = arith.select %and3A_225, %get3A_214, %broadcast_in_dim3A_237 : vector<16xi1>, vector<16xi32>
      %swap3A_239 = arith.constant 96 : index
      %swap3A_240 = tpu.vector_load %arg12[%swap3A_239] {strides = array<i32>} : memref<128xi32, #tpu.memory_space<vmem>>, vector<16xi32>,
      tpu.vector_store %arg12[%swap3A_239], %select_n3A_238 {strides = array<i32>} : memref<128xi32, #tpu.memory_space<vmem>>, vector<16xi32>,
      %get3A_241 = arith.constant 112 : index
      %get3A_242 = tpu.vector_load %arg10[%get3A_241] {strides = array<i32>} : memref<128xi32, #tpu.memory_space<vmem>>, vector<16xi32>,
      %get3A_243 = arith.constant 112 : index
      %get3A_244 = tpu.vector_load %arg11[%get3A_243] {strides = array<i32>} : memref<128xi32, #tpu.memory_space<vmem>>, vector<16xi32>,
      %sub3A_245 = vector.broadcast %scan3A_16 : i32 to vector<16xi32>
      %sub3A_246 = arith.subi %get3A_244, %sub3A_245 : vector<16xi32>
      %ge3A_247 = arith.constant 0 : i32
      %ge3A_248 = vector.broadcast %ge3A_247 : i32 to vector<16xi32>
      %ge3A_249 = arith.cmpi sge, %sub3A_246, %ge3A_248 : vector<16xi32>
      %lt3A_250 = arith.constant 2560 : i32
      %lt3A_251 = vector.broadcast %lt3A_250 : i32 to vector<16xi32>
      %lt3A_252 = arith.cmpi slt, %sub3A_246, %lt3A_251 : vector<16xi32>
      %and3A_253 = arith.andi %ge3A_249, %lt3A_252 : vector<16xi1>
      %jit3A_254 = arith.constant 0 : i32
      %broadcast_in_dim3A_255 = vector.broadcast %jit3A_254 : i32 to vector<16xi32>
      %select_n3A_256 = arith.select %and3A_253, %sub3A_246, %broadcast_in_dim3A_255 : vector<16xi1>, vector<16xi32>
      %swap3A_257 = arith.constant 112 : index
      %swap3A_258 = tpu.vector_load %arg11[%swap3A_257] {strides = array<i32>} : memref<128xi32, #tpu.memory_space<vmem>>, vector<16xi32>,
      tpu.vector_store %arg11[%swap3A_257], %select_n3A_256 {strides = array<i32>} : memref<128xi32, #tpu.memory_space<vmem>>, vector<16xi32>,
      %jit3A_259 = arith.constant 5002 : i32
      %broadcast_in_dim3A_260 = vector.broadcast %jit3A_259 : i32 to vector<16xi32>
      %select_n3A_261 = arith.select %and3A_253, %get3A_244, %broadcast_in_dim3A_260 : vector<16xi1>, vector<16xi32>
      %swap3A_262 = arith.constant 112 : index
      %swap3A_263 = tpu.vector_load %arg13[%swap3A_262] {strides = array<i32>} : memref<128xi32, #tpu.memory_space<vmem>>, vector<16xi32>,
      tpu.vector_store %arg13[%swap3A_262], %select_n3A_261 {strides = array<i32>} : memref<128xi32, #tpu.memory_space<vmem>>, vector<16xi32>,
      %jit3A_264 = arith.constant 5002 : i32
      %broadcast_in_dim3A_265 = vector.broadcast %jit3A_264 : i32 to vector<16xi32>
      %select_n3A_266 = arith.select %and3A_253, %get3A_242, %broadcast_in_dim3A_265 : vector<16xi1>, vector<16xi32>
      %swap3A_267 = arith.constant 112 : index
      %swap3A_268 = tpu.vector_load %arg12[%swap3A_267] {strides = array<i32>} : memref<128xi32, #tpu.memory_space<vmem>>, vector<16xi32>,
      tpu.vector_store %arg12[%swap3A_267], %select_n3A_266 {strides = array<i32>} : memref<128xi32, #tpu.memory_space<vmem>>, vector<16xi32>,
      %dma_start3A = arith.constant 0 : i32
      %dma_start3A_269 = arith.constant 0 : i32
      %dma_start3A_270 = tpu.memref_slice %arg2[%dma_start3A, %dma_start3A_269] : memref<5120x128xf32, #tpu.memory_space<hbm>> -> memref<5120x128xf32, #tpu.memory_space<hbm>>
      tpu.enqueue_indirect_dma source(%dma_start3A_270 : memref<5120x128xf32, #tpu.memory_space<hbm>>) target(%arg14 : memref<128x128xf32, #tpu.memory_space<vmem>>) offsets(%arg13 : memref<128xi32, #tpu.memory_space<vmem>>) semaphore(%arg23 : memref<!tpu.dma_semaphore, #tpu.memory_space<semaphore_mem>>)
      %dma_start3A_271 = arith.constant 0 : i32
      %dma_start3A_272 = arith.constant 0 : i32
      %dma_start3A_273 = tpu.memref_slice %arg2[%dma_start3A_271, %dma_start3A_272] : memref<5120x128xf32, #tpu.memory_space<hbm>> -> memref<5120x128xf32, #tpu.memory_space<hbm>>
      tpu.enqueue_indirect_dma source(%dma_start3A_273 : memref<5120x128xf32, #tpu.memory_space<hbm>>) target(%arg15 : memref<128x128xf32, #tpu.memory_space<vmem>>) offsets(%arg12 : memref<128xi32, #tpu.memory_space<vmem>>) semaphore(%arg24 : memref<!tpu.dma_semaphore, #tpu.memory_space<semaphore_mem>>)
      %dma_wait3A = arith.constant 0 : i32
      %dma_wait3A_274 = arith.constant 0 : i32
      %dma_wait3A_275 = tpu.memref_slice %arg2[%dma_wait3A, %dma_wait3A_274] : memref<5120x128xf32, #tpu.memory_space<hbm>> -> memref<5120x128xf32, #tpu.memory_space<hbm>>
      tpu.wait_indirect_dma semaphore(%arg23 : memref<!tpu.dma_semaphore, #tpu.memory_space<semaphore_mem>>) src(%dma_wait3A_275 : memref<5120x128xf32, #tpu.memory_space<hbm>>) dst(%arg14 : memref<128x128xf32, #tpu.memory_space<vmem>>)
      %dma_wait3A_276 = arith.constant 0 : i32
      %dma_wait3A_277 = arith.constant 0 : i32
      %dma_wait3A_278 = tpu.memref_slice %arg2[%dma_wait3A_276, %dma_wait3A_277] : memref<5120x128xf32, #tpu.memory_space<hbm>> -> memref<5120x128xf32, #tpu.memory_space<hbm>>
      tpu.wait_indirect_dma semaphore(%arg24 : memref<!tpu.dma_semaphore, #tpu.memory_space<semaphore_mem>>) src(%dma_wait3A_278 : memref<5120x128xf32, #tpu.memory_space<hbm>>) dst(%arg15 : memref<128x128xf32, #tpu.memory_space<vmem>>)
      %scan3A_279 = arith.constant 0 : i32
      %scan3A_280 = arith.constant 0 : i32
      %scan3A_281 = arith.constant 128 : i32
      %scan3A_282 = arith.addi %scan3A_280, %scan3A_281 : i32
      %scan3A_283 = arith.constant 1 : i32
      scf.for %scan3A_285 = %scan3A_280 to %scan3A_282 step %scan3A_283  : i32 {
        %broadcast_in_dim3A_286 = arith.constant 0 : i32
        %broadcast_in_dim3A_287 = vector.broadcast %broadcast_in_dim3A_286 : i32 to vector<16xi32>
        %add3A_288 = vector.broadcast %scan3A_285 : i32 to vector<16xi32>
        %add3A_289 = arith.addi %broadcast_in_dim3A_287, %add3A_288 : vector<16xi32>
        %iota3A = tpu.iota {dimensions = array<i32: 0>} : vector<16xi32>
        %add3A_290 = arith.constant 0 : i32
        %add3A_291 = vector.broadcast %add3A_290 : i32 to vector<16xi32>
        %add3A_292 = arith.addi %add3A_291, %iota3A : vector<16xi32>
        %gather3A = tpu.vector_load_idx %arg14[%add3A_289, %add3A_292] : memref<128x128xf32, #tpu.memory_space<vmem>>[vector<16xi32>, vector<16xi32>], vector<16xf32>,
        %add3A_293 = arith.constant 64 : i32
        %add3A_294 = vector.broadcast %add3A_293 : i32 to vector<16xi32>
        %add3A_295 = arith.addi %add3A_294, %add3A_292 : vector<16xi32>
        %gather3A_296 = tpu.vector_load_idx %arg15[%add3A_289, %add3A_295] : memref<128x128xf32, #tpu.memory_space<vmem>>[vector<16xi32>, vector<16xi32>], vector<16xf32>,
        %add3A_297 = arith.addf %gather3A, %gather3A_296 : vector<16xf32>
        %mul3A_298 = arith.constant 0.00999999977 : f32
        %mul3A_299 = vector.broadcast %mul3A_298 : f32 to vector<16xf32>
        %mul3A_300 = arith.mulf %mul3A_299, %add3A_297 : vector<16xf32>
        %max3A = arith.maximumf %add3A_297, %mul3A_300 : vector<16xf32>
        tpu.vector_store_idx %arg16[%add3A_289, %add3A_292], %max3A : memref<128x128xf32, #tpu.memory_space<vmem>>[vector<16xi32>, vector<16xi32>], vector<16xf32>,
        %iota3A_301 = tpu.iota {dimensions = array<i32: 0>} : vector<16xi32>
        %add3A_302 = arith.constant 16 : i32
        %add3A_303 = vector.broadcast %add3A_302 : i32 to vector<16xi32>
        %add3A_304 = arith.addi %add3A_303, %iota3A_301 : vector<16xi32>
        %gather3A_305 = tpu.vector_load_idx %arg14[%add3A_289, %add3A_304] : memref<128x128xf32, #tpu.memory_space<vmem>>[vector<16xi32>, vector<16xi32>], vector<16xf32>,
        %add3A_306 = arith.constant 64 : i32
        %add3A_307 = vector.broadcast %add3A_306 : i32 to vector<16xi32>
        %add3A_308 = arith.addi %add3A_307, %add3A_304 : vector<16xi32>
        %gather3A_309 = tpu.vector_load_idx %arg15[%add3A_289, %add3A_308] : memref<128x128xf32, #tpu.memory_space<vmem>>[vector<16xi32>, vector<16xi32>], vector<16xf32>,
        %add3A_310 = arith.addf %gather3A_305, %gather3A_309 : vector<16xf32>
        %mul3A_311 = arith.constant 0.00999999977 : f32
        %mul3A_312 = vector.broadcast %mul3A_311 : f32 to vector<16xf32>
        %mul3A_313 = arith.mulf %mul3A_312, %add3A_310 : vector<16xf32>
        %max3A_314 = arith.maximumf %add3A_310, %mul3A_313 : vector<16xf32>
        tpu.vector_store_idx %arg16[%add3A_289, %add3A_304], %max3A_314 : memref<128x128xf32, #tpu.memory_space<vmem>>[vector<16xi32>, vector<16xi32>], vector<16xf32>,
        %iota3A_315 = tpu.iota {dimensions = array<i32: 0>} : vector<16xi32>
        %add3A_316 = arith.constant 32 : i32
        %add3A_317 = vector.broadcast %add3A_316 : i32 to vector<16xi32>
        %add3A_318 = arith.addi %add3A_317, %iota3A_315 : vector<16xi32>
        %gather3A_319 = tpu.vector_load_idx %arg14[%add3A_289, %add3A_318] : memref<128x128xf32, #tpu.memory_space<vmem>>[vector<16xi32>, vector<16xi32>], vector<16xf32>,
        %add3A_320 = arith.constant 64 : i32
        %add3A_321 = vector.broadcast %add3A_320 : i32 to vector<16xi32>
        %add3A_322 = arith.addi %add3A_321, %add3A_318 : vector<16xi32>
        %gather3A_323 = tpu.vector_load_idx %arg15[%add3A_289, %add3A_322] : memref<128x128xf32, #tpu.memory_space<vmem>>[vector<16xi32>, vector<16xi32>], vector<16xf32>,
        %add3A_324 = arith.addf %gather3A_319, %gather3A_323 : vector<16xf32>
        %mul3A_325 = arith.constant 0.00999999977 : f32
        %mul3A_326 = vector.broadcast %mul3A_325 : f32 to vector<16xf32>
        %mul3A_327 = arith.mulf %mul3A_326, %add3A_324 : vector<16xf32>
        %max3A_328 = arith.maximumf %add3A_324, %mul3A_327 : vector<16xf32>
        tpu.vector_store_idx %arg16[%add3A_289, %add3A_318], %max3A_328 : memref<128x128xf32, #tpu.memory_space<vmem>>[vector<16xi32>, vector<16xi32>], vector<16xf32>,
        %iota3A_329 = tpu.iota {dimensions = array<i32: 0>} : vector<16xi32>
        %add3A_330 = arith.constant 48 : i32
        %add3A_331 = vector.broadcast %add3A_330 : i32 to vector<16xi32>
        %add3A_332 = arith.addi %add3A_331, %iota3A_329 : vector<16xi32>
        %gather3A_333 = tpu.vector_load_idx %arg14[%add3A_289, %add3A_332] : memref<128x128xf32, #tpu.memory_space<vmem>>[vector<16xi32>, vector<16xi32>], vector<16xf32>,
        %add3A_334 = arith.constant 64 : i32
        %add3A_335 = vector.broadcast %add3A_334 : i32 to vector<16xi32>
        %add3A_336 = arith.addi %add3A_335, %add3A_332 : vector<16xi32>
        %gather3A_337 = tpu.vector_load_idx %arg15[%add3A_289, %add3A_336] : memref<128x128xf32, #tpu.memory_space<vmem>>[vector<16xi32>, vector<16xi32>], vector<16xf32>,
        %add3A_338 = arith.addf %gather3A_333, %gather3A_337 : vector<16xf32>
        %mul3A_339 = arith.constant 0.00999999977 : f32
        %mul3A_340 = vector.broadcast %mul3A_339 : f32 to vector<16xf32>
        %mul3A_341 = arith.mulf %mul3A_340, %add3A_338 : vector<16xf32>
        %max3A_342 = arith.maximumf %add3A_338, %mul3A_341 : vector<16xf32>
        tpu.vector_store_idx %arg16[%add3A_289, %add3A_332], %max3A_342 : memref<128x128xf32, #tpu.memory_space<vmem>>[vector<16xi32>, vector<16xi32>], vector<16xf32>,
      }
      %scan3A_284 = arith.constant 128 : i32
      "tpu.region"() ({
        %run_scoped3A = tpu.sem_alloc : memref<!tpu.dma_semaphore, #tpu.memory_space<semaphore_mem>>
        %dma_start3A_285 = arith.constant 0 : i32
        %dma_start3A_286 = arith.constant 0 : i32
        %dma_start3A_287 = tpu.memref_slice %arg22[%dma_start3A_285, %dma_start3A_286] : memref<2560x128xf32, #tpu.memory_space<vmem_shared>> -> memref<2560x128xf32, #tpu.memory_space<vmem_shared>>
        tpu.enqueue_indirect_dma source(%arg16 : memref<128x128xf32, #tpu.memory_space<vmem>>) target(%dma_start3A_287 : memref<2560x128xf32, #tpu.memory_space<vmem_shared>>) offsets(%arg11 : memref<128xi32, #tpu.memory_space<vmem>>) semaphore(%run_scoped3A : memref<!tpu.dma_semaphore, #tpu.memory_space<semaphore_mem>>) {add = true}
        %dma_wait3A_288 = arith.constant 0 : i32
        %dma_wait3A_289 = arith.constant 0 : i32
        %dma_wait3A_290 = tpu.memref_slice %arg22[%dma_wait3A_288, %dma_wait3A_289] : memref<2560x128xf32, #tpu.memory_space<vmem_shared>> -> memref<2560x128xf32, #tpu.memory_space<vmem_shared>>
        tpu.wait_indirect_dma semaphore(%run_scoped3A : memref<!tpu.dma_semaphore, #tpu.memory_space<semaphore_mem>>) src(%arg16 : memref<128x128xf32, #tpu.memory_space<vmem>>) dst(%dma_wait3A_290 : memref<2560x128xf32, #tpu.memory_space<vmem_shared>>)
        tpu.yield
      }) : () -> ()
    }
    %scan3A_21 = arith.constant 40 : i32
    %barrier3A_22 = arith.constant 0 : index
    tpu.barrier barrier_id(%barrier3A_22)
    %mul3A_23 = arith.constant 160 : i32
    %mul3A_24 = arith.muli %arg1, %mul3A_23 : i32
    %mul3A_25 = arith.constant 160 : i32
    %mul3A_26 = arith.muli %arg1, %mul3A_25 : i32
    %add3A_27 = arith.constant 0 : i32
    %add3A_28 = arith.addi %add3A_27, %mul3A_26 : i32
    "tpu.region"() ({
      %run_scoped3A = tpu.sem_alloc : memref<!tpu.dma_semaphore, #tpu.memory_space<semaphore_mem>>
      %dma_start3A = arith.constant 0 : i32
      %dma_start3A_49 = tpu.memref_slice %arg7[%arg0, %add3A_28, %dma_start3A] : memref<2x5120x128xf32, #tpu.memory_space<hbm>> -> memref<1x160x128xf32, #tpu.memory_space<hbm>>
      %dma_start3A_50 = tpu.memref_squeeze %dma_start3A_49 : memref<1x160x128xf32, #tpu.memory_space<hbm>> -> memref<160x128xf32, #tpu.memory_space<hbm>>
      %dma_start3A_51 = arith.constant 0 : i32
      %dma_start3A_52 = tpu.memref_slice %arg22[%mul3A_24, %dma_start3A_51] : memref<2560x128xf32, #tpu.memory_space<vmem_shared>> -> memref<160x128xf32, #tpu.memory_space<vmem_shared>>
      tpu.enqueue_dma source(%dma_start3A_52 : memref<160x128xf32, #tpu.memory_space<vmem_shared>>) target(%dma_start3A_50 : memref<160x128xf32, #tpu.memory_space<hbm>>) target_semaphore(%run_scoped3A : memref<!tpu.dma_semaphore, #tpu.memory_space<semaphore_mem>>)
      %dma_wait3A = arith.constant 0 : i32
      %dma_wait3A_53 = tpu.memref_slice %arg7[%arg0, %add3A_28, %dma_wait3A] : memref<2x5120x128xf32, #tpu.memory_space<hbm>> -> memref<1x160x128xf32, #tpu.memory_space<hbm>>
      %dma_wait3A_54 = tpu.memref_squeeze %dma_wait3A_53 : memref<1x160x128xf32, #tpu.memory_space<hbm>> -> memref<160x128xf32, #tpu.memory_space<hbm>>
      %dma_wait3A_55 = arith.constant 0 : i32
      %dma_wait3A_56 = tpu.memref_slice %arg22[%mul3A_24, %dma_wait3A_55] : memref<2560x128xf32, #tpu.memory_space<vmem_shared>> -> memref<160x128xf32, #tpu.memory_space<vmem_shared>>
      tpu.wait_dma2 semaphore(%run_scoped3A : memref<!tpu.dma_semaphore, #tpu.memory_space<semaphore_mem>>) src(%dma_wait3A_56 : memref<160x128xf32, #tpu.memory_space<vmem_shared>>) dst(%dma_wait3A_54 : memref<160x128xf32, #tpu.memory_space<hbm>>)
      tpu.yield
    }) : () -> ()
    %mul3A_29 = arith.constant 160 : i32
    %mul3A_30 = arith.muli %arg1, %mul3A_29 : i32
    "tpu.region"() ({
      %run_scoped3A = tpu.sem_alloc : memref<!tpu.dma_semaphore, #tpu.memory_space<semaphore_mem>>
      %dma_start3A = arith.constant 0 : i32
      %dma_start3A_49 = tpu.memref_slice %arg22[%mul3A_30, %dma_start3A] : memref<2560x128xf32, #tpu.memory_space<vmem_shared>> -> memref<160x128xf32, #tpu.memory_space<vmem_shared>>
      %dma_start3A_50 = arith.constant 0 : i32
      %dma_start3A_51 = tpu.memref_slice %arg22[%mul3A_30, %dma_start3A_50] : memref<2560x128xf32, #tpu.memory_space<vmem_shared>> -> memref<160x128xf32, #tpu.memory_space<vmem_shared>>
      tpu.enqueue_dma source(%arg17 : memref<160x128xf32, #tpu.memory_space<vmem>>) target(%dma_start3A_51 : memref<160x128xf32, #tpu.memory_space<vmem_shared>>) target_semaphore(%run_scoped3A : memref<!tpu.dma_semaphore, #tpu.memory_space<semaphore_mem>>)
      %dma_wait3A = arith.constant 0 : i32
      %dma_wait3A_52 = tpu.memref_slice %arg22[%mul3A_30, %dma_wait3A] : memref<2560x128xf32, #tpu.memory_space<vmem_shared>> -> memref<160x128xf32, #tpu.memory_space<vmem_shared>>
      %dma_wait3A_53 = arith.constant 0 : i32
      %dma_wait3A_54 = tpu.memref_slice %arg22[%mul3A_30, %dma_wait3A_53] : memref<2560x128xf32, #tpu.memory_space<vmem_shared>> -> memref<160x128xf32, #tpu.memory_space<vmem_shared>>
      tpu.wait_dma2 semaphore(%run_scoped3A : memref<!tpu.dma_semaphore, #tpu.memory_space<semaphore_mem>>) src(%arg17 : memref<160x128xf32, #tpu.memory_space<vmem>>) dst(%dma_wait3A_54 : memref<160x128xf32, #tpu.memory_space<vmem_shared>>)
      tpu.yield
    }) : () -> ()
    %barrier3A_31 = arith.constant 0 : index
    tpu.barrier barrier_id(%barrier3A_31)
    %scan3A_32 = arith.constant 2560 : i32
    %scan3A_33 = arith.constant 0 : i32
    %scan3A_34 = arith.constant 40 : i32
    %scan3A_35 = arith.addi %scan3A_33, %scan3A_34 : i32
    %scan3A_36 = arith.constant 1 : i32
    scf.for %scan3A_49 = %scan3A_33 to %scan3A_35 step %scan3A_36  : i32 {
      %mul3A_50 = arith.constant 128 : i32
      %mul3A_51 = arith.muli %scan3A_49, %mul3A_50 : i32
      %add3A_52 = arith.addi %mul3A_13, %mul3A_51 : i32
      "tpu.region"() ({
        %run_scoped3A = tpu.sem_alloc : memref<!tpu.dma_semaphore, #tpu.memory_space<semaphore_mem>>
        %dma_start3A_285 = tpu.memref_slice %arg3[%add3A_52] : memref<163840xi32, #tpu.memory_space<hbm>> -> memref<128xi32, #tpu.memory_space<hbm>>
        %dma_start3A_286 = tpu.memref_slice %arg3[%add3A_52] : memref<163840xi32, #tpu.memory_space<hbm>> -> memref<128xi32, #tpu.memory_space<hbm>>
        tpu.enqueue_dma source(%dma_start3A_286 : memref<128xi32, #tpu.memory_space<hbm>>) target(%arg10 : memref<128xi32, #tpu.memory_space<vmem>>) target_semaphore(%run_scoped3A : memref<!tpu.dma_semaphore, #tpu.memory_space<semaphore_mem>>)
        %dma_wait3A_287 = tpu.memref_slice %arg3[%add3A_52] : memref<163840xi32, #tpu.memory_space<hbm>> -> memref<128xi32, #tpu.memory_space<hbm>>
        %dma_wait3A_288 = tpu.memref_slice %arg3[%add3A_52] : memref<163840xi32, #tpu.memory_space<hbm>> -> memref<128xi32, #tpu.memory_space<hbm>>
        tpu.wait_dma2 semaphore(%run_scoped3A : memref<!tpu.dma_semaphore, #tpu.memory_space<semaphore_mem>>) src(%dma_wait3A_288 : memref<128xi32, #tpu.memory_space<hbm>>) dst(%arg10 : memref<128xi32, #tpu.memory_space<vmem>>)
        tpu.yield
      }) : () -> ()
      "tpu.region"() ({
        %run_scoped3A = tpu.sem_alloc : memref<!tpu.dma_semaphore, #tpu.memory_space<semaphore_mem>>
        %dma_start3A_285 = tpu.memref_slice %arg4[%add3A_52] : memref<163840xi32, #tpu.memory_space<hbm>> -> memref<128xi32, #tpu.memory_space<hbm>>
        %dma_start3A_286 = tpu.memref_slice %arg4[%add3A_52] : memref<163840xi32, #tpu.memory_space<hbm>> -> memref<128xi32, #tpu.memory_space<hbm>>
        tpu.enqueue_dma source(%dma_start3A_286 : memref<128xi32, #tpu.memory_space<hbm>>) target(%arg11 : memref<128xi32, #tpu.memory_space<vmem>>) target_semaphore(%run_scoped3A : memref<!tpu.dma_semaphore, #tpu.memory_space<semaphore_mem>>)
        %dma_wait3A_287 = tpu.memref_slice %arg4[%add3A_52] : memref<163840xi32, #tpu.memory_space<hbm>> -> memref<128xi32, #tpu.memory_space<hbm>>
        %dma_wait3A_288 = tpu.memref_slice %arg4[%add3A_52] : memref<163840xi32, #tpu.memory_space<hbm>> -> memref<128xi32, #tpu.memory_space<hbm>>
        tpu.wait_dma2 semaphore(%run_scoped3A : memref<!tpu.dma_semaphore, #tpu.memory_space<semaphore_mem>>) src(%dma_wait3A_288 : memref<128xi32, #tpu.memory_space<hbm>>) dst(%arg11 : memref<128xi32, #tpu.memory_space<vmem>>)
        tpu.yield
      }) : () -> ()
      %get3A = arith.constant 0 : index
      %get3A_53 = tpu.vector_load %arg10[%get3A] {strides = array<i32>} : memref<128xi32, #tpu.memory_space<vmem>>, vector<16xi32>,
      %get3A_54 = arith.constant 0 : index
      %get3A_55 = tpu.vector_load %arg11[%get3A_54] {strides = array<i32>} : memref<128xi32, #tpu.memory_space<vmem>>, vector<16xi32>,
      %sub3A = vector.broadcast %scan3A_32 : i32 to vector<16xi32>
      %sub3A_56 = arith.subi %get3A_55, %sub3A : vector<16xi32>
      %ge3A = arith.constant 0 : i32
      %ge3A_57 = vector.broadcast %ge3A : i32 to vector<16xi32>
      %ge3A_58 = arith.cmpi sge, %sub3A_56, %ge3A_57 : vector<16xi32>
      %lt3A = arith.constant 2560 : i32
      %lt3A_59 = vector.broadcast %lt3A : i32 to vector<16xi32>
      %lt3A_60 = arith.cmpi slt, %sub3A_56, %lt3A_59 : vector<16xi32>
      %and3A_61 = arith.andi %ge3A_58, %lt3A_60 : vector<16xi1>
      %jit3A = arith.constant 0 : i32
      %broadcast_in_dim3A = vector.broadcast %jit3A : i32 to vector<16xi32>
      %select_n3A = arith.select %and3A_61, %sub3A_56, %broadcast_in_dim3A : vector<16xi1>, vector<16xi32>
      %swap3A = arith.constant 0 : index
      %swap3A_62 = tpu.vector_load %arg11[%swap3A] {strides = array<i32>} : memref<128xi32, #tpu.memory_space<vmem>>, vector<16xi32>,
      tpu.vector_store %arg11[%swap3A], %select_n3A {strides = array<i32>} : memref<128xi32, #tpu.memory_space<vmem>>, vector<16xi32>,
      %jit3A_63 = arith.constant 5002 : i32
      %broadcast_in_dim3A_64 = vector.broadcast %jit3A_63 : i32 to vector<16xi32>
      %select_n3A_65 = arith.select %and3A_61, %get3A_55, %broadcast_in_dim3A_64 : vector<16xi1>, vector<16xi32>
      %swap3A_66 = arith.constant 0 : index
      %swap3A_67 = tpu.vector_load %arg13[%swap3A_66] {strides = array<i32>} : memref<128xi32, #tpu.memory_space<vmem>>, vector<16xi32>,
      tpu.vector_store %arg13[%swap3A_66], %select_n3A_65 {strides = array<i32>} : memref<128xi32, #tpu.memory_space<vmem>>, vector<16xi32>,
      %jit3A_68 = arith.constant 5002 : i32
      %broadcast_in_dim3A_69 = vector.broadcast %jit3A_68 : i32 to vector<16xi32>
      %select_n3A_70 = arith.select %and3A_61, %get3A_53, %broadcast_in_dim3A_69 : vector<16xi1>, vector<16xi32>
      %swap3A_71 = arith.constant 0 : index
      %swap3A_72 = tpu.vector_load %arg12[%swap3A_71] {strides = array<i32>} : memref<128xi32, #tpu.memory_space<vmem>>, vector<16xi32>,
      tpu.vector_store %arg12[%swap3A_71], %select_n3A_70 {strides = array<i32>} : memref<128xi32, #tpu.memory_space<vmem>>, vector<16xi32>,
      %get3A_73 = arith.constant 16 : index
      %get3A_74 = tpu.vector_load %arg10[%get3A_73] {strides = array<i32>} : memref<128xi32, #tpu.memory_space<vmem>>, vector<16xi32>,
      %get3A_75 = arith.constant 16 : index
      %get3A_76 = tpu.vector_load %arg11[%get3A_75] {strides = array<i32>} : memref<128xi32, #tpu.memory_space<vmem>>, vector<16xi32>,
      %sub3A_77 = vector.broadcast %scan3A_32 : i32 to vector<16xi32>
      %sub3A_78 = arith.subi %get3A_76, %sub3A_77 : vector<16xi32>
      %ge3A_79 = arith.constant 0 : i32
      %ge3A_80 = vector.broadcast %ge3A_79 : i32 to vector<16xi32>
      %ge3A_81 = arith.cmpi sge, %sub3A_78, %ge3A_80 : vector<16xi32>
      %lt3A_82 = arith.constant 2560 : i32
      %lt3A_83 = vector.broadcast %lt3A_82 : i32 to vector<16xi32>
      %lt3A_84 = arith.cmpi slt, %sub3A_78, %lt3A_83 : vector<16xi32>
      %and3A_85 = arith.andi %ge3A_81, %lt3A_84 : vector<16xi1>
      %jit3A_86 = arith.constant 0 : i32
      %broadcast_in_dim3A_87 = vector.broadcast %jit3A_86 : i32 to vector<16xi32>
      %select_n3A_88 = arith.select %and3A_85, %sub3A_78, %broadcast_in_dim3A_87 : vector<16xi1>, vector<16xi32>
      %swap3A_89 = arith.constant 16 : index
      %swap3A_90 = tpu.vector_load %arg11[%swap3A_89] {strides = array<i32>} : memref<128xi32, #tpu.memory_space<vmem>>, vector<16xi32>,
      tpu.vector_store %arg11[%swap3A_89], %select_n3A_88 {strides = array<i32>} : memref<128xi32, #tpu.memory_space<vmem>>, vector<16xi32>,
      %jit3A_91 = arith.constant 5002 : i32
      %broadcast_in_dim3A_92 = vector.broadcast %jit3A_91 : i32 to vector<16xi32>
      %select_n3A_93 = arith.select %and3A_85, %get3A_76, %broadcast_in_dim3A_92 : vector<16xi1>, vector<16xi32>
      %swap3A_94 = arith.constant 16 : index
      %swap3A_95 = tpu.vector_load %arg13[%swap3A_94] {strides = array<i32>} : memref<128xi32, #tpu.memory_space<vmem>>, vector<16xi32>,
      tpu.vector_store %arg13[%swap3A_94], %select_n3A_93 {strides = array<i32>} : memref<128xi32, #tpu.memory_space<vmem>>, vector<16xi32>,
      %jit3A_96 = arith.constant 5002 : i32
      %broadcast_in_dim3A_97 = vector.broadcast %jit3A_96 : i32 to vector<16xi32>
      %select_n3A_98 = arith.select %and3A_85, %get3A_74, %broadcast_in_dim3A_97 : vector<16xi1>, vector<16xi32>
      %swap3A_99 = arith.constant 16 : index
      %swap3A_100 = tpu.vector_load %arg12[%swap3A_99] {strides = array<i32>} : memref<128xi32, #tpu.memory_space<vmem>>, vector<16xi32>,
      tpu.vector_store %arg12[%swap3A_99], %select_n3A_98 {strides = array<i32>} : memref<128xi32, #tpu.memory_space<vmem>>, vector<16xi32>,
      %get3A_101 = arith.constant 32 : index
      %get3A_102 = tpu.vector_load %arg10[%get3A_101] {strides = array<i32>} : memref<128xi32, #tpu.memory_space<vmem>>, vector<16xi32>,
      %get3A_103 = arith.constant 32 : index
      %get3A_104 = tpu.vector_load %arg11[%get3A_103] {strides = array<i32>} : memref<128xi32, #tpu.memory_space<vmem>>, vector<16xi32>,
      %sub3A_105 = vector.broadcast %scan3A_32 : i32 to vector<16xi32>
      %sub3A_106 = arith.subi %get3A_104, %sub3A_105 : vector<16xi32>
      %ge3A_107 = arith.constant 0 : i32
      %ge3A_108 = vector.broadcast %ge3A_107 : i32 to vector<16xi32>
      %ge3A_109 = arith.cmpi sge, %sub3A_106, %ge3A_108 : vector<16xi32>
      %lt3A_110 = arith.constant 2560 : i32
      %lt3A_111 = vector.broadcast %lt3A_110 : i32 to vector<16xi32>
      %lt3A_112 = arith.cmpi slt, %sub3A_106, %lt3A_111 : vector<16xi32>
      %and3A_113 = arith.andi %ge3A_109, %lt3A_112 : vector<16xi1>
      %jit3A_114 = arith.constant 0 : i32
      %broadcast_in_dim3A_115 = vector.broadcast %jit3A_114 : i32 to vector<16xi32>
      %select_n3A_116 = arith.select %and3A_113, %sub3A_106, %broadcast_in_dim3A_115 : vector<16xi1>, vector<16xi32>
      %swap3A_117 = arith.constant 32 : index
      %swap3A_118 = tpu.vector_load %arg11[%swap3A_117] {strides = array<i32>} : memref<128xi32, #tpu.memory_space<vmem>>, vector<16xi32>,
      tpu.vector_store %arg11[%swap3A_117], %select_n3A_116 {strides = array<i32>} : memref<128xi32, #tpu.memory_space<vmem>>, vector<16xi32>,
      %jit3A_119 = arith.constant 5002 : i32
      %broadcast_in_dim3A_120 = vector.broadcast %jit3A_119 : i32 to vector<16xi32>
      %select_n3A_121 = arith.select %and3A_113, %get3A_104, %broadcast_in_dim3A_120 : vector<16xi1>, vector<16xi32>
      %swap3A_122 = arith.constant 32 : index
      %swap3A_123 = tpu.vector_load %arg13[%swap3A_122] {strides = array<i32>} : memref<128xi32, #tpu.memory_space<vmem>>, vector<16xi32>,
      tpu.vector_store %arg13[%swap3A_122], %select_n3A_121 {strides = array<i32>} : memref<128xi32, #tpu.memory_space<vmem>>, vector<16xi32>,
      %jit3A_124 = arith.constant 5002 : i32
      %broadcast_in_dim3A_125 = vector.broadcast %jit3A_124 : i32 to vector<16xi32>
      %select_n3A_126 = arith.select %and3A_113, %get3A_102, %broadcast_in_dim3A_125 : vector<16xi1>, vector<16xi32>
      %swap3A_127 = arith.constant 32 : index
      %swap3A_128 = tpu.vector_load %arg12[%swap3A_127] {strides = array<i32>} : memref<128xi32, #tpu.memory_space<vmem>>, vector<16xi32>,
      tpu.vector_store %arg12[%swap3A_127], %select_n3A_126 {strides = array<i32>} : memref<128xi32, #tpu.memory_space<vmem>>, vector<16xi32>,
      %get3A_129 = arith.constant 48 : index
      %get3A_130 = tpu.vector_load %arg10[%get3A_129] {strides = array<i32>} : memref<128xi32, #tpu.memory_space<vmem>>, vector<16xi32>,
      %get3A_131 = arith.constant 48 : index
      %get3A_132 = tpu.vector_load %arg11[%get3A_131] {strides = array<i32>} : memref<128xi32, #tpu.memory_space<vmem>>, vector<16xi32>,
      %sub3A_133 = vector.broadcast %scan3A_32 : i32 to vector<16xi32>
      %sub3A_134 = arith.subi %get3A_132, %sub3A_133 : vector<16xi32>
      %ge3A_135 = arith.constant 0 : i32
      %ge3A_136 = vector.broadcast %ge3A_135 : i32 to vector<16xi32>
      %ge3A_137 = arith.cmpi sge, %sub3A_134, %ge3A_136 : vector<16xi32>
      %lt3A_138 = arith.constant 2560 : i32
      %lt3A_139 = vector.broadcast %lt3A_138 : i32 to vector<16xi32>
      %lt3A_140 = arith.cmpi slt, %sub3A_134, %lt3A_139 : vector<16xi32>
      %and3A_141 = arith.andi %ge3A_137, %lt3A_140 : vector<16xi1>
      %jit3A_142 = arith.constant 0 : i32
      %broadcast_in_dim3A_143 = vector.broadcast %jit3A_142 : i32 to vector<16xi32>
      %select_n3A_144 = arith.select %and3A_141, %sub3A_134, %broadcast_in_dim3A_143 : vector<16xi1>, vector<16xi32>
      %swap3A_145 = arith.constant 48 : index
      %swap3A_146 = tpu.vector_load %arg11[%swap3A_145] {strides = array<i32>} : memref<128xi32, #tpu.memory_space<vmem>>, vector<16xi32>,
      tpu.vector_store %arg11[%swap3A_145], %select_n3A_144 {strides = array<i32>} : memref<128xi32, #tpu.memory_space<vmem>>, vector<16xi32>,
      %jit3A_147 = arith.constant 5002 : i32
      %broadcast_in_dim3A_148 = vector.broadcast %jit3A_147 : i32 to vector<16xi32>
      %select_n3A_149 = arith.select %and3A_141, %get3A_132, %broadcast_in_dim3A_148 : vector<16xi1>, vector<16xi32>
      %swap3A_150 = arith.constant 48 : index
      %swap3A_151 = tpu.vector_load %arg13[%swap3A_150] {strides = array<i32>} : memref<128xi32, #tpu.memory_space<vmem>>, vector<16xi32>,
      tpu.vector_store %arg13[%swap3A_150], %select_n3A_149 {strides = array<i32>} : memref<128xi32, #tpu.memory_space<vmem>>, vector<16xi32>,
      %jit3A_152 = arith.constant 5002 : i32
      %broadcast_in_dim3A_153 = vector.broadcast %jit3A_152 : i32 to vector<16xi32>
      %select_n3A_154 = arith.select %and3A_141, %get3A_130, %broadcast_in_dim3A_153 : vector<16xi1>, vector<16xi32>
      %swap3A_155 = arith.constant 48 : index
      %swap3A_156 = tpu.vector_load %arg12[%swap3A_155] {strides = array<i32>} : memref<128xi32, #tpu.memory_space<vmem>>, vector<16xi32>,
      tpu.vector_store %arg12[%swap3A_155], %select_n3A_154 {strides = array<i32>} : memref<128xi32, #tpu.memory_space<vmem>>, vector<16xi32>,
      %get3A_157 = arith.constant 64 : index
      %get3A_158 = tpu.vector_load %arg10[%get3A_157] {strides = array<i32>} : memref<128xi32, #tpu.memory_space<vmem>>, vector<16xi32>,
      %get3A_159 = arith.constant 64 : index
      %get3A_160 = tpu.vector_load %arg11[%get3A_159] {strides = array<i32>} : memref<128xi32, #tpu.memory_space<vmem>>, vector<16xi32>,
      %sub3A_161 = vector.broadcast %scan3A_32 : i32 to vector<16xi32>
      %sub3A_162 = arith.subi %get3A_160, %sub3A_161 : vector<16xi32>
      %ge3A_163 = arith.constant 0 : i32
      %ge3A_164 = vector.broadcast %ge3A_163 : i32 to vector<16xi32>
      %ge3A_165 = arith.cmpi sge, %sub3A_162, %ge3A_164 : vector<16xi32>
      %lt3A_166 = arith.constant 2560 : i32
      %lt3A_167 = vector.broadcast %lt3A_166 : i32 to vector<16xi32>
      %lt3A_168 = arith.cmpi slt, %sub3A_162, %lt3A_167 : vector<16xi32>
      %and3A_169 = arith.andi %ge3A_165, %lt3A_168 : vector<16xi1>
      %jit3A_170 = arith.constant 0 : i32
      %broadcast_in_dim3A_171 = vector.broadcast %jit3A_170 : i32 to vector<16xi32>
      %select_n3A_172 = arith.select %and3A_169, %sub3A_162, %broadcast_in_dim3A_171 : vector<16xi1>, vector<16xi32>
      %swap3A_173 = arith.constant 64 : index
      %swap3A_174 = tpu.vector_load %arg11[%swap3A_173] {strides = array<i32>} : memref<128xi32, #tpu.memory_space<vmem>>, vector<16xi32>,
      tpu.vector_store %arg11[%swap3A_173], %select_n3A_172 {strides = array<i32>} : memref<128xi32, #tpu.memory_space<vmem>>, vector<16xi32>,
      %jit3A_175 = arith.constant 5002 : i32
      %broadcast_in_dim3A_176 = vector.broadcast %jit3A_175 : i32 to vector<16xi32>
      %select_n3A_177 = arith.select %and3A_169, %get3A_160, %broadcast_in_dim3A_176 : vector<16xi1>, vector<16xi32>
      %swap3A_178 = arith.constant 64 : index
      %swap3A_179 = tpu.vector_load %arg13[%swap3A_178] {strides = array<i32>} : memref<128xi32, #tpu.memory_space<vmem>>, vector<16xi32>,
      tpu.vector_store %arg13[%swap3A_178], %select_n3A_177 {strides = array<i32>} : memref<128xi32, #tpu.memory_space<vmem>>, vector<16xi32>,
      %jit3A_180 = arith.constant 5002 : i32
      %broadcast_in_dim3A_181 = vector.broadcast %jit3A_180 : i32 to vector<16xi32>
      %select_n3A_182 = arith.select %and3A_169, %get3A_158, %broadcast_in_dim3A_181 : vector<16xi1>, vector<16xi32>
      %swap3A_183 = arith.constant 64 : index
      %swap3A_184 = tpu.vector_load %arg12[%swap3A_183] {strides = array<i32>} : memref<128xi32, #tpu.memory_space<vmem>>, vector<16xi32>,
      tpu.vector_store %arg12[%swap3A_183], %select_n3A_182 {strides = array<i32>} : memref<128xi32, #tpu.memory_space<vmem>>, vector<16xi32>,
      %get3A_185 = arith.constant 80 : index
      %get3A_186 = tpu.vector_load %arg10[%get3A_185] {strides = array<i32>} : memref<128xi32, #tpu.memory_space<vmem>>, vector<16xi32>,
      %get3A_187 = arith.constant 80 : index
      %get3A_188 = tpu.vector_load %arg11[%get3A_187] {strides = array<i32>} : memref<128xi32, #tpu.memory_space<vmem>>, vector<16xi32>,
      %sub3A_189 = vector.broadcast %scan3A_32 : i32 to vector<16xi32>
      %sub3A_190 = arith.subi %get3A_188, %sub3A_189 : vector<16xi32>
      %ge3A_191 = arith.constant 0 : i32
      %ge3A_192 = vector.broadcast %ge3A_191 : i32 to vector<16xi32>
      %ge3A_193 = arith.cmpi sge, %sub3A_190, %ge3A_192 : vector<16xi32>
      %lt3A_194 = arith.constant 2560 : i32
      %lt3A_195 = vector.broadcast %lt3A_194 : i32 to vector<16xi32>
      %lt3A_196 = arith.cmpi slt, %sub3A_190, %lt3A_195 : vector<16xi32>
      %and3A_197 = arith.andi %ge3A_193, %lt3A_196 : vector<16xi1>
      %jit3A_198 = arith.constant 0 : i32
      %broadcast_in_dim3A_199 = vector.broadcast %jit3A_198 : i32 to vector<16xi32>
      %select_n3A_200 = arith.select %and3A_197, %sub3A_190, %broadcast_in_dim3A_199 : vector<16xi1>, vector<16xi32>
      %swap3A_201 = arith.constant 80 : index
      %swap3A_202 = tpu.vector_load %arg11[%swap3A_201] {strides = array<i32>} : memref<128xi32, #tpu.memory_space<vmem>>, vector<16xi32>,
      tpu.vector_store %arg11[%swap3A_201], %select_n3A_200 {strides = array<i32>} : memref<128xi32, #tpu.memory_space<vmem>>, vector<16xi32>,
      %jit3A_203 = arith.constant 5002 : i32
      %broadcast_in_dim3A_204 = vector.broadcast %jit3A_203 : i32 to vector<16xi32>
      %select_n3A_205 = arith.select %and3A_197, %get3A_188, %broadcast_in_dim3A_204 : vector<16xi1>, vector<16xi32>
      %swap3A_206 = arith.constant 80 : index
      %swap3A_207 = tpu.vector_load %arg13[%swap3A_206] {strides = array<i32>} : memref<128xi32, #tpu.memory_space<vmem>>, vector<16xi32>,
      tpu.vector_store %arg13[%swap3A_206], %select_n3A_205 {strides = array<i32>} : memref<128xi32, #tpu.memory_space<vmem>>, vector<16xi32>,
      %jit3A_208 = arith.constant 5002 : i32
      %broadcast_in_dim3A_209 = vector.broadcast %jit3A_208 : i32 to vector<16xi32>
      %select_n3A_210 = arith.select %and3A_197, %get3A_186, %broadcast_in_dim3A_209 : vector<16xi1>, vector<16xi32>
      %swap3A_211 = arith.constant 80 : index
      %swap3A_212 = tpu.vector_load %arg12[%swap3A_211] {strides = array<i32>} : memref<128xi32, #tpu.memory_space<vmem>>, vector<16xi32>,
      tpu.vector_store %arg12[%swap3A_211], %select_n3A_210 {strides = array<i32>} : memref<128xi32, #tpu.memory_space<vmem>>, vector<16xi32>,
      %get3A_213 = arith.constant 96 : index
      %get3A_214 = tpu.vector_load %arg10[%get3A_213] {strides = array<i32>} : memref<128xi32, #tpu.memory_space<vmem>>, vector<16xi32>,
      %get3A_215 = arith.constant 96 : index
      %get3A_216 = tpu.vector_load %arg11[%get3A_215] {strides = array<i32>} : memref<128xi32, #tpu.memory_space<vmem>>, vector<16xi32>,
      %sub3A_217 = vector.broadcast %scan3A_32 : i32 to vector<16xi32>
      %sub3A_218 = arith.subi %get3A_216, %sub3A_217 : vector<16xi32>
      %ge3A_219 = arith.constant 0 : i32
      %ge3A_220 = vector.broadcast %ge3A_219 : i32 to vector<16xi32>
      %ge3A_221 = arith.cmpi sge, %sub3A_218, %ge3A_220 : vector<16xi32>
      %lt3A_222 = arith.constant 2560 : i32
      %lt3A_223 = vector.broadcast %lt3A_222 : i32 to vector<16xi32>
      %lt3A_224 = arith.cmpi slt, %sub3A_218, %lt3A_223 : vector<16xi32>
      %and3A_225 = arith.andi %ge3A_221, %lt3A_224 : vector<16xi1>
      %jit3A_226 = arith.constant 0 : i32
      %broadcast_in_dim3A_227 = vector.broadcast %jit3A_226 : i32 to vector<16xi32>
      %select_n3A_228 = arith.select %and3A_225, %sub3A_218, %broadcast_in_dim3A_227 : vector<16xi1>, vector<16xi32>
      %swap3A_229 = arith.constant 96 : index
      %swap3A_230 = tpu.vector_load %arg11[%swap3A_229] {strides = array<i32>} : memref<128xi32, #tpu.memory_space<vmem>>, vector<16xi32>,
      tpu.vector_store %arg11[%swap3A_229], %select_n3A_228 {strides = array<i32>} : memref<128xi32, #tpu.memory_space<vmem>>, vector<16xi32>,
      %jit3A_231 = arith.constant 5002 : i32
      %broadcast_in_dim3A_232 = vector.broadcast %jit3A_231 : i32 to vector<16xi32>
      %select_n3A_233 = arith.select %and3A_225, %get3A_216, %broadcast_in_dim3A_232 : vector<16xi1>, vector<16xi32>
      %swap3A_234 = arith.constant 96 : index
      %swap3A_235 = tpu.vector_load %arg13[%swap3A_234] {strides = array<i32>} : memref<128xi32, #tpu.memory_space<vmem>>, vector<16xi32>,
      tpu.vector_store %arg13[%swap3A_234], %select_n3A_233 {strides = array<i32>} : memref<128xi32, #tpu.memory_space<vmem>>, vector<16xi32>,
      %jit3A_236 = arith.constant 5002 : i32
      %broadcast_in_dim3A_237 = vector.broadcast %jit3A_236 : i32 to vector<16xi32>
      %select_n3A_238 = arith.select %and3A_225, %get3A_214, %broadcast_in_dim3A_237 : vector<16xi1>, vector<16xi32>
      %swap3A_239 = arith.constant 96 : index
      %swap3A_240 = tpu.vector_load %arg12[%swap3A_239] {strides = array<i32>} : memref<128xi32, #tpu.memory_space<vmem>>, vector<16xi32>,
      tpu.vector_store %arg12[%swap3A_239], %select_n3A_238 {strides = array<i32>} : memref<128xi32, #tpu.memory_space<vmem>>, vector<16xi32>,
      %get3A_241 = arith.constant 112 : index
      %get3A_242 = tpu.vector_load %arg10[%get3A_241] {strides = array<i32>} : memref<128xi32, #tpu.memory_space<vmem>>, vector<16xi32>,
      %get3A_243 = arith.constant 112 : index
      %get3A_244 = tpu.vector_load %arg11[%get3A_243] {strides = array<i32>} : memref<128xi32, #tpu.memory_space<vmem>>, vector<16xi32>,
      %sub3A_245 = vector.broadcast %scan3A_32 : i32 to vector<16xi32>
      %sub3A_246 = arith.subi %get3A_244, %sub3A_245 : vector<16xi32>
      %ge3A_247 = arith.constant 0 : i32
      %ge3A_248 = vector.broadcast %ge3A_247 : i32 to vector<16xi32>
      %ge3A_249 = arith.cmpi sge, %sub3A_246, %ge3A_248 : vector<16xi32>
      %lt3A_250 = arith.constant 2560 : i32
      %lt3A_251 = vector.broadcast %lt3A_250 : i32 to vector<16xi32>
      %lt3A_252 = arith.cmpi slt, %sub3A_246, %lt3A_251 : vector<16xi32>
      %and3A_253 = arith.andi %ge3A_249, %lt3A_252 : vector<16xi1>
      %jit3A_254 = arith.constant 0 : i32
      %broadcast_in_dim3A_255 = vector.broadcast %jit3A_254 : i32 to vector<16xi32>
      %select_n3A_256 = arith.select %and3A_253, %sub3A_246, %broadcast_in_dim3A_255 : vector<16xi1>, vector<16xi32>
      %swap3A_257 = arith.constant 112 : index
      %swap3A_258 = tpu.vector_load %arg11[%swap3A_257] {strides = array<i32>} : memref<128xi32, #tpu.memory_space<vmem>>, vector<16xi32>,
      tpu.vector_store %arg11[%swap3A_257], %select_n3A_256 {strides = array<i32>} : memref<128xi32, #tpu.memory_space<vmem>>, vector<16xi32>,
      %jit3A_259 = arith.constant 5002 : i32
      %broadcast_in_dim3A_260 = vector.broadcast %jit3A_259 : i32 to vector<16xi32>
      %select_n3A_261 = arith.select %and3A_253, %get3A_244, %broadcast_in_dim3A_260 : vector<16xi1>, vector<16xi32>
      %swap3A_262 = arith.constant 112 : index
      %swap3A_263 = tpu.vector_load %arg13[%swap3A_262] {strides = array<i32>} : memref<128xi32, #tpu.memory_space<vmem>>, vector<16xi32>,
      tpu.vector_store %arg13[%swap3A_262], %select_n3A_261 {strides = array<i32>} : memref<128xi32, #tpu.memory_space<vmem>>, vector<16xi32>,
      %jit3A_264 = arith.constant 5002 : i32
      %broadcast_in_dim3A_265 = vector.broadcast %jit3A_264 : i32 to vector<16xi32>
      %select_n3A_266 = arith.select %and3A_253, %get3A_242, %broadcast_in_dim3A_265 : vector<16xi1>, vector<16xi32>
      %swap3A_267 = arith.constant 112 : index
      %swap3A_268 = tpu.vector_load %arg12[%swap3A_267] {strides = array<i32>} : memref<128xi32, #tpu.memory_space<vmem>>, vector<16xi32>,
      tpu.vector_store %arg12[%swap3A_267], %select_n3A_266 {strides = array<i32>} : memref<128xi32, #tpu.memory_space<vmem>>, vector<16xi32>,
      %dma_start3A = arith.constant 0 : i32
      %dma_start3A_269 = arith.constant 0 : i32
      %dma_start3A_270 = tpu.memref_slice %arg2[%dma_start3A, %dma_start3A_269] : memref<5120x128xf32, #tpu.memory_space<hbm>> -> memref<5120x128xf32, #tpu.memory_space<hbm>>
      tpu.enqueue_indirect_dma source(%dma_start3A_270 : memref<5120x128xf32, #tpu.memory_space<hbm>>) target(%arg14 : memref<128x128xf32, #tpu.memory_space<vmem>>) offsets(%arg13 : memref<128xi32, #tpu.memory_space<vmem>>) semaphore(%arg23 : memref<!tpu.dma_semaphore, #tpu.memory_space<semaphore_mem>>)
      %dma_start3A_271 = arith.constant 0 : i32
      %dma_start3A_272 = arith.constant 0 : i32
      %dma_start3A_273 = tpu.memref_slice %arg2[%dma_start3A_271, %dma_start3A_272] : memref<5120x128xf32, #tpu.memory_space<hbm>> -> memref<5120x128xf32, #tpu.memory_space<hbm>>
      tpu.enqueue_indirect_dma source(%dma_start3A_273 : memref<5120x128xf32, #tpu.memory_space<hbm>>) target(%arg15 : memref<128x128xf32, #tpu.memory_space<vmem>>) offsets(%arg12 : memref<128xi32, #tpu.memory_space<vmem>>) semaphore(%arg24 : memref<!tpu.dma_semaphore, #tpu.memory_space<semaphore_mem>>)
      %dma_wait3A = arith.constant 0 : i32
      %dma_wait3A_274 = arith.constant 0 : i32
      %dma_wait3A_275 = tpu.memref_slice %arg2[%dma_wait3A, %dma_wait3A_274] : memref<5120x128xf32, #tpu.memory_space<hbm>> -> memref<5120x128xf32, #tpu.memory_space<hbm>>
      tpu.wait_indirect_dma semaphore(%arg23 : memref<!tpu.dma_semaphore, #tpu.memory_space<semaphore_mem>>) src(%dma_wait3A_275 : memref<5120x128xf32, #tpu.memory_space<hbm>>) dst(%arg14 : memref<128x128xf32, #tpu.memory_space<vmem>>)
      %dma_wait3A_276 = arith.constant 0 : i32
      %dma_wait3A_277 = arith.constant 0 : i32
      %dma_wait3A_278 = tpu.memref_slice %arg2[%dma_wait3A_276, %dma_wait3A_277] : memref<5120x128xf32, #tpu.memory_space<hbm>> -> memref<5120x128xf32, #tpu.memory_space<hbm>>
      tpu.wait_indirect_dma semaphore(%arg24 : memref<!tpu.dma_semaphore, #tpu.memory_space<semaphore_mem>>) src(%dma_wait3A_278 : memref<5120x128xf32, #tpu.memory_space<hbm>>) dst(%arg15 : memref<128x128xf32, #tpu.memory_space<vmem>>)
      %scan3A_279 = arith.constant 0 : i32
      %scan3A_280 = arith.constant 0 : i32
      %scan3A_281 = arith.constant 128 : i32
      %scan3A_282 = arith.addi %scan3A_280, %scan3A_281 : i32
      %scan3A_283 = arith.constant 1 : i32
      scf.for %scan3A_285 = %scan3A_280 to %scan3A_282 step %scan3A_283  : i32 {
        %broadcast_in_dim3A_286 = arith.constant 0 : i32
        %broadcast_in_dim3A_287 = vector.broadcast %broadcast_in_dim3A_286 : i32 to vector<16xi32>
        %add3A_288 = vector.broadcast %scan3A_285 : i32 to vector<16xi32>
        %add3A_289 = arith.addi %broadcast_in_dim3A_287, %add3A_288 : vector<16xi32>
        %iota3A = tpu.iota {dimensions = array<i32: 0>} : vector<16xi32>
        %add3A_290 = arith.constant 0 : i32
        %add3A_291 = vector.broadcast %add3A_290 : i32 to vector<16xi32>
        %add3A_292 = arith.addi %add3A_291, %iota3A : vector<16xi32>
        %gather3A = tpu.vector_load_idx %arg14[%add3A_289, %add3A_292] : memref<128x128xf32, #tpu.memory_space<vmem>>[vector<16xi32>, vector<16xi32>], vector<16xf32>,
        %add3A_293 = arith.constant 64 : i32
        %add3A_294 = vector.broadcast %add3A_293 : i32 to vector<16xi32>
        %add3A_295 = arith.addi %add3A_294, %add3A_292 : vector<16xi32>
        %gather3A_296 = tpu.vector_load_idx %arg15[%add3A_289, %add3A_295] : memref<128x128xf32, #tpu.memory_space<vmem>>[vector<16xi32>, vector<16xi32>], vector<16xf32>,
        %add3A_297 = arith.addf %gather3A, %gather3A_296 : vector<16xf32>
        %mul3A_298 = arith.constant 0.00999999977 : f32
        %mul3A_299 = vector.broadcast %mul3A_298 : f32 to vector<16xf32>
        %mul3A_300 = arith.mulf %mul3A_299, %add3A_297 : vector<16xf32>
        %max3A = arith.maximumf %add3A_297, %mul3A_300 : vector<16xf32>
        tpu.vector_store_idx %arg16[%add3A_289, %add3A_292], %max3A : memref<128x128xf32, #tpu.memory_space<vmem>>[vector<16xi32>, vector<16xi32>], vector<16xf32>,
        %iota3A_301 = tpu.iota {dimensions = array<i32: 0>} : vector<16xi32>
        %add3A_302 = arith.constant 16 : i32
        %add3A_303 = vector.broadcast %add3A_302 : i32 to vector<16xi32>
        %add3A_304 = arith.addi %add3A_303, %iota3A_301 : vector<16xi32>
        %gather3A_305 = tpu.vector_load_idx %arg14[%add3A_289, %add3A_304] : memref<128x128xf32, #tpu.memory_space<vmem>>[vector<16xi32>, vector<16xi32>], vector<16xf32>,
        %add3A_306 = arith.constant 64 : i32
        %add3A_307 = vector.broadcast %add3A_306 : i32 to vector<16xi32>
        %add3A_308 = arith.addi %add3A_307, %add3A_304 : vector<16xi32>
        %gather3A_309 = tpu.vector_load_idx %arg15[%add3A_289, %add3A_308] : memref<128x128xf32, #tpu.memory_space<vmem>>[vector<16xi32>, vector<16xi32>], vector<16xf32>,
        %add3A_310 = arith.addf %gather3A_305, %gather3A_309 : vector<16xf32>
        %mul3A_311 = arith.constant 0.00999999977 : f32
        %mul3A_312 = vector.broadcast %mul3A_311 : f32 to vector<16xf32>
        %mul3A_313 = arith.mulf %mul3A_312, %add3A_310 : vector<16xf32>
        %max3A_314 = arith.maximumf %add3A_310, %mul3A_313 : vector<16xf32>
        tpu.vector_store_idx %arg16[%add3A_289, %add3A_304], %max3A_314 : memref<128x128xf32, #tpu.memory_space<vmem>>[vector<16xi32>, vector<16xi32>], vector<16xf32>,
        %iota3A_315 = tpu.iota {dimensions = array<i32: 0>} : vector<16xi32>
        %add3A_316 = arith.constant 32 : i32
        %add3A_317 = vector.broadcast %add3A_316 : i32 to vector<16xi32>
        %add3A_318 = arith.addi %add3A_317, %iota3A_315 : vector<16xi32>
        %gather3A_319 = tpu.vector_load_idx %arg14[%add3A_289, %add3A_318] : memref<128x128xf32, #tpu.memory_space<vmem>>[vector<16xi32>, vector<16xi32>], vector<16xf32>,
        %add3A_320 = arith.constant 64 : i32
        %add3A_321 = vector.broadcast %add3A_320 : i32 to vector<16xi32>
        %add3A_322 = arith.addi %add3A_321, %add3A_318 : vector<16xi32>
        %gather3A_323 = tpu.vector_load_idx %arg15[%add3A_289, %add3A_322] : memref<128x128xf32, #tpu.memory_space<vmem>>[vector<16xi32>, vector<16xi32>], vector<16xf32>,
        %add3A_324 = arith.addf %gather3A_319, %gather3A_323 : vector<16xf32>
        %mul3A_325 = arith.constant 0.00999999977 : f32
        %mul3A_326 = vector.broadcast %mul3A_325 : f32 to vector<16xf32>
        %mul3A_327 = arith.mulf %mul3A_326, %add3A_324 : vector<16xf32>
        %max3A_328 = arith.maximumf %add3A_324, %mul3A_327 : vector<16xf32>
        tpu.vector_store_idx %arg16[%add3A_289, %add3A_318], %max3A_328 : memref<128x128xf32, #tpu.memory_space<vmem>>[vector<16xi32>, vector<16xi32>], vector<16xf32>,
        %iota3A_329 = tpu.iota {dimensions = array<i32: 0>} : vector<16xi32>
        %add3A_330 = arith.constant 48 : i32
        %add3A_331 = vector.broadcast %add3A_330 : i32 to vector<16xi32>
        %add3A_332 = arith.addi %add3A_331, %iota3A_329 : vector<16xi32>
        %gather3A_333 = tpu.vector_load_idx %arg14[%add3A_289, %add3A_332] : memref<128x128xf32, #tpu.memory_space<vmem>>[vector<16xi32>, vector<16xi32>], vector<16xf32>,
        %add3A_334 = arith.constant 64 : i32
        %add3A_335 = vector.broadcast %add3A_334 : i32 to vector<16xi32>
        %add3A_336 = arith.addi %add3A_335, %add3A_332 : vector<16xi32>
        %gather3A_337 = tpu.vector_load_idx %arg15[%add3A_289, %add3A_336] : memref<128x128xf32, #tpu.memory_space<vmem>>[vector<16xi32>, vector<16xi32>], vector<16xf32>,
        %add3A_338 = arith.addf %gather3A_333, %gather3A_337 : vector<16xf32>
        %mul3A_339 = arith.constant 0.00999999977 : f32
        %mul3A_340 = vector.broadcast %mul3A_339 : f32 to vector<16xf32>
        %mul3A_341 = arith.mulf %mul3A_340, %add3A_338 : vector<16xf32>
        %max3A_342 = arith.maximumf %add3A_338, %mul3A_341 : vector<16xf32>
        tpu.vector_store_idx %arg16[%add3A_289, %add3A_332], %max3A_342 : memref<128x128xf32, #tpu.memory_space<vmem>>[vector<16xi32>, vector<16xi32>], vector<16xf32>,
      }
      %scan3A_284 = arith.constant 128 : i32
      "tpu.region"() ({
        %run_scoped3A = tpu.sem_alloc : memref<!tpu.dma_semaphore, #tpu.memory_space<semaphore_mem>>
        %dma_start3A_285 = arith.constant 0 : i32
        %dma_start3A_286 = arith.constant 0 : i32
        %dma_start3A_287 = tpu.memref_slice %arg22[%dma_start3A_285, %dma_start3A_286] : memref<2560x128xf32, #tpu.memory_space<vmem_shared>> -> memref<2560x128xf32, #tpu.memory_space<vmem_shared>>
        tpu.enqueue_indirect_dma source(%arg16 : memref<128x128xf32, #tpu.memory_space<vmem>>) target(%dma_start3A_287 : memref<2560x128xf32, #tpu.memory_space<vmem_shared>>) offsets(%arg11 : memref<128xi32, #tpu.memory_space<vmem>>) semaphore(%run_scoped3A : memref<!tpu.dma_semaphore, #tpu.memory_space<semaphore_mem>>) {add = true}
        %dma_wait3A_288 = arith.constant 0 : i32
        %dma_wait3A_289 = arith.constant 0 : i32
        %dma_wait3A_290 = tpu.memref_slice %arg22[%dma_wait3A_288, %dma_wait3A_289] : memref<2560x128xf32, #tpu.memory_space<vmem_shared>> -> memref<2560x128xf32, #tpu.memory_space<vmem_shared>>
        tpu.wait_indirect_dma semaphore(%run_scoped3A : memref<!tpu.dma_semaphore, #tpu.memory_space<semaphore_mem>>) src(%arg16 : memref<128x128xf32, #tpu.memory_space<vmem>>) dst(%dma_wait3A_290 : memref<2560x128xf32, #tpu.memory_space<vmem_shared>>)
        tpu.yield
      }) : () -> ()
    }
    %scan3A_37 = arith.constant 40 : i32
    %barrier3A_38 = arith.constant 0 : index
    tpu.barrier barrier_id(%barrier3A_38)
    %mul3A_39 = arith.constant 160 : i32
    %mul3A_40 = arith.muli %arg1, %mul3A_39 : i32
    %mul3A_41 = arith.constant 160 : i32
    %mul3A_42 = arith.muli %arg1, %mul3A_41 : i32
    %add3A_43 = arith.constant 2560 : i32
    %add3A_44 = arith.addi %add3A_43, %mul3A_42 : i32
    "tpu.region"() ({
      %run_scoped3A = tpu.sem_alloc : memref<!tpu.dma_semaphore, #tpu.memory_space<semaphore_mem>>
      %dma_start3A = arith.constant 0 : i32
      %dma_start3A_49 = tpu.memref_slice %arg7[%arg0, %add3A_44, %dma_start3A] : memref<2x5120x128xf32, #tpu.memory_space<hbm>> -> memref<1x160x128xf32, #tpu.memory_space<hbm>>
      %dma_start3A_50 = tpu.memref_squeeze %dma_start3A_49 : memref<1x160x128xf32, #tpu.memory_space<hbm>> -> memref<160x128xf32, #tpu.memory_space<hbm>>
      %dma_start3A_51 = arith.constant 0 : i32
      %dma_start3A_52 = tpu.memref_slice %arg22[%mul3A_40, %dma_start3A_51] : memref<2560x128xf32, #tpu.memory_space<vmem_shared>> -> memref<160x128xf32, #tpu.memory_space<vmem_shared>>
      tpu.enqueue_dma source(%dma_start3A_52 : memref<160x128xf32, #tpu.memory_space<vmem_shared>>) target(%dma_start3A_50 : memref<160x128xf32, #tpu.memory_space<hbm>>) target_semaphore(%run_scoped3A : memref<!tpu.dma_semaphore, #tpu.memory_space<semaphore_mem>>)
      %dma_wait3A = arith.constant 0 : i32
      %dma_wait3A_53 = tpu.memref_slice %arg7[%arg0, %add3A_44, %dma_wait3A] : memref<2x5120x128xf32, #tpu.memory_space<hbm>> -> memref<1x160x128xf32, #tpu.memory_space<hbm>>
      %dma_wait3A_54 = tpu.memref_squeeze %dma_wait3A_53 : memref<1x160x128xf32, #tpu.memory_space<hbm>> -> memref<160x128xf32, #tpu.memory_space<hbm>>
      %dma_wait3A_55 = arith.constant 0 : i32
      %dma_wait3A_56 = tpu.memref_slice %arg22[%mul3A_40, %dma_wait3A_55] : memref<2560x128xf32, #tpu.memory_space<vmem_shared>> -> memref<160x128xf32, #tpu.memory_space<vmem_shared>>
      tpu.wait_dma2 semaphore(%run_scoped3A : memref<!tpu.dma_semaphore, #tpu.memory_space<semaphore_mem>>) src(%dma_wait3A_56 : memref<160x128xf32, #tpu.memory_space<vmem_shared>>) dst(%dma_wait3A_54 : memref<160x128xf32, #tpu.memory_space<hbm>>)
      tpu.yield
    }) : () -> ()
    %eq3A = arith.constant 1 : i32
    %eq3A_45 = arith.cmpi eq, %arg0, %eq3A : i32
    %eq3A_46 = arith.constant 0 : i32
    %eq3A_47 = arith.cmpi eq, %arg1, %eq3A_46 : i32
    %and3A = arith.andi %eq3A_45, %eq3A_47 : i1
    %convert_element_type3A = arith.extui %and3A : i1 to i32
    %cond3A = arith.constant 0 : i32
    %cond3A_48 = arith.cmpi ne, %convert_element_type3A, %cond3A : i32
    scf.if %cond3A_48 {
      "tpu.region"() ({
        %run_scoped3A = tpu.sem_alloc : memref<!tpu.dma_semaphore, #tpu.memory_space<semaphore_mem>>
        tpu.enqueue_dma source(%arg5 : memref<5120xi32, #tpu.memory_space<hbm>>) target(%arg20 : memref<5120xi32, #tpu.memory_space<vmem>>) target_semaphore(%run_scoped3A : memref<!tpu.dma_semaphore, #tpu.memory_space<semaphore_mem>>)
        tpu.wait_dma2 semaphore(%run_scoped3A : memref<!tpu.dma_semaphore, #tpu.memory_space<semaphore_mem>>) src(%arg5 : memref<5120xi32, #tpu.memory_space<hbm>>) dst(%arg20 : memref<5120xi32, #tpu.memory_space<vmem>>)
        tpu.yield
      }) : () -> ()
      "tpu.region"() ({
        %run_scoped3A = tpu.sem_alloc : memref<!tpu.dma_semaphore, #tpu.memory_space<semaphore_mem>>
        tpu.enqueue_dma source(%arg6 : memref<5120xf32, #tpu.memory_space<hbm>>) target(%arg21 : memref<5120xf32, #tpu.memory_space<vmem>>) target_semaphore(%run_scoped3A : memref<!tpu.dma_semaphore, #tpu.memory_space<semaphore_mem>>)
        tpu.wait_dma2 semaphore(%run_scoped3A : memref<!tpu.dma_semaphore, #tpu.memory_space<semaphore_mem>>) src(%arg6 : memref<5120xf32, #tpu.memory_space<hbm>>) dst(%arg21 : memref<5120xf32, #tpu.memory_space<vmem>>)
        tpu.yield
      }) : () -> ()
      %scan3A_49 = arith.constant 0 : i32
      %scan3A_50 = arith.constant 0 : i32
      %scan3A_51 = arith.constant 640 : i32
      %scan3A_52 = arith.addi %scan3A_50, %scan3A_51 : i32
      %scan3A_53 = arith.constant 1 : i32
      scf.for %scan3A_61 = %scan3A_50 to %scan3A_52 step %scan3A_53  : i32 {
        %mul3A_62 = arith.constant 16 : i32
        %mul3A_63 = arith.muli %scan3A_61, %mul3A_62 : i32
        %broadcast_in_dim3A = arith.constant 5000 : i32
        %broadcast_in_dim3A_64 = vector.broadcast %broadcast_in_dim3A : i32 to vector<16xi32>
        %swap3A = arith.index_cast %mul3A_63 : i32 to index
        %swap3A_65 = tpu.vector_load %arg18[%swap3A] {strides = array<i32>} : memref<10240xi32, #tpu.memory_space<vmem>>, vector<16xi32>,
        tpu.vector_store %arg18[%swap3A], %broadcast_in_dim3A_64 {strides = array<i32>} : memref<10240xi32, #tpu.memory_space<vmem>>, vector<16xi32>,
        %broadcast_in_dim3A_66 = arith.constant 0.000000e+00 : f32
        %broadcast_in_dim3A_67 = vector.broadcast %broadcast_in_dim3A_66 : f32 to vector<16xf32>
        %swap3A_68 = arith.index_cast %mul3A_63 : i32 to index
        %swap3A_69 = tpu.vector_load %arg19[%swap3A_68] {strides = array<i32>} : memref<10240xf32, #tpu.memory_space<vmem>>, vector<16xf32>,
        tpu.vector_store %arg19[%swap3A_68], %broadcast_in_dim3A_67 {strides = array<i32>} : memref<10240xf32, #tpu.memory_space<vmem>>, vector<16xf32>,
      }
      %scan3A_54 = arith.constant 640 : i32
      %scan3A_55 = arith.constant 0 : i32
      %scan3A_56 = arith.constant 0 : i32
      %scan3A_57 = arith.constant 320 : i32
      %scan3A_58 = arith.addi %scan3A_56, %scan3A_57 : i32
      %scan3A_59 = arith.constant 1 : i32
      scf.for %scan3A_61 = %scan3A_56 to %scan3A_58 step %scan3A_59  : i32 {
        %mul3A_62 = arith.constant 16 : i32
        %mul3A_63 = arith.muli %scan3A_61, %mul3A_62 : i32
        %get3A = arith.index_cast %mul3A_63 : i32 to index
        %get3A_64 = tpu.vector_load %arg20[%get3A] {strides = array<i32>} : memref<5120xi32, #tpu.memory_space<vmem>>, vector<16xi32>,
        %mul3A_65 = arith.constant 16 : i32
        %mul3A_66 = arith.muli %scan3A_61, %mul3A_65 : i32
        %iota3A = tpu.iota {dimensions = array<i32: 0>} : vector<16xi32>
        %add3A_67 = vector.broadcast %mul3A_66 : i32 to vector<16xi32>
        %add3A_68 = arith.addi %add3A_67, %iota3A : vector<16xi32>
        tpu.vector_store_idx %arg18[%get3A_64], %add3A_68 : memref<10240xi32, #tpu.memory_space<vmem>>[vector<16xi32>], vector<16xi32>,
        %get3A_69 = arith.index_cast %mul3A_63 : i32 to index
        %get3A_70 = tpu.vector_load %arg21[%get3A_69] {strides = array<i32>} : memref<5120xf32, #tpu.memory_space<vmem>>, vector<16xf32>,
        tpu.vector_store_idx %arg19[%get3A_64], %get3A_70 : memref<10240xf32, #tpu.memory_space<vmem>>[vector<16xi32>], vector<16xf32>,
      }
      %scan3A_60 = arith.constant 320 : i32
      "tpu.region"() ({
        %run_scoped3A = tpu.sem_alloc : memref<!tpu.dma_semaphore, #tpu.memory_space<semaphore_mem>>
        tpu.enqueue_dma source(%arg18 : memref<10240xi32, #tpu.memory_space<vmem>>) target(%arg8 : memref<10240xi32, #tpu.memory_space<hbm>>) target_semaphore(%run_scoped3A : memref<!tpu.dma_semaphore, #tpu.memory_space<semaphore_mem>>)
        tpu.wait_dma2 semaphore(%run_scoped3A : memref<!tpu.dma_semaphore, #tpu.memory_space<semaphore_mem>>) src(%arg18 : memref<10240xi32, #tpu.memory_space<vmem>>) dst(%arg8 : memref<10240xi32, #tpu.memory_space<hbm>>)
        tpu.yield
      }) : () -> ()
      "tpu.region"() ({
        %run_scoped3A = tpu.sem_alloc : memref<!tpu.dma_semaphore, #tpu.memory_space<semaphore_mem>>
        tpu.enqueue_dma source(%arg19 : memref<10240xf32, #tpu.memory_space<vmem>>) target(%arg9 : memref<10240xf32, #tpu.memory_space<hbm>>) target_semaphore(%run_scoped3A : memref<!tpu.dma_semaphore, #tpu.memory_space<semaphore_mem>>)
        tpu.wait_dma2 semaphore(%run_scoped3A : memref<!tpu.dma_semaphore, #tpu.memory_space<semaphore_mem>>) src(%arg19 : memref<10240xf32, #tpu.memory_space<vmem>>) dst(%arg9 : memref<10240xf32, #tpu.memory_space<hbm>>)
        tpu.yield
      }) : () -> ()
    } else {
    }
    return
  }
}

module attributes {stable_mosaic.version = 14 : i64} {
  func.func @_proj_body(%arg0: memref<5120x128xf32, #tpu.memory_space<vmem>>, %arg1: memref<128x384xf32, #tpu.memory_space<vmem>>, %arg2: memref<1x384xf32, #tpu.memory_space<vmem>>, %arg3: memref<5120x384xf32, #tpu.memory_space<vmem>>) attributes {dimension_semantics = [], scalar_prefetch = 0 : i64, scratch_operands = 0 : i64, tpu.core_type = #tpu.core_type<tc>} {
    %get3A = arith.constant 0 : index
    %get3A_0 = arith.constant 0 : index
    %get3A_1 = vector.load %arg0[%get3A, %get3A_0] : memref<5120x128xf32, #tpu.memory_space<vmem>>, vector<5120x128xf32>
    %get3A_2 = arith.constant 0 : index
    %get3A_3 = arith.constant 0 : index
    %get3A_4 = vector.load %arg1[%get3A_2, %get3A_3] : memref<128x384xf32, #tpu.memory_space<vmem>>, vector<128x384xf32>
    %dot_general3A = arith.constant dense<0.000000e+00> : vector<5120x384xf32>
    %dot_general3A_5 = tpu.matmul %get3A_1, %get3A_4, %dot_general3A {dimension_numbers = #tpu.dot_dimension_numbers<[1], [0], [0], [1], [0, 0, 1, 1], [], []>, transpose_lhs_hint = false} : vector<5120x128xf32>, vector<128x384xf32>, vector<5120x384xf32> -> vector<5120x384xf32>
    %get3A_6 = arith.constant 0 : index
    %get3A_7 = arith.constant 0 : index
    %get3A_8 = vector.load %arg2[%get3A_6, %get3A_7] : memref<1x384xf32, #tpu.memory_space<vmem>>, vector<1x384xf32>
    %add3A = vector.broadcast %get3A_8 : vector<1x384xf32> to vector<5120x384xf32>
    %add3A_9 = arith.addf %dot_general3A_5, %add3A : vector<5120x384xf32>
    %swap3A = arith.constant 0 : index
    %swap3A_10 = arith.constant 0 : index
    %swap3A_11 = vector.load %arg3[%swap3A, %swap3A_10] : memref<5120x384xf32, #tpu.memory_space<vmem>>, vector<5120x384xf32>
    tpu.vector_store %arg3[%swap3A, %swap3A_10], %add3A_9 {strides = array<i32>} : memref<5120x384xf32, #tpu.memory_space<vmem>>, vector<5120x384xf32>,
    return
  }
}

module attributes {stable_mosaic.version = 14 : i64} {
  func.func @_proj2_body(%arg0: memref<2x5120x128xf32, #tpu.memory_space<vmem>>, %arg1: memref<64x256xf32, #tpu.memory_space<vmem>>, %arg2: memref<1x256xf32, #tpu.memory_space<vmem>>, %arg3: memref<5120x256xf32, #tpu.memory_space<vmem>>) attributes {dimension_semantics = [], scalar_prefetch = 0 : i64, scratch_operands = 0 : i64, tpu.core_type = #tpu.core_type<tc>} {
    %get3A = arith.constant 0 : index
    %get3A_0 = arith.constant 0 : index
    %get3A_1 = arith.constant 0 : index
    %get3A_2 = vector.load %arg0[%get3A, %get3A_0, %get3A_1] : memref<2x5120x128xf32, #tpu.memory_space<vmem>>, vector<1x5120x64xf32>
    %get3A_3 = vector.shape_cast %get3A_2 : vector<1x5120x64xf32> to vector<5120x64xf32>
    %get3A_4 = arith.constant 1 : index
    %get3A_5 = arith.constant 0 : index
    %get3A_6 = arith.constant 0 : index
    %get3A_7 = vector.load %arg0[%get3A_4, %get3A_5, %get3A_6] : memref<2x5120x128xf32, #tpu.memory_space<vmem>>, vector<1x5120x64xf32>
    %get3A_8 = vector.shape_cast %get3A_7 : vector<1x5120x64xf32> to vector<5120x64xf32>
    %add3A = arith.addf %get3A_3, %get3A_8 : vector<5120x64xf32>
    %get3A_9 = arith.constant 0 : index
    %get3A_10 = arith.constant 0 : index
    %get3A_11 = vector.load %arg1[%get3A_9, %get3A_10] : memref<64x256xf32, #tpu.memory_space<vmem>>, vector<64x256xf32>
    %dot_general3A = arith.constant dense<0.000000e+00> : vector<5120x256xf32>
    %dot_general3A_12 = tpu.matmul %add3A, %get3A_11, %dot_general3A {dimension_numbers = #tpu.dot_dimension_numbers<[1], [0], [0], [1], [0, 0, 1, 1], [], []>, transpose_lhs_hint = false} : vector<5120x64xf32>, vector<64x256xf32>, vector<5120x256xf32> -> vector<5120x256xf32>
    %get3A_13 = arith.constant 0 : index
    %get3A_14 = arith.constant 0 : index
    %get3A_15 = vector.load %arg2[%get3A_13, %get3A_14] : memref<1x256xf32, #tpu.memory_space<vmem>>, vector<1x256xf32>
    %add3A_16 = vector.broadcast %get3A_15 : vector<1x256xf32> to vector<5120x256xf32>
    %add3A_17 = arith.addf %dot_general3A_12, %add3A_16 : vector<5120x256xf32>
    %swap3A = arith.constant 0 : index
    %swap3A_18 = arith.constant 0 : index
    %swap3A_19 = vector.load %arg3[%swap3A, %swap3A_18] : memref<5120x256xf32, #tpu.memory_space<vmem>>, vector<5120x256xf32>
    tpu.vector_store %arg3[%swap3A, %swap3A_18], %add3A_17 {strides = array<i32>} : memref<5120x256xf32, #tpu.memory_space<vmem>>, vector<5120x256xf32>,
    return
  }
}

module attributes {stable_mosaic.version = 14 : i64} {
  func.func @_combine_body(%arg0: memref<2x10240x128xf32, #tpu.memory_space<vmem>>, %arg1: memref<10000x128xf32, #tpu.memory_space<vmem>>) attributes {dimension_semantics = [], scalar_prefetch = 0 : i64, scratch_operands = 0 : i64, tpu.core_type = #tpu.core_type<tc>} {
    %get3A = arith.constant 0 : index
    %get3A_0 = arith.constant 0 : index
    %get3A_1 = arith.constant 0 : index
    %get3A_2 = vector.load %arg0[%get3A, %get3A_0, %get3A_1] : memref<2x10240x128xf32, #tpu.memory_space<vmem>>, vector<1x10000x128xf32>
    %get3A_3 = vector.shape_cast %get3A_2 : vector<1x10000x128xf32> to vector<10000x128xf32>
    %get3A_4 = arith.constant 1 : index
    %get3A_5 = arith.constant 0 : index
    %get3A_6 = arith.constant 0 : index
    %get3A_7 = vector.load %arg0[%get3A_4, %get3A_5, %get3A_6] : memref<2x10240x128xf32, #tpu.memory_space<vmem>>, vector<1x10000x128xf32>
    %get3A_8 = vector.shape_cast %get3A_7 : vector<1x10000x128xf32> to vector<10000x128xf32>
    %add3A = arith.addf %get3A_3, %get3A_8 : vector<10000x128xf32>
    %mul3A = arith.constant 0.00999999977 : f32
    %mul3A_9 = vector.broadcast %mul3A : f32 to vector<10000x128xf32>
    %mul3A_10 = arith.mulf %mul3A_9, %add3A : vector<10000x128xf32>
    %max3A = arith.maximumf %add3A, %mul3A_10 : vector<10000x128xf32>
    %swap3A = arith.constant 0 : index
    %swap3A_11 = arith.constant 0 : index
    %swap3A_12 = vector.load %arg1[%swap3A, %swap3A_11] : memref<10000x128xf32, #tpu.memory_space<vmem>>, vector<10000x128xf32>
    tpu.vector_store %arg1[%swap3A, %swap3A_11], %max3A {strides = array<i32>} : memref<10000x128xf32, #tpu.memory_space<vmem>>, vector<10000x128xf32>,
    return
  }
}

</mosaic_0001>

<sc_bundles>
// kernel: kernel.10.cloned.1.call-start
scs
__scs_entry_jumppad:
0x0: {  	(pc) =	sbr.rel $0x88, $3  }
0x1: {  	(tag) =	ssettag $0x0;
	lr =	simm.s32 $0x1  }
0x2: {  	[smem:$0x3F96] =	sst lr;
	_ =	strace $0xD0000000  }
0x3: {  	_ = 	snop  }
0x4: {  	_ = 	snop  }
0x5: {  	_ = 	snop  }
0x6: {  	_ = 	snop  }
0x7: {  	_ = 	snop  }
__scs_overlays_trampoline_lowered:
0x8: {  	[smem:$0x3FA5] =	sst s0  }
0x9: {  	[smem:$0x3FA6] =	sst s1  }
0xa: {  	[smem:$0x3FA7] =	sst s2  }
0xb: {  	[smem:$0x3FA8] =	sst s3  }
0xc: {  	[smem:$0x3FA9] =	sst s4  }
0xd: {  	[smem:$0x3FAA] =	sst s5  }
0xe: {  	[smem:$0x3FAB] =	sst s6  }
0xf: {  	[smem:$0x3FAC] =	sst s7  }
0x10: {  	[smem:$0x3FAD] =	sst s8  }
0x11: {  	[smem:$0x3FAE] =	sst s9;
	s0 =	simm.s32 @!p0 $0x0  }
0x12: {  	s1 =	sld [smem:$0x3F94];
	s0 =	simm.s32 @p0 $0x1  }
0x13: {  	[smem:$0x3FAF] =	sst s0;
	s0 =	simm.s32 @!p1 $0x0  }
0x14: {  	s2 =	sld [smem:$0x3F93];
	s0 =	simm.s32 @p1 $0x1  }
0x15: {  	[smem:$0x3FB0] =	sst s0;
	s0 =	simm.s32 @!p2 $0x0  }
0x16: {  	s3 =	sld [smem:$0x3FDB];
	s0 =	simm.s32 @p2 $0x1  }
0x17: {  	s4 =	simm.s32 $0x1BF5;
	[smem:$0x3FB2] =	sst s0  }
0x18: {  	s0 =	sld [smem:$0x3F95];
	_ =	swait.ge [sflag:s4], $0x0  }
0x19: {  	s7 =	sld [smem:$0x3F96]  }
0x1a: {  	s8 =	sadd.s32 $0xFFFFE003, lr  }
0x1b: {  	s9 =	sadd.s32 $0xFFFFFEF7, lr;
	s5 =	simm.s32 $0xFFFFFFFF;
	p2 =	slt.u32 s8, $0xFFFFF086  }
0x1c: {  	p1 =	slt.u32 s9, $0xF7A;
	s5 =	simm.s32 @!p2 $0x0  }
0x1d: {  	s5 =	simm.s32 @p1 $0x1;
	p0 =	seq.s32 s7, s2  }
0x1e: {  	s7 =	smul.u32 @!p0 $0xF7A, s2;
	p2 =	seq.s32 @!p0 s5, $0x0  }
0x1f: {  	s9 =	smul.u32 $0xF7A, s1;
	s8 =	simm.s32 @!p0 $0x1BF5;
	p2 =	por !p2, p0  }
0x20: {  	[sflag:s8] =	ssyncset.s32 @!p0 $0xFFFFF086;
	s6 =	sadd.s32 @!p0 s3, s7;
	s7 =	simm.s32 @!p0 $0x108  }
0x21: {  	s3 =	sadd.s32 s3, s9;
	s6 =	sadd.s32 @!p0 $0x88, s6;
	s7 =	simm.s32 @p2 $0x1082  }
0x22: {  	[simem:s7], [sflag:s8] =	dma.local @!p0 [hbm:s6], $0xF7A  }
0x23: {  	s9 =	sor.u32 $0xD0000000, s2;
	s6 =	simm.s32 $0x108;
	_ =	swait.ge @!p0 [sflag:s8], $0x0  }
0x24: {  	s3 =	sadd.s32 $0x88, s3;
	s6 =	simm.s32 @!p1 $0x1082;
	[sflag:s4] =	ssyncset.s32 $0xFFFFF086  }
0x25: {  	[simem:s6], [sflag:s4] =	dma.local [hbm:s3], $0xF7A  }
0x26: {  	[smem:$0x3F96] =	sst s1;
	(tag) =	ssettag s2;
	_ =	strace s9  }
0x27: {  	s1 =	sld [smem:$0x3FA6]  }
0x28: {  	s2 =	sld [smem:$0x3FA7]  }
0x29: {  	s4 =	sld [smem:$0x3FA9]  }
0x2a: {  	p0 =	seq.s32 s5, $0x0;
	s5 =	sld [smem:$0x3FAA]  }
0x2b: {  	s6 =	sld [smem:$0x3FAB]  }
0x2c: {  	s7 =	sld [smem:$0x3FAC]  }
0x2d: {  	s3 =	simm.s32 $0x108;
	s8 =	sld [smem:$0x3FAD]  }
0x2e: {  	s3 =	simm.s32 @!p0 $0x1082;
	s9 =	sld [smem:$0x3FAE]  }
0x2f: {  	lr =	sadd.s32 s0, s3;
	s0 =	sld [smem:$0x3FA5]  }
0x30: {  	s3 =	sld [smem:$0x3FA8]  }
0x31: {  	[smem:$0x3FB1] =	sst s10  }
0x32: {  	s10 =	sld [smem:$0x3FAF];
	_ =	sdelay $0x3  }
0x33: {  	p0 =	seq.s32 s10, $0x1;
	s10 =	sld [smem:$0x3FB1];
	_ =	sdelay $0x3  }
0x34: {  	[smem:$0x3FB1] =	sst s10  }
0x35: {  	s10 =	sld [smem:$0x3FB0];
	_ =	sdelay $0x3  }
0x36: {  	p1 =	seq.s32 s10, $0x1;
	s10 =	sld [smem:$0x3FB1];
	_ =	sdelay $0x3  }
0x37: {  	[smem:$0x3FB1] =	sst s10  }
0x38: {  	s10 =	sld [smem:$0x3FB2]  }
0x39: {  	_ = 	snop;
	(pc) =	sbr.ind lr, $3  }
0x3a: {  	_ = 	snop  }
0x3b: {  	_ = 	snop  }
0x3c: {  	p2 =	seq.s32 s10, $0x1;
	s10 =	sld [smem:$0x3FB1]  }
0x3d: {  	_ =	shalt  }
0x3e: {  	_ =	shalt  }
0x3f: {  	_ =	shalt  }
0x40: {  	_ =	shalt  }
0x41: {  	_ =	shalt  }
0x42: {  	_ =	shalt  }
0x43: {  	_ =	shalt  }
0x44: {  	_ =	shalt  }
0x45: {  	_ =	shalt  }
0x46: {  	_ =	shalt  }
0x47: {  	_ =	shalt  }
0x48: {  	_ =	shalt  }
0x49: {  	_ =	shalt  }
0x4a: {  	_ =	shalt  }
0x4b: {  	_ =	shalt  }
0x4c: {  	_ =	shalt  }
0x4d: {  	_ =	shalt  }
0x4e: {  	_ =	shalt  }
0x4f: {  	_ =	shalt  }
0x50: {  	_ =	shalt  }
0x51: {  	_ =	shalt  }
0x52: {  	_ =	shalt  }
0x53: {  	_ =	shalt  }
0x54: {  	_ =	shalt  }
0x55: {  	_ =	shalt  }
0x56: {  	_ =	shalt  }
0x57: {  	_ =	shalt  }
0x58: {  	_ =	shalt  }
0x59: {  	_ =	shalt  }
0x5a: {  	_ =	shalt  }
0x5b: {  	_ =	shalt  }
0x5c: {  	_ =	shalt  }
0x5d: {  	_ =	shalt  }
0x5e: {  	_ =	shalt  }
0x5f: {  	_ =	shalt  }
0x60: {  	_ =	shalt  }
0x61: {  	_ =	shalt  }
0x62: {  	_ =	shalt  }
0x63: {  	_ =	shalt  }
0x64: {  	_ =	shalt  }
0x65: {  	_ =	shalt  }
0x66: {  	_ =	shalt  }
0x67: {  	_ =	shalt  }
0x68: {  	_ =	shalt  }
0x69: {  	_ =	shalt  }
0x6a: {  	_ =	shalt  }
0x6b: {  	_ =	shalt  }
0x6c: {  	_ =	shalt  }
0x6d: {  	_ =	shalt  }
0x6e: {  	_ =	shalt  }
0x6f: {  	_ =	shalt  }
0x70: {  	_ =	shalt  }
0x71: {  	_ =	shalt  }
0x72: {  	_ =	shalt  }
0x73: {  	_ =	shalt  }
0x74: {  	_ =	shalt  }
0x75: {  	_ =	shalt  }
0x76: {  	_ =	shalt  }
0x77: {  	_ =	shalt  }
0x78: {  	_ =	shalt  }
0x79: {  	_ =	shalt  }
0x7a: {  	_ =	shalt  }
0x7b: {  	_ =	shalt  }
0x7c: {  	_ =	shalt  }
0x7d: {  	_ =	shalt  }
0x7e: {  	_ =	shalt  }
0x7f: {  	_ =	shalt  }
0x80: {  	_ =	shalt  }
0x81: {  	_ =	shalt  }
0x82: {  	_ =	shalt  }
0x83: {  	_ =	shalt  }
0x84: {  	_ =	shalt  }
0x85: {  	_ =	shalt  }
0x86: {  	_ =	shalt  }
0x87: {  	_ =	shalt  }
.Lfunc_end0:
.L_simem_size_0:
called_computation.1_lowered:
.L_overlay_start_0:
0x88: {  	s2 =	sld [smem:$0x3FD9]  }
0x89: {  	s3 =	sld [smem:$0x3FFE];
	_ =	sdelay $0x1  }
0x8a: {  	s1 =	srdreg.scid  }
0x8b: {  	s0 =	sand.u32 $0x1, s1  }
0x8c: {  	s14 =	sshll.u32 s0, $0xA;
	s2 =	sadd.s32 s3, s2  }
0x8d: {  	s2 =	sadd.s32 s2, s14  }
0x8e: {  	[smem:$0x3FBD] =	sst s2  }
0x8f: {  	_ = 	snop  }
0x90: {  	s2 =	sld [smem:$0x3FD0];
	_ =	sdelay $0x2  }
0x91: {  	s15 =	simm.s32 $0xA;
	s4 =	simm.s32 $0x10  }
0x92: {  	[smem:s4], [sflag:s15] =	dma.local [hbm:s2], $0x1  }
0x93: {  	_ =	swait.eq [sflag:s15], $0x1  }
0x94: {  	[sflag:s15] =	ssyncset.done $0x0  }
0x95: {  	[sflag:s15] =	ssyncadd.s32 $0xFFFFFFFF  }
0x96: {  	s16 =	sld [smem:$0x10];
	(tm) =	ssettm $0x1  }
0x97: {  	s17 =	sld [smem:$0x3FFB];
	_ =	sdelay $0x3  }
0x98: {  	_ =	strace s17  }
0x99: {  	s3 =	sld [smem:$0x3FFC];
	_ =	sdelay $0x3  }
0x9a: {  	_ =	strace s3  }
0x9b: {  	s3 =	sld [smem:$0x3FFD];
	_ =	sdelay $0x3  }
0x9c: {  	_ =	strace s3  }
0x9d: {  	_ =	strace $0x8FFFFFFF  }
0x9e: {  	s18 =	sld [smem:$0x3FDB];
	_ =	sdelay $0x1  }
0x9f: {  	s19 =	simm.s32 $_scs_section_size  }
0xa0: {  	s5 =	simm.s32 $_size__tile_overlayer_lowered;
	s6 =	simm.s32 $_tile_overlayer_lowered  }
0xa1: {  	s22 =	simm.s32 $0x1BFF;
	s21 =	sshll.u32 s6, $0x1;
	s3 =	sadd.s32 s19, s18  }
0xa2: {  	s7 =	simm.s32 $0x0;
	s20 =	sshll.u32 s5, $0x1;
	s5 =	sadd.s32 s21, s3  }
0xa3: {  	[timem:s7], [sflag:s22] =	dma.local [hbm:s5], s20  }
0xa4: {  	_ =	swait.ge [sflag:s22], s20  }
0xa5: {  	s4 =	ssub.s32 $0x0, s20;
	[sflag:s22] =	ssyncset.done $0x0  }
0xa6: {  	[sflag:s22] =	ssyncadd.s32 s4;
	_ =	sdelay $0x1  }
0xa7: {  	s23 =	simm.s32 $0x1B8B  }
0xa8: {  	_ =	swait.ge [sflag:s23], $0x1  }
0xa9: {  	[sflag:s23] =	ssyncset.done $0x0  }
0xaa: {  	s25 =	simm.s32 $0x1B8E;
	s24 =	sld [smem:$0x3FFE];
	[sflag:s23] =	ssyncadd.s32 $0xFFFFFFFF  }
0xab: {  	s26 =	simm.s32 $execute0_lowered;
	[smem:$0x3FD2] =	sst s25  }
0xac: {  	s5 =	sshll.u32 s26, $0x1;
	_ =	strace $0x80000049;
	[dreg:$0x1] =	wrdreg $0xFFFFFFFF  }
0xad: {  	s28 =	simm.s32 $_size_execute0_lowered;
	s3 =	sadd.s32 s3, s5;
	[dreg:$0x0] =	wrdreg $0x0  }
0xae: {  	s5 =	sshll.u32 s28, $0x1;
	[dreg:$0x2] =	wrdreg s3  }
0xaf: {  	[dreg:$0x3] =	wrdreg s5  }
0xb0: {  	[dreg:$0x4] =	wrdreg $0xC0  }
0xb1: {  	_ =	task [dreg:s7], $0x5FFFF  }
0xb2: {  	[dreg:$0x1] =	wrdreg $0xFFFFFFFF  }
0xb3: {  	[dreg:$0x0] =	wrdreg $0x60  }
0xb4: {  	[dreg:$0x2] =	wrdreg s16  }
0xb5: {  	[dreg:$0x3] =	wrdreg s24  }
0xb6: {  	[dreg:$0x4] =	wrdreg $0x14A000  }
0xb7: {  	[dreg:$0x5] =	wrdreg $0x9  }
0xb8: {  	_ =	task.clear_ibuf [dreg:s7], $0x6FFFF;
	_ =	strace $0x90000049  }
0xb9: {  	s29 =	simm.s32 $0x9;
	_ =	strace $0x8000004B  }
0xba: {  	_ =	swait.ge [sflag:s29], $0x1  }
0xbb: {  	[sflag:s29] =	ssyncadd.s32 $0xFFFFFFFF  }
0xbc: {  	_ =	strace $0x9000004B  }
0xbd: {  	_ =	sfence  }
0xbe: {  	s30 =	sld [smem:$0x0];
	_ =	sdelay $0x2  }
0xbf: {  	s31 =	sshll.u32 s1, $0xD;
	s1 =	sshrl.u32 s1, $0x2  }
0xc0: {  	s3 =	sand.u32 $0x4000, s31;
	s1 =	sadd.s32 s1, s30  }
0xc1: {  	s0 =	sor.u32 s3, s0;
	s1 =	sshll.u32 s1, $0x11  }
0xc2: {  	s0 =	sor.u32 s1, s0  }
0xc3: {  	s0 =	sadd.s32 $0x8F2B, s0  }
0xc4: {  	[sflag:s0] =	ssyncadd.remote.s32 $0x1  }
0xc5: {  	_ =	sfence.sel $0xFFFF  }
0xc6: {  	[dreg:$0x0] =	wrdreg $0xFFFFFFFF;
	(pc) =	sbr.abs _section_cstart, $3  }
0xc7: {  	[dreg:$0x1] =	wrdreg $0xFFFFFFFF  }
0xc8: {  	_ =	task.clear_ibuf [dreg:s7], $0x2FFFF;
	_ =	strace $0x9FFFFFFF  }
0xc9: {  	(tm) =	ssettm $0x7FFFFFFF  }
tec
execute0_lowered:
.L_overlay_start_1:
0x0: {  	(tag) =	ssettag $0x1  }
0x1: {  	s1 =	rddreg [dreg:$0x0]  }
0x2: {  	s0 =	rddreg [dreg:$0x1]  }
0x3: {  	s2 =	rddreg [dreg:$0x2]  }
0x4: {  	s4 =	simm.s32 $0x0;
	s3 =	srdreg.scid;
	s17 =	simm.s32 $0x3  }
0x5: {  	s18 =	simm.s32 $0x8200;
	s19 =	simm.s32 $0x80;
	s20 =	simm.s32 $0x180  }
0x6: {  	s21 =	simm.s32 $0x200;
	s22 =	simm.s32 $0x100;
	s23 =	simm.s32 $0x4200  }
0x7: {  	s24 =	simm.s32 $0x1;
	s25 =	simm.s32 $0x2;
	[smem:$0x7FF] =	sst s4  }
0x8: {  	s16 =	sand.u32 $0x1, s3;
	s3 =	stileid.u32;
	s5 =	sadd.s32 $0x5CA00, s0  }
0x9: {  	s6 =	sadd.s32 $0x15E00, s0;
	s7 =	sadd.s32 $0x1E00, s0;
	s10 =	smul.u32 $0x140000, s16  }
0xa: {  	s8 =	sadd.s32 $0x52C00, s0;
	s9 =	sadd.s32 $0x48E00, s0;
	s11 =	smul.u32 $0xA000, s3  }
0xb: {  	_ =	strace $0x8000004A;
	s12 =	ssub.s32 $0x2, s16;
	s13 =	smul.u32 $0x28000, s3  }
.Ltmp0:
0xc: {  	p0 =	sne.s32 s16, $0x0;
	s30 =	sshrl.u32 s12, $0x1;
	(pc) =	sbr.rel .LBB2_1-.Ltmp0, $4  }
0xd: {  	v0 =	vlaneseq.u32;
	s16 =	simm.s32 $0x12200;
	s10 =	sadd.s32 s11, s10;
	s15 =	ssub.s32 s12, s30  }
0xe: {  	v1 =	vimm.f32 $0.0e+00;
	v2 =	vor.u32 $0x10, v0;
	s31 =	sshrl.u32 s13, $0x2;
	s11 =	sshrl.u32 s10, $0x3;
	s10 =	sadd.s32 $0x48800, s0  }
0xf: {  	v3 =	vor.u32 $0x20, v0;
	v4 =	vor.u32 $0x30, v0;
	v5 =	vor.u32 $0x40, v0;
	s12 =	sadd.s32 s31, s2;
	s15 =	smax.u32 s15, $0x1;
	s0 =	sadd.s32 s11, s0  }
0x10: {  	v6 =	vor.u32 $0x50, v0;
	v7 =	vor.u32 $0x60, v0;
	v8 =	vor.u32 $0x70, v0;
	s11 =	smul.u32 $0x4E80, s3;
	s13 =	sadd.s32 $0x70A00, s0;
	s14 =	sadd.s32 $0x84A00, s0  }
.LBB2_17:
0x11: {  	s4 =	sadd.s32 $0x1, s4  }
0x12: {  	p1 =	sne.s32 s4, s15  }
.Ltmp1:
0x13: {  	[bflag:$0x0] =	sbarrier.arrive $0xFFFF;
	(pc) =	sbr.rel @!p1 .LBB2_18-.Ltmp1, $4  }
0x14: {  	[hbm:s14], [sflag:s26] =	dma.local [spmem:s28], $0x1400  }
0x15: {  	_ =	swait.ge [sflag:s17], $0x1400  }
0x16: {  	[sflag:s17] =	ssyncset.done $0x0  }
0x17: {  	[sflag:s17] =	ssyncadd.s32 $0xFFFFEC00  }
.LBB2_1:
0x18: {  	s0 =	simm.s32 $0x0;
	s26 =	simm.s32 $0x200  }
.LBB2_2:
0x19: {  	p1 =	sne.s32 s26, $0x27E00;
	[tilespmem:s0+$0x8270] =	vst v1  }
0x1a: {  	[tilespmem:s0+$0x8200] =	vst v1  }
0x1b: {  	[tilespmem:s0+$0x8210] =	vst v1  }
.Ltmp2:
0x1c: {  	[tilespmem:s0+$0x8220] =	vst v1;
	(pc) =	sbr.rel @p1 .LBB2_2-.Ltmp2, $4  }
0x1d: {  	[tilespmem:s0+$0x8230] =	vst v1  }
0x1e: {  	[tilespmem:s0+$0x8240] =	vst v1  }
0x1f: {  	[tilespmem:s0+$0x8250] =	vst v1  }
0x20: {  	[tilespmem:s0+$0x8260] =	vst v1;
	s0 =	sshra.s32 s26, $0x2;
	s26 =	sadd.s32 $0x200, s26  }
0x21: {  	[tilespmem:s0+$0x8270] =	vst v1  }
0x22: {  	[tilespmem:s0+$0x8200] =	vst v1  }
0x23: {  	[tilespmem:s0+$0x8210] =	vst v1  }
0x24: {  	[tilespmem:s0+$0x8220] =	vst v1  }
0x25: {  	[tilespmem:s0+$0x8230] =	vst v1  }
0x26: {  	[tilespmem:s0+$0x8240] =	vst v1  }
0x27: {  	[tilespmem:s0+$0x8250] =	vst v1  }
0x28: {  	[tilespmem:s0+$0x8260] =	vst v1;
	s26 =	simm.s32 $0x0  }
0x29: {  	[tilespmem:s16], [sflag:$0x3] =	stream.linear.gather [hbm4b:s10+s26], $0x2800, $0x38;
	[tilespmem:$0x1EA00] =	vst v63  }
0x2a: {  	_ =	swait.ge [sflag:s17], $0x2800  }
0x2b: {  	[sflag:s17] =	ssyncset.done $0x0  }
0x2c: {  	[sflag:s17] =	ssyncadd.s32 $0xFFFFD800  }
0x2d: {  	[spmem:s12] =	stream.linear.scatter [tilespmem:s18], [sflag:$0x3], $0xA000, $0x38;
	[tilespmem:$0x1EA00] =	vst v63  }
.Ltmp3:
0x2e: {  	_ =	swait.ge [sflag:s17], $0xA000;
	(pc) =	sbr.rel @p0 .LBB2_7-.Ltmp3, $4  }
0x2f: {  	[sflag:s17] =	ssyncset.done $0x0  }
0x30: {  	[sflag:s17] =	ssyncadd.s32 $0xFFFF6000  }
0x31: {  	[bflag:$0x0] =	sbarrier.arrive $0xFFFF  }
0x32: {  	s28 =	simm.s32 $0x0;
	s29 =	simm.s32 $0x0  }
.LBB2_4:
0x33: {  	s0 =	sshll.u32 s28, $0x7  }
0x34: {  	s0 =	sadd.s32 s11, s0  }
0x35: {  	s0 =	sshrl.u32 s0, $0x3  }
0x36: {  	s29 =	sadd.s32 s8, s0  }
0x37: {  	[tilespmem:s26], [sflag:$0x3] =	stream.linear.gather [hbm4b:s29+s26], $0x80, $0x38;
	[tilespmem:$0x1EA00] =	vst v63  }
0x38: {  	_ =	swait.ge [sflag:s17], $0x80  }
0x39: {  	[sflag:s17] =	ssyncset.done $0x0  }
0x3a: {  	s0 =	sadd.s32 s9, s0;
	[sflag:s17] =	ssyncadd.s32 $0xFFFFFF80  }
0x3b: {  	[tilespmem:s19], [sflag:$0x3] =	stream.linear.gather [hbm4b:s0+s26], $0x80, $0x38;
	[tilespmem:$0x1EA00] =	vst v63  }
0x3c: {  	_ =	swait.ge [sflag:s17], $0x80  }
0x3d: {  	[sflag:s17] =	ssyncset.done $0x0  }
0x3e: {  	[sflag:s17] =	ssyncadd.s32 $0xFFFFFF80  }
0x3f: {  	v9 =	vld [tilespmem:$0x0]  }
0x40: {  	v10 =	vld [tilespmem:$0x80];
	_ =	sdelay $0x4  }
0x41: {  	v12 =	vld [tilespmem:$0x10]  }
0x42: {  	v13 =	vld [tilespmem:$0x90]  }
0x43: {  	v9 =	vld.idx.msk [tilespmem:v9+s16+$0x0], $0xffff  }
0x44: {  	v11 =	vld.idx.msk [tilespmem:v10+s16+$0x0], $0xffff;
	_ =	sdelay $0x1  }
0x45: {  	vm0 =	vlt.u32 v10, $0x1400  }
0x46: {  	v10 =	vnsel vm0, $0x0, v10  }
0x47: {  	[tilespmem:$0x80] =	vst v10;
	v9 =	vnsel vm0, $0x138A, v9  }
0x48: {  	[tilespmem:$0x100] =	vst v9;
	v9 =	vnsel vm0, $0x138A, v11  }
0x49: {  	v11 =	vld [tilespmem:$0x20];
	[tilespmem:$0x180] =	vst v9  }
0x4a: {  	v9 =	vld.idx.msk [tilespmem:v12+s16+$0x0], $0xffff  }
0x4b: {  	v10 =	vld.idx.msk [tilespmem:v13+s16+$0x0], $0xffff  }
0x4c: {  	v51 =	vld [tilespmem:$0xA0]  }
0x4d: {  	vm9 =	vlt.u32 v13, $0x1400  }
0x4e: {  	v13 =	vnsel vm9, $0x0, v13  }
0x4f: {  	[tilespmem:$0x90] =	vst v13;
	v9 =	vnsel vm9, $0x138A, v9  }
0x50: {  	[tilespmem:$0x110] =	vst v9;
	v9 =	vnsel vm9, $0x138A, v10  }
0x51: {  	[tilespmem:$0x190] =	vst v9  }
0x52: {  	v9 =	vld.idx.msk [tilespmem:v11+s16+$0x0], $0xffff  }
0x53: {  	v11 =	vld [tilespmem:$0x30]  }
0x54: {  	v10 =	vld.idx.msk [tilespmem:v51+s16+$0x0], $0xffff  }
0x55: {  	v52 =	vld [tilespmem:$0xB0]  }
0x56: {  	vm10 =	vlt.u32 v51, $0x1400  }
0x57: {  	v12 =	vnsel vm10, $0x0, v51  }
0x58: {  	[tilespmem:$0xA0] =	vst v12;
	v9 =	vnsel vm10, $0x138A, v9  }
0x59: {  	[tilespmem:$0x120] =	vst v9;
	v9 =	vnsel vm10, $0x138A, v10  }
0x5a: {  	[tilespmem:$0x1A0] =	vst v9  }
0x5b: {  	v9 =	vld.idx.msk [tilespmem:v11+s16+$0x0], $0xffff  }
0x5c: {  	v11 =	vld [tilespmem:$0x40]  }
0x5d: {  	v10 =	vld.idx.msk [tilespmem:v52+s16+$0x0], $0xffff  }
0x5e: {  	v53 =	vld [tilespmem:$0xC0]  }
0x5f: {  	vm11 =	vlt.u32 v52, $0x1400  }
0x60: {  	v13 =	vnsel vm11, $0x0, v52  }
0x61: {  	[tilespmem:$0xB0] =	vst v13;
	v9 =	vnsel vm11, $0x138A, v9  }
0x62: {  	[tilespmem:$0x130] =	vst v9;
	v9 =	vnsel vm11, $0x138A, v10  }
0x63: {  	[tilespmem:$0x1B0] =	vst v9  }
0x64: {  	v9 =	vld.idx.msk [tilespmem:v11+s16+$0x0], $0xffff  }
0x65: {  	v11 =	vld [tilespmem:$0x50]  }
0x66: {  	v10 =	vld.idx.msk [tilespmem:v53+s16+$0x0], $0xffff  }
0x67: {  	v54 =	vld [tilespmem:$0xD0]  }
0x68: {  	vm12 =	vlt.u32 v53, $0x1400  }
0x69: {  	v12 =	vnsel vm12, $0x0, v53  }
0x6a: {  	[tilespmem:$0xC0] =	vst v12;
	v9 =	vnsel vm12, $0x138A, v9  }
0x6b: {  	[tilespmem:$0x140] =	vst v9;
	v9 =	vnsel vm12, $0x138A, v10  }
0x6c: {  	[tilespmem:$0x1C0] =	vst v9  }
0x6d: {  	v9 =	vld.idx.msk [tilespmem:v11+s16+$0x0], $0xffff  }
0x6e: {  	v11 =	vld [tilespmem:$0x60]  }
0x6f: {  	v10 =	vld.idx.msk [tilespmem:v54+s16+$0x0], $0xffff  }
0x70: {  	v55 =	vld [tilespmem:$0xE0]  }
0x71: {  	vm13 =	vlt.u32 v54, $0x1400  }
0x72: {  	v13 =	vnsel vm13, $0x0, v54  }
0x73: {  	[tilespmem:$0xD0] =	vst v13;
	v9 =	vnsel vm13, $0x138A, v9  }
0x74: {  	[tilespmem:$0x150] =	vst v9;
	v9 =	vnsel vm13, $0x138A, v10  }
0x75: {  	v56 =	vld [tilespmem:$0xF0];
	[tilespmem:$0x1D0] =	vst v9  }
0x76: {  	v9 =	vld.idx.msk [tilespmem:v11+s16+$0x0], $0xffff  }
0x77: {  	v11 =	vld [tilespmem:$0x70]  }
0x78: {  	v10 =	vld.idx.msk [tilespmem:v55+s16+$0x0], $0xffff;
	_ =	sdelay $0x1  }
0x79: {  	vm14 =	vlt.u32 v55, $0x1400  }
0x7a: {  	v12 =	vnsel vm14, $0x0, v55  }
0x7b: {  	[tilespmem:$0xE0] =	vst v12;
	v9 =	vnsel vm14, $0x138A, v9  }
0x7c: {  	[tilespmem:$0x160] =	vst v9;
	v9 =	vnsel vm14, $0x138A, v10  }
0x7d: {  	[tilespmem:$0x1E0] =	vst v9  }
0x7e: {  	v9 =	vld.idx.msk [tilespmem:v11+s16+$0x0], $0xffff  }
0x7f: {  	v10 =	vld.idx.msk [tilespmem:v56+s16+$0x0], $0xffff;
	_ =	sdelay $0x1  }
0x80: {  	vm15 =	vlt.u32 v56, $0x1400  }
0x81: {  	v11 =	vnsel vm15, $0x0, v56  }
0x82: {  	[tilespmem:$0xF0] =	vst v11;
	v9 =	vnsel vm15, $0x138A, v9  }
0x83: {  	[tilespmem:$0x170] =	vst v9;
	v9 =	vnsel vm15, $0x138A, v10  }
0x84: {  	[tilespmem:$0x1F0] =	vst v9  }
0x85: {  	[tilespmem:s21], [sflag:$0x1] =	stream.indirect.gather [hbm4b:s1+s19], $0x80, s20, s19, $0xb8;
	[tilespmem:$0x1EA00] =	vst v63  }
0x86: {  	_ = 	snop  }
0x87: {  	[tilespmem:s23], [sflag:$0x2] =	stream.indirect.gather [hbm4b:s5+s19], $0x80, s22, s19, $0xb8;
	[tilespmem:$0x1EA00] =	vst v63  }
0x88: {  	s31 =	simm.s32 $0x0;
	_ =	swait.ge [sflag:s24], $0x4000  }
0x89: {  	v9 =	vor.u32 s31, v0;
	[sflag:s24] =	ssyncset.done $0x0  }
0x8a: {  	[sflag:s24] =	ssyncadd.s32 $0xFFFFC000  }
0x8b: {  	_ =	swait.ge [sflag:s25], $0x4000  }
0x8c: {  	[sflag:s25] =	ssyncset.done $0x0  }
0x8d: {  	[sflag:s25] =	ssyncadd.s32 $0xFFFFC000  }
0x8e: {  	v10 =	vld.idx.msk [tilespmem:v9+s21+$0x0], $0xffff  }
0x8f: {  	v11 =	vld.idx.msk [tilespmem:v9+s23+$0x0], $0xffff;
	_ =	sdelay $0x4  }
0x90: {  	v10 =	vadd.f32 v11, v10  }
0x91: {  	v11 =	vor.u32 s31, v2  }
0x92: {  	v57 =	vmul.f32 $9.999999770e-03, v10;
	_ =	sdelay $0x1  }
0x93: {  	v10 =	vmax.f32 v10, v57  }
0x94: {  	[tilespmem:v9+s21+$0x0] =	vst.idx.msk $0xffff, v10  }
0x95: {  	v9 =	vld.idx.msk [tilespmem:v11+s21+$0x0], $0xffff  }
0x96: {  	v10 =	vld.idx.msk [tilespmem:v11+s23+$0x0], $0xffff;
	_ =	sdelay $0x4  }
0x97: {  	v9 =	vadd.f32 v10, v9  }
0x98: {  	v10 =	vor.u32 s31, v3  }
0x99: {  	v58 =	vmul.f32 $9.999999770e-03, v9;
	_ =	sdelay $0x1  }
0x9a: {  	v9 =	vmax.f32 v9, v58  }
0x9b: {  	[tilespmem:v11+s21+$0x0] =	vst.idx.msk $0xffff, v9  }
0x9c: {  	v9 =	vld.idx.msk [tilespmem:v10+s21+$0x0], $0xffff  }
0x9d: {  	v11 =	vld.idx.msk [tilespmem:v10+s23+$0x0], $0xffff;
	_ =	sdelay $0x4  }
0x9e: {  	v9 =	vadd.f32 v11, v9  }
0x9f: {  	v11 =	vor.u32 s31, v4  }
0xa0: {  	v59 =	vmul.f32 $9.999999770e-03, v9;
	_ =	sdelay $0x1  }
0xa1: {  	v9 =	vmax.f32 v9, v59  }
0xa2: {  	[tilespmem:v10+s21+$0x0] =	vst.idx.msk $0xffff, v9  }
0xa3: {  	v9 =	vld.idx.msk [tilespmem:v11+s21+$0x0], $0xffff  }
0xa4: {  	v10 =	vld.idx.msk [tilespmem:v11+s23+$0x0], $0xffff;
	_ =	sdelay $0x4  }
0xa5: {  	v9 =	vadd.f32 v10, v9  }
0xa6: {  	v10 =	vor.u32 s31, v5  }
0xa7: {  	v60 =	vmul.f32 $9.999999770e-03, v9;
	_ =	sdelay $0x1  }
0xa8: {  	v9 =	vmax.f32 v9, v60  }
0xa9: {  	[tilespmem:v11+s21+$0x0] =	vst.idx.msk $0xffff, v9  }
0xaa: {  	v9 =	vld.idx.msk [tilespmem:v10+s21+$0x0], $0xffff  }
0xab: {  	v11 =	vld.idx.msk [tilespmem:v10+s23+$0x0], $0xffff;
	_ =	sdelay $0x4  }
0xac: {  	v9 =	vadd.f32 v11, v9  }
0xad: {  	v11 =	vor.u32 s31, v6  }
0xae: {  	v61 =	vmul.f32 $9.999999770e-03, v9;
	_ =	sdelay $0x1  }
0xaf: {  	v9 =	vmax.f32 v9, v61  }
0xb0: {  	[tilespmem:v10+s21+$0x0] =	vst.idx.msk $0xffff, v9  }
0xb1: {  	v9 =	vld.idx.msk [tilespmem:v11+s21+$0x0], $0xffff  }
0xb2: {  	v10 =	vld.idx.msk [tilespmem:v11+s23+$0x0], $0xffff;
	_ =	sdelay $0x4  }
0xb3: {  	v9 =	vadd.f32 v10, v9  }
0xb4: {  	v10 =	vor.u32 s31, v7  }
0xb5: {  	v62 =	vmul.f32 $9.999999770e-03, v9;
	_ =	sdelay $0x1  }
0xb6: {  	v9 =	vmax.f32 v9, v62  }
0xb7: {  	[tilespmem:v11+s21+$0x0] =	vst.idx.msk $0xffff, v9  }
0xb8: {  	v9 =	vld.idx.msk [tilespmem:v10+s21+$0x0], $0xffff  }
0xb9: {  	v11 =	vld.idx.msk [tilespmem:v10+s23+$0x0], $0xffff;
	_ =	sdelay $0x4  }
0xba: {  	v11 =	vadd.f32 v11, v9  }
0xbb: {  	v9 =	vor.u32 s31, v8  }
0xbc: {  	v63 =	vmul.f32 $9.999999770e-03, v11;
	_ =	sdelay $0x1  }
0xbd: {  	v11 =	vmax.f32 v11, v63  }
0xbe: {  	[tilespmem:v10+s21+$0x0] =	vst.idx.msk $0xffff, v11  }
0xbf: {  	v10 =	vld.idx.msk [tilespmem:v9+s21+$0x0], $0xffff  }
0xc0: {  	s29 =	simm.s32 $0x1;
	v11 =	vld.idx.msk [tilespmem:v9+s23+$0x0], $0xffff  }
.LBB2_5:
0xc1: {  	_ = 	snop  }
0xc2: {  	p1 =	sne.s32 s29, $0x7F;
	s0 =	smov.u32 s29;
	s29 =	sadd.s32 $0x1, s29  }
0xc3: {  	_ =	sdelay $0x1  }
0xc4: {  	s30 =	sshll.u32 s0, $0x7;
	v10 =	vadd.f32 v11, v10  }
0xc5: {  	v11 =	vor.u32 s30, v0  }
0xc6: {  	v12 =	vmul.f32 $9.999999770e-03, v10;
	_ =	sdelay $0x1  }
0xc7: {  	v10 =	vmax.f32 v10, v12  }
0xc8: {  	[tilespmem:v9+s21+$0x0] =	vst.idx.msk $0xffff, v10  }
0xc9: {  	v9 =	vld.idx.msk [tilespmem:v11+s21+$0x0], $0xffff  }
0xca: {  	v10 =	vld.idx.msk [tilespmem:v11+s23+$0x0], $0xffff;
	_ =	sdelay $0x5  }
0xcb: {  	v9 =	vadd.f32 v10, v9  }
0xcc: {  	v10 =	vor.u32 s30, v2  }
0xcd: {  	v12 =	vmul.f32 $9.999999770e-03, v9;
	_ =	sdelay $0x1  }
0xce: {  	v9 =	vmax.f32 v9, v12  }
0xcf: {  	[tilespmem:v11+s21+$0x0] =	vst.idx.msk $0xffff, v9  }
0xd0: {  	v9 =	vld.idx.msk [tilespmem:v10+s21+$0x0], $0xffff  }
0xd1: {  	v11 =	vld.idx.msk [tilespmem:v10+s23+$0x0], $0xffff;
	_ =	sdelay $0x5  }
0xd2: {  	v9 =	vadd.f32 v11, v9  }
0xd3: {  	v11 =	vor.u32 s30, v3  }
0xd4: {  	v12 =	vmul.f32 $9.999999770e-03, v9;
	_ =	sdelay $0x1  }
0xd5: {  	v9 =	vmax.f32 v9, v12  }
0xd6: {  	[tilespmem:v10+s21+$0x0] =	vst.idx.msk $0xffff, v9  }
0xd7: {  	v9 =	vld.idx.msk [tilespmem:v11+s21+$0x0], $0xffff  }
0xd8: {  	v10 =	vld.idx.msk [tilespmem:v11+s23+$0x0], $0xffff;
	_ =	sdelay $0x5  }
0xd9: {  	v9 =	vadd.f32 v10, v9  }
0xda: {  	v10 =	vor.u32 s30, v4  }
0xdb: {  	v12 =	vmul.f32 $9.999999770e-03, v9;
	_ =	sdelay $0x1  }
0xdc: {  	v9 =	vmax.f32 v9, v12  }
0xdd: {  	[tilespmem:v11+s21+$0x0] =	vst.idx.msk $0xffff, v9  }
0xde: {  	v9 =	vld.idx.msk [tilespmem:v10+s21+$0x0], $0xffff  }
0xdf: {  	v11 =	vld.idx.msk [tilespmem:v10+s23+$0x0], $0xffff;
	_ =	sdelay $0x5  }
0xe0: {  	v9 =	vadd.f32 v11, v9  }
0xe1: {  	v11 =	vor.u32 s30, v5  }
0xe2: {  	v12 =	vmul.f32 $9.999999770e-03, v9;
	_ =	sdelay $0x1  }
0xe3: {  	v9 =	vmax.f32 v9, v12  }
0xe4: {  	[tilespmem:v10+s21+$0x0] =	vst.idx.msk $0xffff, v9  }
0xe5: {  	v9 =	vld.idx.msk [tilespmem:v11+s21+$0x0], $0xffff  }
0xe6: {  	v10 =	vld.idx.msk [tilespmem:v11+s23+$0x0], $0xffff;
	_ =	sdelay $0x5  }
0xe7: {  	v9 =	vadd.f32 v10, v9  }
0xe8: {  	v10 =	vor.u32 s30, v6  }
0xe9: {  	v12 =	vmul.f32 $9.999999770e-03, v9;
	_ =	sdelay $0x1  }
0xea: {  	v9 =	vmax.f32 v9, v12  }
0xeb: {  	[tilespmem:v11+s21+$0x0] =	vst.idx.msk $0xffff, v9  }
0xec: {  	v9 =	vld.idx.msk [tilespmem:v10+s21+$0x0], $0xffff  }
0xed: {  	v11 =	vld.idx.msk [tilespmem:v10+s23+$0x0], $0xffff;
	_ =	sdelay $0x5  }
0xee: {  	v9 =	vadd.f32 v11, v9  }
0xef: {  	v11 =	vor.u32 s30, v7  }
0xf0: {  	v12 =	vmul.f32 $9.999999770e-03, v9;
	_ =	sdelay $0x1  }
0xf1: {  	v9 =	vmax.f32 v9, v12  }
0xf2: {  	[tilespmem:v10+s21+$0x0] =	vst.idx.msk $0xffff, v9  }
0xf3: {  	v9 =	vld.idx.msk [tilespmem:v11+s21+$0x0], $0xffff  }
0xf4: {  	v10 =	vld.idx.msk [tilespmem:v11+s23+$0x0], $0xffff;
	_ =	sdelay $0x5  }
0xf5: {  	v10 =	vadd.f32 v10, v9  }
0xf6: {  	v9 =	vor.u32 s30, v8  }
0xf7: {  	v12 =	vmul.f32 $9.999999770e-03, v10  }
.Ltmp4:
0xf8: {  	(pc) =	sbr.rel @p1 .LBB2_5-.Ltmp4, $4  }
0xf9: {  	v10 =	vmax.f32 v10, v12  }
0xfa: {  	[tilespmem:v11+s21+$0x0] =	vst.idx.msk $0xffff, v10  }
0xfb: {  	v10 =	vld.idx.msk [tilespmem:v9+s21+$0x0], $0xffff  }
0xfc: {  	v11 =	vld.idx.msk [tilespmem:v9+s23+$0x0], $0xffff  }
0xfd: {  	_ =	sdelay $0x3  }
0xfe: {  	v10 =	vadd.f32 v11, v10;
	_ =	sdelay $0x1  }
0xff: {  	v11 =	vmul.f32 $9.999999770e-03, v10;
	_ =	sdelay $0x1  }
0x100: {  	s28 =	sadd.s32 $0x1, s28;
	v10 =	vmax.f32 v10, v11  }
0x101: {  	p1 =	seq.s32 s28, $0x9D;
	[tilespmem:v9+s21+$0x0] =	vst.idx.msk $0xffff, v10  }
0x102: {  	[spmem:s2] =	stream.indirect.scatter.add.f32 [tilespmem:s21], [sflag:$0x3], $0x80, s19, s19, $0xb8;
	[tilespmem:$0x1EA00] =	vst v63  }
.Ltmp5:
0x103: {  	_ = 	snop;
	(pc) =	sbr.rel @!p1 .LBB2_4-.Ltmp5, $4  }
.Ltmp6:
0x104: {  	_ = 	snop;
	(pc) =	sbr.rel @p1 .LBB2_10-.Ltmp6, $4  }
0x105: {  	_ =	swait.ge [sflag:s17], $0x4000  }
0x106: {  	[sflag:s17] =	ssyncset.done $0x0  }
0x107: {  	[sflag:s17] =	ssyncadd.s32 $0xFFFFC000  }
0x108: {  	_ = 	snop  }
.LBB2_7:
0x109: {  	s0 =	sshll.u32 s29, $0x7  }
0x10a: {  	s0 =	sadd.s32 s11, s0  }
0x10b: {  	s0 =	sshrl.u32 s0, $0x3  }
0x10c: {  	s28 =	sadd.s32 s8, s0  }
0x10d: {  	[tilespmem:s26], [sflag:$0x3] =	stream.linear.gather [hbm4b:s28+s26], $0x80, $0x38;
	[tilespmem:$0x1EA00] =	vst v63  }
0x10e: {  	_ =	swait.ge [sflag:s17], $0x80  }
0x10f: {  	[sflag:s17] =	ssyncset.done $0x0  }
0x110: {  	s0 =	sadd.s32 s9, s0;
	[sflag:s17] =	ssyncadd.s32 $0xFFFFFF80  }
0x111: {  	[tilespmem:s19], [sflag:$0x3] =	stream.linear.gather [hbm4b:s0+s26], $0x80, $0x38;
	[tilespmem:$0x1EA00] =	vst v63  }
0x112: {  	_ =	swait.ge [sflag:s17], $0x80  }
0x113: {  	[sflag:s17] =	ssyncset.done $0x0  }
0x114: {  	[sflag:s17] =	ssyncadd.s32 $0xFFFFFF80  }
0x115: {  	v9 =	vld [tilespmem:$0x0]  }
0x116: {  	v10 =	vld [tilespmem:$0x80];
	_ =	sdelay $0x4  }
0x117: {  	v12 =	vld [tilespmem:$0x10]  }
0x118: {  	v13 =	vld [tilespmem:$0x90]  }
0x119: {  	v9 =	vld.idx.msk [tilespmem:v9+s16+$0x0], $0xffff  }
0x11a: {  	v11 =	vld.idx.msk [tilespmem:v10+s16+$0x0], $0xffff;
	_ =	sdelay $0x1  }
0x11b: {  	vm0 =	vlt.u32 v10, $0x1400  }
0x11c: {  	v10 =	vnsel vm0, $0x0, v10  }
0x11d: {  	[tilespmem:$0x80] =	vst v10;
	v9 =	vnsel vm0, $0x138A, v9  }
0x11e: {  	[tilespmem:$0x100] =	vst v9;
	v9 =	vnsel vm0, $0x138A, v11  }
0x11f: {  	v11 =	vld [tilespmem:$0x20];
	[tilespmem:$0x180] =	vst v9  }
0x120: {  	v9 =	vld.idx.msk [tilespmem:v12+s16+$0x0], $0xffff  }
0x121: {  	v10 =	vld.idx.msk [tilespmem:v13+s16+$0x0], $0xffff  }
0x122: {  	v51 =	vld [tilespmem:$0xA0]  }
0x123: {  	vm9 =	vlt.u32 v13, $0x1400  }
0x124: {  	v13 =	vnsel vm9, $0x0, v13  }
0x125: {  	[tilespmem:$0x90] =	vst v13;
	v9 =	vnsel vm9, $0x138A, v9  }
0x126: {  	[tilespmem:$0x110] =	vst v9;
	v9 =	vnsel vm9, $0x138A, v10  }
0x127: {  	[tilespmem:$0x190] =	vst v9  }
0x128: {  	v9 =	vld.idx.msk [tilespmem:v11+s16+$0x0], $0xffff  }
0x129: {  	v11 =	vld [tilespmem:$0x30]  }
0x12a: {  	v10 =	vld.idx.msk [tilespmem:v51+s16+$0x0], $0xffff  }
0x12b: {  	v52 =	vld [tilespmem:$0xB0]  }
0x12c: {  	vm10 =	vlt.u32 v51, $0x1400  }
0x12d: {  	v12 =	vnsel vm10, $0x0, v51  }
0x12e: {  	[tilespmem:$0xA0] =	vst v12;
	v9 =	vnsel vm10, $0x138A, v9  }
0x12f: {  	[tilespmem:$0x120] =	vst v9;
	v9 =	vnsel vm10, $0x138A, v10  }
0x130: {  	[tilespmem:$0x1A0] =	vst v9  }
0x131: {  	v9 =	vld.idx.msk [tilespmem:v11+s16+$0x0], $0xffff  }
0x132: {  	v11 =	vld [tilespmem:$0x40]  }
0x133: {  	v10 =	vld.idx.msk [tilespmem:v52+s16+$0x0], $0xffff  }
0x134: {  	v53 =	vld [tilespmem:$0xC0]  }
0x135: {  	vm11 =	vlt.u32 v52, $0x1400  }
0x136: {  	v13 =	vnsel vm11, $0x0, v52  }
0x137: {  	[tilespmem:$0xB0] =	vst v13;
	v9 =	vnsel vm11, $0x138A, v9  }
0x138: {  	[tilespmem:$0x130] =	vst v9;
	v9 =	vnsel vm11, $0x138A, v10  }
0x139: {  	[tilespmem:$0x1B0] =	vst v9  }
0x13a: {  	v9 =	vld.idx.msk [tilespmem:v11+s16+$0x0], $0xffff  }
0x13b: {  	v11 =	vld [tilespmem:$0x50]  }
0x13c: {  	v10 =	vld.idx.msk [tilespmem:v53+s16+$0x0], $0xffff  }
0x13d: {  	v54 =	vld [tilespmem:$0xD0]  }
0x13e: {  	vm12 =	vlt.u32 v53, $0x1400  }
0x13f: {  	v12 =	vnsel vm12, $0x0, v53  }
0x140: {  	[tilespmem:$0xC0] =	vst v12;
	v9 =	vnsel vm12, $0x138A, v9  }
0x141: {  	[tilespmem:$0x140] =	vst v9;
	v9 =	vnsel vm12, $0x138A, v10  }
0x142: {  	[tilespmem:$0x1C0] =	vst v9  }
0x143: {  	v9 =	vld.idx.msk [tilespmem:v11+s16+$0x0], $0xffff  }
0x144: {  	v11 =	vld [tilespmem:$0x60]  }
0x145: {  	v10 =	vld.idx.msk [tilespmem:v54+s16+$0x0], $0xffff  }
0x146: {  	v55 =	vld [tilespmem:$0xE0]  }
0x147: {  	vm13 =	vlt.u32 v54, $0x1400  }
0x148: {  	v13 =	vnsel vm13, $0x0, v54  }
0x149: {  	[tilespmem:$0xD0] =	vst v13;
	v9 =	vnsel vm13, $0x138A, v9  }
0x14a: {  	[tilespmem:$0x150] =	vst v9;
	v9 =	vnsel vm13, $0x138A, v10  }
0x14b: {  	v56 =	vld [tilespmem:$0xF0];
	[tilespmem:$0x1D0] =	vst v9  }
0x14c: {  	v9 =	vld.idx.msk [tilespmem:v11+s16+$0x0], $0xffff  }
0x14d: {  	v11 =	vld [tilespmem:$0x70]  }
0x14e: {  	v10 =	vld.idx.msk [tilespmem:v55+s16+$0x0], $0xffff;
	_ =	sdelay $0x1  }
0x14f: {  	vm14 =	vlt.u32 v55, $0x1400  }
0x150: {  	v12 =	vnsel vm14, $0x0, v55  }
0x151: {  	[tilespmem:$0xE0] =	vst v12;
	v9 =	vnsel vm14, $0x138A, v9  }
0x152: {  	[tilespmem:$0x160] =	vst v9;
	v9 =	vnsel vm14, $0x138A, v10  }
0x153: {  	[tilespmem:$0x1E0] =	vst v9  }
0x154: {  	v9 =	vld.idx.msk [tilespmem:v11+s16+$0x0], $0xffff  }
0x155: {  	v10 =	vld.idx.msk [tilespmem:v56+s16+$0x0], $0xffff;
	_ =	sdelay $0x1  }
0x156: {  	vm15 =	vlt.u32 v56, $0x1400  }
0x157: {  	v11 =	vnsel vm15, $0x0, v56  }
0x158: {  	[tilespmem:$0xF0] =	vst v11;
	v9 =	vnsel vm15, $0x138A, v9  }
0x159: {  	[tilespmem:$0x170] =	vst v9;
	v9 =	vnsel vm15, $0x138A, v10  }
0x15a: {  	[tilespmem:$0x1F0] =	vst v9  }
0x15b: {  	[tilespmem:s21], [sflag:$0x1] =	stream.indirect.gather [hbm4b:s6+s19], $0x80, s20, s19, $0xb8;
	[tilespmem:$0x1EA00] =	vst v63  }
0x15c: {  	_ = 	snop  }
0x15d: {  	[tilespmem:s23], [sflag:$0x2] =	stream.indirect.gather [hbm4b:s7+s19], $0x80, s22, s19, $0xb8;
	[tilespmem:$0x1EA00] =	vst v63  }
0x15e: {  	s31 =	simm.s32 $0x0;
	_ =	swait.ge [sflag:s24], $0x4000  }
0x15f: {  	v9 =	vor.u32 s31, v0;
	[sflag:s24] =	ssyncset.done $0x0  }
0x160: {  	[sflag:s24] =	ssyncadd.s32 $0xFFFFC000  }
0x161: {  	_ =	swait.ge [sflag:s25], $0x4000  }
0x162: {  	[sflag:s25] =	ssyncset.done $0x0  }
0x163: {  	[sflag:s25] =	ssyncadd.s32 $0xFFFFC000  }
0x164: {  	v10 =	vld.idx.msk [tilespmem:v9+s21+$0x0], $0xffff  }
0x165: {  	v11 =	vld.idx.msk [tilespmem:v9+s23+$0x0], $0xffff;
	_ =	sdelay $0x4  }
0x166: {  	v10 =	vadd.f32 v11, v10  }
0x167: {  	v11 =	vor.u32 s31, v2  }
0x168: {  	v57 =	vmul.f32 $9.999999770e-03, v10;
	_ =	sdelay $0x1  }
0x169: {  	v10 =	vmax.f32 v10, v57  }
0x16a: {  	[tilespmem:v9+s21+$0x0] =	vst.idx.msk $0xffff, v10  }
0x16b: {  	v9 =	vld.idx.msk [tilespmem:v11+s21+$0x0], $0xffff  }
0x16c: {  	v10 =	vld.idx.msk [tilespmem:v11+s23+$0x0], $0xffff;
	_ =	sdelay $0x4  }
0x16d: {  	v9 =	vadd.f32 v10, v9  }
0x16e: {  	v10 =	vor.u32 s31, v3  }
0x16f: {  	v58 =	vmul.f32 $9.999999770e-03, v9;
	_ =	sdelay $0x1  }
0x170: {  	v9 =	vmax.f32 v9, v58  }
0x171: {  	[tilespmem:v11+s21+$0x0] =	vst.idx.msk $0xffff, v9  }
0x172: {  	v9 =	vld.idx.msk [tilespmem:v10+s21+$0x0], $0xffff  }
0x173: {  	v11 =	vld.idx.msk [tilespmem:v10+s23+$0x0], $0xffff;
	_ =	sdelay $0x4  }
0x174: {  	v9 =	vadd.f32 v11, v9  }
0x175: {  	v11 =	vor.u32 s31, v4  }
0x176: {  	v59 =	vmul.f32 $9.999999770e-03, v9;
	_ =	sdelay $0x1  }
0x177: {  	v9 =	vmax.f32 v9, v59  }
0x178: {  	[tilespmem:v10+s21+$0x0] =	vst.idx.msk $0xffff, v9  }
0x179: {  	v9 =	vld.idx.msk [tilespmem:v11+s21+$0x0], $0xffff  }
0x17a: {  	v10 =	vld.idx.msk [tilespmem:v11+s23+$0x0], $0xffff;
	_ =	sdelay $0x4  }
0x17b: {  	v9 =	vadd.f32 v10, v9  }
0x17c: {  	v10 =	vor.u32 s31, v5  }
0x17d: {  	v60 =	vmul.f32 $9.999999770e-03, v9;
	_ =	sdelay $0x1  }
0x17e: {  	v9 =	vmax.f32 v9, v60  }
0x17f: {  	[tilespmem:v11+s21+$0x0] =	vst.idx.msk $0xffff, v9  }
0x180: {  	v9 =	vld.idx.msk [tilespmem:v10+s21+$0x0], $0xffff  }
0x181: {  	v11 =	vld.idx.msk [tilespmem:v10+s23+$0x0], $0xffff;
	_ =	sdelay $0x4  }
0x182: {  	v9 =	vadd.f32 v11, v9  }
0x183: {  	v11 =	vor.u32 s31, v6  }
0x184: {  	v61 =	vmul.f32 $9.999999770e-03, v9;
	_ =	sdelay $0x1  }
0x185: {  	v9 =	vmax.f32 v9, v61  }
0x186: {  	[tilespmem:v10+s21+$0x0] =	vst.idx.msk $0xffff, v9  }
0x187: {  	v9 =	vld.idx.msk [tilespmem:v11+s21+$0x0], $0xffff  }
0x188: {  	v10 =	vld.idx.msk [tilespmem:v11+s23+$0x0], $0xffff;
	_ =	sdelay $0x4  }
0x189: {  	v9 =	vadd.f32 v10, v9  }
0x18a: {  	v10 =	vor.u32 s31, v7  }
0x18b: {  	v62 =	vmul.f32 $9.999999770e-03, v9;
	_ =	sdelay $0x1  }
0x18c: {  	v9 =	vmax.f32 v9, v62  }
0x18d: {  	[tilespmem:v11+s21+$0x0] =	vst.idx.msk $0xffff, v9  }
0x18e: {  	v9 =	vld.idx.msk [tilespmem:v10+s21+$0x0], $0xffff  }
0x18f: {  	v11 =	vld.idx.msk [tilespmem:v10+s23+$0x0], $0xffff;
	_ =	sdelay $0x4  }
0x190: {  	v11 =	vadd.f32 v11, v9  }
0x191: {  	v9 =	vor.u32 s31, v8  }
0x192: {  	v63 =	vmul.f32 $9.999999770e-03, v11;
	_ =	sdelay $0x1  }
0x193: {  	v11 =	vmax.f32 v11, v63  }
0x194: {  	[tilespmem:v10+s21+$0x0] =	vst.idx.msk $0xffff, v11  }
0x195: {  	v10 =	vld.idx.msk [tilespmem:v9+s21+$0x0], $0xffff  }
0x196: {  	s28 =	simm.s32 $0x1;
	v11 =	vld.idx.msk [tilespmem:v9+s23+$0x0], $0xffff  }
.LBB2_8:
0x197: {  	_ = 	snop  }
0x198: {  	p1 =	sne.s32 s28, $0x7F;
	s0 =	smov.u32 s28;
	s28 =	sadd.s32 $0x1, s28  }
0x199: {  	_ =	sdelay $0x1  }
0x19a: {  	s30 =	sshll.u32 s0, $0x7;
	v10 =	vadd.f32 v11, v10  }
0x19b: {  	v11 =	vor.u32 s30, v0  }
0x19c: {  	v12 =	vmul.f32 $9.999999770e-03, v10;
	_ =	sdelay $0x1  }
0x19d: {  	v10 =	vmax.f32 v10, v12  }
0x19e: {  	[tilespmem:v9+s21+$0x0] =	vst.idx.msk $0xffff, v10  }
0x19f: {  	v9 =	vld.idx.msk [tilespmem:v11+s21+$0x0], $0xffff  }
0x1a0: {  	v10 =	vld.idx.msk [tilespmem:v11+s23+$0x0], $0xffff;
	_ =	sdelay $0x5  }
0x1a1: {  	v9 =	vadd.f32 v10, v9  }
0x1a2: {  	v10 =	vor.u32 s30, v2  }
0x1a3: {  	v12 =	vmul.f32 $9.999999770e-03, v9;
	_ =	sdelay $0x1  }
0x1a4: {  	v9 =	vmax.f32 v9, v12  }
0x1a5: {  	[tilespmem:v11+s21+$0x0] =	vst.idx.msk $0xffff, v9  }
0x1a6: {  	v9 =	vld.idx.msk [tilespmem:v10+s21+$0x0], $0xffff  }
0x1a7: {  	v11 =	vld.idx.msk [tilespmem:v10+s23+$0x0], $0xffff;
	_ =	sdelay $0x5  }
0x1a8: {  	v9 =	vadd.f32 v11, v9  }
0x1a9: {  	v11 =	vor.u32 s30, v3  }
0x1aa: {  	v12 =	vmul.f32 $9.999999770e-03, v9;
	_ =	sdelay $0x1  }
0x1ab: {  	v9 =	vmax.f32 v9, v12  }
0x1ac: {  	[tilespmem:v10+s21+$0x0] =	vst.idx.msk $0xffff, v9  }
0x1ad: {  	v9 =	vld.idx.msk [tilespmem:v11+s21+$0x0], $0xffff  }
0x1ae: {  	v10 =	vld.idx.msk [tilespmem:v11+s23+$0x0], $0xffff;
	_ =	sdelay $0x5  }
0x1af: {  	v9 =	vadd.f32 v10, v9  }
0x1b0: {  	v10 =	vor.u32 s30, v4  }
0x1b1: {  	v12 =	vmul.f32 $9.999999770e-03, v9;
	_ =	sdelay $0x1  }
0x1b2: {  	v9 =	vmax.f32 v9, v12  }
0x1b3: {  	[tilespmem:v11+s21+$0x0] =	vst.idx.msk $0xffff, v9  }
0x1b4: {  	v9 =	vld.idx.msk [tilespmem:v10+s21+$0x0], $0xffff  }
0x1b5: {  	v11 =	vld.idx.msk [tilespmem:v10+s23+$0x0], $0xffff;
	_ =	sdelay $0x5  }
0x1b6: {  	v9 =	vadd.f32 v11, v9  }
0x1b7: {  	v11 =	vor.u32 s30, v5  }
0x1b8: {  	v12 =	vmul.f32 $9.999999770e-03, v9;
	_ =	sdelay $0x1  }
0x1b9: {  	v9 =	vmax.f32 v9, v12  }
0x1ba: {  	[tilespmem:v10+s21+$0x0] =	vst.idx.msk $0xffff, v9  }
0x1bb: {  	v9 =	vld.idx.msk [tilespmem:v11+s21+$0x0], $0xffff  }
0x1bc: {  	v10 =	vld.idx.msk [tilespmem:v11+s23+$0x0], $0xffff;
	_ =	sdelay $0x5  }
0x1bd: {  	v9 =	vadd.f32 v10, v9  }
0x1be: {  	v10 =	vor.u32 s30, v6  }
0x1bf: {  	v12 =	vmul.f32 $9.999999770e-03, v9;
	_ =	sdelay $0x1  }
0x1c0: {  	v9 =	vmax.f32 v9, v12  }
0x1c1: {  	[tilespmem:v11+s21+$0x0] =	vst.idx.msk $0xffff, v9  }
0x1c2: {  	v9 =	vld.idx.msk [tilespmem:v10+s21+$0x0], $0xffff  }
0x1c3: {  	v11 =	vld.idx.msk [tilespmem:v10+s23+$0x0], $0xffff;
	_ =	sdelay $0x5  }
0x1c4: {  	v9 =	vadd.f32 v11, v9  }
0x1c5: {  	v11 =	vor.u32 s30, v7  }
0x1c6: {  	v12 =	vmul.f32 $9.999999770e-03, v9;
	_ =	sdelay $0x1  }
0x1c7: {  	v9 =	vmax.f32 v9, v12  }
0x1c8: {  	[tilespmem:v10+s21+$0x0] =	vst.idx.msk $0xffff, v9  }
0x1c9: {  	v9 =	vld.idx.msk [tilespmem:v11+s21+$0x0], $0xffff  }
0x1ca: {  	v10 =	vld.idx.msk [tilespmem:v11+s23+$0x0], $0xffff;
	_ =	sdelay $0x5  }
0x1cb: {  	v10 =	vadd.f32 v10, v9  }
0x1cc: {  	v9 =	vor.u32 s30, v8  }
0x1cd: {  	v12 =	vmul.f32 $9.999999770e-03, v10  }
.Ltmp7:
0x1ce: {  	(pc) =	sbr.rel @p1 .LBB2_8-.Ltmp7, $4  }
0x1cf: {  	v10 =	vmax.f32 v10, v12  }
0x1d0: {  	[tilespmem:v11+s21+$0x0] =	vst.idx.msk $0xffff, v10  }
0x1d1: {  	v10 =	vld.idx.msk [tilespmem:v9+s21+$0x0], $0xffff  }
0x1d2: {  	v11 =	vld.idx.msk [tilespmem:v9+s23+$0x0], $0xffff  }
0x1d3: {  	_ =	sdelay $0x3  }
0x1d4: {  	v10 =	vadd.f32 v11, v10;
	_ =	sdelay $0x1  }
0x1d5: {  	v11 =	vmul.f32 $9.999999770e-03, v10  }
0x1d6: {  	s29 =	sadd.s32 $0x1, s29  }
0x1d7: {  	p1 =	sne.s32 s29, $0x9D;
	v10 =	vmax.f32 v10, v11  }
.Ltmp8:
0x1d8: {  	[tilespmem:v9+s21+$0x0] =	vst.idx.msk $0xffff, v10;
	(pc) =	sbr.rel @p1 .LBB2_7-.Ltmp8, $4  }
0x1d9: {  	[spmem:s2] =	stream.indirect.scatter.add.f32 [tilespmem:s21], [sflag:$0x3], $0x80, s19, s19, $0xb8;
	[tilespmem:$0x1EA00] =	vst v63  }
0x1da: {  	_ =	swait.ge [sflag:s17], $0x4000  }
0x1db: {  	[sflag:s17] =	ssyncset.done $0x0  }
0x1dc: {  	[sflag:s17] =	ssyncadd.s32 $0xFFFFC000  }
.LBB2_10:
0x1dd: {  	s0 =	sshll.u32 s3, $0x6  }
0x1de: {  	[bflag:$0x0] =	sbarrier.arrive $0xFFFF;
	s28 =	sshrl.u32 s12, $0x3;
	s26 =	sor.u32 $0x1C03, s0  }
0x1df: {  	[hbm:s13], [sflag:s26] =	dma.local [spmem:s28], $0x1400  }
0x1e0: {  	_ =	swait.ge [sflag:s17], $0x1400  }
0x1e1: {  	[sflag:s17] =	ssyncset.done $0x0  }
0x1e2: {  	[sflag:s17] =	ssyncadd.s32 $0xFFFFEC00  }
0x1e3: {  	[spmem:s12] =	stream.linear.scatter [tilespmem:s18], [sflag:$0x3], $0xA000, $0x38;
	[tilespmem:$0x1EA00] =	vst v63  }
.Ltmp9:
0x1e4: {  	_ =	swait.ge [sflag:s17], $0xA000;
	(pc) =	sbr.rel @p0 .LBB2_14-.Ltmp9, $4  }
0x1e5: {  	[sflag:s17] =	ssyncset.done $0x0  }
0x1e6: {  	[sflag:s17] =	ssyncadd.s32 $0xFFFF6000  }
0x1e7: {  	[bflag:$0x0] =	sbarrier.arrive $0xFFFF  }
0x1e8: {  	s29 =	simm.s32 $0x0;
	s30 =	simm.s32 $0x0;
	s31 =	simm.s32 $0x0  }
.LBB2_11:
0x1e9: {  	s0 =	sshll.u32 s30, $0x7  }
0x1ea: {  	s0 =	sadd.s32 s11, s0  }
0x1eb: {  	s0 =	sshrl.u32 s0, $0x3  }
0x1ec: {  	s31 =	sadd.s32 s8, s0  }
0x1ed: {  	[tilespmem:s29], [sflag:$0x3] =	stream.linear.gather [hbm4b:s31+s29], $0x80, $0x38;
	[tilespmem:$0x1EA00] =	vst v63  }
0x1ee: {  	_ =	swait.ge [sflag:s17], $0x80  }
0x1ef: {  	[sflag:s17] =	ssyncset.done $0x0  }
0x1f0: {  	s0 =	sadd.s32 s9, s0;
	[sflag:s17] =	ssyncadd.s32 $0xFFFFFF80  }
0x1f1: {  	[tilespmem:s19], [sflag:$0x3] =	stream.linear.gather [hbm4b:s0+s29], $0x80, $0x38;
	[tilespmem:$0x1EA00] =	vst v63  }
0x1f2: {  	_ =	swait.ge [sflag:s17], $0x80  }
0x1f3: {  	[sflag:s17] =	ssyncset.done $0x0  }
0x1f4: {  	[sflag:s17] =	ssyncadd.s32 $0xFFFFFF80  }
0x1f5: {  	v9 =	vld [tilespmem:$0x0]  }
0x1f6: {  	v10 =	vld [tilespmem:$0x80];
	_ =	sdelay $0x4  }
0x1f7: {  	v12 =	vld [tilespmem:$0x10]  }
0x1f8: {  	v13 =	vld [tilespmem:$0x90]  }
0x1f9: {  	v9 =	vld.idx.msk [tilespmem:v9+s16+$0x0], $0xffff  }
0x1fa: {  	v11 =	vld.idx.msk [tilespmem:v10+s16+$0x0], $0xffff  }
0x1fb: {  	v10 =	vadd.s32 $0xFFFFEC00, v10  }
0x1fc: {  	vm0 =	vlt.u32 v10, $0x1400  }
0x1fd: {  	v10 =	vnsel vm0, $0x0, v10  }
0x1fe: {  	[tilespmem:$0x80] =	vst v10;
	v9 =	vnsel vm0, $0x138A, v9  }
0x1ff: {  	[tilespmem:$0x100] =	vst v9;
	v9 =	vnsel vm0, $0x138A, v11  }
0x200: {  	v11 =	vld [tilespmem:$0x20];
	[tilespmem:$0x180] =	vst v9  }
0x201: {  	v9 =	vld.idx.msk [tilespmem:v12+s16+$0x0], $0xffff  }
0x202: {  	v10 =	vld.idx.msk [tilespmem:v13+s16+$0x0], $0xffff  }
0x203: {  	v51 =	vld [tilespmem:$0xA0];
	v13 =	vadd.s32 $0xFFFFEC00, v13  }
0x204: {  	vm9 =	vlt.u32 v13, $0x1400  }
0x205: {  	v13 =	vnsel vm9, $0x0, v13  }
0x206: {  	[tilespmem:$0x90] =	vst v13;
	v9 =	vnsel vm9, $0x138A, v9  }
0x207: {  	[tilespmem:$0x110] =	vst v9;
	v9 =	vnsel vm9, $0x138A, v10  }
0x208: {  	[tilespmem:$0x190] =	vst v9  }
0x209: {  	v9 =	vld.idx.msk [tilespmem:v11+s16+$0x0], $0xffff  }
0x20a: {  	v11 =	vld [tilespmem:$0x30]  }
0x20b: {  	v10 =	vld.idx.msk [tilespmem:v51+s16+$0x0], $0xffff  }
0x20c: {  	v52 =	vld [tilespmem:$0xB0];
	v12 =	vadd.s32 $0xFFFFEC00, v51  }
0x20d: {  	vm10 =	vlt.u32 v12, $0x1400  }
0x20e: {  	v12 =	vnsel vm10, $0x0, v12  }
0x20f: {  	[tilespmem:$0xA0] =	vst v12;
	v9 =	vnsel vm10, $0x138A, v9  }
0x210: {  	[tilespmem:$0x120] =	vst v9;
	v9 =	vnsel vm10, $0x138A, v10  }
0x211: {  	[tilespmem:$0x1A0] =	vst v9  }
0x212: {  	v9 =	vld.idx.msk [tilespmem:v11+s16+$0x0], $0xffff  }
0x213: {  	v11 =	vld [tilespmem:$0x40]  }
0x214: {  	v10 =	vld.idx.msk [tilespmem:v52+s16+$0x0], $0xffff  }
0x215: {  	v53 =	vld [tilespmem:$0xC0];
	v13 =	vadd.s32 $0xFFFFEC00, v52  }
0x216: {  	vm11 =	vlt.u32 v13, $0x1400  }
0x217: {  	v13 =	vnsel vm11, $0x0, v13  }
0x218: {  	[tilespmem:$0xB0] =	vst v13;
	v9 =	vnsel vm11, $0x138A, v9  }
0x219: {  	[tilespmem:$0x130] =	vst v9;
	v9 =	vnsel vm11, $0x138A, v10  }
0x21a: {  	[tilespmem:$0x1B0] =	vst v9  }
0x21b: {  	v9 =	vld.idx.msk [tilespmem:v11+s16+$0x0], $0xffff  }
0x21c: {  	v11 =	vld [tilespmem:$0x50]  }
0x21d: {  	v10 =	vld.idx.msk [tilespmem:v53+s16+$0x0], $0xffff  }
0x21e: {  	v54 =	vld [tilespmem:$0xD0];
	v12 =	vadd.s32 $0xFFFFEC00, v53  }
0x21f: {  	vm12 =	vlt.u32 v12, $0x1400  }
0x220: {  	v12 =	vnsel vm12, $0x0, v12  }
0x221: {  	[tilespmem:$0xC0] =	vst v12;
	v9 =	vnsel vm12, $0x138A, v9  }
0x222: {  	[tilespmem:$0x140] =	vst v9;
	v9 =	vnsel vm12, $0x138A, v10  }
0x223: {  	[tilespmem:$0x1C0] =	vst v9  }
0x224: {  	v9 =	vld.idx.msk [tilespmem:v11+s16+$0x0], $0xffff  }
0x225: {  	v11 =	vld [tilespmem:$0x60]  }
0x226: {  	v10 =	vld.idx.msk [tilespmem:v54+s16+$0x0], $0xffff  }
0x227: {  	v55 =	vld [tilespmem:$0xE0];
	v13 =	vadd.s32 $0xFFFFEC00, v54  }
0x228: {  	vm13 =	vlt.u32 v13, $0x1400  }
0x229: {  	v13 =	vnsel vm13, $0x0, v13  }
0x22a: {  	[tilespmem:$0xD0] =	vst v13;
	v9 =	vnsel vm13, $0x138A, v9  }
0x22b: {  	[tilespmem:$0x150] =	vst v9;
	v9 =	vnsel vm13, $0x138A, v10  }
0x22c: {  	v56 =	vld [tilespmem:$0xF0];
	[tilespmem:$0x1D0] =	vst v9  }
0x22d: {  	v9 =	vld.idx.msk [tilespmem:v11+s16+$0x0], $0xffff  }
0x22e: {  	v11 =	vld [tilespmem:$0x70]  }
0x22f: {  	v10 =	vld.idx.msk [tilespmem:v55+s16+$0x0], $0xffff  }
0x230: {  	v12 =	vadd.s32 $0xFFFFEC00, v55  }
0x231: {  	vm14 =	vlt.u32 v12, $0x1400  }
0x232: {  	v12 =	vnsel vm14, $0x0, v12  }
0x233: {  	[tilespmem:$0xE0] =	vst v12;
	v9 =	vnsel vm14, $0x138A, v9  }
0x234: {  	[tilespmem:$0x160] =	vst v9;
	v9 =	vnsel vm14, $0x138A, v10  }
0x235: {  	[tilespmem:$0x1E0] =	vst v9  }
0x236: {  	v9 =	vld.idx.msk [tilespmem:v11+s16+$0x0], $0xffff  }
0x237: {  	v10 =	vld.idx.msk [tilespmem:v56+s16+$0x0], $0xffff  }
0x238: {  	v11 =	vadd.s32 $0xFFFFEC00, v56  }
0x239: {  	vm15 =	vlt.u32 v11, $0x1400  }
0x23a: {  	v11 =	vnsel vm15, $0x0, v11  }
0x23b: {  	[tilespmem:$0xF0] =	vst v11;
	v9 =	vnsel vm15, $0x138A, v9  }
0x23c: {  	[tilespmem:$0x170] =	vst v9;
	v9 =	vnsel vm15, $0x138A, v10  }
0x23d: {  	[tilespmem:$0x1F0] =	vst v9  }
0x23e: {  	[tilespmem:s21], [sflag:$0x1] =	stream.indirect.gather [hbm4b:s1+s19], $0x80, s20, s19, $0xb8;
	[tilespmem:$0x1EA00] =	vst v63  }
0x23f: {  	_ = 	snop  }
0x240: {  	[tilespmem:s23], [sflag:$0x2] =	stream.indirect.gather [hbm4b:s5+s19], $0x80, s22, s19, $0xb8;
	[tilespmem:$0x1EA00] =	vst v63  }
0x241: {  	s0 =	simm.s32 $0x0;
	_ =	swait.ge [sflag:s24], $0x4000  }
0x242: {  	v9 =	vor.u32 s0, v0;
	[sflag:s24] =	ssyncset.done $0x0  }
0x243: {  	[sflag:s24] =	ssyncadd.s32 $0xFFFFC000  }
0x244: {  	_ =	swait.ge [sflag:s25], $0x4000  }
0x245: {  	[sflag:s25] =	ssyncset.done $0x0  }
0x246: {  	[sflag:s25] =	ssyncadd.s32 $0xFFFFC000  }
0x247: {  	v10 =	vld.idx.msk [tilespmem:v9+s21+$0x0], $0xffff  }
0x248: {  	v11 =	vld.idx.msk [tilespmem:v9+s23+$0x0], $0xffff;
	_ =	sdelay $0x4  }
0x249: {  	v10 =	vadd.f32 v11, v10  }
0x24a: {  	v11 =	vor.u32 s0, v2  }
0x24b: {  	v57 =	vmul.f32 $9.999999770e-03, v10;
	_ =	sdelay $0x1  }
0x24c: {  	v10 =	vmax.f32 v10, v57  }
0x24d: {  	[tilespmem:v9+s21+$0x0] =	vst.idx.msk $0xffff, v10  }
0x24e: {  	v9 =	vld.idx.msk [tilespmem:v11+s21+$0x0], $0xffff  }
0x24f: {  	v10 =	vld.idx.msk [tilespmem:v11+s23+$0x0], $0xffff;
	_ =	sdelay $0x4  }
0x250: {  	v9 =	vadd.f32 v10, v9  }
0x251: {  	v10 =	vor.u32 s0, v3  }
0x252: {  	v58 =	vmul.f32 $9.999999770e-03, v9;
	_ =	sdelay $0x1  }
0x253: {  	v9 =	vmax.f32 v9, v58  }
0x254: {  	[tilespmem:v11+s21+$0x0] =	vst.idx.msk $0xffff, v9  }
0x255: {  	v9 =	vld.idx.msk [tilespmem:v10+s21+$0x0], $0xffff  }
0x256: {  	v11 =	vld.idx.msk [tilespmem:v10+s23+$0x0], $0xffff;
	_ =	sdelay $0x4  }
0x257: {  	v9 =	vadd.f32 v11, v9  }
0x258: {  	v11 =	vor.u32 s0, v4  }
0x259: {  	v59 =	vmul.f32 $9.999999770e-03, v9;
	_ =	sdelay $0x1  }
0x25a: {  	v9 =	vmax.f32 v9, v59  }
0x25b: {  	[tilespmem:v10+s21+$0x0] =	vst.idx.msk $0xffff, v9  }
0x25c: {  	v9 =	vld.idx.msk [tilespmem:v11+s21+$0x0], $0xffff  }
0x25d: {  	v10 =	vld.idx.msk [tilespmem:v11+s23+$0x0], $0xffff;
	_ =	sdelay $0x4  }
0x25e: {  	v9 =	vadd.f32 v10, v9  }
0x25f: {  	v10 =	vor.u32 s0, v5  }
0x260: {  	v60 =	vmul.f32 $9.999999770e-03, v9;
	_ =	sdelay $0x1  }
0x261: {  	v9 =	vmax.f32 v9, v60  }
0x262: {  	[tilespmem:v11+s21+$0x0] =	vst.idx.msk $0xffff, v9  }
0x263: {  	v9 =	vld.idx.msk [tilespmem:v10+s21+$0x0], $0xffff  }
0x264: {  	v11 =	vld.idx.msk [tilespmem:v10+s23+$0x0], $0xffff;
	_ =	sdelay $0x4  }
0x265: {  	v9 =	vadd.f32 v11, v9  }
0x266: {  	v11 =	vor.u32 s0, v6  }
0x267: {  	v61 =	vmul.f32 $9.999999770e-03, v9;
	_ =	sdelay $0x1  }
0x268: {  	v9 =	vmax.f32 v9, v61  }
0x269: {  	[tilespmem:v10+s21+$0x0] =	vst.idx.msk $0xffff, v9  }
0x26a: {  	v9 =	vld.idx.msk [tilespmem:v11+s21+$0x0], $0xffff  }
0x26b: {  	v10 =	vld.idx.msk [tilespmem:v11+s23+$0x0], $0xffff;
	_ =	sdelay $0x4  }
0x26c: {  	v9 =	vadd.f32 v10, v9  }
0x26d: {  	v10 =	vor.u32 s0, v7  }
0x26e: {  	v62 =	vmul.f32 $9.999999770e-03, v9;
	_ =	sdelay $0x1  }
0x26f: {  	v9 =	vmax.f32 v9, v62  }
0x270: {  	[tilespmem:v11+s21+$0x0] =	vst.idx.msk $0xffff, v9  }
0x271: {  	v9 =	vld.idx.msk [tilespmem:v10+s21+$0x0], $0xffff  }
0x272: {  	v11 =	vld.idx.msk [tilespmem:v10+s23+$0x0], $0xffff;
	_ =	sdelay $0x4  }
0x273: {  	v11 =	vadd.f32 v11, v9  }
0x274: {  	v9 =	vor.u32 s0, v8  }
0x275: {  	v63 =	vmul.f32 $9.999999770e-03, v11;
	_ =	sdelay $0x1  }
0x276: {  	v11 =	vmax.f32 v11, v63  }
0x277: {  	[tilespmem:v10+s21+$0x0] =	vst.idx.msk $0xffff, v11  }
0x278: {  	v10 =	vld.idx.msk [tilespmem:v9+s21+$0x0], $0xffff  }
0x279: {  	s31 =	simm.s32 $0x1;
	v11 =	vld.idx.msk [tilespmem:v9+s23+$0x0], $0xffff  }
.LBB2_12:
0x27a: {  	_ = 	snop  }
0x27b: {  	p1 =	sne.s32 s31, $0x7F;
	s0 =	smov.u32 s31;
	s31 =	sadd.s32 $0x1, s31  }
0x27c: {  	_ =	sdelay $0x1  }
0x27d: {  	s0 =	sshll.u32 s0, $0x7;
	v10 =	vadd.f32 v11, v10  }
0x27e: {  	v11 =	vor.u32 s0, v0  }
0x27f: {  	v12 =	vmul.f32 $9.999999770e-03, v10;
	_ =	sdelay $0x1  }
0x280: {  	v10 =	vmax.f32 v10, v12  }
0x281: {  	[tilespmem:v9+s21+$0x0] =	vst.idx.msk $0xffff, v10  }
0x282: {  	v9 =	vld.idx.msk [tilespmem:v11+s21+$0x0], $0xffff  }
0x283: {  	v10 =	vld.idx.msk [tilespmem:v11+s23+$0x0], $0xffff;
	_ =	sdelay $0x5  }
0x284: {  	v9 =	vadd.f32 v10, v9  }
0x285: {  	v10 =	vor.u32 s0, v2  }
0x286: {  	v12 =	vmul.f32 $9.999999770e-03, v9;
	_ =	sdelay $0x1  }
0x287: {  	v9 =	vmax.f32 v9, v12  }
0x288: {  	[tilespmem:v11+s21+$0x0] =	vst.idx.msk $0xffff, v9  }
0x289: {  	v9 =	vld.idx.msk [tilespmem:v10+s21+$0x0], $0xffff  }
0x28a: {  	v11 =	vld.idx.msk [tilespmem:v10+s23+$0x0], $0xffff;
	_ =	sdelay $0x5  }
0x28b: {  	v9 =	vadd.f32 v11, v9  }
0x28c: {  	v11 =	vor.u32 s0, v3  }
0x28d: {  	v12 =	vmul.f32 $9.999999770e-03, v9;
	_ =	sdelay $0x1  }
0x28e: {  	v9 =	vmax.f32 v9, v12  }
0x28f: {  	[tilespmem:v10+s21+$0x0] =	vst.idx.msk $0xffff, v9  }
0x290: {  	v9 =	vld.idx.msk [tilespmem:v11+s21+$0x0], $0xffff  }
0x291: {  	v10 =	vld.idx.msk [tilespmem:v11+s23+$0x0], $0xffff;
	_ =	sdelay $0x5  }
0x292: {  	v9 =	vadd.f32 v10, v9  }
0x293: {  	v10 =	vor.u32 s0, v4  }
0x294: {  	v12 =	vmul.f32 $9.999999770e-03, v9;
	_ =	sdelay $0x1  }
0x295: {  	v9 =	vmax.f32 v9, v12  }
0x296: {  	[tilespmem:v11+s21+$0x0] =	vst.idx.msk $0xffff, v9  }
0x297: {  	v9 =	vld.idx.msk [tilespmem:v10+s21+$0x0], $0xffff  }
0x298: {  	v11 =	vld.idx.msk [tilespmem:v10+s23+$0x0], $0xffff;
	_ =	sdelay $0x5  }
0x299: {  	v9 =	vadd.f32 v11, v9  }
0x29a: {  	v11 =	vor.u32 s0, v5  }
0x29b: {  	v12 =	vmul.f32 $9.999999770e-03, v9;
	_ =	sdelay $0x1  }
0x29c: {  	v9 =	vmax.f32 v9, v12  }
0x29d: {  	[tilespmem:v10+s21+$0x0] =	vst.idx.msk $0xffff, v9  }
0x29e: {  	v9 =	vld.idx.msk [tilespmem:v11+s21+$0x0], $0xffff  }
0x29f: {  	v10 =	vld.idx.msk [tilespmem:v11+s23+$0x0], $0xffff;
	_ =	sdelay $0x5  }
0x2a0: {  	v9 =	vadd.f32 v10, v9  }
0x2a1: {  	v10 =	vor.u32 s0, v6  }
0x2a2: {  	v12 =	vmul.f32 $9.999999770e-03, v9;
	_ =	sdelay $0x1  }
0x2a3: {  	v9 =	vmax.f32 v9, v12  }
0x2a4: {  	[tilespmem:v11+s21+$0x0] =	vst.idx.msk $0xffff, v9  }
0x2a5: {  	v9 =	vld.idx.msk [tilespmem:v10+s21+$0x0], $0xffff  }
0x2a6: {  	v11 =	vld.idx.msk [tilespmem:v10+s23+$0x0], $0xffff;
	_ =	sdelay $0x5  }
0x2a7: {  	v9 =	vadd.f32 v11, v9  }
0x2a8: {  	v11 =	vor.u32 s0, v7  }
0x2a9: {  	v12 =	vmul.f32 $9.999999770e-03, v9;
	_ =	sdelay $0x1  }
0x2aa: {  	v9 =	vmax.f32 v9, v12  }
0x2ab: {  	[tilespmem:v10+s21+$0x0] =	vst.idx.msk $0xffff, v9  }
0x2ac: {  	v9 =	vld.idx.msk [tilespmem:v11+s21+$0x0], $0xffff  }
0x2ad: {  	v10 =	vld.idx.msk [tilespmem:v11+s23+$0x0], $0xffff;
	_ =	sdelay $0x5  }
0x2ae: {  	v10 =	vadd.f32 v10, v9  }
0x2af: {  	v9 =	vor.u32 s0, v8  }
0x2b0: {  	v12 =	vmul.f32 $9.999999770e-03, v10  }
.Ltmp10:
0x2b1: {  	(pc) =	sbr.rel @p1 .LBB2_12-.Ltmp10, $4  }
0x2b2: {  	v10 =	vmax.f32 v10, v12  }
0x2b3: {  	[tilespmem:v11+s21+$0x0] =	vst.idx.msk $0xffff, v10  }
0x2b4: {  	v10 =	vld.idx.msk [tilespmem:v9+s21+$0x0], $0xffff  }
0x2b5: {  	v11 =	vld.idx.msk [tilespmem:v9+s23+$0x0], $0xffff  }
0x2b6: {  	_ =	sdelay $0x3  }
0x2b7: {  	v10 =	vadd.f32 v11, v10;
	_ =	sdelay $0x1  }
0x2b8: {  	v11 =	vmul.f32 $9.999999770e-03, v10;
	_ =	sdelay $0x1  }
0x2b9: {  	s30 =	sadd.s32 $0x1, s30;
	v10 =	vmax.f32 v10, v11  }
0x2ba: {  	p1 =	seq.s32 s30, $0x9D;
	[tilespmem:v9+s21+$0x0] =	vst.idx.msk $0xffff, v10  }
0x2bb: {  	[spmem:s2] =	stream.indirect.scatter.add.f32 [tilespmem:s21], [sflag:$0x3], $0x80, s19, s19, $0xb8;
	[tilespmem:$0x1EA00] =	vst v63  }
.Ltmp11:
0x2bc: {  	_ = 	snop;
	(pc) =	sbr.rel @!p1 .LBB2_11-.Ltmp11, $4  }
.Ltmp12:
0x2bd: {  	_ = 	snop;
	(pc) =	sbr.rel @p1 .LBB2_17-.Ltmp12, $4  }
0x2be: {  	_ =	swait.ge [sflag:s17], $0x4000  }
0x2bf: {  	[sflag:s17] =	ssyncset.done $0x0  }
0x2c0: {  	[sflag:s17] =	ssyncadd.s32 $0xFFFFC000  }
0x2c1: {  	_ = 	snop  }
.LBB2_14:
0x2c2: {  	s0 =	sshll.u32 s31, $0x7  }
0x2c3: {  	s0 =	sadd.s32 s11, s0  }
0x2c4: {  	s0 =	sshrl.u32 s0, $0x3  }
0x2c5: {  	s30 =	sadd.s32 s8, s0  }
0x2c6: {  	[tilespmem:s29], [sflag:$0x3] =	stream.linear.gather [hbm4b:s30+s29], $0x80, $0x38;
	[tilespmem:$0x1EA00] =	vst v63  }
0x2c7: {  	_ =	swait.ge [sflag:s17], $0x80  }
0x2c8: {  	[sflag:s17] =	ssyncset.done $0x0  }
0x2c9: {  	s0 =	sadd.s32 s9, s0;
	[sflag:s17] =	ssyncadd.s32 $0xFFFFFF80  }
0x2ca: {  	[tilespmem:s19], [sflag:$0x3] =	stream.linear.gather [hbm4b:s0+s29], $0x80, $0x38;
	[tilespmem:$0x1EA00] =	vst v63  }
0x2cb: {  	_ =	swait.ge [sflag:s17], $0x80  }
0x2cc: {  	[sflag:s17] =	ssyncset.done $0x0  }
0x2cd: {  	[sflag:s17] =	ssyncadd.s32 $0xFFFFFF80  }
0x2ce: {  	v9 =	vld [tilespmem:$0x0]  }
0x2cf: {  	v10 =	vld [tilespmem:$0x80];
	_ =	sdelay $0x4  }
0x2d0: {  	v12 =	vld [tilespmem:$0x10]  }
0x2d1: {  	v13 =	vld [tilespmem:$0x90]  }
0x2d2: {  	v9 =	vld.idx.msk [tilespmem:v9+s16+$0x0], $0xffff  }
0x2d3: {  	v11 =	vld.idx.msk [tilespmem:v10+s16+$0x0], $0xffff  }
0x2d4: {  	v10 =	vadd.s32 $0xFFFFEC00, v10  }
0x2d5: {  	vm0 =	vlt.u32 v10, $0x1400  }
0x2d6: {  	v10 =	vnsel vm0, $0x0, v10  }
0x2d7: {  	[tilespmem:$0x80] =	vst v10;
	v9 =	vnsel vm0, $0x138A, v9  }
0x2d8: {  	[tilespmem:$0x100] =	vst v9;
	v9 =	vnsel vm0, $0x138A, v11  }
0x2d9: {  	v11 =	vld [tilespmem:$0x20];
	[tilespmem:$0x180] =	vst v9  }
0x2da: {  	v9 =	vld.idx.msk [tilespmem:v12+s16+$0x0], $0xffff  }
0x2db: {  	v10 =	vld.idx.msk [tilespmem:v13+s16+$0x0], $0xffff  }
0x2dc: {  	v51 =	vld [tilespmem:$0xA0];
	v13 =	vadd.s32 $0xFFFFEC00, v13  }
0x2dd: {  	vm9 =	vlt.u32 v13, $0x1400  }
0x2de: {  	v13 =	vnsel vm9, $0x0, v13  }
0x2df: {  	[tilespmem:$0x90] =	vst v13;
	v9 =	vnsel vm9, $0x138A, v9  }
0x2e0: {  	[tilespmem:$0x110] =	vst v9;
	v9 =	vnsel vm9, $0x138A, v10  }
0x2e1: {  	[tilespmem:$0x190] =	vst v9  }
0x2e2: {  	v9 =	vld.idx.msk [tilespmem:v11+s16+$0x0], $0xffff  }
0x2e3: {  	v11 =	vld [tilespmem:$0x30]  }
0x2e4: {  	v10 =	vld.idx.msk [tilespmem:v51+s16+$0x0], $0xffff  }
0x2e5: {  	v52 =	vld [tilespmem:$0xB0];
	v12 =	vadd.s32 $0xFFFFEC00, v51  }
0x2e6: {  	vm10 =	vlt.u32 v12, $0x1400  }
0x2e7: {  	v12 =	vnsel vm10, $0x0, v12  }
0x2e8: {  	[tilespmem:$0xA0] =	vst v12;
	v9 =	vnsel vm10, $0x138A, v9  }
0x2e9: {  	[tilespmem:$0x120] =	vst v9;
	v9 =	vnsel vm10, $0x138A, v10  }
0x2ea: {  	[tilespmem:$0x1A0] =	vst v9  }
0x2eb: {  	v9 =	vld.idx.msk [tilespmem:v11+s16+$0x0], $0xffff  }
0x2ec: {  	v11 =	vld [tilespmem:$0x40]  }
0x2ed: {  	v10 =	vld.idx.msk [tilespmem:v52+s16+$0x0], $0xffff  }
0x2ee: {  	v53 =	vld [tilespmem:$0xC0];
	v13 =	vadd.s32 $0xFFFFEC00, v52  }
0x2ef: {  	vm11 =	vlt.u32 v13, $0x1400  }
0x2f0: {  	v13 =	vnsel vm11, $0x0, v13  }
0x2f1: {  	[tilespmem:$0xB0] =	vst v13;
	v9 =	vnsel vm11, $0x138A, v9  }
0x2f2: {  	[tilespmem:$0x130] =	vst v9;
	v9 =	vnsel vm11, $0x138A, v10  }
0x2f3: {  	[tilespmem:$0x1B0] =	vst v9  }
0x2f4: {  	v9 =	vld.idx.msk [tilespmem:v11+s16+$0x0], $0xffff  }
0x2f5: {  	v11 =	vld [tilespmem:$0x50]  }
0x2f6: {  	v10 =	vld.idx.msk [tilespmem:v53+s16+$0x0], $0xffff  }
0x2f7: {  	v54 =	vld [tilespmem:$0xD0];
	v12 =	vadd.s32 $0xFFFFEC00, v53  }
0x2f8: {  	vm12 =	vlt.u32 v12, $0x1400  }
0x2f9: {  	v12 =	vnsel vm12, $0x0, v12  }
0x2fa: {  	[tilespmem:$0xC0] =	vst v12;
	v9 =	vnsel vm12, $0x138A, v9  }
0x2fb: {  	[tilespmem:$0x140] =	vst v9;
	v9 =	vnsel vm12, $0x138A, v10  }
0x2fc: {  	[tilespmem:$0x1C0] =	vst v9  }
0x2fd: {  	v9 =	vld.idx.msk [tilespmem:v11+s16+$0x0], $0xffff  }
0x2fe: {  	v11 =	vld [tilespmem:$0x60]  }
0x2ff: {  	v10 =	vld.idx.msk [tilespmem:v54+s16+$0x0], $0xffff  }
0x300: {  	v55 =	vld [tilespmem:$0xE0];
	v13 =	vadd.s32 $0xFFFFEC00, v54  }
0x301: {  	vm13 =	vlt.u32 v13, $0x1400  }
0x302: {  	v13 =	vnsel vm13, $0x0, v13  }
0x303: {  	[tilespmem:$0xD0] =	vst v13;
	v9 =	vnsel vm13, $0x138A, v9  }
0x304: {  	[tilespmem:$0x150] =	vst v9;
	v9 =	vnsel vm13, $0x138A, v10  }
0x305: {  	v56 =	vld [tilespmem:$0xF0];
	[tilespmem:$0x1D0] =	vst v9  }
0x306: {  	v9 =	vld.idx.msk [tilespmem:v11+s16+$0x0], $0xffff  }
0x307: {  	v11 =	vld [tilespmem:$0x70]  }
0x308: {  	v10 =	vld.idx.msk [tilespmem:v55+s16+$0x0], $0xffff  }
0x309: {  	v12 =	vadd.s32 $0xFFFFEC00, v55  }
0x30a: {  	vm14 =	vlt.u32 v12, $0x1400  }
0x30b: {  	v12 =	vnsel vm14, $0x0, v12  }
0x30c: {  	[tilespmem:$0xE0] =	vst v12;
	v9 =	vnsel vm14, $0x138A, v9  }
0x30d: {  	[tilespmem:$0x160] =	vst v9;
	v9 =	vnsel vm14, $0x138A, v10  }
0x30e: {  	[tilespmem:$0x1E0] =	vst v9  }
0x30f: {  	v9 =	vld.idx.msk [tilespmem:v11+s16+$0x0], $0xffff  }
0x310: {  	v10 =	vld.idx.msk [tilespmem:v56+s16+$0x0], $0xffff  }
0x311: {  	v11 =	vadd.s32 $0xFFFFEC00, v56  }
0x312: {  	vm15 =	vlt.u32 v11, $0x1400  }
0x313: {  	v11 =	vnsel vm15, $0x0, v11  }
0x314: {  	[tilespmem:$0xF0] =	vst v11;
	v9 =	vnsel vm15, $0x138A, v9  }
0x315: {  	[tilespmem:$0x170] =	vst v9;
	v9 =	vnsel vm15, $0x138A, v10  }
0x316: {  	[tilespmem:$0x1F0] =	vst v9  }
0x317: {  	[tilespmem:s21], [sflag:$0x1] =	stream.indirect.gather [hbm4b:s6+s19], $0x80, s20, s19, $0xb8;
	[tilespmem:$0x1EA00] =	vst v63  }
0x318: {  	_ = 	snop  }
0x319: {  	[tilespmem:s23], [sflag:$0x2] =	stream.indirect.gather [hbm4b:s7+s19], $0x80, s22, s19, $0xb8;
	[tilespmem:$0x1EA00] =	vst v63  }
0x31a: {  	s0 =	simm.s32 $0x0;
	_ =	swait.ge [sflag:s24], $0x4000  }
0x31b: {  	v9 =	vor.u32 s0, v0;
	[sflag:s24] =	ssyncset.done $0x0  }
0x31c: {  	[sflag:s24] =	ssyncadd.s32 $0xFFFFC000  }
0x31d: {  	_ =	swait.ge [sflag:s25], $0x4000  }
0x31e: {  	[sflag:s25] =	ssyncset.done $0x0  }
0x31f: {  	[sflag:s25] =	ssyncadd.s32 $0xFFFFC000  }
0x320: {  	v10 =	vld.idx.msk [tilespmem:v9+s21+$0x0], $0xffff  }
0x321: {  	v11 =	vld.idx.msk [tilespmem:v9+s23+$0x0], $0xffff;
	_ =	sdelay $0x4  }
0x322: {  	v10 =	vadd.f32 v11, v10  }
0x323: {  	v11 =	vor.u32 s0, v2  }
0x324: {  	v57 =	vmul.f32 $9.999999770e-03, v10;
	_ =	sdelay $0x1  }
0x325: {  	v10 =	vmax.f32 v10, v57  }
0x326: {  	[tilespmem:v9+s21+$0x0] =	vst.idx.msk $0xffff, v10  }
0x327: {  	v9 =	vld.idx.msk [tilespmem:v11+s21+$0x0], $0xffff  }
0x328: {  	v10 =	vld.idx.msk [tilespmem:v11+s23+$0x0], $0xffff;
	_ =	sdelay $0x4  }
0x329: {  	v9 =	vadd.f32 v10, v9  }
0x32a: {  	v10 =	vor.u32 s0, v3  }
0x32b: {  	v58 =	vmul.f32 $9.999999770e-03, v9;
	_ =	sdelay $0x1  }
0x32c: {  	v9 =	vmax.f32 v9, v58  }
0x32d: {  	[tilespmem:v11+s21+$0x0] =	vst.idx.msk $0xffff, v9  }
0x32e: {  	v9 =	vld.idx.msk [tilespmem:v10+s21+$0x0], $0xffff  }
0x32f: {  	v11 =	vld.idx.msk [tilespmem:v10+s23+$0x0], $0xffff;
	_ =	sdelay $0x4  }
0x330: {  	v9 =	vadd.f32 v11, v9  }
0x331: {  	v11 =	vor.u32 s0, v4  }
0x332: {  	v59 =	vmul.f32 $9.999999770e-03, v9;
	_ =	sdelay $0x1  }
0x333: {  	v9 =	vmax.f32 v9, v59  }
0x334: {  	[tilespmem:v10+s21+$0x0] =	vst.idx.msk $0xffff, v9  }
0x335: {  	v9 =	vld.idx.msk [tilespmem:v11+s21+$0x0], $0xffff  }
0x336: {  	v10 =	vld.idx.msk [tilespmem:v11+s23+$0x0], $0xffff;
	_ =	sdelay $0x4  }
0x337: {  	v9 =	vadd.f32 v10, v9  }
0x338: {  	v10 =	vor.u32 s0, v5  }
0x339: {  	v60 =	vmul.f32 $9.999999770e-03, v9;
	_ =	sdelay $0x1  }
0x33a: {  	v9 =	vmax.f32 v9, v60  }
0x33b: {  	[tilespmem:v11+s21+$0x0] =	vst.idx.msk $0xffff, v9  }
0x33c: {  	v9 =	vld.idx.msk [tilespmem:v10+s21+$0x0], $0xffff  }
0x33d: {  	v11 =	vld.idx.msk [tilespmem:v10+s23+$0x0], $0xffff;
	_ =	sdelay $0x4  }
0x33e: {  	v9 =	vadd.f32 v11, v9  }
0x33f: {  	v11 =	vor.u32 s0, v6  }
0x340: {  	v61 =	vmul.f32 $9.999999770e-03, v9;
	_ =	sdelay $0x1  }
0x341: {  	v9 =	vmax.f32 v9, v61  }
0x342: {  	[tilespmem:v10+s21+$0x0] =	vst.idx.msk $0xffff, v9  }
0x343: {  	v9 =	vld.idx.msk [tilespmem:v11+s21+$0x0], $0xffff  }
0x344: {  	v10 =	vld.idx.msk [tilespmem:v11+s23+$0x0], $0xffff;
	_ =	sdelay $0x4  }
0x345: {  	v9 =	vadd.f32 v10, v9  }
0x346: {  	v10 =	vor.u32 s0, v7  }
0x347: {  	v62 =	vmul.f32 $9.999999770e-03, v9;
	_ =	sdelay $0x1  }
0x348: {  	v9 =	vmax.f32 v9, v62  }
0x349: {  	[tilespmem:v11+s21+$0x0] =	vst.idx.msk $0xffff, v9  }
0x34a: {  	v9 =	vld.idx.msk [tilespmem:v10+s21+$0x0], $0xffff  }
0x34b: {  	v11 =	vld.idx.msk [tilespmem:v10+s23+$0x0], $0xffff;
	_ =	sdelay $0x4  }
0x34c: {  	v11 =	vadd.f32 v11, v9  }
0x34d: {  	v9 =	vor.u32 s0, v8  }
0x34e: {  	v63 =	vmul.f32 $9.999999770e-03, v11;
	_ =	sdelay $0x1  }
0x34f: {  	v11 =	vmax.f32 v11, v63  }
0x350: {  	[tilespmem:v10+s21+$0x0] =	vst.idx.msk $0xffff, v11  }
0x351: {  	v10 =	vld.idx.msk [tilespmem:v9+s21+$0x0], $0xffff  }
0x352: {  	s30 =	simm.s32 $0x1;
	v11 =	vld.idx.msk [tilespmem:v9+s23+$0x0], $0xffff  }
.LBB2_15:
0x353: {  	_ = 	snop  }
0x354: {  	p1 =	sne.s32 s30, $0x7F;
	s0 =	smov.u32 s30;
	s30 =	sadd.s32 $0x1, s30  }
0x355: {  	_ =	sdelay $0x1  }
0x356: {  	s0 =	sshll.u32 s0, $0x7;
	v10 =	vadd.f32 v11, v10  }
0x357: {  	v11 =	vor.u32 s0, v0  }
0x358: {  	v12 =	vmul.f32 $9.999999770e-03, v10;
	_ =	sdelay $0x1  }
0x359: {  	v10 =	vmax.f32 v10, v12  }
0x35a: {  	[tilespmem:v9+s21+$0x0] =	vst.idx.msk $0xffff, v10  }
0x35b: {  	v9 =	vld.idx.msk [tilespmem:v11+s21+$0x0], $0xffff  }
0x35c: {  	v10 =	vld.idx.msk [tilespmem:v11+s23+$0x0], $0xffff;
	_ =	sdelay $0x5  }
0x35d: {  	v9 =	vadd.f32 v10, v9  }
0x35e: {  	v10 =	vor.u32 s0, v2  }
0x35f: {  	v12 =	vmul.f32 $9.999999770e-03, v9;
	_ =	sdelay $0x1  }
0x360: {  	v9 =	vmax.f32 v9, v12  }
0x361: {  	[tilespmem:v11+s21+$0x0] =	vst.idx.msk $0xffff, v9  }
0x362: {  	v9 =	vld.idx.msk [tilespmem:v10+s21+$0x0], $0xffff  }
0x363: {  	v11 =	vld.idx.msk [tilespmem:v10+s23+$0x0], $0xffff;
	_ =	sdelay $0x5  }
0x364: {  	v9 =	vadd.f32 v11, v9  }
0x365: {  	v11 =	vor.u32 s0, v3  }
0x366: {  	v12 =	vmul.f32 $9.999999770e-03, v9;
	_ =	sdelay $0x1  }
0x367: {  	v9 =	vmax.f32 v9, v12  }
0x368: {  	[tilespmem:v10+s21+$0x0] =	vst.idx.msk $0xffff, v9  }
0x369: {  	v9 =	vld.idx.msk [tilespmem:v11+s21+$0x0], $0xffff  }
0x36a: {  	v10 =	vld.idx.msk [tilespmem:v11+s23+$0x0], $0xffff;
	_ =	sdelay $0x5  }
0x36b: {  	v9 =	vadd.f32 v10, v9  }
0x36c: {  	v10 =	vor.u32 s0, v4  }
0x36d: {  	v12 =	vmul.f32 $9.999999770e-03, v9;
	_ =	sdelay $0x1  }
0x36e: {  	v9 =	vmax.f32 v9, v12  }
0x36f: {  	[tilespmem:v11+s21+$0x0] =	vst.idx.msk $0xffff, v9  }
0x370: {  	v9 =	vld.idx.msk [tilespmem:v10+s21+$0x0], $0xffff  }
0x371: {  	v11 =	vld.idx.msk [tilespmem:v10+s23+$0x0], $0xffff;
	_ =	sdelay $0x5  }
0x372: {  	v9 =	vadd.f32 v11, v9  }
0x373: {  	v11 =	vor.u32 s0, v5  }
0x374: {  	v12 =	vmul.f32 $9.999999770e-03, v9;
	_ =	sdelay $0x1  }
0x375: {  	v9 =	vmax.f32 v9, v12  }
0x376: {  	[tilespmem:v10+s21+$0x0] =	vst.idx.msk $0xffff, v9  }
0x377: {  	v9 =	vld.idx.msk [tilespmem:v11+s21+$0x0], $0xffff  }
0x378: {  	v10 =	vld.idx.msk [tilespmem:v11+s23+$0x0], $0xffff;
	_ =	sdelay $0x5  }
0x379: {  	v9 =	vadd.f32 v10, v9  }
0x37a: {  	v10 =	vor.u32 s0, v6  }
0x37b: {  	v12 =	vmul.f32 $9.999999770e-03, v9;
	_ =	sdelay $0x1  }
0x37c: {  	v9 =	vmax.f32 v9, v12  }
0x37d: {  	[tilespmem:v11+s21+$0x0] =	vst.idx.msk $0xffff, v9  }
0x37e: {  	v9 =	vld.idx.msk [tilespmem:v10+s21+$0x0], $0xffff  }
0x37f: {  	v11 =	vld.idx.msk [tilespmem:v10+s23+$0x0], $0xffff;
	_ =	sdelay $0x5  }
0x380: {  	v9 =	vadd.f32 v11, v9  }
0x381: {  	v11 =	vor.u32 s0, v7  }
0x382: {  	v12 =	vmul.f32 $9.999999770e-03, v9;
	_ =	sdelay $0x1  }
0x383: {  	v9 =	vmax.f32 v9, v12  }
0x384: {  	[tilespmem:v10+s21+$0x0] =	vst.idx.msk $0xffff, v9  }
0x385: {  	v9 =	vld.idx.msk [tilespmem:v11+s21+$0x0], $0xffff  }
0x386: {  	v10 =	vld.idx.msk [tilespmem:v11+s23+$0x0], $0xffff;
	_ =	sdelay $0x5  }
0x387: {  	v10 =	vadd.f32 v10, v9  }
0x388: {  	v9 =	vor.u32 s0, v8  }
0x389: {  	v12 =	vmul.f32 $9.999999770e-03, v10  }
.Ltmp13:
0x38a: {  	(pc) =	sbr.rel @p1 .LBB2_15-.Ltmp13, $4  }
0x38b: {  	v10 =	vmax.f32 v10, v12  }
0x38c: {  	[tilespmem:v11+s21+$0x0] =	vst.idx.msk $0xffff, v10  }
0x38d: {  	v10 =	vld.idx.msk [tilespmem:v9+s21+$0x0], $0xffff  }
0x38e: {  	v11 =	vld.idx.msk [tilespmem:v9+s23+$0x0], $0xffff  }
0x38f: {  	_ =	sdelay $0x3  }
0x390: {  	v10 =	vadd.f32 v11, v10;
	_ =	sdelay $0x1  }
0x391: {  	v11 =	vmul.f32 $9.999999770e-03, v10;
	_ =	sdelay $0x1  }
0x392: {  	s31 =	sadd.s32 $0x1, s31;
	v10 =	vmax.f32 v10, v11  }
0x393: {  	p1 =	sne.s32 s31, $0x9D;
	[tilespmem:v9+s21+$0x0] =	vst.idx.msk $0xffff, v10  }
0x394: {  	[spmem:s2] =	stream.indirect.scatter.add.f32 [tilespmem:s21], [sflag:$0x3], $0x80, s19, s19, $0xb8;
	[tilespmem:$0x1EA00] =	vst v63  }
.Ltmp14:
0x395: {  	_ = 	snop;
	(pc) =	sbr.rel @p1 .LBB2_14-.Ltmp14, $4  }
.Ltmp15:
0x396: {  	_ = 	snop;
	(pc) =	sbr.rel @!p1 .LBB2_17-.Ltmp15, $4  }
0x397: {  	_ =	swait.ge [sflag:s17], $0x4000  }
0x398: {  	[sflag:s17] =	ssyncset.done $0x0  }
0x399: {  	[sflag:s17] =	ssyncadd.s32 $0xFFFFC000  }
0x39a: {  	_ = 	snop  }
.LBB2_18:
0x39b: {  	_ =	sfence.sel $0x180000  }
0x39c: {  	[bflag:$0x0] =	sbarrier.arrive $0xFFFF  }
0x39d: {  	_ =	strace $0x9000004A  }
0x39e: {  	[bflag:$0x2] =	sbarrier.arrive $0xFFFF  }
0x39f: {  	p0 =	sne.s32 s3, $0x0;
	s0 =	rddreg [dreg:$0x3]  }
0x3a0: {  	s0 =	sadd.s32 @!p0 $0x100000, s0  }
0x3a1: {  	[sflag:s0] =	ssyncadd.tile.s32 @!p0 $0x1;
	_ =	shalt  }
.Lfunc_end2:
_tile_overlayer_lowered:
.L_overlay_start_2:
0x3a2: {  	(tag) =	ssettag $0x2  }
0x3a3: {  	s0 =	rddreg [dreg:$0x0];
	s2 =	stileid.u32  }
0x3a4: {  	s1 =	rddreg [dreg:$0x1];
	p0 =	sne.s32 s2, $0x0  }
0x3a5: {  	s3 =	rddreg [dreg:$0x2];
	[bflag:$0x3] =	sbarrier.arrive $0xFFFF;
	s2 =	simm.s32 @!p0 $0x1C03  }
0x3a6: {  	[timem:s3], [sflag:s2] =	dma.local @!p0 [hbm:s0], s1  }
0x3a7: {  	s0 =	simm.s32 @!p0 $0x3  }
0x3a8: {  	_ =	swait.ge @!p0 [sflag:s0], s1  }
0x3a9: {  	s1 =	ssub.s32 @!p0 $0x0, s1;
	[sflag:s0] =	ssyncset.done @!p0 $0x0  }
0x3aa: {  	[sflag:s0] =	ssyncadd.s32 @!p0 s1  }
0x3ab: {  	[bflag:$0x3] =	sbarrier.arrive $0xFFFF  }
0x3ac: {  	_ =	shalt  }

// kernel: kernel.7.cloned.1.call-start
scs
__scs_entry_jumppad:
0x0: {  	(pc) =	sbr.rel $0x88, $3  }
0x1: {  	(tag) =	ssettag $0x0;
	lr =	simm.s32 $0x1  }
0x2: {  	[smem:$0x3F96] =	sst lr;
	_ =	strace $0xD0000000  }
0x3: {  	_ = 	snop  }
0x4: {  	_ = 	snop  }
0x5: {  	_ = 	snop  }
0x6: {  	_ = 	snop  }
0x7: {  	_ = 	snop  }
__scs_overlays_trampoline_lowered:
0x8: {  	[smem:$0x3FA5] =	sst s0  }
0x9: {  	[smem:$0x3FA6] =	sst s1  }
0xa: {  	[smem:$0x3FA7] =	sst s2  }
0xb: {  	[smem:$0x3FA8] =	sst s3  }
0xc: {  	[smem:$0x3FA9] =	sst s4  }
0xd: {  	[smem:$0x3FAA] =	sst s5  }
0xe: {  	[smem:$0x3FAB] =	sst s6  }
0xf: {  	[smem:$0x3FAC] =	sst s7  }
0x10: {  	[smem:$0x3FAD] =	sst s8  }
0x11: {  	[smem:$0x3FAE] =	sst s9;
	s0 =	simm.s32 @!p0 $0x0  }
0x12: {  	s1 =	sld [smem:$0x3F94];
	s0 =	simm.s32 @p0 $0x1  }
0x13: {  	[smem:$0x3FAF] =	sst s0;
	s0 =	simm.s32 @!p1 $0x0  }
0x14: {  	s2 =	sld [smem:$0x3F93];
	s0 =	simm.s32 @p1 $0x1  }
0x15: {  	[smem:$0x3FB0] =	sst s0;
	s0 =	simm.s32 @!p2 $0x0  }
0x16: {  	s3 =	sld [smem:$0x3FDB];
	s0 =	simm.s32 @p2 $0x1  }
0x17: {  	s4 =	simm.s32 $0x1BF5;
	[smem:$0x3FB2] =	sst s0  }
0x18: {  	s0 =	sld [smem:$0x3F95];
	_ =	swait.ge [sflag:s4], $0x0  }
0x19: {  	s7 =	sld [smem:$0x3F96]  }
0x1a: {  	s8 =	sadd.s32 $0xFFFFE003, lr  }
0x1b: {  	s9 =	sadd.s32 $0xFFFFFEF7, lr;
	s5 =	simm.s32 $0xFFFFFFFF;
	p2 =	slt.u32 s8, $0xFFFFF086  }
0x1c: {  	p1 =	slt.u32 s9, $0xF7A;
	s5 =	simm.s32 @!p2 $0x0  }
0x1d: {  	s5 =	simm.s32 @p1 $0x1;
	p0 =	seq.s32 s7, s2  }
0x1e: {  	s7 =	smul.u32 @!p0 $0xF7A, s2;
	p2 =	seq.s32 @!p0 s5, $0x0  }
0x1f: {  	s9 =	smul.u32 $0xF7A, s1;
	s8 =	simm.s32 @!p0 $0x1BF5;
	p2 =	por !p2, p0  }
0x20: {  	[sflag:s8] =	ssyncset.s32 @!p0 $0xFFFFF086;
	s6 =	sadd.s32 @!p0 s3, s7;
	s7 =	simm.s32 @!p0 $0x108  }
0x21: {  	s3 =	sadd.s32 s3, s9;
	s6 =	sadd.s32 @!p0 $0x88, s6;
	s7 =	simm.s32 @p2 $0x1082  }
0x22: {  	[simem:s7], [sflag:s8] =	dma.local @!p0 [hbm:s6], $0xF7A  }
0x23: {  	s9 =	sor.u32 $0xD0000000, s2;
	s6 =	simm.s32 $0x108;
	_ =	swait.ge @!p0 [sflag:s8], $0x0  }
0x24: {  	s3 =	sadd.s32 $0x88, s3;
	s6 =	simm.s32 @!p1 $0x1082;
	[sflag:s4] =	ssyncset.s32 $0xFFFFF086  }
0x25: {  	[simem:s6], [sflag:s4] =	dma.local [hbm:s3], $0xF7A  }
0x26: {  	[smem:$0x3F96] =	sst s1;
	(tag) =	ssettag s2;
	_ =	strace s9  }
0x27: {  	s1 =	sld [smem:$0x3FA6]  }
0x28: {  	s2 =	sld [smem:$0x3FA7]  }
0x29: {  	s4 =	sld [smem:$0x3FA9]  }
0x2a: {  	p0 =	seq.s32 s5, $0x0;
	s5 =	sld [smem:$0x3FAA]  }
0x2b: {  	s6 =	sld [smem:$0x3FAB]  }
0x2c: {  	s7 =	sld [smem:$0x3FAC]  }
0x2d: {  	s3 =	simm.s32 $0x108;
	s8 =	sld [smem:$0x3FAD]  }
0x2e: {  	s3 =	simm.s32 @!p0 $0x1082;
	s9 =	sld [smem:$0x3FAE]  }
0x2f: {  	lr =	sadd.s32 s0, s3;
	s0 =	sld [smem:$0x3FA5]  }
0x30: {  	s3 =	sld [smem:$0x3FA8]  }
0x31: {  	[smem:$0x3FB1] =	sst s10  }
0x32: {  	s10 =	sld [smem:$0x3FAF];
	_ =	sdelay $0x3  }
0x33: {  	p0 =	seq.s32 s10, $0x1;
	s10 =	sld [smem:$0x3FB1];
	_ =	sdelay $0x3  }
0x34: {  	[smem:$0x3FB1] =	sst s10  }
0x35: {  	s10 =	sld [smem:$0x3FB0];
	_ =	sdelay $0x3  }
0x36: {  	p1 =	seq.s32 s10, $0x1;
	s10 =	sld [smem:$0x3FB1];
	_ =	sdelay $0x3  }
0x37: {  	[smem:$0x3FB1] =	sst s10  }
0x38: {  	s10 =	sld [smem:$0x3FB2]  }
0x39: {  	_ = 	snop;
	(pc) =	sbr.ind lr, $3  }
0x3a: {  	_ = 	snop  }
0x3b: {  	_ = 	snop  }
0x3c: {  	p2 =	seq.s32 s10, $0x1;
	s10 =	sld [smem:$0x3FB1]  }
0x3d: {  	_ =	shalt  }
0x3e: {  	_ =	shalt  }
0x3f: {  	_ =	shalt  }
0x40: {  	_ =	shalt  }
0x41: {  	_ =	shalt  }
0x42: {  	_ =	shalt  }
0x43: {  	_ =	shalt  }
0x44: {  	_ =	shalt  }
0x45: {  	_ =	shalt  }
0x46: {  	_ =	shalt  }
0x47: {  	_ =	shalt  }
0x48: {  	_ =	shalt  }
0x49: {  	_ =	shalt  }
0x4a: {  	_ =	shalt  }
0x4b: {  	_ =	shalt  }
0x4c: {  	_ =	shalt  }
0x4d: {  	_ =	shalt  }
0x4e: {  	_ =	shalt  }
0x4f: {  	_ =	shalt  }
0x50: {  	_ =	shalt  }
0x51: {  	_ =	shalt  }
0x52: {  	_ =	shalt  }
0x53: {  	_ =	shalt  }
0x54: {  	_ =	shalt  }
0x55: {  	_ =	shalt  }
0x56: {  	_ =	shalt  }
0x57: {  	_ =	shalt  }
0x58: {  	_ =	shalt  }
0x59: {  	_ =	shalt  }
0x5a: {  	_ =	shalt  }
0x5b: {  	_ =	shalt  }
0x5c: {  	_ =	shalt  }
0x5d: {  	_ =	shalt  }
0x5e: {  	_ =	shalt  }
0x5f: {  	_ =	shalt  }
0x60: {  	_ =	shalt  }
0x61: {  	_ =	shalt  }
0x62: {  	_ =	shalt  }
0x63: {  	_ =	shalt  }
0x64: {  	_ =	shalt  }
0x65: {  	_ =	shalt  }
0x66: {  	_ =	shalt  }
0x67: {  	_ =	shalt  }
0x68: {  	_ =	shalt  }
0x69: {  	_ =	shalt  }
0x6a: {  	_ =	shalt  }
0x6b: {  	_ =	shalt  }
0x6c: {  	_ =	shalt  }
0x6d: {  	_ =	shalt  }
0x6e: {  	_ =	shalt  }
0x6f: {  	_ =	shalt  }
0x70: {  	_ =	shalt  }
0x71: {  	_ =	shalt  }
0x72: {  	_ =	shalt  }
0x73: {  	_ =	shalt  }
0x74: {  	_ =	shalt  }
0x75: {  	_ =	shalt  }
0x76: {  	_ =	shalt  }
0x77: {  	_ =	shalt  }
0x78: {  	_ =	shalt  }
0x79: {  	_ =	shalt  }
0x7a: {  	_ =	shalt  }
0x7b: {  	_ =	shalt  }
0x7c: {  	_ =	shalt  }
0x7d: {  	_ =	shalt  }
0x7e: {  	_ =	shalt  }
0x7f: {  	_ =	shalt  }
0x80: {  	_ =	shalt  }
0x81: {  	_ =	shalt  }
0x82: {  	_ =	shalt  }
0x83: {  	_ =	shalt  }
0x84: {  	_ =	shalt  }
0x85: {  	_ =	shalt  }
0x86: {  	_ =	shalt  }
0x87: {  	_ =	shalt  }
.Lfunc_end0:
.L_simem_size_0:
called_computation_lowered:
.L_overlay_start_0:
0x88: {  	s2 =	sld [smem:$0x3FD9]  }
0x89: {  	s3 =	sld [smem:$0x3FFE];
	_ =	sdelay $0x1  }
0x8a: {  	s1 =	srdreg.scid  }
0x8b: {  	s0 =	sand.u32 $0x1, s1  }
0x8c: {  	s14 =	sshll.u32 s0, $0xA;
	s2 =	sadd.s32 s3, s2  }
0x8d: {  	s2 =	sadd.s32 s2, s14  }
0x8e: {  	[smem:$0x3FBD] =	sst s2  }
0x8f: {  	_ = 	snop  }
0x90: {  	s2 =	sld [smem:$0x3FD0];
	_ =	sdelay $0x2  }
0x91: {  	s15 =	simm.s32 $0xA;
	s4 =	simm.s32 $0x10  }
0x92: {  	[smem:s4], [sflag:s15] =	dma.local [hbm:s2], $0x1  }
0x93: {  	_ =	swait.eq [sflag:s15], $0x1  }
0x94: {  	[sflag:s15] =	ssyncset.done $0x0  }
0x95: {  	[sflag:s15] =	ssyncadd.s32 $0xFFFFFFFF  }
0x96: {  	s16 =	sld [smem:$0x11];
	(tm) =	ssettm $0x1  }
0x97: {  	s17 =	sld [smem:$0x3FFB];
	_ =	sdelay $0x3  }
0x98: {  	_ =	strace s17  }
0x99: {  	s3 =	sld [smem:$0x3FFC];
	_ =	sdelay $0x3  }
0x9a: {  	_ =	strace s3  }
0x9b: {  	s3 =	sld [smem:$0x3FFD];
	_ =	sdelay $0x3  }
0x9c: {  	_ =	strace s3  }
0x9d: {  	_ =	strace $0x8FFFFFFF  }
0x9e: {  	s18 =	sld [smem:$0x3FDB];
	_ =	sdelay $0x1  }
0x9f: {  	s19 =	simm.s32 $_scs_section_size  }
0xa0: {  	s5 =	simm.s32 $_size__tile_overlayer_lowered;
	s6 =	simm.s32 $_tile_overlayer_lowered  }
0xa1: {  	s22 =	simm.s32 $0x1BFF;
	s21 =	sshll.u32 s6, $0x1;
	s3 =	sadd.s32 s19, s18  }
0xa2: {  	s7 =	simm.s32 $0x0;
	s20 =	sshll.u32 s5, $0x1;
	s5 =	sadd.s32 s21, s3  }
0xa3: {  	[timem:s7], [sflag:s22] =	dma.local [hbm:s5], s20  }
0xa4: {  	_ =	swait.ge [sflag:s22], s20  }
0xa5: {  	s4 =	ssub.s32 $0x0, s20;
	[sflag:s22] =	ssyncset.done $0x0  }
0xa6: {  	[sflag:s22] =	ssyncadd.s32 s4;
	_ =	sdelay $0x1  }
0xa7: {  	s23 =	simm.s32 $0x1B8B  }
0xa8: {  	_ =	swait.ge [sflag:s23], $0x1  }
0xa9: {  	[sflag:s23] =	ssyncset.done $0x0  }
0xaa: {  	s25 =	simm.s32 $0x1B8E;
	s24 =	sld [smem:$0x3FFE];
	[sflag:s23] =	ssyncadd.s32 $0xFFFFFFFF  }
0xab: {  	s26 =	simm.s32 $execute0_lowered;
	[smem:$0x3FD2] =	sst s25  }
0xac: {  	s5 =	sshll.u32 s26, $0x1;
	_ =	strace $0x80000046;
	[dreg:$0x1] =	wrdreg $0xFFFFFFFF  }
0xad: {  	s28 =	simm.s32 $_size_execute0_lowered;
	s3 =	sadd.s32 s3, s5;
	[dreg:$0x0] =	wrdreg $0x0  }
0xae: {  	s5 =	sshll.u32 s28, $0x1;
	[dreg:$0x2] =	wrdreg s3  }
0xaf: {  	[dreg:$0x3] =	wrdreg s5  }
0xb0: {  	[dreg:$0x4] =	wrdreg $0xC0  }
0xb1: {  	_ =	task [dreg:s7], $0x5FFFF  }
0xb2: {  	[dreg:$0x1] =	wrdreg $0xFFFFFFFF  }
0xb3: {  	[dreg:$0x0] =	wrdreg $0x60  }
0xb4: {  	[dreg:$0x2] =	wrdreg s24  }
0xb5: {  	[dreg:$0x3] =	wrdreg s16  }
0xb6: {  	[dreg:$0x4] =	wrdreg $0x18A000  }
0xb7: {  	[dreg:$0x5] =	wrdreg $0x9  }
0xb8: {  	_ =	task.clear_ibuf [dreg:s7], $0x6FFFF;
	_ =	strace $0x90000046  }
0xb9: {  	s29 =	simm.s32 $0x9;
	_ =	strace $0x80000048  }
0xba: {  	_ =	swait.ge [sflag:s29], $0x1  }
0xbb: {  	[sflag:s29] =	ssyncadd.s32 $0xFFFFFFFF  }
0xbc: {  	_ =	strace $0x90000048  }
0xbd: {  	_ =	sfence  }
0xbe: {  	s30 =	sld [smem:$0x0];
	_ =	sdelay $0x2  }
0xbf: {  	s31 =	sshll.u32 s1, $0xD;
	s1 =	sshrl.u32 s1, $0x2  }
0xc0: {  	s3 =	sand.u32 $0x4000, s31;
	s1 =	sadd.s32 s1, s30  }
0xc1: {  	s0 =	sor.u32 s3, s0;
	s1 =	sshll.u32 s1, $0x11  }
0xc2: {  	s0 =	sor.u32 s1, s0  }
0xc3: {  	s0 =	sadd.s32 $0x8F2B, s0  }
0xc4: {  	[sflag:s0] =	ssyncadd.remote.s32 $0x1  }
0xc5: {  	_ =	sfence.sel $0xFFFF  }
0xc6: {  	[dreg:$0x0] =	wrdreg $0xFFFFFFFF;
	(pc) =	sbr.abs _section_cstart, $3  }
0xc7: {  	[dreg:$0x1] =	wrdreg $0xFFFFFFFF  }
0xc8: {  	_ =	task.clear_ibuf [dreg:s7], $0x2FFFF;
	_ =	strace $0x9FFFFFFF  }
0xc9: {  	(tm) =	ssettm $0x7FFFFFFF  }
tec
execute0_lowered:
.L_overlay_start_1:
0x0: {  	(tag) =	ssettag $0x1  }
0x1: {  	s0 =	rddreg [dreg:$0x0]  }
0x2: {  	s1 =	srdreg.scid;
	s3 =	rddreg [dreg:$0x2]  }
0x3: {  	s2 =	stileid.u32;
	s6 =	simm.s32 $0x0;
	s16 =	simm.s32 $0xC200  }
0x4: {  	s17 =	simm.s32 $0x3;
	s18 =	simm.s32 $0x80;
	s19 =	simm.s32 $0x180  }
0x5: {  	s20 =	simm.s32 $0x200;
	s21 =	simm.s32 $0x100;
	s22 =	simm.s32 $0x4200  }
0x6: {  	s23 =	simm.s32 $0x1;
	s29 =	simm.s32 $0x11200;
	s30 =	simm.s32 $0x13A00  }
0x7: {  	s31 =	simm.s32 $0x0;
	s1 =	sand.u32 $0x1, s1;
	s5 =	smul.u32 $0x5000, s2  }
0x8: {  	[smem:$0x7FF] =	sst s6;
	s6 =	sadd.s32 $0x7200, s0;
	s7 =	sadd.s32 $0x2200, s0  }
0x9: {  	s8 =	sadd.s32 $0x1E00, s0;
	s24 =	sadd.s32 $0x48800, s0;
	s12 =	smul.u32 $0x14000, s2  }
0xa: {  	s10 =	sadd.s32 $0x48200, s0;
	_ =	strace $0x80000047;
	[dreg:$0x4] =	wrdreg s8  }
0xb: {  	p1 =	seq.s32 s2, $0x0;
	s4 =	smul.u32 $0xA0000, s1;
	[dreg:$0x5] =	wrdreg s24  }
0xc: {  	s25 =	ssub.s32 $0x2, s1;
	s9 =	sshll.u32 s1, $0x4;
	p0 =	seq.s32 s1, $0x1  }
0xd: {  	s24 =	simm.s32 $0x2;
	s11 =	sshrl.u32 s25, $0x1;
	s9 =	sor.u32 s2, s9  }
.Ltmp0:
0xe: {  	s28 =	sshrl.u32 s12, $0x2;
	p0 =	por !p1, !p0;
	(pc) =	sbr.rel .LBB2_1-.Ltmp0, $4  }
0xf: {  	v0 =	vlaneseq.u32;
	s4 =	sadd.s32 s5, s4;
	s5 =	sadd.s32 $0xC200, s0;
	s26 =	ssub.s32 s25, s11  }
0x10: {  	v1 =	vimm.f32 $0.0e+00;
	v9 =	vimm.s32 $0x1388;
	v2 =	vor.u32 $0x40, v0;
	s11 =	smul.u32 $0x1400, s9;
	s12 =	sadd.s32 s28, s3;
	s4 =	sshrl.u32 s4, $0x3  }
0x11: {  	v3 =	vor.u32 $0x10, v0;
	v4 =	vor.u32 $0x50, v0;
	v5 =	vor.u32 $0x20, v0;
	p0 =	por !p0, !p0;
	s25 =	simm.s32 $0x8200;
	s4 =	sadd.s32 s4, s0  }
0x12: {  	v6 =	vor.u32 $0x60, v0;
	v7 =	vor.u32 $0x30, v0;
	v8 =	vor.u32 $0x70, v0;
	s15 =	smax.u32 s26, $0x1;
	s13 =	sadd.s32 $0x20200, s4;
	s14 =	sadd.s32 $0x2A200, s4  }
.LBB2_19:
0x13: {  	s31 =	sadd.s32 $0x1, s31  }
0x14: {  	p1 =	sne.s32 s31, s15  }
.Ltmp1:
0x15: {  	_ = 	snop;
	(pc) =	sbr.rel @!p1 .LBB2_20-.Ltmp1, $1  }
0x16: {  	_ =	sdelay $0x3  }
.LBB2_1:
0x17: {  	s0 =	simm.s32 $0x0;
	s1 =	simm.s32 $0x200  }
.LBB2_2:
0x18: {  	p1 =	sne.s32 s1, $0x13E00;
	[tilespmem:s0+$0xC270] =	vst v1  }
0x19: {  	[tilespmem:s0+$0xC200] =	vst v1  }
0x1a: {  	[tilespmem:s0+$0xC210] =	vst v1  }
.Ltmp2:
0x1b: {  	[tilespmem:s0+$0xC220] =	vst v1;
	(pc) =	sbr.rel @p1 .LBB2_2-.Ltmp2, $4  }
0x1c: {  	[tilespmem:s0+$0xC230] =	vst v1  }
0x1d: {  	[tilespmem:s0+$0xC240] =	vst v1  }
0x1e: {  	[tilespmem:s0+$0xC250] =	vst v1  }
0x1f: {  	[tilespmem:s0+$0xC260] =	vst v1;
	s0 =	sshra.s32 s1, $0x2;
	s1 =	sadd.s32 $0x200, s1  }
0x20: {  	[tilespmem:s0+$0xC270] =	vst v1  }
0x21: {  	[tilespmem:s0+$0xC200] =	vst v1  }
0x22: {  	[tilespmem:s0+$0xC210] =	vst v1  }
0x23: {  	[tilespmem:s0+$0xC220] =	vst v1  }
0x24: {  	[tilespmem:s0+$0xC230] =	vst v1  }
0x25: {  	[tilespmem:s0+$0xC240] =	vst v1  }
0x26: {  	[tilespmem:s0+$0xC250] =	vst v1  }
0x27: {  	[tilespmem:s0+$0xC260] =	vst v1;
	s1 =	simm.s32 $0xFFFF0200;
	s0 =	simm.s32 $0xFFFFC000  }
.LBB2_4:
0x28: {  	p1 =	sne.s32 s1, $0xFFFFFE00;
	[tilespmem:s0+$0xC270] =	vst v1;
	s4 =	smov.u32 s1;
	s1 =	sadd.s32 $0x200, s1  }
.Ltmp3:
0x29: {  	[tilespmem:s0+$0xC260] =	vst v1;
	(pc) =	sbr.rel @p1 .LBB2_4-.Ltmp3, $3  }
0x2a: {  	[tilespmem:s0+$0xC240] =	vst v1  }
0x2b: {  	[tilespmem:s0+$0xC250] =	vst v1;
	_ =	sdelay $0x1  }
0x2c: {  	s0 =	sshra.s32 s4, $0x2  }
0x2d: {  	[tilespmem:s0+$0xC270] =	vst v1  }
0x2e: {  	[tilespmem:s0+$0xC260] =	vst v1  }
0x2f: {  	[tilespmem:s0+$0xC240] =	vst v1  }
0x30: {  	[tilespmem:s0+$0xC250] =	vst v1  }
0x31: {  	[spmem:s12] =	stream.linear.scatter [tilespmem:s16], [sflag:$0x3], $0x5000, $0x38;
	[tilespmem:$0x1DA00] =	vst v63  }
0x32: {  	_ =	swait.ge [sflag:s17], $0x5000  }
0x33: {  	[sflag:s17] =	ssyncset.done $0x0  }
0x34: {  	[sflag:s17] =	ssyncadd.s32 $0xFFFFB000  }
0x35: {  	s0 =	simm.s32 $0x0;
	s1 =	simm.s32 $0x0;
	[bflag:$0x0] =	sbarrier.arrive $0xFFFF  }
.LBB2_6:
0x36: {  	s4 =	sshll.u32 s1, $0x7  }
0x37: {  	s4 =	sadd.s32 s11, s4  }
0x38: {  	s4 =	sshrl.u32 s4, $0x3  }
0x39: {  	s8 =	sadd.s32 s6, s4  }
0x3a: {  	[tilespmem:s0], [sflag:$0x3] =	stream.linear.gather [hbm4b:s8+s0], $0x80, $0x38;
	[tilespmem:$0x1DA00] =	vst v63  }
0x3b: {  	_ =	swait.ge [sflag:s17], $0x80  }
0x3c: {  	[sflag:s17] =	ssyncset.done $0x0  }
0x3d: {  	s4 =	sadd.s32 s7, s4;
	[sflag:s17] =	ssyncadd.s32 $0xFFFFFF80  }
0x3e: {  	[tilespmem:s18], [sflag:$0x3] =	stream.linear.gather [hbm4b:s4+s0], $0x80, $0x38;
	[tilespmem:$0x1DA00] =	vst v63  }
0x3f: {  	_ =	swait.ge [sflag:s17], $0x80  }
0x40: {  	[sflag:s17] =	ssyncset.done $0x0  }
0x41: {  	[sflag:s17] =	ssyncadd.s32 $0xFFFFFF80  }
0x42: {  	v10 =	vld [tilespmem:$0x80];
	_ =	sdelay $0x1  }
0x43: {  	v11 =	vld [tilespmem:$0x0]  }
0x44: {  	v12 =	vld [tilespmem:$0x90];
	_ =	sdelay $0x1  }
0x45: {  	v13 =	vld [tilespmem:$0x10];
	vm0 =	vlt.u32 v10, $0xA00  }
0x46: {  	v15 =	vld [tilespmem:$0xA0];
	v14 =	vnsel vm0, $0x0, v10  }
0x47: {  	v10 =	vnsel vm0, $0x138A, v10;
	[tilespmem:$0x80] =	vst v14  }
0x48: {  	v48 =	vld [tilespmem:$0xB0];
	vm9 =	vlt.u32 v12, $0xA00;
	[tilespmem:$0x180] =	vst v10;
	v10 =	vnsel vm0, $0x138A, v11  }
0x49: {  	v11 =	vld [tilespmem:$0x20];
	[tilespmem:$0x100] =	vst v10;
	v10 =	vnsel vm9, $0x0, v12  }
0x4a: {  	[tilespmem:$0x90] =	vst v10;
	v10 =	vnsel vm9, $0x138A, v12  }
0x4b: {  	v49 =	vld [tilespmem:$0x30];
	vm10 =	vlt.u32 v15, $0xA00;
	[tilespmem:$0x190] =	vst v10;
	v10 =	vnsel vm9, $0x138A, v13  }
0x4c: {  	v50 =	vld [tilespmem:$0xC0];
	[tilespmem:$0x110] =	vst v10;
	v10 =	vnsel vm10, $0x0, v15  }
0x4d: {  	[tilespmem:$0xA0] =	vst v10;
	v10 =	vnsel vm10, $0x138A, v15  }
0x4e: {  	v51 =	vld [tilespmem:$0xD0];
	vm11 =	vlt.u32 v48, $0xA00;
	[tilespmem:$0x1A0] =	vst v10;
	v10 =	vnsel vm10, $0x138A, v11  }
0x4f: {  	v11 =	vld [tilespmem:$0x40];
	[tilespmem:$0x120] =	vst v10;
	v10 =	vnsel vm11, $0x0, v48  }
0x50: {  	[tilespmem:$0xB0] =	vst v10;
	v10 =	vnsel vm11, $0x138A, v48  }
0x51: {  	v52 =	vld [tilespmem:$0x50];
	vm12 =	vlt.u32 v50, $0xA00;
	[tilespmem:$0x1B0] =	vst v10;
	v10 =	vnsel vm11, $0x138A, v49  }
0x52: {  	v53 =	vld [tilespmem:$0xE0];
	[tilespmem:$0x130] =	vst v10;
	v10 =	vnsel vm12, $0x0, v50  }
0x53: {  	[tilespmem:$0xC0] =	vst v10;
	v10 =	vnsel vm12, $0x138A, v50  }
0x54: {  	v54 =	vld [tilespmem:$0xF0];
	vm13 =	vlt.u32 v51, $0xA00;
	[tilespmem:$0x1C0] =	vst v10;
	v10 =	vnsel vm12, $0x138A, v11  }
0x55: {  	v11 =	vld [tilespmem:$0x60];
	[tilespmem:$0x140] =	vst v10;
	v10 =	vnsel vm13, $0x0, v51  }
0x56: {  	[tilespmem:$0xD0] =	vst v10;
	v10 =	vnsel vm13, $0x138A, v51  }
0x57: {  	vm14 =	vlt.u32 v53, $0xA00;
	[tilespmem:$0x1D0] =	vst v10;
	v10 =	vnsel vm13, $0x138A, v52  }
0x58: {  	v55 =	vld [tilespmem:$0x70];
	[tilespmem:$0x150] =	vst v10;
	v10 =	vnsel vm14, $0x0, v53  }
0x59: {  	[tilespmem:$0xE0] =	vst v10;
	v10 =	vnsel vm14, $0x138A, v53  }
0x5a: {  	vm15 =	vlt.u32 v54, $0xA00;
	[tilespmem:$0x1E0] =	vst v10;
	v10 =	vnsel vm14, $0x138A, v11  }
0x5b: {  	[tilespmem:$0x160] =	vst v10;
	v10 =	vnsel vm15, $0x0, v54  }
0x5c: {  	[tilespmem:$0xF0] =	vst v10;
	v10 =	vnsel vm15, $0x138A, v54  }
0x5d: {  	[tilespmem:$0x1F0] =	vst v10;
	v10 =	vnsel vm15, $0x138A, v55  }
0x5e: {  	[tilespmem:$0x170] =	vst v10  }
0x5f: {  	[tilespmem:s20], [sflag:$0x1] =	stream.indirect.gather [hbm4b:s5+s18], $0x80, s19, s18, $0xb8;
	[tilespmem:$0x1DA00] =	vst v63  }
0x60: {  	_ = 	snop  }
0x61: {  	[tilespmem:s22], [sflag:$0x2] =	stream.indirect.gather [hbm4b:s5+s18], $0x80, s21, s18, $0xb8;
	[tilespmem:$0x1DA00] =	vst v63  }
0x62: {  	s28 =	simm.s32 $0x0;
	_ =	swait.ge [sflag:s23], $0x4000  }
0x63: {  	v10 =	vor.u32 s28, v0;
	[sflag:s23] =	ssyncset.done $0x0  }
0x64: {  	v11 =	vor.u32 s28, v2;
	[sflag:s23] =	ssyncadd.s32 $0xFFFFC000  }
0x65: {  	_ =	swait.ge [sflag:s24], $0x4000  }
0x66: {  	[sflag:s24] =	ssyncset.done $0x0  }
0x67: {  	[sflag:s24] =	ssyncadd.s32 $0xFFFFC000  }
0x68: {  	v56 =	vld.idx.msk [tilespmem:v10+s20+$0x0], $0xffff  }
0x69: {  	v11 =	vld.idx.msk [tilespmem:v11+s22+$0x0], $0xffff;
	_ =	sdelay $0x4  }
0x6a: {  	v11 =	vadd.f32 v11, v56  }
0x6b: {  	v57 =	vor.u32 s28, v3  }
0x6c: {  	v58 =	vor.u32 s28, v4;
	v59 =	vmul.f32 $9.999999770e-03, v11;
	_ =	sdelay $0x1  }
0x6d: {  	v11 =	vmax.f32 v11, v59  }
0x6e: {  	[tilespmem:v10+s25+$0x0] =	vst.idx.msk $0xffff, v11  }
0x6f: {  	v10 =	vld.idx.msk [tilespmem:v57+s20+$0x0], $0xffff  }
0x70: {  	v11 =	vld.idx.msk [tilespmem:v58+s22+$0x0], $0xffff;
	_ =	sdelay $0x4  }
0x71: {  	v10 =	vadd.f32 v11, v10  }
0x72: {  	v11 =	vor.u32 s28, v5  }
0x73: {  	v60 =	vor.u32 s28, v6;
	v61 =	vmul.f32 $9.999999770e-03, v10;
	_ =	sdelay $0x1  }
0x74: {  	v10 =	vmax.f32 v10, v61  }
0x75: {  	[tilespmem:v57+s25+$0x0] =	vst.idx.msk $0xffff, v10  }
0x76: {  	v10 =	vld.idx.msk [tilespmem:v11+s20+$0x0], $0xffff  }
0x77: {  	v12 =	vld.idx.msk [tilespmem:v60+s22+$0x0], $0xffff;
	_ =	sdelay $0x4  }
0x78: {  	v12 =	vadd.f32 v12, v10  }
0x79: {  	v10 =	vor.u32 s28, v7  }
0x7a: {  	v62 =	vor.u32 s28, v8;
	v63 =	vmul.f32 $9.999999770e-03, v12;
	_ =	sdelay $0x1  }
0x7b: {  	v12 =	vmax.f32 v12, v63  }
0x7c: {  	[tilespmem:v11+s25+$0x0] =	vst.idx.msk $0xffff, v12  }
0x7d: {  	v11 =	vld.idx.msk [tilespmem:v10+s20+$0x0], $0xffff  }
0x7e: {  	v12 =	vld.idx.msk [tilespmem:v62+s22+$0x0], $0xffff;
	_ =	sdelay $0x4  }
0x7f: {  	s26 =	simm.s32 $0x80;
	s4 =	simm.s32 $0x2;
	v11 =	vadd.f32 v12, v11  }
.LBB2_7:
0x80: {  	p1 =	sne.s32 s4, $0x7F;
	v12 =	vor.u32 s26, v0;
	v13 =	vor.u32 s26, v2;
	s8 =	smov.u32 s4;
	s4 =	sadd.s32 $0x1, s4  }
0x81: {  	v14 =	vmul.f32 $9.999999770e-03, v11;
	_ =	sdelay $0x1  }
0x82: {  	v11 =	vmax.f32 v11, v14  }
0x83: {  	[tilespmem:v10+s25+$0x0] =	vst.idx.msk $0xffff, v11  }
0x84: {  	v10 =	vld.idx.msk [tilespmem:v12+s20+$0x0], $0xffff  }
0x85: {  	v11 =	vld.idx.msk [tilespmem:v13+s22+$0x0], $0xffff;
	_ =	sdelay $0x5  }
0x86: {  	v10 =	vadd.f32 v11, v10  }
0x87: {  	v13 =	vor.u32 s26, v4;
	v11 =	vor.u32 s26, v3  }
0x88: {  	v14 =	vmul.f32 $9.999999770e-03, v10;
	_ =	sdelay $0x1  }
0x89: {  	v10 =	vmax.f32 v10, v14  }
0x8a: {  	[tilespmem:v12+s25+$0x0] =	vst.idx.msk $0xffff, v10  }
0x8b: {  	v10 =	vld.idx.msk [tilespmem:v11+s20+$0x0], $0xffff  }
0x8c: {  	v12 =	vld.idx.msk [tilespmem:v13+s22+$0x0], $0xffff;
	_ =	sdelay $0x5  }
0x8d: {  	v10 =	vadd.f32 v12, v10  }
0x8e: {  	v13 =	vor.u32 s26, v6;
	v12 =	vor.u32 s26, v5  }
0x8f: {  	v14 =	vmul.f32 $9.999999770e-03, v10;
	_ =	sdelay $0x1  }
0x90: {  	v10 =	vmax.f32 v10, v14  }
0x91: {  	[tilespmem:v11+s25+$0x0] =	vst.idx.msk $0xffff, v10  }
0x92: {  	v10 =	vld.idx.msk [tilespmem:v12+s20+$0x0], $0xffff  }
0x93: {  	v11 =	vld.idx.msk [tilespmem:v13+s22+$0x0], $0xffff;
	_ =	sdelay $0x5  }
0x94: {  	v11 =	vadd.f32 v11, v10  }
0x95: {  	v13 =	vor.u32 s26, v8;
	v10 =	vor.u32 s26, v7  }
0x96: {  	v14 =	vmul.f32 $9.999999770e-03, v11;
	_ =	sdelay $0x1  }
0x97: {  	v11 =	vmax.f32 v11, v14  }
0x98: {  	[tilespmem:v12+s25+$0x0] =	vst.idx.msk $0xffff, v11  }
0x99: {  	v11 =	vld.idx.msk [tilespmem:v10+s20+$0x0], $0xffff  }
0x9a: {  	v12 =	vld.idx.msk [tilespmem:v13+s22+$0x0], $0xffff;
	_ =	sdelay $0x1  }
.Ltmp4:
0x9b: {  	(pc) =	sbr.rel @p1 .LBB2_7-.Ltmp4, $2  }
0x9c: {  	_ =	sdelay $0x2  }
0x9d: {  	s26 =	sshll.u32 s8, $0x7;
	v11 =	vadd.f32 v12, v11  }
0x9e: {  	v12 =	vor.u32 s26, v0  }
0x9f: {  	v13 =	vor.u32 s26, v2;
	v14 =	vmul.f32 $9.999999770e-03, v11;
	_ =	sdelay $0x1  }
0xa0: {  	v11 =	vmax.f32 v11, v14  }
0xa1: {  	[tilespmem:v10+s25+$0x0] =	vst.idx.msk $0xffff, v11  }
0xa2: {  	v10 =	vld.idx.msk [tilespmem:v12+s20+$0x0], $0xffff  }
0xa3: {  	v11 =	vld.idx.msk [tilespmem:v13+s22+$0x0], $0xffff;
	_ =	sdelay $0x4  }
0xa4: {  	v10 =	vadd.f32 v11, v10  }
0xa5: {  	v11 =	vor.u32 s26, v3  }
0xa6: {  	v57 =	vor.u32 s26, v4;
	v58 =	vmul.f32 $9.999999770e-03, v10;
	_ =	sdelay $0x1  }
0xa7: {  	v10 =	vmax.f32 v10, v58  }
0xa8: {  	[tilespmem:v12+s25+$0x0] =	vst.idx.msk $0xffff, v10  }
0xa9: {  	v10 =	vld.idx.msk [tilespmem:v11+s20+$0x0], $0xffff  }
0xaa: {  	v12 =	vld.idx.msk [tilespmem:v57+s22+$0x0], $0xffff;
	_ =	sdelay $0x4  }
0xab: {  	v10 =	vadd.f32 v12, v10  }
0xac: {  	v59 =	vor.u32 s26, v5  }
0xad: {  	v60 =	vor.u32 s26, v6;
	v61 =	vmul.f32 $9.999999770e-03, v10;
	_ =	sdelay $0x1  }
0xae: {  	v10 =	vmax.f32 v10, v61  }
0xaf: {  	[tilespmem:v11+s25+$0x0] =	vst.idx.msk $0xffff, v10  }
0xb0: {  	v10 =	vld.idx.msk [tilespmem:v59+s20+$0x0], $0xffff  }
0xb1: {  	v11 =	vld.idx.msk [tilespmem:v60+s22+$0x0], $0xffff;
	_ =	sdelay $0x4  }
0xb2: {  	v10 =	vadd.f32 v11, v10  }
0xb3: {  	v11 =	vor.u32 s26, v7  }
0xb4: {  	v62 =	vor.u32 s26, v8;
	v63 =	vmul.f32 $9.999999770e-03, v10;
	_ =	sdelay $0x1  }
0xb5: {  	v10 =	vmax.f32 v10, v63  }
0xb6: {  	[tilespmem:v59+s25+$0x0] =	vst.idx.msk $0xffff, v10  }
0xb7: {  	v10 =	vld.idx.msk [tilespmem:v11+s20+$0x0], $0xffff  }
0xb8: {  	v12 =	vld.idx.msk [tilespmem:v62+s22+$0x0], $0xffff;
	_ =	sdelay $0x4  }
0xb9: {  	v10 =	vadd.f32 v12, v10;
	_ =	sdelay $0x1  }
0xba: {  	v12 =	vmul.f32 $9.999999770e-03, v10  }
0xbb: {  	s1 =	sadd.s32 $0x1, s1  }
0xbc: {  	p1 =	sne.s32 s1, $0x28;
	v10 =	vmax.f32 v10, v12  }
.Ltmp5:
0xbd: {  	[tilespmem:v11+s25+$0x0] =	vst.idx.msk $0xffff, v10;
	(pc) =	sbr.rel @p1 .LBB2_6-.Ltmp5, $4  }
0xbe: {  	[spmem:s3] =	stream.indirect.scatter.add.f32 [tilespmem:s25], [sflag:$0x3], $0x80, s18, s18, $0xb8;
	[tilespmem:$0x1DA00] =	vst v63  }
0xbf: {  	_ =	swait.ge [sflag:s17], $0x4000  }
0xc0: {  	[sflag:s17] =	ssyncset.done $0x0  }
0xc1: {  	[sflag:s17] =	ssyncadd.s32 $0xFFFFC000  }
0xc2: {  	s0 =	sshll.u32 s2, $0x6  }
0xc3: {  	[bflag:$0x0] =	sbarrier.arrive $0xFFFF;
	s1 =	sshrl.u32 s12, $0x3;
	s0 =	sor.u32 $0x1C03, s0  }
0xc4: {  	[hbm:s13], [sflag:s0] =	dma.local [spmem:s1], $0xA00  }
0xc5: {  	_ =	swait.ge [sflag:s17], $0xA00  }
0xc6: {  	[sflag:s17] =	ssyncset.done $0x0  }
0xc7: {  	[sflag:s17] =	ssyncadd.s32 $0xFFFFF600  }
0xc8: {  	[spmem:s12] =	stream.linear.scatter [tilespmem:s16], [sflag:$0x3], $0x5000, $0x38;
	[tilespmem:$0x1DA00] =	vst v63  }
0xc9: {  	_ =	swait.ge [sflag:s17], $0x5000  }
0xca: {  	[sflag:s17] =	ssyncset.done $0x0  }
0xcb: {  	[sflag:s17] =	ssyncadd.s32 $0xFFFFB000  }
0xcc: {  	s26 =	simm.s32 $0x0;
	s28 =	simm.s32 $0x0;
	[bflag:$0x0] =	sbarrier.arrive $0xFFFF  }
.LBB2_10:
0xcd: {  	s4 =	sshll.u32 s28, $0x7  }
0xce: {  	s4 =	sadd.s32 s11, s4  }
0xcf: {  	s4 =	sshrl.u32 s4, $0x3  }
0xd0: {  	s8 =	sadd.s32 s6, s4  }
0xd1: {  	[tilespmem:s26], [sflag:$0x3] =	stream.linear.gather [hbm4b:s8+s26], $0x80, $0x38;
	[tilespmem:$0x1DA00] =	vst v63  }
0xd2: {  	_ =	swait.ge [sflag:s17], $0x80  }
0xd3: {  	[sflag:s17] =	ssyncset.done $0x0  }
0xd4: {  	s4 =	sadd.s32 s7, s4;
	[sflag:s17] =	ssyncadd.s32 $0xFFFFFF80  }
0xd5: {  	[tilespmem:s18], [sflag:$0x3] =	stream.linear.gather [hbm4b:s4+s26], $0x80, $0x38;
	[tilespmem:$0x1DA00] =	vst v63  }
0xd6: {  	_ =	swait.ge [sflag:s17], $0x80  }
0xd7: {  	[sflag:s17] =	ssyncset.done $0x0  }
0xd8: {  	[sflag:s17] =	ssyncadd.s32 $0xFFFFFF80  }
0xd9: {  	v10 =	vld [tilespmem:$0x80];
	_ =	sdelay $0x2  }
0xda: {  	v11 =	vld [tilespmem:$0x90]  }
0xdb: {  	v12 =	vld [tilespmem:$0x0]  }
0xdc: {  	v13 =	vadd.s32 $0xFFFFF600, v10  }
0xdd: {  	v14 =	vld [tilespmem:$0xA0];
	vm0 =	vlt.u32 v13, $0xA00  }
0xde: {  	v15 =	vld [tilespmem:$0x10];
	v13 =	vnsel vm0, $0x0, v13  }
0xdf: {  	v42 =	vadd.s32 $0xFFFFF600, v11;
	v10 =	vnsel vm0, $0x138A, v10;
	[tilespmem:$0x80] =	vst v13  }
0xe0: {  	v43 =	vld [tilespmem:$0xB0];
	vm9 =	vlt.u32 v42, $0xA00;
	[tilespmem:$0x180] =	vst v10;
	v10 =	vnsel vm0, $0x138A, v12  }
0xe1: {  	v44 =	vld [tilespmem:$0x20];
	[tilespmem:$0x100] =	vst v10;
	v10 =	vnsel vm9, $0x0, v42  }
0xe2: {  	[tilespmem:$0x90] =	vst v10;
	v10 =	vnsel vm9, $0x138A, v11;
	v11 =	vadd.s32 $0xFFFFF600, v14  }
0xe3: {  	v45 =	vld [tilespmem:$0xC0];
	[tilespmem:$0x190] =	vst v10;
	v10 =	vnsel vm9, $0x138A, v15;
	vm10 =	vlt.u32 v11, $0xA00  }
0xe4: {  	[tilespmem:$0x110] =	vst v10;
	v10 =	vnsel vm10, $0x0, v11;
	v11 =	vld [tilespmem:$0x30]  }
0xe5: {  	v46 =	vadd.s32 $0xFFFFF600, v43;
	[tilespmem:$0xA0] =	vst v10;
	v10 =	vnsel vm10, $0x138A, v14  }
0xe6: {  	v47 =	vld [tilespmem:$0xD0];
	vm11 =	vlt.u32 v46, $0xA00;
	[tilespmem:$0x1A0] =	vst v10;
	v10 =	vnsel vm10, $0x138A, v44  }
0xe7: {  	v48 =	vld [tilespmem:$0x40];
	[tilespmem:$0x120] =	vst v10;
	v10 =	vnsel vm11, $0x0, v46  }
0xe8: {  	v49 =	vadd.s32 $0xFFFFF600, v45;
	[tilespmem:$0xB0] =	vst v10;
	v10 =	vnsel vm11, $0x138A, v43  }
0xe9: {  	vm12 =	vlt.u32 v49, $0xA00;
	[tilespmem:$0x1B0] =	vst v10;
	v10 =	vnsel vm11, $0x138A, v11;
	v11 =	vld [tilespmem:$0xE0]  }
0xea: {  	v50 =	vld [tilespmem:$0x50];
	[tilespmem:$0x130] =	vst v10;
	v10 =	vnsel vm12, $0x0, v49  }
0xeb: {  	v51 =	vadd.s32 $0xFFFFF600, v47;
	[tilespmem:$0xC0] =	vst v10;
	v10 =	vnsel vm12, $0x138A, v45  }
0xec: {  	v52 =	vld [tilespmem:$0xF0];
	vm13 =	vlt.u32 v51, $0xA00;
	[tilespmem:$0x1C0] =	vst v10;
	v10 =	vnsel vm12, $0x138A, v48  }
0xed: {  	v53 =	vld [tilespmem:$0x60];
	[tilespmem:$0x140] =	vst v10;
	v10 =	vnsel vm13, $0x0, v51  }
0xee: {  	[tilespmem:$0xD0] =	vst v10;
	v10 =	vnsel vm13, $0x138A, v47;
	v54 =	vadd.s32 $0xFFFFF600, v11  }
0xef: {  	[tilespmem:$0x1D0] =	vst v10;
	v10 =	vnsel vm13, $0x138A, v50;
	vm14 =	vlt.u32 v54, $0xA00  }
0xf0: {  	v55 =	vld [tilespmem:$0x70];
	[tilespmem:$0x150] =	vst v10;
	v10 =	vnsel vm14, $0x0, v54  }
0xf1: {  	[tilespmem:$0xE0] =	vst v10;
	v10 =	vnsel vm14, $0x138A, v11;
	v11 =	vadd.s32 $0xFFFFF600, v52  }
0xf2: {  	[tilespmem:$0x1E0] =	vst v10;
	v10 =	vnsel vm14, $0x138A, v53;
	vm15 =	vlt.u32 v11, $0xA00  }
0xf3: {  	[tilespmem:$0x160] =	vst v10;
	v10 =	vnsel vm15, $0x0, v11  }
0xf4: {  	[tilespmem:$0xF0] =	vst v10;
	v10 =	vnsel vm15, $0x138A, v52  }
0xf5: {  	[tilespmem:$0x1F0] =	vst v10;
	v10 =	vnsel vm15, $0x138A, v55  }
0xf6: {  	[tilespmem:$0x170] =	vst v10  }
0xf7: {  	[tilespmem:s20], [sflag:$0x1] =	stream.indirect.gather [hbm4b:s5+s18], $0x80, s19, s18, $0xb8;
	[tilespmem:$0x1DA00] =	vst v63  }
0xf8: {  	_ = 	snop  }
0xf9: {  	[tilespmem:s22], [sflag:$0x2] =	stream.indirect.gather [hbm4b:s5+s18], $0x80, s21, s18, $0xb8;
	[tilespmem:$0x1DA00] =	vst v63  }
0xfa: {  	s9 =	simm.s32 $0x0;
	_ =	swait.ge [sflag:s23], $0x4000  }
0xfb: {  	v10 =	vor.u32 s9, v0;
	[sflag:s23] =	ssyncset.done $0x0  }
0xfc: {  	v11 =	vor.u32 s9, v2;
	[sflag:s23] =	ssyncadd.s32 $0xFFFFC000  }
0xfd: {  	_ =	swait.ge [sflag:s24], $0x4000  }
0xfe: {  	[sflag:s24] =	ssyncset.done $0x0  }
0xff: {  	[sflag:s24] =	ssyncadd.s32 $0xFFFFC000  }
0x100: {  	v56 =	vld.idx.msk [tilespmem:v10+s20+$0x0], $0xffff  }
0x101: {  	v11 =	vld.idx.msk [tilespmem:v11+s22+$0x0], $0xffff;
	_ =	sdelay $0x4  }
0x102: {  	v11 =	vadd.f32 v11, v56  }
0x103: {  	v57 =	vor.u32 s9, v3  }
0x104: {  	v58 =	vor.u32 s9, v4;
	v59 =	vmul.f32 $9.999999770e-03, v11;
	_ =	sdelay $0x1  }
0x105: {  	v11 =	vmax.f32 v11, v59  }
0x106: {  	[tilespmem:v10+s25+$0x0] =	vst.idx.msk $0xffff, v11  }
0x107: {  	v10 =	vld.idx.msk [tilespmem:v57+s20+$0x0], $0xffff  }
0x108: {  	v11 =	vld.idx.msk [tilespmem:v58+s22+$0x0], $0xffff;
	_ =	sdelay $0x4  }
0x109: {  	v10 =	vadd.f32 v11, v10  }
0x10a: {  	v11 =	vor.u32 s9, v5  }
0x10b: {  	v60 =	vor.u32 s9, v6;
	v61 =	vmul.f32 $9.999999770e-03, v10;
	_ =	sdelay $0x1  }
0x10c: {  	v10 =	vmax.f32 v10, v61  }
0x10d: {  	[tilespmem:v57+s25+$0x0] =	vst.idx.msk $0xffff, v10  }
0x10e: {  	v10 =	vld.idx.msk [tilespmem:v11+s20+$0x0], $0xffff  }
0x10f: {  	v12 =	vld.idx.msk [tilespmem:v60+s22+$0x0], $0xffff;
	_ =	sdelay $0x4  }
0x110: {  	v12 =	vadd.f32 v12, v10  }
0x111: {  	v10 =	vor.u32 s9, v7  }
0x112: {  	v62 =	vor.u32 s9, v8;
	v63 =	vmul.f32 $9.999999770e-03, v12;
	_ =	sdelay $0x1  }
0x113: {  	v12 =	vmax.f32 v12, v63  }
0x114: {  	[tilespmem:v11+s25+$0x0] =	vst.idx.msk $0xffff, v12  }
0x115: {  	v11 =	vld.idx.msk [tilespmem:v10+s20+$0x0], $0xffff  }
0x116: {  	v12 =	vld.idx.msk [tilespmem:v62+s22+$0x0], $0xffff;
	_ =	sdelay $0x4  }
0x117: {  	s8 =	simm.s32 $0x2;
	s4 =	simm.s32 $0x80;
	v11 =	vadd.f32 v12, v11  }
.LBB2_11:
0x118: {  	p1 =	sne.s32 s8, $0x7F;
	v12 =	vor.u32 s4, v0;
	v13 =	vor.u32 s4, v2;
	s9 =	smov.u32 s8;
	s8 =	sadd.s32 $0x1, s8  }
0x119: {  	v14 =	vmul.f32 $9.999999770e-03, v11;
	_ =	sdelay $0x1  }
0x11a: {  	v11 =	vmax.f32 v11, v14  }
0x11b: {  	[tilespmem:v10+s25+$0x0] =	vst.idx.msk $0xffff, v11  }
0x11c: {  	v10 =	vld.idx.msk [tilespmem:v12+s20+$0x0], $0xffff  }
0x11d: {  	v11 =	vld.idx.msk [tilespmem:v13+s22+$0x0], $0xffff;
	_ =	sdelay $0x5  }
0x11e: {  	v10 =	vadd.f32 v11, v10  }
0x11f: {  	v13 =	vor.u32 s4, v4;
	v11 =	vor.u32 s4, v3  }
0x120: {  	v14 =	vmul.f32 $9.999999770e-03, v10;
	_ =	sdelay $0x1  }
0x121: {  	v10 =	vmax.f32 v10, v14  }
0x122: {  	[tilespmem:v12+s25+$0x0] =	vst.idx.msk $0xffff, v10  }
0x123: {  	v10 =	vld.idx.msk [tilespmem:v11+s20+$0x0], $0xffff  }
0x124: {  	v12 =	vld.idx.msk [tilespmem:v13+s22+$0x0], $0xffff;
	_ =	sdelay $0x5  }
0x125: {  	v10 =	vadd.f32 v12, v10  }
0x126: {  	v13 =	vor.u32 s4, v6;
	v12 =	vor.u32 s4, v5  }
0x127: {  	v14 =	vmul.f32 $9.999999770e-03, v10;
	_ =	sdelay $0x1  }
0x128: {  	v10 =	vmax.f32 v10, v14  }
0x129: {  	[tilespmem:v11+s25+$0x0] =	vst.idx.msk $0xffff, v10  }
0x12a: {  	v10 =	vld.idx.msk [tilespmem:v12+s20+$0x0], $0xffff  }
0x12b: {  	v11 =	vld.idx.msk [tilespmem:v13+s22+$0x0], $0xffff;
	_ =	sdelay $0x5  }
0x12c: {  	v11 =	vadd.f32 v11, v10  }
0x12d: {  	v13 =	vor.u32 s4, v8;
	v10 =	vor.u32 s4, v7  }
0x12e: {  	v14 =	vmul.f32 $9.999999770e-03, v11;
	_ =	sdelay $0x1  }
0x12f: {  	v11 =	vmax.f32 v11, v14  }
0x130: {  	[tilespmem:v12+s25+$0x0] =	vst.idx.msk $0xffff, v11  }
0x131: {  	v11 =	vld.idx.msk [tilespmem:v10+s20+$0x0], $0xffff  }
0x132: {  	v12 =	vld.idx.msk [tilespmem:v13+s22+$0x0], $0xffff;
	_ =	sdelay $0x1  }
.Ltmp6:
0x133: {  	(pc) =	sbr.rel @p1 .LBB2_11-.Ltmp6, $2  }
0x134: {  	_ =	sdelay $0x2  }
0x135: {  	s4 =	sshll.u32 s9, $0x7;
	v11 =	vadd.f32 v12, v11  }
0x136: {  	v12 =	vor.u32 s4, v0  }
0x137: {  	v13 =	vor.u32 s4, v2;
	v14 =	vmul.f32 $9.999999770e-03, v11;
	_ =	sdelay $0x1  }
0x138: {  	v11 =	vmax.f32 v11, v14  }
0x139: {  	[tilespmem:v10+s25+$0x0] =	vst.idx.msk $0xffff, v11  }
0x13a: {  	v10 =	vld.idx.msk [tilespmem:v12+s20+$0x0], $0xffff  }
0x13b: {  	v11 =	vld.idx.msk [tilespmem:v13+s22+$0x0], $0xffff;
	_ =	sdelay $0x4  }
0x13c: {  	v10 =	vadd.f32 v11, v10  }
0x13d: {  	v11 =	vor.u32 s4, v3  }
0x13e: {  	v57 =	vor.u32 s4, v4;
	v58 =	vmul.f32 $9.999999770e-03, v10;
	_ =	sdelay $0x1  }
0x13f: {  	v10 =	vmax.f32 v10, v58  }
0x140: {  	[tilespmem:v12+s25+$0x0] =	vst.idx.msk $0xffff, v10  }
0x141: {  	v10 =	vld.idx.msk [tilespmem:v11+s20+$0x0], $0xffff  }
0x142: {  	v12 =	vld.idx.msk [tilespmem:v57+s22+$0x0], $0xffff;
	_ =	sdelay $0x4  }
0x143: {  	v10 =	vadd.f32 v12, v10  }
0x144: {  	v59 =	vor.u32 s4, v5  }
0x145: {  	v60 =	vor.u32 s4, v6;
	v61 =	vmul.f32 $9.999999770e-03, v10;
	_ =	sdelay $0x1  }
0x146: {  	v10 =	vmax.f32 v10, v61  }
0x147: {  	[tilespmem:v11+s25+$0x0] =	vst.idx.msk $0xffff, v10  }
0x148: {  	v10 =	vld.idx.msk [tilespmem:v59+s20+$0x0], $0xffff  }
0x149: {  	v11 =	vld.idx.msk [tilespmem:v60+s22+$0x0], $0xffff;
	_ =	sdelay $0x4  }
0x14a: {  	v10 =	vadd.f32 v11, v10  }
0x14b: {  	v11 =	vor.u32 s4, v7  }
0x14c: {  	v62 =	vor.u32 s4, v8;
	v63 =	vmul.f32 $9.999999770e-03, v10;
	_ =	sdelay $0x1  }
0x14d: {  	v10 =	vmax.f32 v10, v63  }
0x14e: {  	[tilespmem:v59+s25+$0x0] =	vst.idx.msk $0xffff, v10  }
0x14f: {  	v10 =	vld.idx.msk [tilespmem:v11+s20+$0x0], $0xffff  }
0x150: {  	v12 =	vld.idx.msk [tilespmem:v62+s22+$0x0], $0xffff;
	_ =	sdelay $0x4  }
0x151: {  	v10 =	vadd.f32 v12, v10;
	_ =	sdelay $0x1  }
0x152: {  	v12 =	vmul.f32 $9.999999770e-03, v10  }
0x153: {  	s28 =	sadd.s32 $0x1, s28  }
0x154: {  	p1 =	sne.s32 s28, $0x28;
	v10 =	vmax.f32 v10, v12  }
.Ltmp7:
0x155: {  	[tilespmem:v11+s25+$0x0] =	vst.idx.msk $0xffff, v10;
	(pc) =	sbr.rel @p1 .LBB2_10-.Ltmp7, $4  }
0x156: {  	[spmem:s3] =	stream.indirect.scatter.add.f32 [tilespmem:s25], [sflag:$0x3], $0x80, s18, s18, $0xb8;
	[tilespmem:$0x1DA00] =	vst v63  }
0x157: {  	_ =	swait.ge [sflag:s17], $0x4000  }
0x158: {  	[sflag:s17] =	ssyncset.done $0x0  }
0x159: {  	[sflag:s17] =	ssyncadd.s32 $0xFFFFC000  }
.Ltmp8:
0x15a: {  	[bflag:$0x0] =	sbarrier.arrive $0xFFFF;
	(pc) =	sbr.rel @!p0 .LBB2_19-.Ltmp8, $4  }
0x15b: {  	[hbm:s14], [sflag:s0] =	dma.local [spmem:s1], $0xA00  }
0x15c: {  	_ =	swait.ge [sflag:s17], $0xA00  }
0x15d: {  	[sflag:s17] =	ssyncset.done $0x0  }
0x15e: {  	[sflag:s17] =	ssyncadd.s32 $0xFFFFF600  }
0x15f: {  	s0 =	simm.s32 $0x0;
	s1 =	rddreg [dreg:$0x1];
	s4 =	simm.s32 $0x16200  }
0x160: {  	[tilespmem:s4], [sflag:$0x3] =	stream.linear.gather [hbm4b:s1+s0], $0x1400, $0x38;
	[tilespmem:$0x1DA00] =	vst v63  }
0x161: {  	_ =	swait.ge [sflag:s17], $0x1400  }
0x162: {  	[sflag:s17] =	ssyncset.done $0x0  }
0x163: {  	s28 =	simm.s32 $0x17600;
	s26 =	rddreg [dreg:$0x4];
	[sflag:s17] =	ssyncadd.s32 $0xFFFFEC00  }
0x164: {  	[tilespmem:s28], [sflag:$0x3] =	stream.linear.gather [hbm4b:s26+s0], $0x1400, $0x38;
	[tilespmem:$0x1DA00] =	vst v63  }
0x165: {  	_ =	swait.ge [sflag:s17], $0x1400  }
0x166: {  	[sflag:s17] =	ssyncset.done $0x0  }
0x167: {  	s1 =	simm.s32 $0x0;
	[sflag:s17] =	ssyncadd.s32 $0xFFFFEC00  }
.LBB2_15:
0x168: {  	p1 =	sne.s32 s1, $0x9FC0  }
.Ltmp9:
0x169: {  	_ = 	snop;
	(pc) =	sbr.rel @p1 .LBB2_15-.Ltmp9, $4  }
0x16a: {  	_ = 	snop  }
0x16b: {  	s4 =	sshra.s32 s1, $0x2  }
0x16c: {  	[tilespmem:s4+$0x11200] =	vst v9  }
0x16d: {  	s1 =	sadd.s32 $0x40, s1;
	[tilespmem:s4+$0x13A00] =	vst v1  }
0x16e: {  	s1 =	simm.s32 $0x16200  }
0x16f: {  	v10 =	vld [tilespmem:s1+$0x0];
	_ =	sdelay $0x6  }
0x170: {  	v11 =	vor.u32 s0, v0  }
0x171: {  	s0 =	simm.s32 $0x17600;
	[tilespmem:v10+s29+$0x0] =	vst.idx.msk $0xffff, v11  }
0x172: {  	v11 =	vld [tilespmem:s0+$0x0];
	_ =	sdelay $0x4  }
0x173: {  	s1 =	simm.s32 $0x16210;
	[tilespmem:v10+s30+$0x0] =	vst.idx.msk $0xffff, v11  }
0x174: {  	s4 =	simm.s32 $0x10;
	s8 =	simm.s32 $0x20;
	v10 =	vld [tilespmem:s1+$0x0]  }
.LBB2_17:
0x175: {  	p1 =	sne.s32 s8, $0x13F0;
	_ =	sdelay $0x5  }
0x176: {  	v11 =	vor.u32 s4, v0;
	s4 =	smov.u32 s8  }
0x177: {  	s0 =	sadd.s32 $0x10, s0;
	[tilespmem:v10+s29+$0x0] =	vst.idx.msk $0xffff, v11  }
0x178: {  	v11 =	vld [tilespmem:s0+$0x0];
	_ =	sdelay $0x1  }
.Ltmp10:
0x179: {  	(pc) =	sbr.rel @p1 .LBB2_17-.Ltmp10, $3  }
0x17a: {  	_ =	sdelay $0x1  }
0x17b: {  	s1 =	sadd.s32 $0x10, s1;
	[tilespmem:v10+s30+$0x0] =	vst.idx.msk $0xffff, v11  }
0x17c: {  	s8 =	sadd.s32 $0x10, s8;
	v10 =	vld [tilespmem:s1+$0x0]  }
0x17d: {  	_ =	sdelay $0x6  }
0x17e: {  	v11 =	vor.u32 s4, v0  }
0x17f: {  	s0 =	sadd.s32 $0x10, s0;
	[tilespmem:v10+s29+$0x0] =	vst.idx.msk $0xffff, v11  }
0x180: {  	v11 =	vld [tilespmem:s0+$0x0];
	_ =	sdelay $0x4  }
0x181: {  	s28 =	simm.s32 $0x0;
	s1 =	rddreg [dreg:$0x5];
	[tilespmem:v10+s30+$0x0] =	vst.idx.msk $0xffff, v11  }
0x182: {  	[hbm4b:s1+s28] =	stream.linear.scatter [tilespmem:s29], [sflag:$0x3], $0x2800, $0x38;
	[tilespmem:$0x1DA00] =	vst v63  }
0x183: {  	_ =	swait.ge [sflag:s17], $0x2800  }
0x184: {  	[sflag:s17] =	ssyncset.done $0x0  }
.Ltmp11:
0x185: {  	[sflag:s17] =	ssyncadd.s32 $0xFFFFD800;
	(pc) =	sbr.rel .LBB2_19-.Ltmp11, $4  }
0x186: {  	[hbm4b:s10+s28] =	stream.linear.scatter [tilespmem:s30], [sflag:$0x3], $0x2800, $0x38;
	[tilespmem:$0x1DA00] =	vst v63  }
0x187: {  	_ =	swait.ge [sflag:s17], $0x2800  }
0x188: {  	[sflag:s17] =	ssyncset.done $0x0  }
0x189: {  	[sflag:s17] =	ssyncadd.s32 $0xFFFFD800  }
.LBB2_20:
0x18a: {  	_ =	sfence.sel $0x180000  }
0x18b: {  	[bflag:$0x0] =	sbarrier.arrive $0xFFFF  }
0x18c: {  	_ =	strace $0x90000047  }
0x18d: {  	[bflag:$0x2] =	sbarrier.arrive $0xFFFF  }
0x18e: {  	p0 =	sne.s32 s2, $0x0;
	s0 =	rddreg [dreg:$0x3]  }
0x18f: {  	s0 =	sadd.s32 @!p0 $0x100000, s0  }
0x190: {  	[sflag:s0] =	ssyncadd.tile.s32 @!p0 $0x1;
	_ =	shalt  }
.Lfunc_end2:
_tile_overlayer_lowered:
.L_overlay_start_2:
0x191: {  	(tag) =	ssettag $0x2  }
0x192: {  	s0 =	rddreg [dreg:$0x0];
	s2 =	stileid.u32  }
0x193: {  	s1 =	rddreg [dreg:$0x1];
	p0 =	sne.s32 s2, $0x0  }
0x194: {  	s3 =	rddreg [dreg:$0x2];
	[bflag:$0x3] =	sbarrier.arrive $0xFFFF;
	s2 =	simm.s32 @!p0 $0x1C03  }
0x195: {  	[timem:s3], [sflag:s2] =	dma.local @!p0 [hbm:s0], s1  }
0x196: {  	s0 =	simm.s32 @!p0 $0x3  }
0x197: {  	_ =	swait.ge @!p0 [sflag:s0], s1  }
0x198: {  	s1 =	ssub.s32 @!p0 $0x0, s1;
	[sflag:s0] =	ssyncset.done @!p0 $0x0  }
0x199: {  	[sflag:s0] =	ssyncadd.s32 @!p0 s1  }
0x19a: {  	[bflag:$0x3] =	sbarrier.arrive $0xFFFF  }
0x19b: {  	_ =	shalt  }

</sc_bundles>
